<compile_context>
chip_gen: v7x
topology: tpu7x:2x2x1
jax: 0.10.2.dev20260603
libtpu: 0.0.44.dev20260713+nightly
codegen_flags: <defaults>
</compile_context>

<pallas_src>
import functools

import jax
import jax.numpy as jnp
from jax import lax
from jax.experimental import pallas as pl
from jax.experimental.pallas import tpu as pltpu
from jax.experimental.pallas import tpu_sc as plsc

N = 10000
E = 320000
D = 128
H = 128
OUT = 512
G = 64

N_PAD = 10240
CHUNK = 128
NW = 32
E_PAD = 327680
EPW = E_PAD // NW
NCHUNKS = EPW // CHUNK
NBUF = 2
ROWS_PER_SUB = N_PAD // 16
CA = 124
CB = 36
STAGES = 2
TOTAL_CHUNKS = E_PAD // CHUNK
MAXSTAGE = max(CA, CB) // STAGES


def _sc_agg(h_pad, e2, zeros_pad):
    mesh = plsc.VectorSubcoreMesh(core_axis_name="c", subcore_axis_name="s")

    @functools.partial(
        pl.kernel,
        mesh=mesh,
        out_type=jax.ShapeDtypeStruct((2, N_PAD, D), jnp.float32),
        scratch_types=[
            pltpu.VMEM((MAXSTAGE, 2, CHUNK), jnp.int32),
            pltpu.VMEM((NBUF, CHUNK, D), jnp.float32),
            pltpu.VMEM_SHARED((N_PAD, D), jnp.float32),
            pltpu.SemaphoreType.DMA((NBUF,)),
        ],
    )
    def k(h_hbm, e2_hbm, z_hbm, out_hbm, ibuf, rows, acc, gsem):
        c = lax.axis_index("c")
        s = lax.axis_index("s")
        with jax.named_scope("agg_zero"):
            pltpu.sync_copy(
                z_hbm.at[pl.ds(s * ROWS_PER_SUB, ROWS_PER_SUB)],
                acc.at[pl.ds(s * ROWS_PER_SUB, ROWS_PER_SUB)],
            )
            plsc.subcore_barrier()

        def gather(i, b):
            pltpu.async_copy(h_hbm.at[ibuf.at[i, 0]], rows.at[b], gsem.at[b])

        def gwait(i, b):
            pltpu.make_async_copy(h_hbm.at[ibuf.at[i, 0]], rows.at[b],
                                  gsem.at[b]).wait()

        def pipeline(base, nch, nstages):
            half = nch // nstages
            for q in range(nstages):
                pltpu.sync_copy(e2_hbm.at[pl.ds(base + q * half, half)],
                                ibuf.at[pl.ds(0, half)])
                for b in range(NBUF):
                    gather(b, b)

                def body(j, carry):
                    i0 = j * NBUF
                    for b in range(NBUF):
                        i = i0 + b
                        gwait(i, b)
                        pltpu.sync_copy(rows.at[b], acc.at[ibuf.at[i, 1]],
                                        add=True)
                        nxt = i + NBUF
                        nxt = jnp.where(nxt >= half, nxt - half, nxt)
                        gather(nxt, b)
                    return carry

                lax.fori_loop(0, half // NBUF, body, 0)
                for b in range(NBUF):
                    gwait(b, b)

        with jax.named_scope("agg_edges"):
            @pl.when(c == 0)
            def _core0():
                pipeline(s * CA, CA, STAGES)

            @pl.when(c == 1)
            def _core1():
                pipeline(16 * CA + s * CB, CB, STAGES)

            plsc.subcore_barrier()
        with jax.named_scope("agg_flush"):
            pltpu.sync_copy(
                acc.at[pl.ds(s * ROWS_PER_SUB, ROWS_PER_SUB)],
                out_hbm.at[c, pl.ds(s * ROWS_PER_SUB, ROWS_PER_SUB)],
            )

    return k(h_pad, e2, zeros_pad)


def _ln(x, g, b):
    m = jnp.mean(x, axis=-1, keepdims=True)
    v = jnp.mean((x - m) * (x - m), axis=-1, keepdims=True)
    return (x - m) * lax.rsqrt(v + 1e-5) * g + b


def _mlp_body(h_ref, a_ref, eps_ref, w1_ref, g1_ref, b1_ref, w2_ref, g2_ref,
              b2_ref, ng_ref, nb_ref, out_ref):
    eps = eps_ref[0, 0]
    u = (1.0 + eps) * h_ref[...] + a_ref[0] + a_ref[1]
    z1 = jnp.dot(u, w1_ref[...], preferred_element_type=jnp.float32)
    t = jnp.maximum(_ln(z1, g1_ref[...], b1_ref[...]), 0.0)
    z2 = jnp.dot(t, w2_ref[...], preferred_element_type=jnp.float32)
    z2 = _ln(z2, g2_ref[...], b2_ref[...])
    out_ref[...] = jnp.maximum(_ln(z2, ng_ref[...], nb_ref[...]), 0.0)


def _tc_mlp(h_pad, aggs, eps, w1, g1, b1, w2, g2, b2, ng, nb):
    blk = 1024
    grid = N_PAD // blk
    row = lambda v: v.reshape(1, H)
    return pl.pallas_call(
        _mlp_body,
        grid=(grid,),
        in_specs=[
            pl.BlockSpec((blk, D), lambda i: (i, 0)),
            pl.BlockSpec((2, blk, D), lambda i: (0, i, 0)),
            pl.BlockSpec(memory_space=pltpu.SMEM),
            pl.BlockSpec((D, H), lambda i: (0, 0)),
            pl.BlockSpec((1, H), lambda i: (0, 0)),
            pl.BlockSpec((1, H), lambda i: (0, 0)),
            pl.BlockSpec((H, H), lambda i: (0, 0)),
            pl.BlockSpec((1, H), lambda i: (0, 0)),
            pl.BlockSpec((1, H), lambda i: (0, 0)),
            pl.BlockSpec((1, H), lambda i: (0, 0)),
            pl.BlockSpec((1, H), lambda i: (0, 0)),
        ],
        out_specs=pl.BlockSpec((blk, H), lambda i: (i, 0)),
        out_shape=jax.ShapeDtypeStruct((N_PAD, H), jnp.float32),
    )(h_pad, aggs, eps.reshape(1, 1), w1, row(g1), row(b1), w2, row(g2),
      row(b2), row(ng), row(nb))


def _pool_body(h_ref, b_ref, wp_ref, lpg_ref, lpb_ref, out_ref, s_scr, c_scr):
    i = pl.program_id(0)
    nsteps = pl.num_programs(0)

    @pl.when(i == 0)
    def _init():
        s_scr[...] = jnp.zeros_like(s_scr)
        c_scr[...] = jnp.zeros_like(c_scr)

    b = b_ref[0, 0, :]
    blk = b.shape[0]
    onehot = (b[:, None] == lax.broadcasted_iota(jnp.int32, (blk, G), 1))
    onehot = onehot.astype(jnp.float32)
    dn = (((0,), (0,)), ((), ()))
    s_scr[...] += lax.dot_general(onehot, h_ref[...], dn,
                                  preferred_element_type=jnp.float32)
    c_scr[...] += lax.dot_general(onehot, jnp.ones_like(h_ref[...]), dn,
                                  preferred_element_type=jnp.float32)

    @pl.when(i == nsteps - 1)
    def _final():
        hp = s_scr[...] / jnp.maximum(c_scr[...], 1.0)
        y = jnp.dot(hp, wp_ref[...], preferred_element_type=jnp.float32)
        out_ref[...] = _ln(y, lpg_ref[...], lpb_ref[...])


def _tc_pool(h_pad, batch_pad, wp, lpg, lpb):
    blk = 1024
    grid = N_PAD // blk
    b3 = batch_pad.reshape(grid, 1, blk)
    return pl.pallas_call(
        _pool_body,
        grid=(grid,),
        in_specs=[
            pl.BlockSpec((blk, H), lambda i: (i, 0)),
            pl.BlockSpec((1, 1, blk), lambda i: (i, 0, 0)),
            pl.BlockSpec((H, OUT), lambda i: (0, 0)),
            pl.BlockSpec((1, OUT), lambda i: (0, 0)),
            pl.BlockSpec((1, OUT), lambda i: (0, 0)),
        ],
        out_specs=pl.BlockSpec((G, OUT), lambda i: (0, 0)),
        out_shape=jax.ShapeDtypeStruct((G, OUT), jnp.float32),
        scratch_shapes=[
            pltpu.VMEM((G, H), jnp.float32),
            pltpu.VMEM((G, H), jnp.float32),
        ],
    )(h_pad, b3, wp, lpg.reshape(1, OUT), lpb.reshape(1, OUT))


def kernel(x, edge_index, batch,
           eps0, W1_0, ln1g_0, ln1b_0, W2_0, ln2g_0, ln2b_0, ng_0, nb_0,
           eps1, W1_1, ln1g_1, ln1b_1, W2_1, ln2g_1, ln2b_1, ng_1, nb_1,
           eps2, W1_2, ln1g_2, ln1b_2, W2_2, ln2g_2, ln2b_2, ng_2, nb_2,
           Wp, lpg, lpb):
    src = edge_index[0]
    dst = edge_index[1]
    pad_e = E_PAD - E
    src_pad = jnp.concatenate([src, jnp.zeros((pad_e,), jnp.int32)])
    dst_pad = jnp.concatenate([dst, jnp.full((pad_e,), N, jnp.int32)])
    e2 = jnp.stack([src_pad.reshape(TOTAL_CHUNKS, CHUNK),
                    dst_pad.reshape(TOTAL_CHUNKS, CHUNK)], axis=1)
    h = jnp.pad(x, ((0, N_PAD - N), (0, 0)))
    zeros_pad = jnp.zeros((N_PAD, D), jnp.float32)
    batch_pad = jnp.concatenate([batch, jnp.full((N_PAD - N,), G, jnp.int32)])

    params = [
        (eps0, W1_0, ln1g_0, ln1b_0, W2_0, ln2g_0, ln2b_0, ng_0, nb_0),
        (eps1, W1_1, ln1g_1, ln1b_1, W2_1, ln2g_1, ln2b_1, ng_1, nb_1),
        (eps2, W1_2, ln1g_2, ln1b_2, W2_2, ln2g_2, ln2b_2, ng_2, nb_2),
    ]
    for (eps, w1, g1, b1, w2, g2, b2, ng, nb) in params:
        aggs = _sc_agg(h, e2, zeros_pad)
        h = _tc_mlp(h, aggs, eps, w1, g1, b1, w2, g2, b2, ng, nb)
    return _tc_pool(h, batch_pad, Wp, lpg, lpb)

# --- scband reference (transcript-rebuilt; emitter-appended) ---
"""Pipeline reference for scband-gnngraph-encoder-77635828842653 (READ-ONLY COPY).

The authoritative reference and input builder live on the scoring server;
editing this copy changes nothing except your own understanding.
"""

import jax, jax.numpy as jnp
import numpy as np

N = 10000
E = 320000
D = 128
H = 128
OUT = 512
G = 64
L = 3

def layer_norm(x, g, b):
    m = jnp.mean(x, axis=-1, keepdims=True)
    v = jnp.var(x, axis=-1, keepdims=True)
    return (x - m) / jnp.sqrt(v + 1e-5) * g + b

def setup_inputs(seed=0):
    key = jax.random.key(seed)
    inp = {}
    inp["x"] = jax.random.normal(jax.random.fold_in(key, 0), (N, D), dtype=jnp.float32)
    inp["edge_index"] = jax.random.randint(jax.random.fold_in(key, 1), (2, E), 0, N, dtype=jnp.int32)
    inp["batch"] = jnp.sort(jax.random.randint(jax.random.fold_in(key, 2), (N,), 0, G, dtype=jnp.int32))
    c = 10
    for l in range(L):
        fan = D if l == 0 else H
        inp[f"eps{l}"] = jnp.zeros((), jnp.float32)
        inp[f"W1_{l}"] = jax.random.normal(jax.random.fold_in(key, c), (fan, H), dtype=jnp.float32) / np.sqrt(fan); c += 1
        inp[f"ln1g_{l}"] = jnp.ones((H,), jnp.float32)
        inp[f"ln1b_{l}"] = jnp.zeros((H,), jnp.float32)
        inp[f"W2_{l}"] = jax.random.normal(jax.random.fold_in(key, c), (H, H), dtype=jnp.float32) / np.sqrt(H); c += 1
        inp[f"ln2g_{l}"] = jnp.ones((H,), jnp.float32)
        inp[f"ln2b_{l}"] = jnp.zeros((H,), jnp.float32)
        inp[f"ng_{l}"] = jnp.ones((H,), jnp.float32)
        inp[f"nb_{l}"] = jnp.zeros((H,), jnp.float32)
    inp["Wp"] = jax.random.normal(jax.random.fold_in(key, c), (H, OUT), dtype=jnp.float32) / np.sqrt(H)
    inp["lpg"] = jnp.ones((OUT,), jnp.float32)
    inp["lpb"] = jnp.zeros((OUT,), jnp.float32)
    return inp

def reference(x, edge_index, batch,
              eps0, W1_0, ln1g_0, ln1b_0, W2_0, ln2g_0, ln2b_0, ng_0, nb_0,
              eps1, W1_1, ln1g_1, ln1b_1, W2_1, ln2g_1, ln2b_1, ng_1, nb_1,
              eps2, W1_2, ln1g_2, ln1b_2, W2_2, ln2g_2, ln2b_2, ng_2, nb_2,
              Wp, lpg, lpb):
    kw = dict(locals())
    x = kw["x"]
    edge_index = kw["edge_index"]
    batch = kw["batch"]
    src, dst = edge_index[0], edge_index[1]
    h = x
    for l in range(L):
        # GINConv: (1 + eps) * x_i + sum_{j in N(i)} x_j  (scatter-add over dst)
        agg = jax.ops.segment_sum(h[src], dst, num_segments=N)
        h = (1.0 + kw[f"eps{l}"]) * h + agg
        # GIN internal MLP: Linear(no bias) -> LayerNorm -> ReLU -> Linear(no bias) -> LayerNorm
        h = jax.nn.relu(layer_norm(jnp.dot(h, kw[f"W1_{l}"]), kw[f"ln1g_{l}"], kw[f"ln1b_{l}"]))
        h = layer_norm(jnp.dot(h, kw[f"W2_{l}"]), kw[f"ln2g_{l}"], kw[f"ln2b_{l}"])
        # post-conv LayerNorm + ReLU
        h = jax.nn.relu(layer_norm(h, kw[f"ng_{l}"], kw[f"nb_{l}"]))
    # global mean pool by graph id
    s = jax.ops.segment_sum(h, batch, num_segments=G)
    cnt = jax.ops.segment_sum(jnp.ones((N, 1), jnp.float32), batch, num_segments=G)
    hp = s / jnp.maximum(cnt, 1.0)
    # projection MLP: Linear(no bias) -> LayerNorm (no last activation)
    return layer_norm(jnp.dot(hp, kw["Wp"]), kw["lpg"], kw["lpb"])

if __name__ == "__main__":
    import jax
    _d = setup_inputs()
    print(jax.jit(kernel)(*tuple(_d.values())))

</pallas_src>

<mosaic_0001>
#map = affine_map<(d0, d1) -> (0, 0)>
#map1 = affine_map<(d0, d1) -> (0, 0, 0)>
module attributes {stable_mosaic.version = 14 : i64} {
  func.func @k(%arg0: i32, %arg1: i32, %arg2: memref<10240x128xf32, #tpu.memory_space<hbm>>, %arg3: memref<2560x2x128xi32, #tpu.memory_space<hbm>>, %arg4: memref<10240x128xf32, #tpu.memory_space<hbm>>, %arg5: memref<2x10240x128xf32, #tpu.memory_space<hbm>>, %arg6: memref<62x2x128xi32, #tpu.memory_space<vmem>>, %arg7: memref<2x128x128xf32, #tpu.memory_space<vmem>>, %arg8: memref<10240x128xf32, #tpu.memory_space<vmem_shared>>, %arg9: memref<2x!tpu.dma_semaphore, #tpu.memory_space<semaphore_mem>>) attributes {dimension_semantics = [#tpu.dimension_semantics<core_parallel>, #tpu.dimension_semantics<subcore_parallel>], iteration_bounds = array<i64: 2, 16>, scalar_prefetch = 0 : i64, scratch_operands = 4 : i64, tpu.core_type = #tpu.core_type<sc_vector_subcore>, window_params = [{transform_indices = #map}, {transform_indices = #map1}, {transform_indices = #map}, {transform_indices = #map1}]} {
    "tpu.trace_start"() <{level = 10 : i32, message = "agg_zero"}> : () -> ()
    %mul3A = arith.constant 640 : i32
    %mul3A_0 = arith.muli %arg1, %mul3A : i32
    %mul3A_1 = arith.constant 640 : i32
    %mul3A_2 = arith.muli %arg1, %mul3A_1 : i32
    "tpu.region"() ({
      %run_scoped3A = tpu.sem_alloc : memref<!tpu.dma_semaphore, #tpu.memory_space<semaphore_mem>>
      %dma_start3A = arith.constant 0 : i32
      %dma_start3A_15 = tpu.memref_slice %arg8[%mul3A_2, %dma_start3A] : memref<10240x128xf32, #tpu.memory_space<vmem_shared>> -> memref<640x128xf32, #tpu.memory_space<vmem_shared>>
      %dma_start3A_16 = arith.constant 0 : i32
      %dma_start3A_17 = tpu.memref_slice %arg4[%mul3A_0, %dma_start3A_16] : memref<10240x128xf32, #tpu.memory_space<hbm>> -> memref<640x128xf32, #tpu.memory_space<hbm>>
      tpu.enqueue_dma source(%dma_start3A_17 : memref<640x128xf32, #tpu.memory_space<hbm>>) target(%dma_start3A_15 : memref<640x128xf32, #tpu.memory_space<vmem_shared>>) target_semaphore(%run_scoped3A : memref<!tpu.dma_semaphore, #tpu.memory_space<semaphore_mem>>)
      %dma_wait3A = arith.constant 0 : i32
      %dma_wait3A_18 = tpu.memref_slice %arg8[%mul3A_2, %dma_wait3A] : memref<10240x128xf32, #tpu.memory_space<vmem_shared>> -> memref<640x128xf32, #tpu.memory_space<vmem_shared>>
      %dma_wait3A_19 = arith.constant 0 : i32
      %dma_wait3A_20 = tpu.memref_slice %arg4[%mul3A_0, %dma_wait3A_19] : memref<10240x128xf32, #tpu.memory_space<hbm>> -> memref<640x128xf32, #tpu.memory_space<hbm>>
      tpu.wait_dma2 semaphore(%run_scoped3A : memref<!tpu.dma_semaphore, #tpu.memory_space<semaphore_mem>>) src(%dma_wait3A_20 : memref<640x128xf32, #tpu.memory_space<hbm>>) dst(%dma_wait3A_18 : memref<640x128xf32, #tpu.memory_space<vmem_shared>>)
      tpu.yield
    }) : () -> ()
    %barrier3A = arith.constant 0 : index
    tpu.barrier barrier_id(%barrier3A)
    %eq3A = arith.constant 0 : i32
    "tpu.trace_stop"() : () -> ()
    "tpu.trace_start"() <{level = 10 : i32, message = "agg_edges"}> : () -> ()
    %eq3A_3 = arith.cmpi eq, %arg0, %eq3A : i32
    %convert_element_type3A = arith.extui %eq3A_3 : i1 to i32
    %cond3A = arith.constant 0 : i32
    %cond3A_4 = arith.cmpi ne, %convert_element_type3A, %cond3A : i32
    scf.if %cond3A_4 {
      %mul3A_15 = arith.constant 124 : i32
      %mul3A_16 = arith.muli %arg1, %mul3A_15 : i32
      %add3A = arith.constant 0 : i32
      %add3A_17 = arith.addi %mul3A_16, %add3A : i32
      "tpu.region"() ({
        %run_scoped3A = tpu.sem_alloc : memref<!tpu.dma_semaphore, #tpu.memory_space<semaphore_mem>>
        %dma_start3A_157 = arith.constant 0 : i32
        %dma_start3A_158 = arith.constant 0 : i32
        %dma_start3A_159 = arith.constant 0 : i32
        %dma_start3A_160 = tpu.memref_slice %arg6[%dma_start3A_157, %dma_start3A_158, %dma_start3A_159] : memref<62x2x128xi32, #tpu.memory_space<vmem>> -> memref<62x2x128xi32, #tpu.memory_space<vmem>>
        %dma_start3A_161 = arith.constant 0 : i32
        %dma_start3A_162 = arith.constant 0 : i32
        %dma_start3A_163 = tpu.memref_slice %arg3[%add3A_17, %dma_start3A_161, %dma_start3A_162] : memref<2560x2x128xi32, #tpu.memory_space<hbm>> -> memref<62x2x128xi32, #tpu.memory_space<hbm>>
        %dma_start3A_164 = arith.constant 0 : i32
        %dma_start3A_165 = arith.constant 0 : i32
        %dma_start3A_166 = arith.constant 0 : i32
        %dma_start3A_167 = tpu.memref_slice %arg6[%dma_start3A_164, %dma_start3A_165, %dma_start3A_166] : memref<62x2x128xi32, #tpu.memory_space<vmem>> -> memref<62x2x128xi32, #tpu.memory_space<vmem>>
        %dma_start3A_168 = arith.constant 0 : i32
        %dma_start3A_169 = arith.constant 0 : i32
        %dma_start3A_170 = tpu.memref_slice %arg3[%add3A_17, %dma_start3A_168, %dma_start3A_169] : memref<2560x2x128xi32, #tpu.memory_space<hbm>> -> memref<62x2x128xi32, #tpu.memory_space<hbm>>
        tpu.enqueue_dma source(%dma_start3A_170 : memref<62x2x128xi32, #tpu.memory_space<hbm>>) target(%dma_start3A_167 : memref<62x2x128xi32, #tpu.memory_space<vmem>>) target_semaphore(%run_scoped3A : memref<!tpu.dma_semaphore, #tpu.memory_space<semaphore_mem>>)
        %dma_wait3A_171 = arith.constant 0 : i32
        %dma_wait3A_172 = arith.constant 0 : i32
        %dma_wait3A_173 = arith.constant 0 : i32
        %dma_wait3A_174 = tpu.memref_slice %arg6[%dma_wait3A_171, %dma_wait3A_172, %dma_wait3A_173] : memref<62x2x128xi32, #tpu.memory_space<vmem>> -> memref<62x2x128xi32, #tpu.memory_space<vmem>>
        %dma_wait3A_175 = arith.constant 0 : i32
        %dma_wait3A_176 = arith.constant 0 : i32
        %dma_wait3A_177 = tpu.memref_slice %arg3[%add3A_17, %dma_wait3A_175, %dma_wait3A_176] : memref<2560x2x128xi32, #tpu.memory_space<hbm>> -> memref<62x2x128xi32, #tpu.memory_space<hbm>>
        %dma_wait3A_178 = arith.constant 0 : i32
        %dma_wait3A_179 = arith.constant 0 : i32
        %dma_wait3A_180 = arith.constant 0 : i32
        %dma_wait3A_181 = tpu.memref_slice %arg6[%dma_wait3A_178, %dma_wait3A_179, %dma_wait3A_180] : memref<62x2x128xi32, #tpu.memory_space<vmem>> -> memref<62x2x128xi32, #tpu.memory_space<vmem>>
        %dma_wait3A_182 = arith.constant 0 : i32
        %dma_wait3A_183 = arith.constant 0 : i32
        %dma_wait3A_184 = tpu.memref_slice %arg3[%add3A_17, %dma_wait3A_182, %dma_wait3A_183] : memref<2560x2x128xi32, #tpu.memory_space<hbm>> -> memref<62x2x128xi32, #tpu.memory_space<hbm>>
        tpu.wait_dma2 semaphore(%run_scoped3A : memref<!tpu.dma_semaphore, #tpu.memory_space<semaphore_mem>>) src(%dma_wait3A_184 : memref<62x2x128xi32, #tpu.memory_space<hbm>>) dst(%dma_wait3A_181 : memref<62x2x128xi32, #tpu.memory_space<vmem>>)
        tpu.yield
      }) : () -> ()
      %dma_start3A = arith.constant 0 : i32
      %dma_start3A_18 = arith.constant 0 : i32
      %dma_start3A_19 = arith.constant 0 : i32
      %dma_start3A_20 = arith.constant 0 : i32
      %dma_start3A_21 = arith.constant 0 : i32
      %dma_start3A_22 = arith.constant 0 : i32
      %dma_start3A_23 = tpu.memref_slice %arg7[%dma_start3A_19, %dma_start3A_21, %dma_start3A_22] : memref<2x128x128xf32, #tpu.memory_space<vmem>> -> memref<1x128x128xf32, #tpu.memory_space<vmem>>
      %dma_start3A_24 = tpu.memref_squeeze %dma_start3A_23 : memref<1x128x128xf32, #tpu.memory_space<vmem>> -> memref<128x128xf32, #tpu.memory_space<vmem>>
      %dma_start3A_25 = arith.constant 0 : i32
      %dma_start3A_26 = tpu.memref_slice %arg6[%dma_start3A, %dma_start3A_18, %dma_start3A_25] : memref<62x2x128xi32, #tpu.memory_space<vmem>> -> memref<1x1x128xi32, #tpu.memory_space<vmem>>
      %dma_start3A_27 = tpu.memref_squeeze %dma_start3A_26 : memref<1x1x128xi32, #tpu.memory_space<vmem>> -> memref<128xi32, #tpu.memory_space<vmem>>
      %dma_start3A_28 = arith.constant 0 : i32
      %dma_start3A_29 = arith.constant 0 : i32
      %dma_start3A_30 = tpu.memref_slice %arg2[%dma_start3A_28, %dma_start3A_29] : memref<10240x128xf32, #tpu.memory_space<hbm>> -> memref<10240x128xf32, #tpu.memory_space<hbm>>
      %dma_start3A_31 = tpu.memref_slice %arg9[%dma_start3A_20] : memref<2x!tpu.dma_semaphore, #tpu.memory_space<semaphore_mem>> -> memref<1x!tpu.dma_semaphore, #tpu.memory_space<semaphore_mem>>
      %dma_start3A_32 = tpu.memref_squeeze %dma_start3A_31 : memref<1x!tpu.dma_semaphore, #tpu.memory_space<semaphore_mem>> -> memref<!tpu.dma_semaphore, #tpu.memory_space<semaphore_mem>>
      tpu.enqueue_indirect_dma source(%dma_start3A_30 : memref<10240x128xf32, #tpu.memory_space<hbm>>) target(%dma_start3A_24 : memref<128x128xf32, #tpu.memory_space<vmem>>) offsets(%dma_start3A_27 : memref<128xi32, #tpu.memory_space<vmem>>) semaphore(%dma_start3A_32 : memref<!tpu.dma_semaphore, #tpu.memory_space<semaphore_mem>>)
      %dma_start3A_33 = arith.constant 1 : i32
      %dma_start3A_34 = arith.constant 0 : i32
      %dma_start3A_35 = arith.constant 1 : i32
      %dma_start3A_36 = arith.constant 1 : i32
      %dma_start3A_37 = arith.constant 0 : i32
      %dma_start3A_38 = arith.constant 0 : i32
      %dma_start3A_39 = tpu.memref_slice %arg7[%dma_start3A_35, %dma_start3A_37, %dma_start3A_38] : memref<2x128x128xf32, #tpu.memory_space<vmem>> -> memref<1x128x128xf32, #tpu.memory_space<vmem>>
      %dma_start3A_40 = tpu.memref_squeeze %dma_start3A_39 : memref<1x128x128xf32, #tpu.memory_space<vmem>> -> memref<128x128xf32, #tpu.memory_space<vmem>>
      %dma_start3A_41 = arith.constant 0 : i32
      %dma_start3A_42 = tpu.memref_slice %arg6[%dma_start3A_33, %dma_start3A_34, %dma_start3A_41] : memref<62x2x128xi32, #tpu.memory_space<vmem>> -> memref<1x1x128xi32, #tpu.memory_space<vmem>>
      %dma_start3A_43 = tpu.memref_squeeze %dma_start3A_42 : memref<1x1x128xi32, #tpu.memory_space<vmem>> -> memref<128xi32, #tpu.memory_space<vmem>>
      %dma_start3A_44 = arith.constant 0 : i32
      %dma_start3A_45 = arith.constant 0 : i32
      %dma_start3A_46 = tpu.memref_slice %arg2[%dma_start3A_44, %dma_start3A_45] : memref<10240x128xf32, #tpu.memory_space<hbm>> -> memref<10240x128xf32, #tpu.memory_space<hbm>>
      %dma_start3A_47 = tpu.memref_slice %arg9[%dma_start3A_36] : memref<2x!tpu.dma_semaphore, #tpu.memory_space<semaphore_mem>> -> memref<1x!tpu.dma_semaphore, #tpu.memory_space<semaphore_mem>>
      %dma_start3A_48 = tpu.memref_squeeze %dma_start3A_47 : memref<1x!tpu.dma_semaphore, #tpu.memory_space<semaphore_mem>> -> memref<!tpu.dma_semaphore, #tpu.memory_space<semaphore_mem>>
      tpu.enqueue_indirect_dma source(%dma_start3A_46 : memref<10240x128xf32, #tpu.memory_space<hbm>>) target(%dma_start3A_40 : memref<128x128xf32, #tpu.memory_space<vmem>>) offsets(%dma_start3A_43 : memref<128xi32, #tpu.memory_space<vmem>>) semaphore(%dma_start3A_48 : memref<!tpu.dma_semaphore, #tpu.memory_space<semaphore_mem>>)
      %scan3A = arith.constant 0 : i32
      %scan3A_49 = arith.constant 0 : i32
      %scan3A_50 = arith.constant 31 : i32
      %scan3A_51 = arith.addi %scan3A_49, %scan3A_50 : i32
      %scan3A_52 = arith.constant 1 : i32
      scf.for %scan3A_157 = %scan3A_49 to %scan3A_51 step %scan3A_52  : i32 {
        %mul3A_158 = arith.constant 2 : i32
        %mul3A_159 = arith.muli %scan3A_157, %mul3A_158 : i32
        %add3A_160 = arith.constant 0 : i32
        %add3A_161 = arith.addi %mul3A_159, %add3A_160 : i32
        %dma_wait3A_162 = arith.constant 0 : i32
        %dma_wait3A_163 = arith.constant 0 : i32
        %dma_wait3A_164 = arith.constant 0 : i32
        %dma_wait3A_165 = arith.constant 0 : i32
        %dma_wait3A_166 = arith.constant 0 : i32
        %dma_wait3A_167 = tpu.memref_slice %arg7[%dma_wait3A_163, %dma_wait3A_165, %dma_wait3A_166] : memref<2x128x128xf32, #tpu.memory_space<vmem>> -> memref<1x128x128xf32, #tpu.memory_space<vmem>>
        %dma_wait3A_168 = tpu.memref_squeeze %dma_wait3A_167 : memref<1x128x128xf32, #tpu.memory_space<vmem>> -> memref<128x128xf32, #tpu.memory_space<vmem>>
        %dma_wait3A_169 = arith.constant 0 : i32
        %dma_wait3A_170 = tpu.memref_slice %arg6[%add3A_161, %dma_wait3A_162, %dma_wait3A_169] : memref<62x2x128xi32, #tpu.memory_space<vmem>> -> memref<1x1x128xi32, #tpu.memory_space<vmem>>
        %dma_wait3A_171 = tpu.memref_squeeze %dma_wait3A_170 : memref<1x1x128xi32, #tpu.memory_space<vmem>> -> memref<128xi32, #tpu.memory_space<vmem>>
        %dma_wait3A_172 = arith.constant 0 : i32
        %dma_wait3A_173 = arith.constant 0 : i32
        %dma_wait3A_174 = tpu.memref_slice %arg2[%dma_wait3A_172, %dma_wait3A_173] : memref<10240x128xf32, #tpu.memory_space<hbm>> -> memref<10240x128xf32, #tpu.memory_space<hbm>>
        %dma_wait3A_175 = tpu.memref_slice %arg9[%dma_wait3A_164] : memref<2x!tpu.dma_semaphore, #tpu.memory_space<semaphore_mem>> -> memref<1x!tpu.dma_semaphore, #tpu.memory_space<semaphore_mem>>
        %dma_wait3A_176 = tpu.memref_squeeze %dma_wait3A_175 : memref<1x!tpu.dma_semaphore, #tpu.memory_space<semaphore_mem>> -> memref<!tpu.dma_semaphore, #tpu.memory_space<semaphore_mem>>
        tpu.wait_indirect_dma semaphore(%dma_wait3A_176 : memref<!tpu.dma_semaphore, #tpu.memory_space<semaphore_mem>>) src(%dma_wait3A_174 : memref<10240x128xf32, #tpu.memory_space<hbm>>) dst(%dma_wait3A_168 : memref<128x128xf32, #tpu.memory_space<vmem>>)
        %run_scoped3A = arith.constant 0 : i32
        %run_scoped3A_177 = arith.constant 1 : i32
        "tpu.region"() ({
          %run_scoped3A_238 = tpu.sem_alloc : memref<!tpu.dma_semaphore, #tpu.memory_space<semaphore_mem>>
          %dma_start3A_239 = arith.constant 0 : i32
          %dma_start3A_240 = arith.constant 0 : i32
          %dma_start3A_241 = tpu.memref_slice %arg7[%run_scoped3A, %dma_start3A_239, %dma_start3A_240] : memref<2x128x128xf32, #tpu.memory_space<vmem>> -> memref<1x128x128xf32, #tpu.memory_space<vmem>>
          %dma_start3A_242 = tpu.memref_squeeze %dma_start3A_241 : memref<1x128x128xf32, #tpu.memory_space<vmem>> -> memref<128x128xf32, #tpu.memory_space<vmem>>
          %dma_start3A_243 = arith.constant 0 : i32
          %dma_start3A_244 = tpu.memref_slice %arg6[%add3A_161, %run_scoped3A_177, %dma_start3A_243] : memref<62x2x128xi32, #tpu.memory_space<vmem>> -> memref<1x1x128xi32, #tpu.memory_space<vmem>>
          %dma_start3A_245 = tpu.memref_squeeze %dma_start3A_244 : memref<1x1x128xi32, #tpu.memory_space<vmem>> -> memref<128xi32, #tpu.memory_space<vmem>>
          %dma_start3A_246 = arith.constant 0 : i32
          %dma_start3A_247 = arith.constant 0 : i32
          %dma_start3A_248 = tpu.memref_slice %arg8[%dma_start3A_246, %dma_start3A_247] : memref<10240x128xf32, #tpu.memory_space<vmem_shared>> -> memref<10240x128xf32, #tpu.memory_space<vmem_shared>>
          tpu.enqueue_indirect_dma source(%dma_start3A_242 : memref<128x128xf32, #tpu.memory_space<vmem>>) target(%dma_start3A_248 : memref<10240x128xf32, #tpu.memory_space<vmem_shared>>) offsets(%dma_start3A_245 : memref<128xi32, #tpu.memory_space<vmem>>) semaphore(%run_scoped3A_238 : memref<!tpu.dma_semaphore, #tpu.memory_space<semaphore_mem>>) {add = true}
          %dma_wait3A_249 = arith.constant 0 : i32
          %dma_wait3A_250 = arith.constant 0 : i32
          %dma_wait3A_251 = tpu.memref_slice %arg7[%run_scoped3A, %dma_wait3A_249, %dma_wait3A_250] : memref<2x128x128xf32, #tpu.memory_space<vmem>> -> memref<1x128x128xf32, #tpu.memory_space<vmem>>
          %dma_wait3A_252 = tpu.memref_squeeze %dma_wait3A_251 : memref<1x128x128xf32, #tpu.memory_space<vmem>> -> memref<128x128xf32, #tpu.memory_space<vmem>>
          %dma_wait3A_253 = arith.constant 0 : i32
          %dma_wait3A_254 = tpu.memref_slice %arg6[%add3A_161, %run_scoped3A_177, %dma_wait3A_253] : memref<62x2x128xi32, #tpu.memory_space<vmem>> -> memref<1x1x128xi32, #tpu.memory_space<vmem>>
          %dma_wait3A_255 = tpu.memref_squeeze %dma_wait3A_254 : memref<1x1x128xi32, #tpu.memory_space<vmem>> -> memref<128xi32, #tpu.memory_space<vmem>>
          %dma_wait3A_256 = arith.constant 0 : i32
          %dma_wait3A_257 = arith.constant 0 : i32
          %dma_wait3A_258 = tpu.memref_slice %arg8[%dma_wait3A_256, %dma_wait3A_257] : memref<10240x128xf32, #tpu.memory_space<vmem_shared>> -> memref<10240x128xf32, #tpu.memory_space<vmem_shared>>
          tpu.wait_indirect_dma semaphore(%run_scoped3A_238 : memref<!tpu.dma_semaphore, #tpu.memory_space<semaphore_mem>>) src(%dma_wait3A_252 : memref<128x128xf32, #tpu.memory_space<vmem>>) dst(%dma_wait3A_258 : memref<10240x128xf32, #tpu.memory_space<vmem_shared>>)
          tpu.yield
        }) : () -> ()
        %add3A_178 = arith.constant 2 : i32
        %add3A_179 = arith.addi %add3A_161, %add3A_178 : i32
        %ge3A = arith.constant 62 : i32
        %ge3A_180 = arith.cmpi sge, %add3A_179, %ge3A : i32
        %sub3A = arith.constant 62 : i32
        %sub3A_181 = arith.subi %add3A_179, %sub3A : i32
        %select_n3A = arith.select %ge3A_180, %sub3A_181, %add3A_179 : i32
        %dma_start3A_182 = arith.constant 0 : i32
        %dma_start3A_183 = arith.constant 0 : i32
        %dma_start3A_184 = arith.constant 0 : i32
        %dma_start3A_185 = arith.constant 0 : i32
        %dma_start3A_186 = arith.constant 0 : i32
        %dma_start3A_187 = tpu.memref_slice %arg7[%dma_start3A_183, %dma_start3A_185, %dma_start3A_186] : memref<2x128x128xf32, #tpu.memory_space<vmem>> -> memref<1x128x128xf32, #tpu.memory_space<vmem>>
        %dma_start3A_188 = tpu.memref_squeeze %dma_start3A_187 : memref<1x128x128xf32, #tpu.memory_space<vmem>> -> memref<128x128xf32, #tpu.memory_space<vmem>>
        %dma_start3A_189 = arith.constant 0 : i32
        %dma_start3A_190 = tpu.memref_slice %arg6[%select_n3A, %dma_start3A_182, %dma_start3A_189] : memref<62x2x128xi32, #tpu.memory_space<vmem>> -> memref<1x1x128xi32, #tpu.memory_space<vmem>>
        %dma_start3A_191 = tpu.memref_squeeze %dma_start3A_190 : memref<1x1x128xi32, #tpu.memory_space<vmem>> -> memref<128xi32, #tpu.memory_space<vmem>>
        %dma_start3A_192 = arith.constant 0 : i32
        %dma_start3A_193 = arith.constant 0 : i32
        %dma_start3A_194 = tpu.memref_slice %arg2[%dma_start3A_192, %dma_start3A_193] : memref<10240x128xf32, #tpu.memory_space<hbm>> -> memref<10240x128xf32, #tpu.memory_space<hbm>>
        %dma_start3A_195 = tpu.memref_slice %arg9[%dma_start3A_184] : memref<2x!tpu.dma_semaphore, #tpu.memory_space<semaphore_mem>> -> memref<1x!tpu.dma_semaphore, #tpu.memory_space<semaphore_mem>>
        %dma_start3A_196 = tpu.memref_squeeze %dma_start3A_195 : memref<1x!tpu.dma_semaphore, #tpu.memory_space<semaphore_mem>> -> memref<!tpu.dma_semaphore, #tpu.memory_space<semaphore_mem>>
        tpu.enqueue_indirect_dma source(%dma_start3A_194 : memref<10240x128xf32, #tpu.memory_space<hbm>>) target(%dma_start3A_188 : memref<128x128xf32, #tpu.memory_space<vmem>>) offsets(%dma_start3A_191 : memref<128xi32, #tpu.memory_space<vmem>>) semaphore(%dma_start3A_196 : memref<!tpu.dma_semaphore, #tpu.memory_space<semaphore_mem>>)
        %add3A_197 = arith.constant 1 : i32
        %add3A_198 = arith.addi %mul3A_159, %add3A_197 : i32
        %dma_wait3A_199 = arith.constant 0 : i32
        %dma_wait3A_200 = arith.constant 1 : i32
        %dma_wait3A_201 = arith.constant 1 : i32
        %dma_wait3A_202 = arith.constant 0 : i32
        %dma_wait3A_203 = arith.constant 0 : i32
        %dma_wait3A_204 = tpu.memref_slice %arg7[%dma_wait3A_200, %dma_wait3A_202, %dma_wait3A_203] : memref<2x128x128xf32, #tpu.memory_space<vmem>> -> memref<1x128x128xf32, #tpu.memory_space<vmem>>
        %dma_wait3A_205 = tpu.memref_squeeze %dma_wait3A_204 : memref<1x128x128xf32, #tpu.memory_space<vmem>> -> memref<128x128xf32, #tpu.memory_space<vmem>>
        %dma_wait3A_206 = arith.constant 0 : i32
        %dma_wait3A_207 = tpu.memref_slice %arg6[%add3A_198, %dma_wait3A_199, %dma_wait3A_206] : memref<62x2x128xi32, #tpu.memory_space<vmem>> -> memref<1x1x128xi32, #tpu.memory_space<vmem>>
        %dma_wait3A_208 = tpu.memref_squeeze %dma_wait3A_207 : memref<1x1x128xi32, #tpu.memory_space<vmem>> -> memref<128xi32, #tpu.memory_space<vmem>>
        %dma_wait3A_209 = arith.constant 0 : i32
        %dma_wait3A_210 = arith.constant 0 : i32
        %dma_wait3A_211 = tpu.memref_slice %arg2[%dma_wait3A_209, %dma_wait3A_210] : memref<10240x128xf32, #tpu.memory_space<hbm>> -> memref<10240x128xf32, #tpu.memory_space<hbm>>
        %dma_wait3A_212 = tpu.memref_slice %arg9[%dma_wait3A_201] : memref<2x!tpu.dma_semaphore, #tpu.memory_space<semaphore_mem>> -> memref<1x!tpu.dma_semaphore, #tpu.memory_space<semaphore_mem>>
        %dma_wait3A_213 = tpu.memref_squeeze %dma_wait3A_212 : memref<1x!tpu.dma_semaphore, #tpu.memory_space<semaphore_mem>> -> memref<!tpu.dma_semaphore, #tpu.memory_space<semaphore_mem>>
        tpu.wait_indirect_dma semaphore(%dma_wait3A_213 : memref<!tpu.dma_semaphore, #tpu.memory_space<semaphore_mem>>) src(%dma_wait3A_211 : memref<10240x128xf32, #tpu.memory_space<hbm>>) dst(%dma_wait3A_205 : memref<128x128xf32, #tpu.memory_space<vmem>>)
        %run_scoped3A_214 = arith.constant 1 : i32
        %run_scoped3A_215 = arith.constant 1 : i32
        "tpu.region"() ({
          %run_scoped3A_238 = tpu.sem_alloc : memref<!tpu.dma_semaphore, #tpu.memory_space<semaphore_mem>>
          %dma_start3A_239 = arith.constant 0 : i32
          %dma_start3A_240 = arith.constant 0 : i32
          %dma_start3A_241 = tpu.memref_slice %arg7[%run_scoped3A_214, %dma_start3A_239, %dma_start3A_240] : memref<2x128x128xf32, #tpu.memory_space<vmem>> -> memref<1x128x128xf32, #tpu.memory_space<vmem>>
          %dma_start3A_242 = tpu.memref_squeeze %dma_start3A_241 : memref<1x128x128xf32, #tpu.memory_space<vmem>> -> memref<128x128xf32, #tpu.memory_space<vmem>>
          %dma_start3A_243 = arith.constant 0 : i32
          %dma_start3A_244 = tpu.memref_slice %arg6[%add3A_198, %run_scoped3A_215, %dma_start3A_243] : memref<62x2x128xi32, #tpu.memory_space<vmem>> -> memref<1x1x128xi32, #tpu.memory_space<vmem>>
          %dma_start3A_245 = tpu.memref_squeeze %dma_start3A_244 : memref<1x1x128xi32, #tpu.memory_space<vmem>> -> memref<128xi32, #tpu.memory_space<vmem>>
          %dma_start3A_246 = arith.constant 0 : i32
          %dma_start3A_247 = arith.constant 0 : i32
          %dma_start3A_248 = tpu.memref_slice %arg8[%dma_start3A_246, %dma_start3A_247] : memref<10240x128xf32, #tpu.memory_space<vmem_shared>> -> memref<10240x128xf32, #tpu.memory_space<vmem_shared>>
          tpu.enqueue_indirect_dma source(%dma_start3A_242 : memref<128x128xf32, #tpu.memory_space<vmem>>) target(%dma_start3A_248 : memref<10240x128xf32, #tpu.memory_space<vmem_shared>>) offsets(%dma_start3A_245 : memref<128xi32, #tpu.memory_space<vmem>>) semaphore(%run_scoped3A_238 : memref<!tpu.dma_semaphore, #tpu.memory_space<semaphore_mem>>) {add = true}
          %dma_wait3A_249 = arith.constant 0 : i32
          %dma_wait3A_250 = arith.constant 0 : i32
          %dma_wait3A_251 = tpu.memref_slice %arg7[%run_scoped3A_214, %dma_wait3A_249, %dma_wait3A_250] : memref<2x128x128xf32, #tpu.memory_space<vmem>> -> memref<1x128x128xf32, #tpu.memory_space<vmem>>
          %dma_wait3A_252 = tpu.memref_squeeze %dma_wait3A_251 : memref<1x128x128xf32, #tpu.memory_space<vmem>> -> memref<128x128xf32, #tpu.memory_space<vmem>>
          %dma_wait3A_253 = arith.constant 0 : i32
          %dma_wait3A_254 = tpu.memref_slice %arg6[%add3A_198, %run_scoped3A_215, %dma_wait3A_253] : memref<62x2x128xi32, #tpu.memory_space<vmem>> -> memref<1x1x128xi32, #tpu.memory_space<vmem>>
          %dma_wait3A_255 = tpu.memref_squeeze %dma_wait3A_254 : memref<1x1x128xi32, #tpu.memory_space<vmem>> -> memref<128xi32, #tpu.memory_space<vmem>>
          %dma_wait3A_256 = arith.constant 0 : i32
          %dma_wait3A_257 = arith.constant 0 : i32
          %dma_wait3A_258 = tpu.memref_slice %arg8[%dma_wait3A_256, %dma_wait3A_257] : memref<10240x128xf32, #tpu.memory_space<vmem_shared>> -> memref<10240x128xf32, #tpu.memory_space<vmem_shared>>
          tpu.wait_indirect_dma semaphore(%run_scoped3A_238 : memref<!tpu.dma_semaphore, #tpu.memory_space<semaphore_mem>>) src(%dma_wait3A_252 : memref<128x128xf32, #tpu.memory_space<vmem>>) dst(%dma_wait3A_258 : memref<10240x128xf32, #tpu.memory_space<vmem_shared>>)
          tpu.yield
        }) : () -> ()
        %add3A_216 = arith.constant 2 : i32
        %add3A_217 = arith.addi %add3A_198, %add3A_216 : i32
        %ge3A_218 = arith.constant 62 : i32
        %ge3A_219 = arith.cmpi sge, %add3A_217, %ge3A_218 : i32
        %sub3A_220 = arith.constant 62 : i32
        %sub3A_221 = arith.subi %add3A_217, %sub3A_220 : i32
        %select_n3A_222 = arith.select %ge3A_219, %sub3A_221, %add3A_217 : i32
        %dma_start3A_223 = arith.constant 0 : i32
        %dma_start3A_224 = arith.constant 1 : i32
        %dma_start3A_225 = arith.constant 1 : i32
        %dma_start3A_226 = arith.constant 0 : i32
        %dma_start3A_227 = arith.constant 0 : i32
        %dma_start3A_228 = tpu.memref_slice %arg7[%dma_start3A_224, %dma_start3A_226, %dma_start3A_227] : memref<2x128x128xf32, #tpu.memory_space<vmem>> -> memref<1x128x128xf32, #tpu.memory_space<vmem>>
        %dma_start3A_229 = tpu.memref_squeeze %dma_start3A_228 : memref<1x128x128xf32, #tpu.memory_space<vmem>> -> memref<128x128xf32, #tpu.memory_space<vmem>>
        %dma_start3A_230 = arith.constant 0 : i32
        %dma_start3A_231 = tpu.memref_slice %arg6[%select_n3A_222, %dma_start3A_223, %dma_start3A_230] : memref<62x2x128xi32, #tpu.memory_space<vmem>> -> memref<1x1x128xi32, #tpu.memory_space<vmem>>
        %dma_start3A_232 = tpu.memref_squeeze %dma_start3A_231 : memref<1x1x128xi32, #tpu.memory_space<vmem>> -> memref<128xi32, #tpu.memory_space<vmem>>
        %dma_start3A_233 = arith.constant 0 : i32
        %dma_start3A_234 = arith.constant 0 : i32
        %dma_start3A_235 = tpu.memref_slice %arg2[%dma_start3A_233, %dma_start3A_234] : memref<10240x128xf32, #tpu.memory_space<hbm>> -> memref<10240x128xf32, #tpu.memory_space<hbm>>
        %dma_start3A_236 = tpu.memref_slice %arg9[%dma_start3A_225] : memref<2x!tpu.dma_semaphore, #tpu.memory_space<semaphore_mem>> -> memref<1x!tpu.dma_semaphore, #tpu.memory_space<semaphore_mem>>
        %dma_start3A_237 = tpu.memref_squeeze %dma_start3A_236 : memref<1x!tpu.dma_semaphore, #tpu.memory_space<semaphore_mem>> -> memref<!tpu.dma_semaphore, #tpu.memory_space<semaphore_mem>>
        tpu.enqueue_indirect_dma source(%dma_start3A_235 : memref<10240x128xf32, #tpu.memory_space<hbm>>) target(%dma_start3A_229 : memref<128x128xf32, #tpu.memory_space<vmem>>) offsets(%dma_start3A_232 : memref<128xi32, #tpu.memory_space<vmem>>) semaphore(%dma_start3A_237 : memref<!tpu.dma_semaphore, #tpu.memory_space<semaphore_mem>>)
      }
      %scan3A_53 = arith.constant 31 : i32
      %dma_wait3A = arith.constant 0 : i32
      %dma_wait3A_54 = arith.constant 0 : i32
      %dma_wait3A_55 = arith.constant 0 : i32
      %dma_wait3A_56 = arith.constant 0 : i32
      %dma_wait3A_57 = arith.constant 0 : i32
      %dma_wait3A_58 = arith.constant 0 : i32
      %dma_wait3A_59 = tpu.memref_slice %arg7[%dma_wait3A_55, %dma_wait3A_57, %dma_wait3A_58] : memref<2x128x128xf32, #tpu.memory_space<vmem>> -> memref<1x128x128xf32, #tpu.memory_space<vmem>>
      %dma_wait3A_60 = tpu.memref_squeeze %dma_wait3A_59 : memref<1x128x128xf32, #tpu.memory_space<vmem>> -> memref<128x128xf32, #tpu.memory_space<vmem>>
      %dma_wait3A_61 = arith.constant 0 : i32
      %dma_wait3A_62 = tpu.memref_slice %arg6[%dma_wait3A, %dma_wait3A_54, %dma_wait3A_61] : memref<62x2x128xi32, #tpu.memory_space<vmem>> -> memref<1x1x128xi32, #tpu.memory_space<vmem>>
      %dma_wait3A_63 = tpu.memref_squeeze %dma_wait3A_62 : memref<1x1x128xi32, #tpu.memory_space<vmem>> -> memref<128xi32, #tpu.memory_space<vmem>>
      %dma_wait3A_64 = arith.constant 0 : i32
      %dma_wait3A_65 = arith.constant 0 : i32
      %dma_wait3A_66 = tpu.memref_slice %arg2[%dma_wait3A_64, %dma_wait3A_65] : memref<10240x128xf32, #tpu.memory_space<hbm>> -> memref<10240x128xf32, #tpu.memory_space<hbm>>
      %dma_wait3A_67 = tpu.memref_slice %arg9[%dma_wait3A_56] : memref<2x!tpu.dma_semaphore, #tpu.memory_space<semaphore_mem>> -> memref<1x!tpu.dma_semaphore, #tpu.memory_space<semaphore_mem>>
      %dma_wait3A_68 = tpu.memref_squeeze %dma_wait3A_67 : memref<1x!tpu.dma_semaphore, #tpu.memory_space<semaphore_mem>> -> memref<!tpu.dma_semaphore, #tpu.memory_space<semaphore_mem>>
      tpu.wait_indirect_dma semaphore(%dma_wait3A_68 : memref<!tpu.dma_semaphore, #tpu.memory_space<semaphore_mem>>) src(%dma_wait3A_66 : memref<10240x128xf32, #tpu.memory_space<hbm>>) dst(%dma_wait3A_60 : memref<128x128xf32, #tpu.memory_space<vmem>>)
      %dma_wait3A_69 = arith.constant 1 : i32
      %dma_wait3A_70 = arith.constant 0 : i32
      %dma_wait3A_71 = arith.constant 1 : i32
      %dma_wait3A_72 = arith.constant 1 : i32
      %dma_wait3A_73 = arith.constant 0 : i32
      %dma_wait3A_74 = arith.constant 0 : i32
      %dma_wait3A_75 = tpu.memref_slice %arg7[%dma_wait3A_71, %dma_wait3A_73, %dma_wait3A_74] : memref<2x128x128xf32, #tpu.memory_space<vmem>> -> memref<1x128x128xf32, #tpu.memory_space<vmem>>
      %dma_wait3A_76 = tpu.memref_squeeze %dma_wait3A_75 : memref<1x128x128xf32, #tpu.memory_space<vmem>> -> memref<128x128xf32, #tpu.memory_space<vmem>>
      %dma_wait3A_77 = arith.constant 0 : i32
      %dma_wait3A_78 = tpu.memref_slice %arg6[%dma_wait3A_69, %dma_wait3A_70, %dma_wait3A_77] : memref<62x2x128xi32, #tpu.memory_space<vmem>> -> memref<1x1x128xi32, #tpu.memory_space<vmem>>
      %dma_wait3A_79 = tpu.memref_squeeze %dma_wait3A_78 : memref<1x1x128xi32, #tpu.memory_space<vmem>> -> memref<128xi32, #tpu.memory_space<vmem>>
      %dma_wait3A_80 = arith.constant 0 : i32
      %dma_wait3A_81 = arith.constant 0 : i32
      %dma_wait3A_82 = tpu.memref_slice %arg2[%dma_wait3A_80, %dma_wait3A_81] : memref<10240x128xf32, #tpu.memory_space<hbm>> -> memref<10240x128xf32, #tpu.memory_space<hbm>>
      %dma_wait3A_83 = tpu.memref_slice %arg9[%dma_wait3A_72] : memref<2x!tpu.dma_semaphore, #tpu.memory_space<semaphore_mem>> -> memref<1x!tpu.dma_semaphore, #tpu.memory_space<semaphore_mem>>
      %dma_wait3A_84 = tpu.memref_squeeze %dma_wait3A_83 : memref<1x!tpu.dma_semaphore, #tpu.memory_space<semaphore_mem>> -> memref<!tpu.dma_semaphore, #tpu.memory_space<semaphore_mem>>
      tpu.wait_indirect_dma semaphore(%dma_wait3A_84 : memref<!tpu.dma_semaphore, #tpu.memory_space<semaphore_mem>>) src(%dma_wait3A_82 : memref<10240x128xf32, #tpu.memory_space<hbm>>) dst(%dma_wait3A_76 : memref<128x128xf32, #tpu.memory_space<vmem>>)
      %add3A_85 = arith.constant 62 : i32
      %add3A_86 = arith.addi %mul3A_16, %add3A_85 : i32
      "tpu.region"() ({
        %run_scoped3A = tpu.sem_alloc : memref<!tpu.dma_semaphore, #tpu.memory_space<semaphore_mem>>
        %dma_start3A_157 = arith.constant 0 : i32
        %dma_start3A_158 = arith.constant 0 : i32
        %dma_start3A_159 = arith.constant 0 : i32
        %dma_start3A_160 = tpu.memref_slice %arg6[%dma_start3A_157, %dma_start3A_158, %dma_start3A_159] : memref<62x2x128xi32, #tpu.memory_space<vmem>> -> memref<62x2x128xi32, #tpu.memory_space<vmem>>
        %dma_start3A_161 = arith.constant 0 : i32
        %dma_start3A_162 = arith.constant 0 : i32
        %dma_start3A_163 = tpu.memref_slice %arg3[%add3A_86, %dma_start3A_161, %dma_start3A_162] : memref<2560x2x128xi32, #tpu.memory_space<hbm>> -> memref<62x2x128xi32, #tpu.memory_space<hbm>>
        %dma_start3A_164 = arith.constant 0 : i32
        %dma_start3A_165 = arith.constant 0 : i32
        %dma_start3A_166 = arith.constant 0 : i32
        %dma_start3A_167 = tpu.memref_slice %arg6[%dma_start3A_164, %dma_start3A_165, %dma_start3A_166] : memref<62x2x128xi32, #tpu.memory_space<vmem>> -> memref<62x2x128xi32, #tpu.memory_space<vmem>>
        %dma_start3A_168 = arith.constant 0 : i32
        %dma_start3A_169 = arith.constant 0 : i32
        %dma_start3A_170 = tpu.memref_slice %arg3[%add3A_86, %dma_start3A_168, %dma_start3A_169] : memref<2560x2x128xi32, #tpu.memory_space<hbm>> -> memref<62x2x128xi32, #tpu.memory_space<hbm>>
        tpu.enqueue_dma source(%dma_start3A_170 : memref<62x2x128xi32, #tpu.memory_space<hbm>>) target(%dma_start3A_167 : memref<62x2x128xi32, #tpu.memory_space<vmem>>) target_semaphore(%run_scoped3A : memref<!tpu.dma_semaphore, #tpu.memory_space<semaphore_mem>>)
        %dma_wait3A_171 = arith.constant 0 : i32
        %dma_wait3A_172 = arith.constant 0 : i32
        %dma_wait3A_173 = arith.constant 0 : i32
        %dma_wait3A_174 = tpu.memref_slice %arg6[%dma_wait3A_171, %dma_wait3A_172, %dma_wait3A_173] : memref<62x2x128xi32, #tpu.memory_space<vmem>> -> memref<62x2x128xi32, #tpu.memory_space<vmem>>
        %dma_wait3A_175 = arith.constant 0 : i32
        %dma_wait3A_176 = arith.constant 0 : i32
        %dma_wait3A_177 = tpu.memref_slice %arg3[%add3A_86, %dma_wait3A_175, %dma_wait3A_176] : memref<2560x2x128xi32, #tpu.memory_space<hbm>> -> memref<62x2x128xi32, #tpu.memory_space<hbm>>
        %dma_wait3A_178 = arith.constant 0 : i32
        %dma_wait3A_179 = arith.constant 0 : i32
        %dma_wait3A_180 = arith.constant 0 : i32
        %dma_wait3A_181 = tpu.memref_slice %arg6[%dma_wait3A_178, %dma_wait3A_179, %dma_wait3A_180] : memref<62x2x128xi32, #tpu.memory_space<vmem>> -> memref<62x2x128xi32, #tpu.memory_space<vmem>>
        %dma_wait3A_182 = arith.constant 0 : i32
        %dma_wait3A_183 = arith.constant 0 : i32
        %dma_wait3A_184 = tpu.memref_slice %arg3[%add3A_86, %dma_wait3A_182, %dma_wait3A_183] : memref<2560x2x128xi32, #tpu.memory_space<hbm>> -> memref<62x2x128xi32, #tpu.memory_space<hbm>>
        tpu.wait_dma2 semaphore(%run_scoped3A : memref<!tpu.dma_semaphore, #tpu.memory_space<semaphore_mem>>) src(%dma_wait3A_184 : memref<62x2x128xi32, #tpu.memory_space<hbm>>) dst(%dma_wait3A_181 : memref<62x2x128xi32, #tpu.memory_space<vmem>>)
        tpu.yield
      }) : () -> ()
      %dma_start3A_87 = arith.constant 0 : i32
      %dma_start3A_88 = arith.constant 0 : i32
      %dma_start3A_89 = arith.constant 0 : i32
      %dma_start3A_90 = arith.constant 0 : i32
      %dma_start3A_91 = arith.constant 0 : i32
      %dma_start3A_92 = arith.constant 0 : i32
      %dma_start3A_93 = tpu.memref_slice %arg7[%dma_start3A_89, %dma_start3A_91, %dma_start3A_92] : memref<2x128x128xf32, #tpu.memory_space<vmem>> -> memref<1x128x128xf32, #tpu.memory_space<vmem>>
      %dma_start3A_94 = tpu.memref_squeeze %dma_start3A_93 : memref<1x128x128xf32, #tpu.memory_space<vmem>> -> memref<128x128xf32, #tpu.memory_space<vmem>>
      %dma_start3A_95 = arith.constant 0 : i32
      %dma_start3A_96 = tpu.memref_slice %arg6[%dma_start3A_87, %dma_start3A_88, %dma_start3A_95] : memref<62x2x128xi32, #tpu.memory_space<vmem>> -> memref<1x1x128xi32, #tpu.memory_space<vmem>>
      %dma_start3A_97 = tpu.memref_squeeze %dma_start3A_96 : memref<1x1x128xi32, #tpu.memory_space<vmem>> -> memref<128xi32, #tpu.memory_space<vmem>>
      %dma_start3A_98 = arith.constant 0 : i32
      %dma_start3A_99 = arith.constant 0 : i32
      %dma_start3A_100 = tpu.memref_slice %arg2[%dma_start3A_98, %dma_start3A_99] : memref<10240x128xf32, #tpu.memory_space<hbm>> -> memref<10240x128xf32, #tpu.memory_space<hbm>>
      %dma_start3A_101 = tpu.memref_slice %arg9[%dma_start3A_90] : memref<2x!tpu.dma_semaphore, #tpu.memory_space<semaphore_mem>> -> memref<1x!tpu.dma_semaphore, #tpu.memory_space<semaphore_mem>>
      %dma_start3A_102 = tpu.memref_squeeze %dma_start3A_101 : memref<1x!tpu.dma_semaphore, #tpu.memory_space<semaphore_mem>> -> memref<!tpu.dma_semaphore, #tpu.memory_space<semaphore_mem>>
      tpu.enqueue_indirect_dma source(%dma_start3A_100 : memref<10240x128xf32, #tpu.memory_space<hbm>>) target(%dma_start3A_94 : memref<128x128xf32, #tpu.memory_space<vmem>>) offsets(%dma_start3A_97 : memref<128xi32, #tpu.memory_space<vmem>>) semaphore(%dma_start3A_102 : memref<!tpu.dma_semaphore, #tpu.memory_space<semaphore_mem>>)
      %dma_start3A_103 = arith.constant 1 : i32
      %dma_start3A_104 = arith.constant 0 : i32
      %dma_start3A_105 = arith.constant 1 : i32
      %dma_start3A_106 = arith.constant 1 : i32
      %dma_start3A_107 = arith.constant 0 : i32
      %dma_start3A_108 = arith.constant 0 : i32
      %dma_start3A_109 = tpu.memref_slice %arg7[%dma_start3A_105, %dma_start3A_107, %dma_start3A_108] : memref<2x128x128xf32, #tpu.memory_space<vmem>> -> memref<1x128x128xf32, #tpu.memory_space<vmem>>
      %dma_start3A_110 = tpu.memref_squeeze %dma_start3A_109 : memref<1x128x128xf32, #tpu.memory_space<vmem>> -> memref<128x128xf32, #tpu.memory_space<vmem>>
      %dma_start3A_111 = arith.constant 0 : i32
      %dma_start3A_112 = tpu.memref_slice %arg6[%dma_start3A_103, %dma_start3A_104, %dma_start3A_111] : memref<62x2x128xi32, #tpu.memory_space<vmem>> -> memref<1x1x128xi32, #tpu.memory_space<vmem>>
      %dma_start3A_113 = tpu.memref_squeeze %dma_start3A_112 : memref<1x1x128xi32, #tpu.memory_space<vmem>> -> memref<128xi32, #tpu.memory_space<vmem>>
      %dma_start3A_114 = arith.constant 0 : i32
      %dma_start3A_115 = arith.constant 0 : i32
      %dma_start3A_116 = tpu.memref_slice %arg2[%dma_start3A_114, %dma_start3A_115] : memref<10240x128xf32, #tpu.memory_space<hbm>> -> memref<10240x128xf32, #tpu.memory_space<hbm>>
      %dma_start3A_117 = tpu.memref_slice %arg9[%dma_start3A_106] : memref<2x!tpu.dma_semaphore, #tpu.memory_space<semaphore_mem>> -> memref<1x!tpu.dma_semaphore, #tpu.memory_space<semaphore_mem>>
      %dma_start3A_118 = tpu.memref_squeeze %dma_start3A_117 : memref<1x!tpu.dma_semaphore, #tpu.memory_space<semaphore_mem>> -> memref<!tpu.dma_semaphore, #tpu.memory_space<semaphore_mem>>
      tpu.enqueue_indirect_dma source(%dma_start3A_116 : memref<10240x128xf32, #tpu.memory_space<hbm>>) target(%dma_start3A_110 : memref<128x128xf32, #tpu.memory_space<vmem>>) offsets(%dma_start3A_113 : memref<128xi32, #tpu.memory_space<vmem>>) semaphore(%dma_start3A_118 : memref<!tpu.dma_semaphore, #tpu.memory_space<semaphore_mem>>)
      %scan3A_119 = arith.constant 0 : i32
      %scan3A_120 = arith.constant 0 : i32
      %scan3A_121 = arith.constant 31 : i32
      %scan3A_122 = arith.addi %scan3A_120, %scan3A_121 : i32
      %scan3A_123 = arith.constant 1 : i32
      scf.for %scan3A_157 = %scan3A_120 to %scan3A_122 step %scan3A_123  : i32 {
        %mul3A_158 = arith.constant 2 : i32
        %mul3A_159 = arith.muli %scan3A_157, %mul3A_158 : i32
        %add3A_160 = arith.constant 0 : i32
        %add3A_161 = arith.addi %mul3A_159, %add3A_160 : i32
        %dma_wait3A_162 = arith.constant 0 : i32
        %dma_wait3A_163 = arith.constant 0 : i32
        %dma_wait3A_164 = arith.constant 0 : i32
        %dma_wait3A_165 = arith.constant 0 : i32
        %dma_wait3A_166 = arith.constant 0 : i32
        %dma_wait3A_167 = tpu.memref_slice %arg7[%dma_wait3A_163, %dma_wait3A_165, %dma_wait3A_166] : memref<2x128x128xf32, #tpu.memory_space<vmem>> -> memref<1x128x128xf32, #tpu.memory_space<vmem>>
        %dma_wait3A_168 = tpu.memref_squeeze %dma_wait3A_167 : memref<1x128x128xf32, #tpu.memory_space<vmem>> -> memref<128x128xf32, #tpu.memory_space<vmem>>
        %dma_wait3A_169 = arith.constant 0 : i32
        %dma_wait3A_170 = tpu.memref_slice %arg6[%add3A_161, %dma_wait3A_162, %dma_wait3A_169] : memref<62x2x128xi32, #tpu.memory_space<vmem>> -> memref<1x1x128xi32, #tpu.memory_space<vmem>>
        %dma_wait3A_171 = tpu.memref_squeeze %dma_wait3A_170 : memref<1x1x128xi32, #tpu.memory_space<vmem>> -> memref<128xi32, #tpu.memory_space<vmem>>
        %dma_wait3A_172 = arith.constant 0 : i32
        %dma_wait3A_173 = arith.constant 0 : i32
        %dma_wait3A_174 = tpu.memref_slice %arg2[%dma_wait3A_172, %dma_wait3A_173] : memref<10240x128xf32, #tpu.memory_space<hbm>> -> memref<10240x128xf32, #tpu.memory_space<hbm>>
        %dma_wait3A_175 = tpu.memref_slice %arg9[%dma_wait3A_164] : memref<2x!tpu.dma_semaphore, #tpu.memory_space<semaphore_mem>> -> memref<1x!tpu.dma_semaphore, #tpu.memory_space<semaphore_mem>>
        %dma_wait3A_176 = tpu.memref_squeeze %dma_wait3A_175 : memref<1x!tpu.dma_semaphore, #tpu.memory_space<semaphore_mem>> -> memref<!tpu.dma_semaphore, #tpu.memory_space<semaphore_mem>>
        tpu.wait_indirect_dma semaphore(%dma_wait3A_176 : memref<!tpu.dma_semaphore, #tpu.memory_space<semaphore_mem>>) src(%dma_wait3A_174 : memref<10240x128xf32, #tpu.memory_space<hbm>>) dst(%dma_wait3A_168 : memref<128x128xf32, #tpu.memory_space<vmem>>)
        %run_scoped3A = arith.constant 0 : i32
        %run_scoped3A_177 = arith.constant 1 : i32
        "tpu.region"() ({
          %run_scoped3A_238 = tpu.sem_alloc : memref<!tpu.dma_semaphore, #tpu.memory_space<semaphore_mem>>
          %dma_start3A_239 = arith.constant 0 : i32
          %dma_start3A_240 = arith.constant 0 : i32
          %dma_start3A_241 = tpu.memref_slice %arg7[%run_scoped3A, %dma_start3A_239, %dma_start3A_240] : memref<2x128x128xf32, #tpu.memory_space<vmem>> -> memref<1x128x128xf32, #tpu.memory_space<vmem>>
          %dma_start3A_242 = tpu.memref_squeeze %dma_start3A_241 : memref<1x128x128xf32, #tpu.memory_space<vmem>> -> memref<128x128xf32, #tpu.memory_space<vmem>>
          %dma_start3A_243 = arith.constant 0 : i32
          %dma_start3A_244 = tpu.memref_slice %arg6[%add3A_161, %run_scoped3A_177, %dma_start3A_243] : memref<62x2x128xi32, #tpu.memory_space<vmem>> -> memref<1x1x128xi32, #tpu.memory_space<vmem>>
          %dma_start3A_245 = tpu.memref_squeeze %dma_start3A_244 : memref<1x1x128xi32, #tpu.memory_space<vmem>> -> memref<128xi32, #tpu.memory_space<vmem>>
          %dma_start3A_246 = arith.constant 0 : i32
          %dma_start3A_247 = arith.constant 0 : i32
          %dma_start3A_248 = tpu.memref_slice %arg8[%dma_start3A_246, %dma_start3A_247] : memref<10240x128xf32, #tpu.memory_space<vmem_shared>> -> memref<10240x128xf32, #tpu.memory_space<vmem_shared>>
          tpu.enqueue_indirect_dma source(%dma_start3A_242 : memref<128x128xf32, #tpu.memory_space<vmem>>) target(%dma_start3A_248 : memref<10240x128xf32, #tpu.memory_space<vmem_shared>>) offsets(%dma_start3A_245 : memref<128xi32, #tpu.memory_space<vmem>>) semaphore(%run_scoped3A_238 : memref<!tpu.dma_semaphore, #tpu.memory_space<semaphore_mem>>) {add = true}
          %dma_wait3A_249 = arith.constant 0 : i32
          %dma_wait3A_250 = arith.constant 0 : i32
          %dma_wait3A_251 = tpu.memref_slice %arg7[%run_scoped3A, %dma_wait3A_249, %dma_wait3A_250] : memref<2x128x128xf32, #tpu.memory_space<vmem>> -> memref<1x128x128xf32, #tpu.memory_space<vmem>>
          %dma_wait3A_252 = tpu.memref_squeeze %dma_wait3A_251 : memref<1x128x128xf32, #tpu.memory_space<vmem>> -> memref<128x128xf32, #tpu.memory_space<vmem>>
          %dma_wait3A_253 = arith.constant 0 : i32
          %dma_wait3A_254 = tpu.memref_slice %arg6[%add3A_161, %run_scoped3A_177, %dma_wait3A_253] : memref<62x2x128xi32, #tpu.memory_space<vmem>> -> memref<1x1x128xi32, #tpu.memory_space<vmem>>
          %dma_wait3A_255 = tpu.memref_squeeze %dma_wait3A_254 : memref<1x1x128xi32, #tpu.memory_space<vmem>> -> memref<128xi32, #tpu.memory_space<vmem>>
          %dma_wait3A_256 = arith.constant 0 : i32
          %dma_wait3A_257 = arith.constant 0 : i32
          %dma_wait3A_258 = tpu.memref_slice %arg8[%dma_wait3A_256, %dma_wait3A_257] : memref<10240x128xf32, #tpu.memory_space<vmem_shared>> -> memref<10240x128xf32, #tpu.memory_space<vmem_shared>>
          tpu.wait_indirect_dma semaphore(%run_scoped3A_238 : memref<!tpu.dma_semaphore, #tpu.memory_space<semaphore_mem>>) src(%dma_wait3A_252 : memref<128x128xf32, #tpu.memory_space<vmem>>) dst(%dma_wait3A_258 : memref<10240x128xf32, #tpu.memory_space<vmem_shared>>)
          tpu.yield
        }) : () -> ()
        %add3A_178 = arith.constant 2 : i32
        %add3A_179 = arith.addi %add3A_161, %add3A_178 : i32
        %ge3A = arith.constant 62 : i32
        %ge3A_180 = arith.cmpi sge, %add3A_179, %ge3A : i32
        %sub3A = arith.constant 62 : i32
        %sub3A_181 = arith.subi %add3A_179, %sub3A : i32
        %select_n3A = arith.select %ge3A_180, %sub3A_181, %add3A_179 : i32
        %dma_start3A_182 = arith.constant 0 : i32
        %dma_start3A_183 = arith.constant 0 : i32
        %dma_start3A_184 = arith.constant 0 : i32
        %dma_start3A_185 = arith.constant 0 : i32
        %dma_start3A_186 = arith.constant 0 : i32
        %dma_start3A_187 = tpu.memref_slice %arg7[%dma_start3A_183, %dma_start3A_185, %dma_start3A_186] : memref<2x128x128xf32, #tpu.memory_space<vmem>> -> memref<1x128x128xf32, #tpu.memory_space<vmem>>
        %dma_start3A_188 = tpu.memref_squeeze %dma_start3A_187 : memref<1x128x128xf32, #tpu.memory_space<vmem>> -> memref<128x128xf32, #tpu.memory_space<vmem>>
        %dma_start3A_189 = arith.constant 0 : i32
        %dma_start3A_190 = tpu.memref_slice %arg6[%select_n3A, %dma_start3A_182, %dma_start3A_189] : memref<62x2x128xi32, #tpu.memory_space<vmem>> -> memref<1x1x128xi32, #tpu.memory_space<vmem>>
        %dma_start3A_191 = tpu.memref_squeeze %dma_start3A_190 : memref<1x1x128xi32, #tpu.memory_space<vmem>> -> memref<128xi32, #tpu.memory_space<vmem>>
        %dma_start3A_192 = arith.constant 0 : i32
        %dma_start3A_193 = arith.constant 0 : i32
        %dma_start3A_194 = tpu.memref_slice %arg2[%dma_start3A_192, %dma_start3A_193] : memref<10240x128xf32, #tpu.memory_space<hbm>> -> memref<10240x128xf32, #tpu.memory_space<hbm>>
        %dma_start3A_195 = tpu.memref_slice %arg9[%dma_start3A_184] : memref<2x!tpu.dma_semaphore, #tpu.memory_space<semaphore_mem>> -> memref<1x!tpu.dma_semaphore, #tpu.memory_space<semaphore_mem>>
        %dma_start3A_196 = tpu.memref_squeeze %dma_start3A_195 : memref<1x!tpu.dma_semaphore, #tpu.memory_space<semaphore_mem>> -> memref<!tpu.dma_semaphore, #tpu.memory_space<semaphore_mem>>
        tpu.enqueue_indirect_dma source(%dma_start3A_194 : memref<10240x128xf32, #tpu.memory_space<hbm>>) target(%dma_start3A_188 : memref<128x128xf32, #tpu.memory_space<vmem>>) offsets(%dma_start3A_191 : memref<128xi32, #tpu.memory_space<vmem>>) semaphore(%dma_start3A_196 : memref<!tpu.dma_semaphore, #tpu.memory_space<semaphore_mem>>)
        %add3A_197 = arith.constant 1 : i32
        %add3A_198 = arith.addi %mul3A_159, %add3A_197 : i32
        %dma_wait3A_199 = arith.constant 0 : i32
        %dma_wait3A_200 = arith.constant 1 : i32
        %dma_wait3A_201 = arith.constant 1 : i32
        %dma_wait3A_202 = arith.constant 0 : i32
        %dma_wait3A_203 = arith.constant 0 : i32
        %dma_wait3A_204 = tpu.memref_slice %arg7[%dma_wait3A_200, %dma_wait3A_202, %dma_wait3A_203] : memref<2x128x128xf32, #tpu.memory_space<vmem>> -> memref<1x128x128xf32, #tpu.memory_space<vmem>>
        %dma_wait3A_205 = tpu.memref_squeeze %dma_wait3A_204 : memref<1x128x128xf32, #tpu.memory_space<vmem>> -> memref<128x128xf32, #tpu.memory_space<vmem>>
        %dma_wait3A_206 = arith.constant 0 : i32
        %dma_wait3A_207 = tpu.memref_slice %arg6[%add3A_198, %dma_wait3A_199, %dma_wait3A_206] : memref<62x2x128xi32, #tpu.memory_space<vmem>> -> memref<1x1x128xi32, #tpu.memory_space<vmem>>
        %dma_wait3A_208 = tpu.memref_squeeze %dma_wait3A_207 : memref<1x1x128xi32, #tpu.memory_space<vmem>> -> memref<128xi32, #tpu.memory_space<vmem>>
        %dma_wait3A_209 = arith.constant 0 : i32
        %dma_wait3A_210 = arith.constant 0 : i32
        %dma_wait3A_211 = tpu.memref_slice %arg2[%dma_wait3A_209, %dma_wait3A_210] : memref<10240x128xf32, #tpu.memory_space<hbm>> -> memref<10240x128xf32, #tpu.memory_space<hbm>>
        %dma_wait3A_212 = tpu.memref_slice %arg9[%dma_wait3A_201] : memref<2x!tpu.dma_semaphore, #tpu.memory_space<semaphore_mem>> -> memref<1x!tpu.dma_semaphore, #tpu.memory_space<semaphore_mem>>
        %dma_wait3A_213 = tpu.memref_squeeze %dma_wait3A_212 : memref<1x!tpu.dma_semaphore, #tpu.memory_space<semaphore_mem>> -> memref<!tpu.dma_semaphore, #tpu.memory_space<semaphore_mem>>
        tpu.wait_indirect_dma semaphore(%dma_wait3A_213 : memref<!tpu.dma_semaphore, #tpu.memory_space<semaphore_mem>>) src(%dma_wait3A_211 : memref<10240x128xf32, #tpu.memory_space<hbm>>) dst(%dma_wait3A_205 : memref<128x128xf32, #tpu.memory_space<vmem>>)
        %run_scoped3A_214 = arith.constant 1 : i32
        %run_scoped3A_215 = arith.constant 1 : i32
        "tpu.region"() ({
          %run_scoped3A_238 = tpu.sem_alloc : memref<!tpu.dma_semaphore, #tpu.memory_space<semaphore_mem>>
          %dma_start3A_239 = arith.constant 0 : i32
          %dma_start3A_240 = arith.constant 0 : i32
          %dma_start3A_241 = tpu.memref_slice %arg7[%run_scoped3A_214, %dma_start3A_239, %dma_start3A_240] : memref<2x128x128xf32, #tpu.memory_space<vmem>> -> memref<1x128x128xf32, #tpu.memory_space<vmem>>
          %dma_start3A_242 = tpu.memref_squeeze %dma_start3A_241 : memref<1x128x128xf32, #tpu.memory_space<vmem>> -> memref<128x128xf32, #tpu.memory_space<vmem>>
          %dma_start3A_243 = arith.constant 0 : i32
          %dma_start3A_244 = tpu.memref_slice %arg6[%add3A_198, %run_scoped3A_215, %dma_start3A_243] : memref<62x2x128xi32, #tpu.memory_space<vmem>> -> memref<1x1x128xi32, #tpu.memory_space<vmem>>
          %dma_start3A_245 = tpu.memref_squeeze %dma_start3A_244 : memref<1x1x128xi32, #tpu.memory_space<vmem>> -> memref<128xi32, #tpu.memory_space<vmem>>
          %dma_start3A_246 = arith.constant 0 : i32
          %dma_start3A_247 = arith.constant 0 : i32
          %dma_start3A_248 = tpu.memref_slice %arg8[%dma_start3A_246, %dma_start3A_247] : memref<10240x128xf32, #tpu.memory_space<vmem_shared>> -> memref<10240x128xf32, #tpu.memory_space<vmem_shared>>
          tpu.enqueue_indirect_dma source(%dma_start3A_242 : memref<128x128xf32, #tpu.memory_space<vmem>>) target(%dma_start3A_248 : memref<10240x128xf32, #tpu.memory_space<vmem_shared>>) offsets(%dma_start3A_245 : memref<128xi32, #tpu.memory_space<vmem>>) semaphore(%run_scoped3A_238 : memref<!tpu.dma_semaphore, #tpu.memory_space<semaphore_mem>>) {add = true}
          %dma_wait3A_249 = arith.constant 0 : i32
          %dma_wait3A_250 = arith.constant 0 : i32
          %dma_wait3A_251 = tpu.memref_slice %arg7[%run_scoped3A_214, %dma_wait3A_249, %dma_wait3A_250] : memref<2x128x128xf32, #tpu.memory_space<vmem>> -> memref<1x128x128xf32, #tpu.memory_space<vmem>>
          %dma_wait3A_252 = tpu.memref_squeeze %dma_wait3A_251 : memref<1x128x128xf32, #tpu.memory_space<vmem>> -> memref<128x128xf32, #tpu.memory_space<vmem>>
          %dma_wait3A_253 = arith.constant 0 : i32
          %dma_wait3A_254 = tpu.memref_slice %arg6[%add3A_198, %run_scoped3A_215, %dma_wait3A_253] : memref<62x2x128xi32, #tpu.memory_space<vmem>> -> memref<1x1x128xi32, #tpu.memory_space<vmem>>
          %dma_wait3A_255 = tpu.memref_squeeze %dma_wait3A_254 : memref<1x1x128xi32, #tpu.memory_space<vmem>> -> memref<128xi32, #tpu.memory_space<vmem>>
          %dma_wait3A_256 = arith.constant 0 : i32
          %dma_wait3A_257 = arith.constant 0 : i32
          %dma_wait3A_258 = tpu.memref_slice %arg8[%dma_wait3A_256, %dma_wait3A_257] : memref<10240x128xf32, #tpu.memory_space<vmem_shared>> -> memref<10240x128xf32, #tpu.memory_space<vmem_shared>>
          tpu.wait_indirect_dma semaphore(%run_scoped3A_238 : memref<!tpu.dma_semaphore, #tpu.memory_space<semaphore_mem>>) src(%dma_wait3A_252 : memref<128x128xf32, #tpu.memory_space<vmem>>) dst(%dma_wait3A_258 : memref<10240x128xf32, #tpu.memory_space<vmem_shared>>)
          tpu.yield
        }) : () -> ()
        %add3A_216 = arith.constant 2 : i32
        %add3A_217 = arith.addi %add3A_198, %add3A_216 : i32
        %ge3A_218 = arith.constant 62 : i32
        %ge3A_219 = arith.cmpi sge, %add3A_217, %ge3A_218 : i32
        %sub3A_220 = arith.constant 62 : i32
        %sub3A_221 = arith.subi %add3A_217, %sub3A_220 : i32
        %select_n3A_222 = arith.select %ge3A_219, %sub3A_221, %add3A_217 : i32
        %dma_start3A_223 = arith.constant 0 : i32
        %dma_start3A_224 = arith.constant 1 : i32
        %dma_start3A_225 = arith.constant 1 : i32
        %dma_start3A_226 = arith.constant 0 : i32
        %dma_start3A_227 = arith.constant 0 : i32
        %dma_start3A_228 = tpu.memref_slice %arg7[%dma_start3A_224, %dma_start3A_226, %dma_start3A_227] : memref<2x128x128xf32, #tpu.memory_space<vmem>> -> memref<1x128x128xf32, #tpu.memory_space<vmem>>
        %dma_start3A_229 = tpu.memref_squeeze %dma_start3A_228 : memref<1x128x128xf32, #tpu.memory_space<vmem>> -> memref<128x128xf32, #tpu.memory_space<vmem>>
        %dma_start3A_230 = arith.constant 0 : i32
        %dma_start3A_231 = tpu.memref_slice %arg6[%select_n3A_222, %dma_start3A_223, %dma_start3A_230] : memref<62x2x128xi32, #tpu.memory_space<vmem>> -> memref<1x1x128xi32, #tpu.memory_space<vmem>>
        %dma_start3A_232 = tpu.memref_squeeze %dma_start3A_231 : memref<1x1x128xi32, #tpu.memory_space<vmem>> -> memref<128xi32, #tpu.memory_space<vmem>>
        %dma_start3A_233 = arith.constant 0 : i32
        %dma_start3A_234 = arith.constant 0 : i32
        %dma_start3A_235 = tpu.memref_slice %arg2[%dma_start3A_233, %dma_start3A_234] : memref<10240x128xf32, #tpu.memory_space<hbm>> -> memref<10240x128xf32, #tpu.memory_space<hbm>>
        %dma_start3A_236 = tpu.memref_slice %arg9[%dma_start3A_225] : memref<2x!tpu.dma_semaphore, #tpu.memory_space<semaphore_mem>> -> memref<1x!tpu.dma_semaphore, #tpu.memory_space<semaphore_mem>>
        %dma_start3A_237 = tpu.memref_squeeze %dma_start3A_236 : memref<1x!tpu.dma_semaphore, #tpu.memory_space<semaphore_mem>> -> memref<!tpu.dma_semaphore, #tpu.memory_space<semaphore_mem>>
        tpu.enqueue_indirect_dma source(%dma_start3A_235 : memref<10240x128xf32, #tpu.memory_space<hbm>>) target(%dma_start3A_229 : memref<128x128xf32, #tpu.memory_space<vmem>>) offsets(%dma_start3A_232 : memref<128xi32, #tpu.memory_space<vmem>>) semaphore(%dma_start3A_237 : memref<!tpu.dma_semaphore, #tpu.memory_space<semaphore_mem>>)
      }
      %scan3A_124 = arith.constant 31 : i32
      %dma_wait3A_125 = arith.constant 0 : i32
      %dma_wait3A_126 = arith.constant 0 : i32
      %dma_wait3A_127 = arith.constant 0 : i32
      %dma_wait3A_128 = arith.constant 0 : i32
      %dma_wait3A_129 = arith.constant 0 : i32
      %dma_wait3A_130 = arith.constant 0 : i32
      %dma_wait3A_131 = tpu.memref_slice %arg7[%dma_wait3A_127, %dma_wait3A_129, %dma_wait3A_130] : memref<2x128x128xf32, #tpu.memory_space<vmem>> -> memref<1x128x128xf32, #tpu.memory_space<vmem>>
      %dma_wait3A_132 = tpu.memref_squeeze %dma_wait3A_131 : memref<1x128x128xf32, #tpu.memory_space<vmem>> -> memref<128x128xf32, #tpu.memory_space<vmem>>
      %dma_wait3A_133 = arith.constant 0 : i32
      %dma_wait3A_134 = tpu.memref_slice %arg6[%dma_wait3A_125, %dma_wait3A_126, %dma_wait3A_133] : memref<62x2x128xi32, #tpu.memory_space<vmem>> -> memref<1x1x128xi32, #tpu.memory_space<vmem>>
      %dma_wait3A_135 = tpu.memref_squeeze %dma_wait3A_134 : memref<1x1x128xi32, #tpu.memory_space<vmem>> -> memref<128xi32, #tpu.memory_space<vmem>>
      %dma_wait3A_136 = arith.constant 0 : i32
      %dma_wait3A_137 = arith.constant 0 : i32
      %dma_wait3A_138 = tpu.memref_slice %arg2[%dma_wait3A_136, %dma_wait3A_137] : memref<10240x128xf32, #tpu.memory_space<hbm>> -> memref<10240x128xf32, #tpu.memory_space<hbm>>
      %dma_wait3A_139 = tpu.memref_slice %arg9[%dma_wait3A_128] : memref<2x!tpu.dma_semaphore, #tpu.memory_space<semaphore_mem>> -> memref<1x!tpu.dma_semaphore, #tpu.memory_space<semaphore_mem>>
      %dma_wait3A_140 = tpu.memref_squeeze %dma_wait3A_139 : memref<1x!tpu.dma_semaphore, #tpu.memory_space<semaphore_mem>> -> memref<!tpu.dma_semaphore, #tpu.memory_space<semaphore_mem>>
      tpu.wait_indirect_dma semaphore(%dma_wait3A_140 : memref<!tpu.dma_semaphore, #tpu.memory_space<semaphore_mem>>) src(%dma_wait3A_138 : memref<10240x128xf32, #tpu.memory_space<hbm>>) dst(%dma_wait3A_132 : memref<128x128xf32, #tpu.memory_space<vmem>>)
      %dma_wait3A_141 = arith.constant 1 : i32
      %dma_wait3A_142 = arith.constant 0 : i32
      %dma_wait3A_143 = arith.constant 1 : i32
      %dma_wait3A_144 = arith.constant 1 : i32
      %dma_wait3A_145 = arith.constant 0 : i32
      %dma_wait3A_146 = arith.constant 0 : i32
      %dma_wait3A_147 = tpu.memref_slice %arg7[%dma_wait3A_143, %dma_wait3A_145, %dma_wait3A_146] : memref<2x128x128xf32, #tpu.memory_space<vmem>> -> memref<1x128x128xf32, #tpu.memory_space<vmem>>
      %dma_wait3A_148 = tpu.memref_squeeze %dma_wait3A_147 : memref<1x128x128xf32, #tpu.memory_space<vmem>> -> memref<128x128xf32, #tpu.memory_space<vmem>>
      %dma_wait3A_149 = arith.constant 0 : i32
      %dma_wait3A_150 = tpu.memref_slice %arg6[%dma_wait3A_141, %dma_wait3A_142, %dma_wait3A_149] : memref<62x2x128xi32, #tpu.memory_space<vmem>> -> memref<1x1x128xi32, #tpu.memory_space<vmem>>
      %dma_wait3A_151 = tpu.memref_squeeze %dma_wait3A_150 : memref<1x1x128xi32, #tpu.memory_space<vmem>> -> memref<128xi32, #tpu.memory_space<vmem>>
      %dma_wait3A_152 = arith.constant 0 : i32
      %dma_wait3A_153 = arith.constant 0 : i32
      %dma_wait3A_154 = tpu.memref_slice %arg2[%dma_wait3A_152, %dma_wait3A_153] : memref<10240x128xf32, #tpu.memory_space<hbm>> -> memref<10240x128xf32, #tpu.memory_space<hbm>>
      %dma_wait3A_155 = tpu.memref_slice %arg9[%dma_wait3A_144] : memref<2x!tpu.dma_semaphore, #tpu.memory_space<semaphore_mem>> -> memref<1x!tpu.dma_semaphore, #tpu.memory_space<semaphore_mem>>
      %dma_wait3A_156 = tpu.memref_squeeze %dma_wait3A_155 : memref<1x!tpu.dma_semaphore, #tpu.memory_space<semaphore_mem>> -> memref<!tpu.dma_semaphore, #tpu.memory_space<semaphore_mem>>
      tpu.wait_indirect_dma semaphore(%dma_wait3A_156 : memref<!tpu.dma_semaphore, #tpu.memory_space<semaphore_mem>>) src(%dma_wait3A_154 : memref<10240x128xf32, #tpu.memory_space<hbm>>) dst(%dma_wait3A_148 : memref<128x128xf32, #tpu.memory_space<vmem>>)
    } else {
    }
    %eq3A_5 = arith.constant 1 : i32
    %eq3A_6 = arith.cmpi eq, %arg0, %eq3A_5 : i32
    %convert_element_type3A_7 = arith.extui %eq3A_6 : i1 to i32
    %cond3A_8 = arith.constant 0 : i32
    %cond3A_9 = arith.cmpi ne, %convert_element_type3A_7, %cond3A_8 : i32
    scf.if %cond3A_9 {
      %mul3A_15 = arith.constant 36 : i32
      %mul3A_16 = arith.muli %arg1, %mul3A_15 : i32
      %add3A = arith.constant 1984 : i32
      %add3A_17 = arith.addi %add3A, %mul3A_16 : i32
      %add3A_18 = arith.constant 0 : i32
      %add3A_19 = arith.addi %add3A_17, %add3A_18 : i32
      "tpu.region"() ({
        %run_scoped3A = tpu.sem_alloc : memref<!tpu.dma_semaphore, #tpu.memory_space<semaphore_mem>>
        %dma_start3A_159 = arith.constant 0 : i32
        %dma_start3A_160 = arith.constant 0 : i32
        %dma_start3A_161 = arith.constant 0 : i32
        %dma_start3A_162 = tpu.memref_slice %arg6[%dma_start3A_159, %dma_start3A_160, %dma_start3A_161] : memref<62x2x128xi32, #tpu.memory_space<vmem>> -> memref<18x2x128xi32, #tpu.memory_space<vmem>>
        %dma_start3A_163 = arith.constant 0 : i32
        %dma_start3A_164 = arith.constant 0 : i32
        %dma_start3A_165 = tpu.memref_slice %arg3[%add3A_19, %dma_start3A_163, %dma_start3A_164] : memref<2560x2x128xi32, #tpu.memory_space<hbm>> -> memref<18x2x128xi32, #tpu.memory_space<hbm>>
        %dma_start3A_166 = arith.constant 0 : i32
        %dma_start3A_167 = arith.constant 0 : i32
        %dma_start3A_168 = arith.constant 0 : i32
        %dma_start3A_169 = tpu.memref_slice %arg6[%dma_start3A_166, %dma_start3A_167, %dma_start3A_168] : memref<62x2x128xi32, #tpu.memory_space<vmem>> -> memref<18x2x128xi32, #tpu.memory_space<vmem>>
        %dma_start3A_170 = arith.constant 0 : i32
        %dma_start3A_171 = arith.constant 0 : i32
        %dma_start3A_172 = tpu.memref_slice %arg3[%add3A_19, %dma_start3A_170, %dma_start3A_171] : memref<2560x2x128xi32, #tpu.memory_space<hbm>> -> memref<18x2x128xi32, #tpu.memory_space<hbm>>
        tpu.enqueue_dma source(%dma_start3A_172 : memref<18x2x128xi32, #tpu.memory_space<hbm>>) target(%dma_start3A_169 : memref<18x2x128xi32, #tpu.memory_space<vmem>>) target_semaphore(%run_scoped3A : memref<!tpu.dma_semaphore, #tpu.memory_space<semaphore_mem>>)
        %dma_wait3A_173 = arith.constant 0 : i32
        %dma_wait3A_174 = arith.constant 0 : i32
        %dma_wait3A_175 = arith.constant 0 : i32
        %dma_wait3A_176 = tpu.memref_slice %arg6[%dma_wait3A_173, %dma_wait3A_174, %dma_wait3A_175] : memref<62x2x128xi32, #tpu.memory_space<vmem>> -> memref<18x2x128xi32, #tpu.memory_space<vmem>>
        %dma_wait3A_177 = arith.constant 0 : i32
        %dma_wait3A_178 = arith.constant 0 : i32
        %dma_wait3A_179 = tpu.memref_slice %arg3[%add3A_19, %dma_wait3A_177, %dma_wait3A_178] : memref<2560x2x128xi32, #tpu.memory_space<hbm>> -> memref<18x2x128xi32, #tpu.memory_space<hbm>>
        %dma_wait3A_180 = arith.constant 0 : i32
        %dma_wait3A_181 = arith.constant 0 : i32
        %dma_wait3A_182 = arith.constant 0 : i32
        %dma_wait3A_183 = tpu.memref_slice %arg6[%dma_wait3A_180, %dma_wait3A_181, %dma_wait3A_182] : memref<62x2x128xi32, #tpu.memory_space<vmem>> -> memref<18x2x128xi32, #tpu.memory_space<vmem>>
        %dma_wait3A_184 = arith.constant 0 : i32
        %dma_wait3A_185 = arith.constant 0 : i32
        %dma_wait3A_186 = tpu.memref_slice %arg3[%add3A_19, %dma_wait3A_184, %dma_wait3A_185] : memref<2560x2x128xi32, #tpu.memory_space<hbm>> -> memref<18x2x128xi32, #tpu.memory_space<hbm>>
        tpu.wait_dma2 semaphore(%run_scoped3A : memref<!tpu.dma_semaphore, #tpu.memory_space<semaphore_mem>>) src(%dma_wait3A_186 : memref<18x2x128xi32, #tpu.memory_space<hbm>>) dst(%dma_wait3A_183 : memref<18x2x128xi32, #tpu.memory_space<vmem>>)
        tpu.yield
      }) : () -> ()
      %dma_start3A = arith.constant 0 : i32
      %dma_start3A_20 = arith.constant 0 : i32
      %dma_start3A_21 = arith.constant 0 : i32
      %dma_start3A_22 = arith.constant 0 : i32
      %dma_start3A_23 = arith.constant 0 : i32
      %dma_start3A_24 = arith.constant 0 : i32
      %dma_start3A_25 = tpu.memref_slice %arg7[%dma_start3A_21, %dma_start3A_23, %dma_start3A_24] : memref<2x128x128xf32, #tpu.memory_space<vmem>> -> memref<1x128x128xf32, #tpu.memory_space<vmem>>
      %dma_start3A_26 = tpu.memref_squeeze %dma_start3A_25 : memref<1x128x128xf32, #tpu.memory_space<vmem>> -> memref<128x128xf32, #tpu.memory_space<vmem>>
      %dma_start3A_27 = arith.constant 0 : i32
      %dma_start3A_28 = tpu.memref_slice %arg6[%dma_start3A, %dma_start3A_20, %dma_start3A_27] : memref<62x2x128xi32, #tpu.memory_space<vmem>> -> memref<1x1x128xi32, #tpu.memory_space<vmem>>
      %dma_start3A_29 = tpu.memref_squeeze %dma_start3A_28 : memref<1x1x128xi32, #tpu.memory_space<vmem>> -> memref<128xi32, #tpu.memory_space<vmem>>
      %dma_start3A_30 = arith.constant 0 : i32
      %dma_start3A_31 = arith.constant 0 : i32
      %dma_start3A_32 = tpu.memref_slice %arg2[%dma_start3A_30, %dma_start3A_31] : memref<10240x128xf32, #tpu.memory_space<hbm>> -> memref<10240x128xf32, #tpu.memory_space<hbm>>
      %dma_start3A_33 = tpu.memref_slice %arg9[%dma_start3A_22] : memref<2x!tpu.dma_semaphore, #tpu.memory_space<semaphore_mem>> -> memref<1x!tpu.dma_semaphore, #tpu.memory_space<semaphore_mem>>
      %dma_start3A_34 = tpu.memref_squeeze %dma_start3A_33 : memref<1x!tpu.dma_semaphore, #tpu.memory_space<semaphore_mem>> -> memref<!tpu.dma_semaphore, #tpu.memory_space<semaphore_mem>>
      tpu.enqueue_indirect_dma source(%dma_start3A_32 : memref<10240x128xf32, #tpu.memory_space<hbm>>) target(%dma_start3A_26 : memref<128x128xf32, #tpu.memory_space<vmem>>) offsets(%dma_start3A_29 : memref<128xi32, #tpu.memory_space<vmem>>) semaphore(%dma_start3A_34 : memref<!tpu.dma_semaphore, #tpu.memory_space<semaphore_mem>>)
      %dma_start3A_35 = arith.constant 1 : i32
      %dma_start3A_36 = arith.constant 0 : i32
      %dma_start3A_37 = arith.constant 1 : i32
      %dma_start3A_38 = arith.constant 1 : i32
      %dma_start3A_39 = arith.constant 0 : i32
      %dma_start3A_40 = arith.constant 0 : i32
      %dma_start3A_41 = tpu.memref_slice %arg7[%dma_start3A_37, %dma_start3A_39, %dma_start3A_40] : memref<2x128x128xf32, #tpu.memory_space<vmem>> -> memref<1x128x128xf32, #tpu.memory_space<vmem>>
      %dma_start3A_42 = tpu.memref_squeeze %dma_start3A_41 : memref<1x128x128xf32, #tpu.memory_space<vmem>> -> memref<128x128xf32, #tpu.memory_space<vmem>>
      %dma_start3A_43 = arith.constant 0 : i32
      %dma_start3A_44 = tpu.memref_slice %arg6[%dma_start3A_35, %dma_start3A_36, %dma_start3A_43] : memref<62x2x128xi32, #tpu.memory_space<vmem>> -> memref<1x1x128xi32, #tpu.memory_space<vmem>>
      %dma_start3A_45 = tpu.memref_squeeze %dma_start3A_44 : memref<1x1x128xi32, #tpu.memory_space<vmem>> -> memref<128xi32, #tpu.memory_space<vmem>>
      %dma_start3A_46 = arith.constant 0 : i32
      %dma_start3A_47 = arith.constant 0 : i32
      %dma_start3A_48 = tpu.memref_slice %arg2[%dma_start3A_46, %dma_start3A_47] : memref<10240x128xf32, #tpu.memory_space<hbm>> -> memref<10240x128xf32, #tpu.memory_space<hbm>>
      %dma_start3A_49 = tpu.memref_slice %arg9[%dma_start3A_38] : memref<2x!tpu.dma_semaphore, #tpu.memory_space<semaphore_mem>> -> memref<1x!tpu.dma_semaphore, #tpu.memory_space<semaphore_mem>>
      %dma_start3A_50 = tpu.memref_squeeze %dma_start3A_49 : memref<1x!tpu.dma_semaphore, #tpu.memory_space<semaphore_mem>> -> memref<!tpu.dma_semaphore, #tpu.memory_space<semaphore_mem>>
      tpu.enqueue_indirect_dma source(%dma_start3A_48 : memref<10240x128xf32, #tpu.memory_space<hbm>>) target(%dma_start3A_42 : memref<128x128xf32, #tpu.memory_space<vmem>>) offsets(%dma_start3A_45 : memref<128xi32, #tpu.memory_space<vmem>>) semaphore(%dma_start3A_50 : memref<!tpu.dma_semaphore, #tpu.memory_space<semaphore_mem>>)
      %scan3A = arith.constant 0 : i32
      %scan3A_51 = arith.constant 0 : i32
      %scan3A_52 = arith.constant 9 : i32
      %scan3A_53 = arith.addi %scan3A_51, %scan3A_52 : i32
      %scan3A_54 = arith.constant 1 : i32
      scf.for %scan3A_159 = %scan3A_51 to %scan3A_53 step %scan3A_54  : i32 {
        %mul3A_160 = arith.constant 2 : i32
        %mul3A_161 = arith.muli %scan3A_159, %mul3A_160 : i32
        %add3A_162 = arith.constant 0 : i32
        %add3A_163 = arith.addi %mul3A_161, %add3A_162 : i32
        %dma_wait3A_164 = arith.constant 0 : i32
        %dma_wait3A_165 = arith.constant 0 : i32
        %dma_wait3A_166 = arith.constant 0 : i32
        %dma_wait3A_167 = arith.constant 0 : i32
        %dma_wait3A_168 = arith.constant 0 : i32
        %dma_wait3A_169 = tpu.memref_slice %arg7[%dma_wait3A_165, %dma_wait3A_167, %dma_wait3A_168] : memref<2x128x128xf32, #tpu.memory_space<vmem>> -> memref<1x128x128xf32, #tpu.memory_space<vmem>>
        %dma_wait3A_170 = tpu.memref_squeeze %dma_wait3A_169 : memref<1x128x128xf32, #tpu.memory_space<vmem>> -> memref<128x128xf32, #tpu.memory_space<vmem>>
        %dma_wait3A_171 = arith.constant 0 : i32
        %dma_wait3A_172 = tpu.memref_slice %arg6[%add3A_163, %dma_wait3A_164, %dma_wait3A_171] : memref<62x2x128xi32, #tpu.memory_space<vmem>> -> memref<1x1x128xi32, #tpu.memory_space<vmem>>
        %dma_wait3A_173 = tpu.memref_squeeze %dma_wait3A_172 : memref<1x1x128xi32, #tpu.memory_space<vmem>> -> memref<128xi32, #tpu.memory_space<vmem>>
        %dma_wait3A_174 = arith.constant 0 : i32
        %dma_wait3A_175 = arith.constant 0 : i32
        %dma_wait3A_176 = tpu.memref_slice %arg2[%dma_wait3A_174, %dma_wait3A_175] : memref<10240x128xf32, #tpu.memory_space<hbm>> -> memref<10240x128xf32, #tpu.memory_space<hbm>>
        %dma_wait3A_177 = tpu.memref_slice %arg9[%dma_wait3A_166] : memref<2x!tpu.dma_semaphore, #tpu.memory_space<semaphore_mem>> -> memref<1x!tpu.dma_semaphore, #tpu.memory_space<semaphore_mem>>
        %dma_wait3A_178 = tpu.memref_squeeze %dma_wait3A_177 : memref<1x!tpu.dma_semaphore, #tpu.memory_space<semaphore_mem>> -> memref<!tpu.dma_semaphore, #tpu.memory_space<semaphore_mem>>
        tpu.wait_indirect_dma semaphore(%dma_wait3A_178 : memref<!tpu.dma_semaphore, #tpu.memory_space<semaphore_mem>>) src(%dma_wait3A_176 : memref<10240x128xf32, #tpu.memory_space<hbm>>) dst(%dma_wait3A_170 : memref<128x128xf32, #tpu.memory_space<vmem>>)
        %run_scoped3A = arith.constant 0 : i32
        %run_scoped3A_179 = arith.constant 1 : i32
        "tpu.region"() ({
          %run_scoped3A_240 = tpu.sem_alloc : memref<!tpu.dma_semaphore, #tpu.memory_space<semaphore_mem>>
          %dma_start3A_241 = arith.constant 0 : i32
          %dma_start3A_242 = arith.constant 0 : i32
          %dma_start3A_243 = tpu.memref_slice %arg7[%run_scoped3A, %dma_start3A_241, %dma_start3A_242] : memref<2x128x128xf32, #tpu.memory_space<vmem>> -> memref<1x128x128xf32, #tpu.memory_space<vmem>>
          %dma_start3A_244 = tpu.memref_squeeze %dma_start3A_243 : memref<1x128x128xf32, #tpu.memory_space<vmem>> -> memref<128x128xf32, #tpu.memory_space<vmem>>
          %dma_start3A_245 = arith.constant 0 : i32
          %dma_start3A_246 = tpu.memref_slice %arg6[%add3A_163, %run_scoped3A_179, %dma_start3A_245] : memref<62x2x128xi32, #tpu.memory_space<vmem>> -> memref<1x1x128xi32, #tpu.memory_space<vmem>>
          %dma_start3A_247 = tpu.memref_squeeze %dma_start3A_246 : memref<1x1x128xi32, #tpu.memory_space<vmem>> -> memref<128xi32, #tpu.memory_space<vmem>>
          %dma_start3A_248 = arith.constant 0 : i32
          %dma_start3A_249 = arith.constant 0 : i32
          %dma_start3A_250 = tpu.memref_slice %arg8[%dma_start3A_248, %dma_start3A_249] : memref<10240x128xf32, #tpu.memory_space<vmem_shared>> -> memref<10240x128xf32, #tpu.memory_space<vmem_shared>>
          tpu.enqueue_indirect_dma source(%dma_start3A_244 : memref<128x128xf32, #tpu.memory_space<vmem>>) target(%dma_start3A_250 : memref<10240x128xf32, #tpu.memory_space<vmem_shared>>) offsets(%dma_start3A_247 : memref<128xi32, #tpu.memory_space<vmem>>) semaphore(%run_scoped3A_240 : memref<!tpu.dma_semaphore, #tpu.memory_space<semaphore_mem>>) {add = true}
          %dma_wait3A_251 = arith.constant 0 : i32
          %dma_wait3A_252 = arith.constant 0 : i32
          %dma_wait3A_253 = tpu.memref_slice %arg7[%run_scoped3A, %dma_wait3A_251, %dma_wait3A_252] : memref<2x128x128xf32, #tpu.memory_space<vmem>> -> memref<1x128x128xf32, #tpu.memory_space<vmem>>
          %dma_wait3A_254 = tpu.memref_squeeze %dma_wait3A_253 : memref<1x128x128xf32, #tpu.memory_space<vmem>> -> memref<128x128xf32, #tpu.memory_space<vmem>>
          %dma_wait3A_255 = arith.constant 0 : i32
          %dma_wait3A_256 = tpu.memref_slice %arg6[%add3A_163, %run_scoped3A_179, %dma_wait3A_255] : memref<62x2x128xi32, #tpu.memory_space<vmem>> -> memref<1x1x128xi32, #tpu.memory_space<vmem>>
          %dma_wait3A_257 = tpu.memref_squeeze %dma_wait3A_256 : memref<1x1x128xi32, #tpu.memory_space<vmem>> -> memref<128xi32, #tpu.memory_space<vmem>>
          %dma_wait3A_258 = arith.constant 0 : i32
          %dma_wait3A_259 = arith.constant 0 : i32
          %dma_wait3A_260 = tpu.memref_slice %arg8[%dma_wait3A_258, %dma_wait3A_259] : memref<10240x128xf32, #tpu.memory_space<vmem_shared>> -> memref<10240x128xf32, #tpu.memory_space<vmem_shared>>
          tpu.wait_indirect_dma semaphore(%run_scoped3A_240 : memref<!tpu.dma_semaphore, #tpu.memory_space<semaphore_mem>>) src(%dma_wait3A_254 : memref<128x128xf32, #tpu.memory_space<vmem>>) dst(%dma_wait3A_260 : memref<10240x128xf32, #tpu.memory_space<vmem_shared>>)
          tpu.yield
        }) : () -> ()
        %add3A_180 = arith.constant 2 : i32
        %add3A_181 = arith.addi %add3A_163, %add3A_180 : i32
        %ge3A = arith.constant 18 : i32
        %ge3A_182 = arith.cmpi sge, %add3A_181, %ge3A : i32
        %sub3A = arith.constant 18 : i32
        %sub3A_183 = arith.subi %add3A_181, %sub3A : i32
        %select_n3A = arith.select %ge3A_182, %sub3A_183, %add3A_181 : i32
        %dma_start3A_184 = arith.constant 0 : i32
        %dma_start3A_185 = arith.constant 0 : i32
        %dma_start3A_186 = arith.constant 0 : i32
        %dma_start3A_187 = arith.constant 0 : i32
        %dma_start3A_188 = arith.constant 0 : i32
        %dma_start3A_189 = tpu.memref_slice %arg7[%dma_start3A_185, %dma_start3A_187, %dma_start3A_188] : memref<2x128x128xf32, #tpu.memory_space<vmem>> -> memref<1x128x128xf32, #tpu.memory_space<vmem>>
        %dma_start3A_190 = tpu.memref_squeeze %dma_start3A_189 : memref<1x128x128xf32, #tpu.memory_space<vmem>> -> memref<128x128xf32, #tpu.memory_space<vmem>>
        %dma_start3A_191 = arith.constant 0 : i32
        %dma_start3A_192 = tpu.memref_slice %arg6[%select_n3A, %dma_start3A_184, %dma_start3A_191] : memref<62x2x128xi32, #tpu.memory_space<vmem>> -> memref<1x1x128xi32, #tpu.memory_space<vmem>>
        %dma_start3A_193 = tpu.memref_squeeze %dma_start3A_192 : memref<1x1x128xi32, #tpu.memory_space<vmem>> -> memref<128xi32, #tpu.memory_space<vmem>>
        %dma_start3A_194 = arith.constant 0 : i32
        %dma_start3A_195 = arith.constant 0 : i32
        %dma_start3A_196 = tpu.memref_slice %arg2[%dma_start3A_194, %dma_start3A_195] : memref<10240x128xf32, #tpu.memory_space<hbm>> -> memref<10240x128xf32, #tpu.memory_space<hbm>>
        %dma_start3A_197 = tpu.memref_slice %arg9[%dma_start3A_186] : memref<2x!tpu.dma_semaphore, #tpu.memory_space<semaphore_mem>> -> memref<1x!tpu.dma_semaphore, #tpu.memory_space<semaphore_mem>>
        %dma_start3A_198 = tpu.memref_squeeze %dma_start3A_197 : memref<1x!tpu.dma_semaphore, #tpu.memory_space<semaphore_mem>> -> memref<!tpu.dma_semaphore, #tpu.memory_space<semaphore_mem>>
        tpu.enqueue_indirect_dma source(%dma_start3A_196 : memref<10240x128xf32, #tpu.memory_space<hbm>>) target(%dma_start3A_190 : memref<128x128xf32, #tpu.memory_space<vmem>>) offsets(%dma_start3A_193 : memref<128xi32, #tpu.memory_space<vmem>>) semaphore(%dma_start3A_198 : memref<!tpu.dma_semaphore, #tpu.memory_space<semaphore_mem>>)
        %add3A_199 = arith.constant 1 : i32
        %add3A_200 = arith.addi %mul3A_161, %add3A_199 : i32
        %dma_wait3A_201 = arith.constant 0 : i32
        %dma_wait3A_202 = arith.constant 1 : i32
        %dma_wait3A_203 = arith.constant 1 : i32
        %dma_wait3A_204 = arith.constant 0 : i32
        %dma_wait3A_205 = arith.constant 0 : i32
        %dma_wait3A_206 = tpu.memref_slice %arg7[%dma_wait3A_202, %dma_wait3A_204, %dma_wait3A_205] : memref<2x128x128xf32, #tpu.memory_space<vmem>> -> memref<1x128x128xf32, #tpu.memory_space<vmem>>
        %dma_wait3A_207 = tpu.memref_squeeze %dma_wait3A_206 : memref<1x128x128xf32, #tpu.memory_space<vmem>> -> memref<128x128xf32, #tpu.memory_space<vmem>>
        %dma_wait3A_208 = arith.constant 0 : i32
        %dma_wait3A_209 = tpu.memref_slice %arg6[%add3A_200, %dma_wait3A_201, %dma_wait3A_208] : memref<62x2x128xi32, #tpu.memory_space<vmem>> -> memref<1x1x128xi32, #tpu.memory_space<vmem>>
        %dma_wait3A_210 = tpu.memref_squeeze %dma_wait3A_209 : memref<1x1x128xi32, #tpu.memory_space<vmem>> -> memref<128xi32, #tpu.memory_space<vmem>>
        %dma_wait3A_211 = arith.constant 0 : i32
        %dma_wait3A_212 = arith.constant 0 : i32
        %dma_wait3A_213 = tpu.memref_slice %arg2[%dma_wait3A_211, %dma_wait3A_212] : memref<10240x128xf32, #tpu.memory_space<hbm>> -> memref<10240x128xf32, #tpu.memory_space<hbm>>
        %dma_wait3A_214 = tpu.memref_slice %arg9[%dma_wait3A_203] : memref<2x!tpu.dma_semaphore, #tpu.memory_space<semaphore_mem>> -> memref<1x!tpu.dma_semaphore, #tpu.memory_space<semaphore_mem>>
        %dma_wait3A_215 = tpu.memref_squeeze %dma_wait3A_214 : memref<1x!tpu.dma_semaphore, #tpu.memory_space<semaphore_mem>> -> memref<!tpu.dma_semaphore, #tpu.memory_space<semaphore_mem>>
        tpu.wait_indirect_dma semaphore(%dma_wait3A_215 : memref<!tpu.dma_semaphore, #tpu.memory_space<semaphore_mem>>) src(%dma_wait3A_213 : memref<10240x128xf32, #tpu.memory_space<hbm>>) dst(%dma_wait3A_207 : memref<128x128xf32, #tpu.memory_space<vmem>>)
        %run_scoped3A_216 = arith.constant 1 : i32
        %run_scoped3A_217 = arith.constant 1 : i32
        "tpu.region"() ({
          %run_scoped3A_240 = tpu.sem_alloc : memref<!tpu.dma_semaphore, #tpu.memory_space<semaphore_mem>>
          %dma_start3A_241 = arith.constant 0 : i32
          %dma_start3A_242 = arith.constant 0 : i32
          %dma_start3A_243 = tpu.memref_slice %arg7[%run_scoped3A_216, %dma_start3A_241, %dma_start3A_242] : memref<2x128x128xf32, #tpu.memory_space<vmem>> -> memref<1x128x128xf32, #tpu.memory_space<vmem>>
          %dma_start3A_244 = tpu.memref_squeeze %dma_start3A_243 : memref<1x128x128xf32, #tpu.memory_space<vmem>> -> memref<128x128xf32, #tpu.memory_space<vmem>>
          %dma_start3A_245 = arith.constant 0 : i32
          %dma_start3A_246 = tpu.memref_slice %arg6[%add3A_200, %run_scoped3A_217, %dma_start3A_245] : memref<62x2x128xi32, #tpu.memory_space<vmem>> -> memref<1x1x128xi32, #tpu.memory_space<vmem>>
          %dma_start3A_247 = tpu.memref_squeeze %dma_start3A_246 : memref<1x1x128xi32, #tpu.memory_space<vmem>> -> memref<128xi32, #tpu.memory_space<vmem>>
          %dma_start3A_248 = arith.constant 0 : i32
          %dma_start3A_249 = arith.constant 0 : i32
          %dma_start3A_250 = tpu.memref_slice %arg8[%dma_start3A_248, %dma_start3A_249] : memref<10240x128xf32, #tpu.memory_space<vmem_shared>> -> memref<10240x128xf32, #tpu.memory_space<vmem_shared>>
          tpu.enqueue_indirect_dma source(%dma_start3A_244 : memref<128x128xf32, #tpu.memory_space<vmem>>) target(%dma_start3A_250 : memref<10240x128xf32, #tpu.memory_space<vmem_shared>>) offsets(%dma_start3A_247 : memref<128xi32, #tpu.memory_space<vmem>>) semaphore(%run_scoped3A_240 : memref<!tpu.dma_semaphore, #tpu.memory_space<semaphore_mem>>) {add = true}
          %dma_wait3A_251 = arith.constant 0 : i32
          %dma_wait3A_252 = arith.constant 0 : i32
          %dma_wait3A_253 = tpu.memref_slice %arg7[%run_scoped3A_216, %dma_wait3A_251, %dma_wait3A_252] : memref<2x128x128xf32, #tpu.memory_space<vmem>> -> memref<1x128x128xf32, #tpu.memory_space<vmem>>
          %dma_wait3A_254 = tpu.memref_squeeze %dma_wait3A_253 : memref<1x128x128xf32, #tpu.memory_space<vmem>> -> memref<128x128xf32, #tpu.memory_space<vmem>>
          %dma_wait3A_255 = arith.constant 0 : i32
          %dma_wait3A_256 = tpu.memref_slice %arg6[%add3A_200, %run_scoped3A_217, %dma_wait3A_255] : memref<62x2x128xi32, #tpu.memory_space<vmem>> -> memref<1x1x128xi32, #tpu.memory_space<vmem>>
          %dma_wait3A_257 = tpu.memref_squeeze %dma_wait3A_256 : memref<1x1x128xi32, #tpu.memory_space<vmem>> -> memref<128xi32, #tpu.memory_space<vmem>>
          %dma_wait3A_258 = arith.constant 0 : i32
          %dma_wait3A_259 = arith.constant 0 : i32
          %dma_wait3A_260 = tpu.memref_slice %arg8[%dma_wait3A_258, %dma_wait3A_259] : memref<10240x128xf32, #tpu.memory_space<vmem_shared>> -> memref<10240x128xf32, #tpu.memory_space<vmem_shared>>
          tpu.wait_indirect_dma semaphore(%run_scoped3A_240 : memref<!tpu.dma_semaphore, #tpu.memory_space<semaphore_mem>>) src(%dma_wait3A_254 : memref<128x128xf32, #tpu.memory_space<vmem>>) dst(%dma_wait3A_260 : memref<10240x128xf32, #tpu.memory_space<vmem_shared>>)
          tpu.yield
        }) : () -> ()
        %add3A_218 = arith.constant 2 : i32
        %add3A_219 = arith.addi %add3A_200, %add3A_218 : i32
        %ge3A_220 = arith.constant 18 : i32
        %ge3A_221 = arith.cmpi sge, %add3A_219, %ge3A_220 : i32
        %sub3A_222 = arith.constant 18 : i32
        %sub3A_223 = arith.subi %add3A_219, %sub3A_222 : i32
        %select_n3A_224 = arith.select %ge3A_221, %sub3A_223, %add3A_219 : i32
        %dma_start3A_225 = arith.constant 0 : i32
        %dma_start3A_226 = arith.constant 1 : i32
        %dma_start3A_227 = arith.constant 1 : i32
        %dma_start3A_228 = arith.constant 0 : i32
        %dma_start3A_229 = arith.constant 0 : i32
        %dma_start3A_230 = tpu.memref_slice %arg7[%dma_start3A_226, %dma_start3A_228, %dma_start3A_229] : memref<2x128x128xf32, #tpu.memory_space<vmem>> -> memref<1x128x128xf32, #tpu.memory_space<vmem>>
        %dma_start3A_231 = tpu.memref_squeeze %dma_start3A_230 : memref<1x128x128xf32, #tpu.memory_space<vmem>> -> memref<128x128xf32, #tpu.memory_space<vmem>>
        %dma_start3A_232 = arith.constant 0 : i32
        %dma_start3A_233 = tpu.memref_slice %arg6[%select_n3A_224, %dma_start3A_225, %dma_start3A_232] : memref<62x2x128xi32, #tpu.memory_space<vmem>> -> memref<1x1x128xi32, #tpu.memory_space<vmem>>
        %dma_start3A_234 = tpu.memref_squeeze %dma_start3A_233 : memref<1x1x128xi32, #tpu.memory_space<vmem>> -> memref<128xi32, #tpu.memory_space<vmem>>
        %dma_start3A_235 = arith.constant 0 : i32
        %dma_start3A_236 = arith.constant 0 : i32
        %dma_start3A_237 = tpu.memref_slice %arg2[%dma_start3A_235, %dma_start3A_236] : memref<10240x128xf32, #tpu.memory_space<hbm>> -> memref<10240x128xf32, #tpu.memory_space<hbm>>
        %dma_start3A_238 = tpu.memref_slice %arg9[%dma_start3A_227] : memref<2x!tpu.dma_semaphore, #tpu.memory_space<semaphore_mem>> -> memref<1x!tpu.dma_semaphore, #tpu.memory_space<semaphore_mem>>
        %dma_start3A_239 = tpu.memref_squeeze %dma_start3A_238 : memref<1x!tpu.dma_semaphore, #tpu.memory_space<semaphore_mem>> -> memref<!tpu.dma_semaphore, #tpu.memory_space<semaphore_mem>>
        tpu.enqueue_indirect_dma source(%dma_start3A_237 : memref<10240x128xf32, #tpu.memory_space<hbm>>) target(%dma_start3A_231 : memref<128x128xf32, #tpu.memory_space<vmem>>) offsets(%dma_start3A_234 : memref<128xi32, #tpu.memory_space<vmem>>) semaphore(%dma_start3A_239 : memref<!tpu.dma_semaphore, #tpu.memory_space<semaphore_mem>>)
      }
      %scan3A_55 = arith.constant 9 : i32
      %dma_wait3A = arith.constant 0 : i32
      %dma_wait3A_56 = arith.constant 0 : i32
      %dma_wait3A_57 = arith.constant 0 : i32
      %dma_wait3A_58 = arith.constant 0 : i32
      %dma_wait3A_59 = arith.constant 0 : i32
      %dma_wait3A_60 = arith.constant 0 : i32
      %dma_wait3A_61 = tpu.memref_slice %arg7[%dma_wait3A_57, %dma_wait3A_59, %dma_wait3A_60] : memref<2x128x128xf32, #tpu.memory_space<vmem>> -> memref<1x128x128xf32, #tpu.memory_space<vmem>>
      %dma_wait3A_62 = tpu.memref_squeeze %dma_wait3A_61 : memref<1x128x128xf32, #tpu.memory_space<vmem>> -> memref<128x128xf32, #tpu.memory_space<vmem>>
      %dma_wait3A_63 = arith.constant 0 : i32
      %dma_wait3A_64 = tpu.memref_slice %arg6[%dma_wait3A, %dma_wait3A_56, %dma_wait3A_63] : memref<62x2x128xi32, #tpu.memory_space<vmem>> -> memref<1x1x128xi32, #tpu.memory_space<vmem>>
      %dma_wait3A_65 = tpu.memref_squeeze %dma_wait3A_64 : memref<1x1x128xi32, #tpu.memory_space<vmem>> -> memref<128xi32, #tpu.memory_space<vmem>>
      %dma_wait3A_66 = arith.constant 0 : i32
      %dma_wait3A_67 = arith.constant 0 : i32
      %dma_wait3A_68 = tpu.memref_slice %arg2[%dma_wait3A_66, %dma_wait3A_67] : memref<10240x128xf32, #tpu.memory_space<hbm>> -> memref<10240x128xf32, #tpu.memory_space<hbm>>
      %dma_wait3A_69 = tpu.memref_slice %arg9[%dma_wait3A_58] : memref<2x!tpu.dma_semaphore, #tpu.memory_space<semaphore_mem>> -> memref<1x!tpu.dma_semaphore, #tpu.memory_space<semaphore_mem>>
      %dma_wait3A_70 = tpu.memref_squeeze %dma_wait3A_69 : memref<1x!tpu.dma_semaphore, #tpu.memory_space<semaphore_mem>> -> memref<!tpu.dma_semaphore, #tpu.memory_space<semaphore_mem>>
      tpu.wait_indirect_dma semaphore(%dma_wait3A_70 : memref<!tpu.dma_semaphore, #tpu.memory_space<semaphore_mem>>) src(%dma_wait3A_68 : memref<10240x128xf32, #tpu.memory_space<hbm>>) dst(%dma_wait3A_62 : memref<128x128xf32, #tpu.memory_space<vmem>>)
      %dma_wait3A_71 = arith.constant 1 : i32
      %dma_wait3A_72 = arith.constant 0 : i32
      %dma_wait3A_73 = arith.constant 1 : i32
      %dma_wait3A_74 = arith.constant 1 : i32
      %dma_wait3A_75 = arith.constant 0 : i32
      %dma_wait3A_76 = arith.constant 0 : i32
      %dma_wait3A_77 = tpu.memref_slice %arg7[%dma_wait3A_73, %dma_wait3A_75, %dma_wait3A_76] : memref<2x128x128xf32, #tpu.memory_space<vmem>> -> memref<1x128x128xf32, #tpu.memory_space<vmem>>
      %dma_wait3A_78 = tpu.memref_squeeze %dma_wait3A_77 : memref<1x128x128xf32, #tpu.memory_space<vmem>> -> memref<128x128xf32, #tpu.memory_space<vmem>>
      %dma_wait3A_79 = arith.constant 0 : i32
      %dma_wait3A_80 = tpu.memref_slice %arg6[%dma_wait3A_71, %dma_wait3A_72, %dma_wait3A_79] : memref<62x2x128xi32, #tpu.memory_space<vmem>> -> memref<1x1x128xi32, #tpu.memory_space<vmem>>
      %dma_wait3A_81 = tpu.memref_squeeze %dma_wait3A_80 : memref<1x1x128xi32, #tpu.memory_space<vmem>> -> memref<128xi32, #tpu.memory_space<vmem>>
      %dma_wait3A_82 = arith.constant 0 : i32
      %dma_wait3A_83 = arith.constant 0 : i32
      %dma_wait3A_84 = tpu.memref_slice %arg2[%dma_wait3A_82, %dma_wait3A_83] : memref<10240x128xf32, #tpu.memory_space<hbm>> -> memref<10240x128xf32, #tpu.memory_space<hbm>>
      %dma_wait3A_85 = tpu.memref_slice %arg9[%dma_wait3A_74] : memref<2x!tpu.dma_semaphore, #tpu.memory_space<semaphore_mem>> -> memref<1x!tpu.dma_semaphore, #tpu.memory_space<semaphore_mem>>
      %dma_wait3A_86 = tpu.memref_squeeze %dma_wait3A_85 : memref<1x!tpu.dma_semaphore, #tpu.memory_space<semaphore_mem>> -> memref<!tpu.dma_semaphore, #tpu.memory_space<semaphore_mem>>
      tpu.wait_indirect_dma semaphore(%dma_wait3A_86 : memref<!tpu.dma_semaphore, #tpu.memory_space<semaphore_mem>>) src(%dma_wait3A_84 : memref<10240x128xf32, #tpu.memory_space<hbm>>) dst(%dma_wait3A_78 : memref<128x128xf32, #tpu.memory_space<vmem>>)
      %add3A_87 = arith.constant 18 : i32
      %add3A_88 = arith.addi %add3A_17, %add3A_87 : i32
      "tpu.region"() ({
        %run_scoped3A = tpu.sem_alloc : memref<!tpu.dma_semaphore, #tpu.memory_space<semaphore_mem>>
        %dma_start3A_159 = arith.constant 0 : i32
        %dma_start3A_160 = arith.constant 0 : i32
        %dma_start3A_161 = arith.constant 0 : i32
        %dma_start3A_162 = tpu.memref_slice %arg6[%dma_start3A_159, %dma_start3A_160, %dma_start3A_161] : memref<62x2x128xi32, #tpu.memory_space<vmem>> -> memref<18x2x128xi32, #tpu.memory_space<vmem>>
        %dma_start3A_163 = arith.constant 0 : i32
        %dma_start3A_164 = arith.constant 0 : i32
        %dma_start3A_165 = tpu.memref_slice %arg3[%add3A_88, %dma_start3A_163, %dma_start3A_164] : memref<2560x2x128xi32, #tpu.memory_space<hbm>> -> memref<18x2x128xi32, #tpu.memory_space<hbm>>
        %dma_start3A_166 = arith.constant 0 : i32
        %dma_start3A_167 = arith.constant 0 : i32
        %dma_start3A_168 = arith.constant 0 : i32
        %dma_start3A_169 = tpu.memref_slice %arg6[%dma_start3A_166, %dma_start3A_167, %dma_start3A_168] : memref<62x2x128xi32, #tpu.memory_space<vmem>> -> memref<18x2x128xi32, #tpu.memory_space<vmem>>
        %dma_start3A_170 = arith.constant 0 : i32
        %dma_start3A_171 = arith.constant 0 : i32
        %dma_start3A_172 = tpu.memref_slice %arg3[%add3A_88, %dma_start3A_170, %dma_start3A_171] : memref<2560x2x128xi32, #tpu.memory_space<hbm>> -> memref<18x2x128xi32, #tpu.memory_space<hbm>>
        tpu.enqueue_dma source(%dma_start3A_172 : memref<18x2x128xi32, #tpu.memory_space<hbm>>) target(%dma_start3A_169 : memref<18x2x128xi32, #tpu.memory_space<vmem>>) target_semaphore(%run_scoped3A : memref<!tpu.dma_semaphore, #tpu.memory_space<semaphore_mem>>)
        %dma_wait3A_173 = arith.constant 0 : i32
        %dma_wait3A_174 = arith.constant 0 : i32
        %dma_wait3A_175 = arith.constant 0 : i32
        %dma_wait3A_176 = tpu.memref_slice %arg6[%dma_wait3A_173, %dma_wait3A_174, %dma_wait3A_175] : memref<62x2x128xi32, #tpu.memory_space<vmem>> -> memref<18x2x128xi32, #tpu.memory_space<vmem>>
        %dma_wait3A_177 = arith.constant 0 : i32
        %dma_wait3A_178 = arith.constant 0 : i32
        %dma_wait3A_179 = tpu.memref_slice %arg3[%add3A_88, %dma_wait3A_177, %dma_wait3A_178] : memref<2560x2x128xi32, #tpu.memory_space<hbm>> -> memref<18x2x128xi32, #tpu.memory_space<hbm>>
        %dma_wait3A_180 = arith.constant 0 : i32
        %dma_wait3A_181 = arith.constant 0 : i32
        %dma_wait3A_182 = arith.constant 0 : i32
        %dma_wait3A_183 = tpu.memref_slice %arg6[%dma_wait3A_180, %dma_wait3A_181, %dma_wait3A_182] : memref<62x2x128xi32, #tpu.memory_space<vmem>> -> memref<18x2x128xi32, #tpu.memory_space<vmem>>
        %dma_wait3A_184 = arith.constant 0 : i32
        %dma_wait3A_185 = arith.constant 0 : i32
        %dma_wait3A_186 = tpu.memref_slice %arg3[%add3A_88, %dma_wait3A_184, %dma_wait3A_185] : memref<2560x2x128xi32, #tpu.memory_space<hbm>> -> memref<18x2x128xi32, #tpu.memory_space<hbm>>
        tpu.wait_dma2 semaphore(%run_scoped3A : memref<!tpu.dma_semaphore, #tpu.memory_space<semaphore_mem>>) src(%dma_wait3A_186 : memref<18x2x128xi32, #tpu.memory_space<hbm>>) dst(%dma_wait3A_183 : memref<18x2x128xi32, #tpu.memory_space<vmem>>)
        tpu.yield
      }) : () -> ()
      %dma_start3A_89 = arith.constant 0 : i32
      %dma_start3A_90 = arith.constant 0 : i32
      %dma_start3A_91 = arith.constant 0 : i32
      %dma_start3A_92 = arith.constant 0 : i32
      %dma_start3A_93 = arith.constant 0 : i32
      %dma_start3A_94 = arith.constant 0 : i32
      %dma_start3A_95 = tpu.memref_slice %arg7[%dma_start3A_91, %dma_start3A_93, %dma_start3A_94] : memref<2x128x128xf32, #tpu.memory_space<vmem>> -> memref<1x128x128xf32, #tpu.memory_space<vmem>>
      %dma_start3A_96 = tpu.memref_squeeze %dma_start3A_95 : memref<1x128x128xf32, #tpu.memory_space<vmem>> -> memref<128x128xf32, #tpu.memory_space<vmem>>
      %dma_start3A_97 = arith.constant 0 : i32
      %dma_start3A_98 = tpu.memref_slice %arg6[%dma_start3A_89, %dma_start3A_90, %dma_start3A_97] : memref<62x2x128xi32, #tpu.memory_space<vmem>> -> memref<1x1x128xi32, #tpu.memory_space<vmem>>
      %dma_start3A_99 = tpu.memref_squeeze %dma_start3A_98 : memref<1x1x128xi32, #tpu.memory_space<vmem>> -> memref<128xi32, #tpu.memory_space<vmem>>
      %dma_start3A_100 = arith.constant 0 : i32
      %dma_start3A_101 = arith.constant 0 : i32
      %dma_start3A_102 = tpu.memref_slice %arg2[%dma_start3A_100, %dma_start3A_101] : memref<10240x128xf32, #tpu.memory_space<hbm>> -> memref<10240x128xf32, #tpu.memory_space<hbm>>
      %dma_start3A_103 = tpu.memref_slice %arg9[%dma_start3A_92] : memref<2x!tpu.dma_semaphore, #tpu.memory_space<semaphore_mem>> -> memref<1x!tpu.dma_semaphore, #tpu.memory_space<semaphore_mem>>
      %dma_start3A_104 = tpu.memref_squeeze %dma_start3A_103 : memref<1x!tpu.dma_semaphore, #tpu.memory_space<semaphore_mem>> -> memref<!tpu.dma_semaphore, #tpu.memory_space<semaphore_mem>>
      tpu.enqueue_indirect_dma source(%dma_start3A_102 : memref<10240x128xf32, #tpu.memory_space<hbm>>) target(%dma_start3A_96 : memref<128x128xf32, #tpu.memory_space<vmem>>) offsets(%dma_start3A_99 : memref<128xi32, #tpu.memory_space<vmem>>) semaphore(%dma_start3A_104 : memref<!tpu.dma_semaphore, #tpu.memory_space<semaphore_mem>>)
      %dma_start3A_105 = arith.constant 1 : i32
      %dma_start3A_106 = arith.constant 0 : i32
      %dma_start3A_107 = arith.constant 1 : i32
      %dma_start3A_108 = arith.constant 1 : i32
      %dma_start3A_109 = arith.constant 0 : i32
      %dma_start3A_110 = arith.constant 0 : i32
      %dma_start3A_111 = tpu.memref_slice %arg7[%dma_start3A_107, %dma_start3A_109, %dma_start3A_110] : memref<2x128x128xf32, #tpu.memory_space<vmem>> -> memref<1x128x128xf32, #tpu.memory_space<vmem>>
      %dma_start3A_112 = tpu.memref_squeeze %dma_start3A_111 : memref<1x128x128xf32, #tpu.memory_space<vmem>> -> memref<128x128xf32, #tpu.memory_space<vmem>>
      %dma_start3A_113 = arith.constant 0 : i32
      %dma_start3A_114 = tpu.memref_slice %arg6[%dma_start3A_105, %dma_start3A_106, %dma_start3A_113] : memref<62x2x128xi32, #tpu.memory_space<vmem>> -> memref<1x1x128xi32, #tpu.memory_space<vmem>>
      %dma_start3A_115 = tpu.memref_squeeze %dma_start3A_114 : memref<1x1x128xi32, #tpu.memory_space<vmem>> -> memref<128xi32, #tpu.memory_space<vmem>>
      %dma_start3A_116 = arith.constant 0 : i32
      %dma_start3A_117 = arith.constant 0 : i32
      %dma_start3A_118 = tpu.memref_slice %arg2[%dma_start3A_116, %dma_start3A_117] : memref<10240x128xf32, #tpu.memory_space<hbm>> -> memref<10240x128xf32, #tpu.memory_space<hbm>>
      %dma_start3A_119 = tpu.memref_slice %arg9[%dma_start3A_108] : memref<2x!tpu.dma_semaphore, #tpu.memory_space<semaphore_mem>> -> memref<1x!tpu.dma_semaphore, #tpu.memory_space<semaphore_mem>>
      %dma_start3A_120 = tpu.memref_squeeze %dma_start3A_119 : memref<1x!tpu.dma_semaphore, #tpu.memory_space<semaphore_mem>> -> memref<!tpu.dma_semaphore, #tpu.memory_space<semaphore_mem>>
      tpu.enqueue_indirect_dma source(%dma_start3A_118 : memref<10240x128xf32, #tpu.memory_space<hbm>>) target(%dma_start3A_112 : memref<128x128xf32, #tpu.memory_space<vmem>>) offsets(%dma_start3A_115 : memref<128xi32, #tpu.memory_space<vmem>>) semaphore(%dma_start3A_120 : memref<!tpu.dma_semaphore, #tpu.memory_space<semaphore_mem>>)
      %scan3A_121 = arith.constant 0 : i32
      %scan3A_122 = arith.constant 0 : i32
      %scan3A_123 = arith.constant 9 : i32
      %scan3A_124 = arith.addi %scan3A_122, %scan3A_123 : i32
      %scan3A_125 = arith.constant 1 : i32
      scf.for %scan3A_159 = %scan3A_122 to %scan3A_124 step %scan3A_125  : i32 {
        %mul3A_160 = arith.constant 2 : i32
        %mul3A_161 = arith.muli %scan3A_159, %mul3A_160 : i32
        %add3A_162 = arith.constant 0 : i32
        %add3A_163 = arith.addi %mul3A_161, %add3A_162 : i32
        %dma_wait3A_164 = arith.constant 0 : i32
        %dma_wait3A_165 = arith.constant 0 : i32
        %dma_wait3A_166 = arith.constant 0 : i32
        %dma_wait3A_167 = arith.constant 0 : i32
        %dma_wait3A_168 = arith.constant 0 : i32
        %dma_wait3A_169 = tpu.memref_slice %arg7[%dma_wait3A_165, %dma_wait3A_167, %dma_wait3A_168] : memref<2x128x128xf32, #tpu.memory_space<vmem>> -> memref<1x128x128xf32, #tpu.memory_space<vmem>>
        %dma_wait3A_170 = tpu.memref_squeeze %dma_wait3A_169 : memref<1x128x128xf32, #tpu.memory_space<vmem>> -> memref<128x128xf32, #tpu.memory_space<vmem>>
        %dma_wait3A_171 = arith.constant 0 : i32
        %dma_wait3A_172 = tpu.memref_slice %arg6[%add3A_163, %dma_wait3A_164, %dma_wait3A_171] : memref<62x2x128xi32, #tpu.memory_space<vmem>> -> memref<1x1x128xi32, #tpu.memory_space<vmem>>
        %dma_wait3A_173 = tpu.memref_squeeze %dma_wait3A_172 : memref<1x1x128xi32, #tpu.memory_space<vmem>> -> memref<128xi32, #tpu.memory_space<vmem>>
        %dma_wait3A_174 = arith.constant 0 : i32
        %dma_wait3A_175 = arith.constant 0 : i32
        %dma_wait3A_176 = tpu.memref_slice %arg2[%dma_wait3A_174, %dma_wait3A_175] : memref<10240x128xf32, #tpu.memory_space<hbm>> -> memref<10240x128xf32, #tpu.memory_space<hbm>>
        %dma_wait3A_177 = tpu.memref_slice %arg9[%dma_wait3A_166] : memref<2x!tpu.dma_semaphore, #tpu.memory_space<semaphore_mem>> -> memref<1x!tpu.dma_semaphore, #tpu.memory_space<semaphore_mem>>
        %dma_wait3A_178 = tpu.memref_squeeze %dma_wait3A_177 : memref<1x!tpu.dma_semaphore, #tpu.memory_space<semaphore_mem>> -> memref<!tpu.dma_semaphore, #tpu.memory_space<semaphore_mem>>
        tpu.wait_indirect_dma semaphore(%dma_wait3A_178 : memref<!tpu.dma_semaphore, #tpu.memory_space<semaphore_mem>>) src(%dma_wait3A_176 : memref<10240x128xf32, #tpu.memory_space<hbm>>) dst(%dma_wait3A_170 : memref<128x128xf32, #tpu.memory_space<vmem>>)
        %run_scoped3A = arith.constant 0 : i32
        %run_scoped3A_179 = arith.constant 1 : i32
        "tpu.region"() ({
          %run_scoped3A_240 = tpu.sem_alloc : memref<!tpu.dma_semaphore, #tpu.memory_space<semaphore_mem>>
          %dma_start3A_241 = arith.constant 0 : i32
          %dma_start3A_242 = arith.constant 0 : i32
          %dma_start3A_243 = tpu.memref_slice %arg7[%run_scoped3A, %dma_start3A_241, %dma_start3A_242] : memref<2x128x128xf32, #tpu.memory_space<vmem>> -> memref<1x128x128xf32, #tpu.memory_space<vmem>>
          %dma_start3A_244 = tpu.memref_squeeze %dma_start3A_243 : memref<1x128x128xf32, #tpu.memory_space<vmem>> -> memref<128x128xf32, #tpu.memory_space<vmem>>
          %dma_start3A_245 = arith.constant 0 : i32
          %dma_start3A_246 = tpu.memref_slice %arg6[%add3A_163, %run_scoped3A_179, %dma_start3A_245] : memref<62x2x128xi32, #tpu.memory_space<vmem>> -> memref<1x1x128xi32, #tpu.memory_space<vmem>>
          %dma_start3A_247 = tpu.memref_squeeze %dma_start3A_246 : memref<1x1x128xi32, #tpu.memory_space<vmem>> -> memref<128xi32, #tpu.memory_space<vmem>>
          %dma_start3A_248 = arith.constant 0 : i32
          %dma_start3A_249 = arith.constant 0 : i32
          %dma_start3A_250 = tpu.memref_slice %arg8[%dma_start3A_248, %dma_start3A_249] : memref<10240x128xf32, #tpu.memory_space<vmem_shared>> -> memref<10240x128xf32, #tpu.memory_space<vmem_shared>>
          tpu.enqueue_indirect_dma source(%dma_start3A_244 : memref<128x128xf32, #tpu.memory_space<vmem>>) target(%dma_start3A_250 : memref<10240x128xf32, #tpu.memory_space<vmem_shared>>) offsets(%dma_start3A_247 : memref<128xi32, #tpu.memory_space<vmem>>) semaphore(%run_scoped3A_240 : memref<!tpu.dma_semaphore, #tpu.memory_space<semaphore_mem>>) {add = true}
          %dma_wait3A_251 = arith.constant 0 : i32
          %dma_wait3A_252 = arith.constant 0 : i32
          %dma_wait3A_253 = tpu.memref_slice %arg7[%run_scoped3A, %dma_wait3A_251, %dma_wait3A_252] : memref<2x128x128xf32, #tpu.memory_space<vmem>> -> memref<1x128x128xf32, #tpu.memory_space<vmem>>
          %dma_wait3A_254 = tpu.memref_squeeze %dma_wait3A_253 : memref<1x128x128xf32, #tpu.memory_space<vmem>> -> memref<128x128xf32, #tpu.memory_space<vmem>>
          %dma_wait3A_255 = arith.constant 0 : i32
          %dma_wait3A_256 = tpu.memref_slice %arg6[%add3A_163, %run_scoped3A_179, %dma_wait3A_255] : memref<62x2x128xi32, #tpu.memory_space<vmem>> -> memref<1x1x128xi32, #tpu.memory_space<vmem>>
          %dma_wait3A_257 = tpu.memref_squeeze %dma_wait3A_256 : memref<1x1x128xi32, #tpu.memory_space<vmem>> -> memref<128xi32, #tpu.memory_space<vmem>>
          %dma_wait3A_258 = arith.constant 0 : i32
          %dma_wait3A_259 = arith.constant 0 : i32
          %dma_wait3A_260 = tpu.memref_slice %arg8[%dma_wait3A_258, %dma_wait3A_259] : memref<10240x128xf32, #tpu.memory_space<vmem_shared>> -> memref<10240x128xf32, #tpu.memory_space<vmem_shared>>
          tpu.wait_indirect_dma semaphore(%run_scoped3A_240 : memref<!tpu.dma_semaphore, #tpu.memory_space<semaphore_mem>>) src(%dma_wait3A_254 : memref<128x128xf32, #tpu.memory_space<vmem>>) dst(%dma_wait3A_260 : memref<10240x128xf32, #tpu.memory_space<vmem_shared>>)
          tpu.yield
        }) : () -> ()
        %add3A_180 = arith.constant 2 : i32
        %add3A_181 = arith.addi %add3A_163, %add3A_180 : i32
        %ge3A = arith.constant 18 : i32
        %ge3A_182 = arith.cmpi sge, %add3A_181, %ge3A : i32
        %sub3A = arith.constant 18 : i32
        %sub3A_183 = arith.subi %add3A_181, %sub3A : i32
        %select_n3A = arith.select %ge3A_182, %sub3A_183, %add3A_181 : i32
        %dma_start3A_184 = arith.constant 0 : i32
        %dma_start3A_185 = arith.constant 0 : i32
        %dma_start3A_186 = arith.constant 0 : i32
        %dma_start3A_187 = arith.constant 0 : i32
        %dma_start3A_188 = arith.constant 0 : i32
        %dma_start3A_189 = tpu.memref_slice %arg7[%dma_start3A_185, %dma_start3A_187, %dma_start3A_188] : memref<2x128x128xf32, #tpu.memory_space<vmem>> -> memref<1x128x128xf32, #tpu.memory_space<vmem>>
        %dma_start3A_190 = tpu.memref_squeeze %dma_start3A_189 : memref<1x128x128xf32, #tpu.memory_space<vmem>> -> memref<128x128xf32, #tpu.memory_space<vmem>>
        %dma_start3A_191 = arith.constant 0 : i32
        %dma_start3A_192 = tpu.memref_slice %arg6[%select_n3A, %dma_start3A_184, %dma_start3A_191] : memref<62x2x128xi32, #tpu.memory_space<vmem>> -> memref<1x1x128xi32, #tpu.memory_space<vmem>>
        %dma_start3A_193 = tpu.memref_squeeze %dma_start3A_192 : memref<1x1x128xi32, #tpu.memory_space<vmem>> -> memref<128xi32, #tpu.memory_space<vmem>>
        %dma_start3A_194 = arith.constant 0 : i32
        %dma_start3A_195 = arith.constant 0 : i32
        %dma_start3A_196 = tpu.memref_slice %arg2[%dma_start3A_194, %dma_start3A_195] : memref<10240x128xf32, #tpu.memory_space<hbm>> -> memref<10240x128xf32, #tpu.memory_space<hbm>>
        %dma_start3A_197 = tpu.memref_slice %arg9[%dma_start3A_186] : memref<2x!tpu.dma_semaphore, #tpu.memory_space<semaphore_mem>> -> memref<1x!tpu.dma_semaphore, #tpu.memory_space<semaphore_mem>>
        %dma_start3A_198 = tpu.memref_squeeze %dma_start3A_197 : memref<1x!tpu.dma_semaphore, #tpu.memory_space<semaphore_mem>> -> memref<!tpu.dma_semaphore, #tpu.memory_space<semaphore_mem>>
        tpu.enqueue_indirect_dma source(%dma_start3A_196 : memref<10240x128xf32, #tpu.memory_space<hbm>>) target(%dma_start3A_190 : memref<128x128xf32, #tpu.memory_space<vmem>>) offsets(%dma_start3A_193 : memref<128xi32, #tpu.memory_space<vmem>>) semaphore(%dma_start3A_198 : memref<!tpu.dma_semaphore, #tpu.memory_space<semaphore_mem>>)
        %add3A_199 = arith.constant 1 : i32
        %add3A_200 = arith.addi %mul3A_161, %add3A_199 : i32
        %dma_wait3A_201 = arith.constant 0 : i32
        %dma_wait3A_202 = arith.constant 1 : i32
        %dma_wait3A_203 = arith.constant 1 : i32
        %dma_wait3A_204 = arith.constant 0 : i32
        %dma_wait3A_205 = arith.constant 0 : i32
        %dma_wait3A_206 = tpu.memref_slice %arg7[%dma_wait3A_202, %dma_wait3A_204, %dma_wait3A_205] : memref<2x128x128xf32, #tpu.memory_space<vmem>> -> memref<1x128x128xf32, #tpu.memory_space<vmem>>
        %dma_wait3A_207 = tpu.memref_squeeze %dma_wait3A_206 : memref<1x128x128xf32, #tpu.memory_space<vmem>> -> memref<128x128xf32, #tpu.memory_space<vmem>>
        %dma_wait3A_208 = arith.constant 0 : i32
        %dma_wait3A_209 = tpu.memref_slice %arg6[%add3A_200, %dma_wait3A_201, %dma_wait3A_208] : memref<62x2x128xi32, #tpu.memory_space<vmem>> -> memref<1x1x128xi32, #tpu.memory_space<vmem>>
        %dma_wait3A_210 = tpu.memref_squeeze %dma_wait3A_209 : memref<1x1x128xi32, #tpu.memory_space<vmem>> -> memref<128xi32, #tpu.memory_space<vmem>>
        %dma_wait3A_211 = arith.constant 0 : i32
        %dma_wait3A_212 = arith.constant 0 : i32
        %dma_wait3A_213 = tpu.memref_slice %arg2[%dma_wait3A_211, %dma_wait3A_212] : memref<10240x128xf32, #tpu.memory_space<hbm>> -> memref<10240x128xf32, #tpu.memory_space<hbm>>
        %dma_wait3A_214 = tpu.memref_slice %arg9[%dma_wait3A_203] : memref<2x!tpu.dma_semaphore, #tpu.memory_space<semaphore_mem>> -> memref<1x!tpu.dma_semaphore, #tpu.memory_space<semaphore_mem>>
        %dma_wait3A_215 = tpu.memref_squeeze %dma_wait3A_214 : memref<1x!tpu.dma_semaphore, #tpu.memory_space<semaphore_mem>> -> memref<!tpu.dma_semaphore, #tpu.memory_space<semaphore_mem>>
        tpu.wait_indirect_dma semaphore(%dma_wait3A_215 : memref<!tpu.dma_semaphore, #tpu.memory_space<semaphore_mem>>) src(%dma_wait3A_213 : memref<10240x128xf32, #tpu.memory_space<hbm>>) dst(%dma_wait3A_207 : memref<128x128xf32, #tpu.memory_space<vmem>>)
        %run_scoped3A_216 = arith.constant 1 : i32
        %run_scoped3A_217 = arith.constant 1 : i32
        "tpu.region"() ({
          %run_scoped3A_240 = tpu.sem_alloc : memref<!tpu.dma_semaphore, #tpu.memory_space<semaphore_mem>>
          %dma_start3A_241 = arith.constant 0 : i32
          %dma_start3A_242 = arith.constant 0 : i32
          %dma_start3A_243 = tpu.memref_slice %arg7[%run_scoped3A_216, %dma_start3A_241, %dma_start3A_242] : memref<2x128x128xf32, #tpu.memory_space<vmem>> -> memref<1x128x128xf32, #tpu.memory_space<vmem>>
          %dma_start3A_244 = tpu.memref_squeeze %dma_start3A_243 : memref<1x128x128xf32, #tpu.memory_space<vmem>> -> memref<128x128xf32, #tpu.memory_space<vmem>>
          %dma_start3A_245 = arith.constant 0 : i32
          %dma_start3A_246 = tpu.memref_slice %arg6[%add3A_200, %run_scoped3A_217, %dma_start3A_245] : memref<62x2x128xi32, #tpu.memory_space<vmem>> -> memref<1x1x128xi32, #tpu.memory_space<vmem>>
          %dma_start3A_247 = tpu.memref_squeeze %dma_start3A_246 : memref<1x1x128xi32, #tpu.memory_space<vmem>> -> memref<128xi32, #tpu.memory_space<vmem>>
          %dma_start3A_248 = arith.constant 0 : i32
          %dma_start3A_249 = arith.constant 0 : i32
          %dma_start3A_250 = tpu.memref_slice %arg8[%dma_start3A_248, %dma_start3A_249] : memref<10240x128xf32, #tpu.memory_space<vmem_shared>> -> memref<10240x128xf32, #tpu.memory_space<vmem_shared>>
          tpu.enqueue_indirect_dma source(%dma_start3A_244 : memref<128x128xf32, #tpu.memory_space<vmem>>) target(%dma_start3A_250 : memref<10240x128xf32, #tpu.memory_space<vmem_shared>>) offsets(%dma_start3A_247 : memref<128xi32, #tpu.memory_space<vmem>>) semaphore(%run_scoped3A_240 : memref<!tpu.dma_semaphore, #tpu.memory_space<semaphore_mem>>) {add = true}
          %dma_wait3A_251 = arith.constant 0 : i32
          %dma_wait3A_252 = arith.constant 0 : i32
          %dma_wait3A_253 = tpu.memref_slice %arg7[%run_scoped3A_216, %dma_wait3A_251, %dma_wait3A_252] : memref<2x128x128xf32, #tpu.memory_space<vmem>> -> memref<1x128x128xf32, #tpu.memory_space<vmem>>
          %dma_wait3A_254 = tpu.memref_squeeze %dma_wait3A_253 : memref<1x128x128xf32, #tpu.memory_space<vmem>> -> memref<128x128xf32, #tpu.memory_space<vmem>>
          %dma_wait3A_255 = arith.constant 0 : i32
          %dma_wait3A_256 = tpu.memref_slice %arg6[%add3A_200, %run_scoped3A_217, %dma_wait3A_255] : memref<62x2x128xi32, #tpu.memory_space<vmem>> -> memref<1x1x128xi32, #tpu.memory_space<vmem>>
          %dma_wait3A_257 = tpu.memref_squeeze %dma_wait3A_256 : memref<1x1x128xi32, #tpu.memory_space<vmem>> -> memref<128xi32, #tpu.memory_space<vmem>>
          %dma_wait3A_258 = arith.constant 0 : i32
          %dma_wait3A_259 = arith.constant 0 : i32
          %dma_wait3A_260 = tpu.memref_slice %arg8[%dma_wait3A_258, %dma_wait3A_259] : memref<10240x128xf32, #tpu.memory_space<vmem_shared>> -> memref<10240x128xf32, #tpu.memory_space<vmem_shared>>
          tpu.wait_indirect_dma semaphore(%run_scoped3A_240 : memref<!tpu.dma_semaphore, #tpu.memory_space<semaphore_mem>>) src(%dma_wait3A_254 : memref<128x128xf32, #tpu.memory_space<vmem>>) dst(%dma_wait3A_260 : memref<10240x128xf32, #tpu.memory_space<vmem_shared>>)
          tpu.yield
        }) : () -> ()
        %add3A_218 = arith.constant 2 : i32
        %add3A_219 = arith.addi %add3A_200, %add3A_218 : i32
        %ge3A_220 = arith.constant 18 : i32
        %ge3A_221 = arith.cmpi sge, %add3A_219, %ge3A_220 : i32
        %sub3A_222 = arith.constant 18 : i32
        %sub3A_223 = arith.subi %add3A_219, %sub3A_222 : i32
        %select_n3A_224 = arith.select %ge3A_221, %sub3A_223, %add3A_219 : i32
        %dma_start3A_225 = arith.constant 0 : i32
        %dma_start3A_226 = arith.constant 1 : i32
        %dma_start3A_227 = arith.constant 1 : i32
        %dma_start3A_228 = arith.constant 0 : i32
        %dma_start3A_229 = arith.constant 0 : i32
        %dma_start3A_230 = tpu.memref_slice %arg7[%dma_start3A_226, %dma_start3A_228, %dma_start3A_229] : memref<2x128x128xf32, #tpu.memory_space<vmem>> -> memref<1x128x128xf32, #tpu.memory_space<vmem>>
        %dma_start3A_231 = tpu.memref_squeeze %dma_start3A_230 : memref<1x128x128xf32, #tpu.memory_space<vmem>> -> memref<128x128xf32, #tpu.memory_space<vmem>>
        %dma_start3A_232 = arith.constant 0 : i32
        %dma_start3A_233 = tpu.memref_slice %arg6[%select_n3A_224, %dma_start3A_225, %dma_start3A_232] : memref<62x2x128xi32, #tpu.memory_space<vmem>> -> memref<1x1x128xi32, #tpu.memory_space<vmem>>
        %dma_start3A_234 = tpu.memref_squeeze %dma_start3A_233 : memref<1x1x128xi32, #tpu.memory_space<vmem>> -> memref<128xi32, #tpu.memory_space<vmem>>
        %dma_start3A_235 = arith.constant 0 : i32
        %dma_start3A_236 = arith.constant 0 : i32
        %dma_start3A_237 = tpu.memref_slice %arg2[%dma_start3A_235, %dma_start3A_236] : memref<10240x128xf32, #tpu.memory_space<hbm>> -> memref<10240x128xf32, #tpu.memory_space<hbm>>
        %dma_start3A_238 = tpu.memref_slice %arg9[%dma_start3A_227] : memref<2x!tpu.dma_semaphore, #tpu.memory_space<semaphore_mem>> -> memref<1x!tpu.dma_semaphore, #tpu.memory_space<semaphore_mem>>
        %dma_start3A_239 = tpu.memref_squeeze %dma_start3A_238 : memref<1x!tpu.dma_semaphore, #tpu.memory_space<semaphore_mem>> -> memref<!tpu.dma_semaphore, #tpu.memory_space<semaphore_mem>>
        tpu.enqueue_indirect_dma source(%dma_start3A_237 : memref<10240x128xf32, #tpu.memory_space<hbm>>) target(%dma_start3A_231 : memref<128x128xf32, #tpu.memory_space<vmem>>) offsets(%dma_start3A_234 : memref<128xi32, #tpu.memory_space<vmem>>) semaphore(%dma_start3A_239 : memref<!tpu.dma_semaphore, #tpu.memory_space<semaphore_mem>>)
      }
      %scan3A_126 = arith.constant 9 : i32
      %dma_wait3A_127 = arith.constant 0 : i32
      %dma_wait3A_128 = arith.constant 0 : i32
      %dma_wait3A_129 = arith.constant 0 : i32
      %dma_wait3A_130 = arith.constant 0 : i32
      %dma_wait3A_131 = arith.constant 0 : i32
      %dma_wait3A_132 = arith.constant 0 : i32
      %dma_wait3A_133 = tpu.memref_slice %arg7[%dma_wait3A_129, %dma_wait3A_131, %dma_wait3A_132] : memref<2x128x128xf32, #tpu.memory_space<vmem>> -> memref<1x128x128xf32, #tpu.memory_space<vmem>>
      %dma_wait3A_134 = tpu.memref_squeeze %dma_wait3A_133 : memref<1x128x128xf32, #tpu.memory_space<vmem>> -> memref<128x128xf32, #tpu.memory_space<vmem>>
      %dma_wait3A_135 = arith.constant 0 : i32
      %dma_wait3A_136 = tpu.memref_slice %arg6[%dma_wait3A_127, %dma_wait3A_128, %dma_wait3A_135] : memref<62x2x128xi32, #tpu.memory_space<vmem>> -> memref<1x1x128xi32, #tpu.memory_space<vmem>>
      %dma_wait3A_137 = tpu.memref_squeeze %dma_wait3A_136 : memref<1x1x128xi32, #tpu.memory_space<vmem>> -> memref<128xi32, #tpu.memory_space<vmem>>
      %dma_wait3A_138 = arith.constant 0 : i32
      %dma_wait3A_139 = arith.constant 0 : i32
      %dma_wait3A_140 = tpu.memref_slice %arg2[%dma_wait3A_138, %dma_wait3A_139] : memref<10240x128xf32, #tpu.memory_space<hbm>> -> memref<10240x128xf32, #tpu.memory_space<hbm>>
      %dma_wait3A_141 = tpu.memref_slice %arg9[%dma_wait3A_130] : memref<2x!tpu.dma_semaphore, #tpu.memory_space<semaphore_mem>> -> memref<1x!tpu.dma_semaphore, #tpu.memory_space<semaphore_mem>>
      %dma_wait3A_142 = tpu.memref_squeeze %dma_wait3A_141 : memref<1x!tpu.dma_semaphore, #tpu.memory_space<semaphore_mem>> -> memref<!tpu.dma_semaphore, #tpu.memory_space<semaphore_mem>>
      tpu.wait_indirect_dma semaphore(%dma_wait3A_142 : memref<!tpu.dma_semaphore, #tpu.memory_space<semaphore_mem>>) src(%dma_wait3A_140 : memref<10240x128xf32, #tpu.memory_space<hbm>>) dst(%dma_wait3A_134 : memref<128x128xf32, #tpu.memory_space<vmem>>)
      %dma_wait3A_143 = arith.constant 1 : i32
      %dma_wait3A_144 = arith.constant 0 : i32
      %dma_wait3A_145 = arith.constant 1 : i32
      %dma_wait3A_146 = arith.constant 1 : i32
      %dma_wait3A_147 = arith.constant 0 : i32
      %dma_wait3A_148 = arith.constant 0 : i32
      %dma_wait3A_149 = tpu.memref_slice %arg7[%dma_wait3A_145, %dma_wait3A_147, %dma_wait3A_148] : memref<2x128x128xf32, #tpu.memory_space<vmem>> -> memref<1x128x128xf32, #tpu.memory_space<vmem>>
      %dma_wait3A_150 = tpu.memref_squeeze %dma_wait3A_149 : memref<1x128x128xf32, #tpu.memory_space<vmem>> -> memref<128x128xf32, #tpu.memory_space<vmem>>
      %dma_wait3A_151 = arith.constant 0 : i32
      %dma_wait3A_152 = tpu.memref_slice %arg6[%dma_wait3A_143, %dma_wait3A_144, %dma_wait3A_151] : memref<62x2x128xi32, #tpu.memory_space<vmem>> -> memref<1x1x128xi32, #tpu.memory_space<vmem>>
      %dma_wait3A_153 = tpu.memref_squeeze %dma_wait3A_152 : memref<1x1x128xi32, #tpu.memory_space<vmem>> -> memref<128xi32, #tpu.memory_space<vmem>>
      %dma_wait3A_154 = arith.constant 0 : i32
      %dma_wait3A_155 = arith.constant 0 : i32
      %dma_wait3A_156 = tpu.memref_slice %arg2[%dma_wait3A_154, %dma_wait3A_155] : memref<10240x128xf32, #tpu.memory_space<hbm>> -> memref<10240x128xf32, #tpu.memory_space<hbm>>
      %dma_wait3A_157 = tpu.memref_slice %arg9[%dma_wait3A_146] : memref<2x!tpu.dma_semaphore, #tpu.memory_space<semaphore_mem>> -> memref<1x!tpu.dma_semaphore, #tpu.memory_space<semaphore_mem>>
      %dma_wait3A_158 = tpu.memref_squeeze %dma_wait3A_157 : memref<1x!tpu.dma_semaphore, #tpu.memory_space<semaphore_mem>> -> memref<!tpu.dma_semaphore, #tpu.memory_space<semaphore_mem>>
      tpu.wait_indirect_dma semaphore(%dma_wait3A_158 : memref<!tpu.dma_semaphore, #tpu.memory_space<semaphore_mem>>) src(%dma_wait3A_156 : memref<10240x128xf32, #tpu.memory_space<hbm>>) dst(%dma_wait3A_150 : memref<128x128xf32, #tpu.memory_space<vmem>>)
    } else {
    }
    %barrier3A_10 = arith.constant 0 : index
    tpu.barrier barrier_id(%barrier3A_10)
    "tpu.trace_stop"() : () -> ()
    "tpu.trace_start"() <{level = 10 : i32, message = "agg_flush"}> : () -> ()
    %mul3A_11 = arith.constant 640 : i32
    %mul3A_12 = arith.muli %arg1, %mul3A_11 : i32
    %mul3A_13 = arith.constant 640 : i32
    %mul3A_14 = arith.muli %arg1, %mul3A_13 : i32
    "tpu.region"() ({
      %run_scoped3A = tpu.sem_alloc : memref<!tpu.dma_semaphore, #tpu.memory_space<semaphore_mem>>
      %dma_start3A = arith.constant 0 : i32
      %dma_start3A_15 = tpu.memref_slice %arg5[%arg0, %mul3A_14, %dma_start3A] : memref<2x10240x128xf32, #tpu.memory_space<hbm>> -> memref<1x640x128xf32, #tpu.memory_space<hbm>>
      %dma_start3A_16 = tpu.memref_squeeze %dma_start3A_15 : memref<1x640x128xf32, #tpu.memory_space<hbm>> -> memref<640x128xf32, #tpu.memory_space<hbm>>
      %dma_start3A_17 = arith.constant 0 : i32
      %dma_start3A_18 = tpu.memref_slice %arg8[%mul3A_12, %dma_start3A_17] : memref<10240x128xf32, #tpu.memory_space<vmem_shared>> -> memref<640x128xf32, #tpu.memory_space<vmem_shared>>
      tpu.enqueue_dma source(%dma_start3A_18 : memref<640x128xf32, #tpu.memory_space<vmem_shared>>) target(%dma_start3A_16 : memref<640x128xf32, #tpu.memory_space<hbm>>) target_semaphore(%run_scoped3A : memref<!tpu.dma_semaphore, #tpu.memory_space<semaphore_mem>>)
      %dma_wait3A = arith.constant 0 : i32
      %dma_wait3A_19 = tpu.memref_slice %arg5[%arg0, %mul3A_14, %dma_wait3A] : memref<2x10240x128xf32, #tpu.memory_space<hbm>> -> memref<1x640x128xf32, #tpu.memory_space<hbm>>
      %dma_wait3A_20 = tpu.memref_squeeze %dma_wait3A_19 : memref<1x640x128xf32, #tpu.memory_space<hbm>> -> memref<640x128xf32, #tpu.memory_space<hbm>>
      %dma_wait3A_21 = arith.constant 0 : i32
      %dma_wait3A_22 = tpu.memref_slice %arg8[%mul3A_12, %dma_wait3A_21] : memref<10240x128xf32, #tpu.memory_space<vmem_shared>> -> memref<640x128xf32, #tpu.memory_space<vmem_shared>>
      tpu.wait_dma2 semaphore(%run_scoped3A : memref<!tpu.dma_semaphore, #tpu.memory_space<semaphore_mem>>) src(%dma_wait3A_22 : memref<640x128xf32, #tpu.memory_space<vmem_shared>>) dst(%dma_wait3A_20 : memref<640x128xf32, #tpu.memory_space<hbm>>)
      tpu.yield
    }) : () -> ()
    "tpu.trace_stop"() : () -> ()
    return
  }
}

#map = affine_map<(d0, d1) -> (0, 0)>
#map1 = affine_map<(d0, d1) -> (0, 0, 0)>
module attributes {stable_mosaic.version = 14 : i64} {
  func.func @k(%arg0: i32, %arg1: i32, %arg2: memref<10240x128xf32, #tpu.memory_space<hbm>>, %arg3: memref<2560x2x128xi32, #tpu.memory_space<hbm>>, %arg4: memref<10240x128xf32, #tpu.memory_space<hbm>>, %arg5: memref<2x10240x128xf32, #tpu.memory_space<hbm>>, %arg6: memref<62x2x128xi32, #tpu.memory_space<vmem>>, %arg7: memref<2x128x128xf32, #tpu.memory_space<vmem>>, %arg8: memref<10240x128xf32, #tpu.memory_space<vmem_shared>>, %arg9: memref<2x!tpu.dma_semaphore, #tpu.memory_space<semaphore_mem>>) attributes {dimension_semantics = [#tpu.dimension_semantics<core_parallel>, #tpu.dimension_semantics<subcore_parallel>], iteration_bounds = array<i64: 2, 16>, scalar_prefetch = 0 : i64, scratch_operands = 4 : i64, tpu.core_type = #tpu.core_type<sc_vector_subcore>, window_params = [{transform_indices = #map}, {transform_indices = #map1}, {transform_indices = #map}, {transform_indices = #map1}]} {
    "tpu.trace_start"() <{level = 10 : i32, message = "agg_zero"}> : () -> ()
    %mul3A = arith.constant 640 : i32
    %mul3A_0 = arith.muli %arg1, %mul3A : i32
    %mul3A_1 = arith.constant 640 : i32
    %mul3A_2 = arith.muli %arg1, %mul3A_1 : i32
    "tpu.region"() ({
      %run_scoped3A = tpu.sem_alloc : memref<!tpu.dma_semaphore, #tpu.memory_space<semaphore_mem>>
      %dma_start3A = arith.constant 0 : i32
      %dma_start3A_15 = tpu.memref_slice %arg8[%mul3A_2, %dma_start3A] : memref<10240x128xf32, #tpu.memory_space<vmem_shared>> -> memref<640x128xf32, #tpu.memory_space<vmem_shared>>
      %dma_start3A_16 = arith.constant 0 : i32
      %dma_start3A_17 = tpu.memref_slice %arg4[%mul3A_0, %dma_start3A_16] : memref<10240x128xf32, #tpu.memory_space<hbm>> -> memref<640x128xf32, #tpu.memory_space<hbm>>
      tpu.enqueue_dma source(%dma_start3A_17 : memref<640x128xf32, #tpu.memory_space<hbm>>) target(%dma_start3A_15 : memref<640x128xf32, #tpu.memory_space<vmem_shared>>) target_semaphore(%run_scoped3A : memref<!tpu.dma_semaphore, #tpu.memory_space<semaphore_mem>>)
      %dma_wait3A = arith.constant 0 : i32
      %dma_wait3A_18 = tpu.memref_slice %arg8[%mul3A_2, %dma_wait3A] : memref<10240x128xf32, #tpu.memory_space<vmem_shared>> -> memref<640x128xf32, #tpu.memory_space<vmem_shared>>
      %dma_wait3A_19 = arith.constant 0 : i32
      %dma_wait3A_20 = tpu.memref_slice %arg4[%mul3A_0, %dma_wait3A_19] : memref<10240x128xf32, #tpu.memory_space<hbm>> -> memref<640x128xf32, #tpu.memory_space<hbm>>
      tpu.wait_dma2 semaphore(%run_scoped3A : memref<!tpu.dma_semaphore, #tpu.memory_space<semaphore_mem>>) src(%dma_wait3A_20 : memref<640x128xf32, #tpu.memory_space<hbm>>) dst(%dma_wait3A_18 : memref<640x128xf32, #tpu.memory_space<vmem_shared>>)
      tpu.yield
    }) : () -> ()
    %barrier3A = arith.constant 0 : index
    tpu.barrier barrier_id(%barrier3A)
    %eq3A = arith.constant 0 : i32
    "tpu.trace_stop"() : () -> ()
    "tpu.trace_start"() <{level = 10 : i32, message = "agg_edges"}> : () -> ()
    %eq3A_3 = arith.cmpi eq, %arg0, %eq3A : i32
    %convert_element_type3A = arith.extui %eq3A_3 : i1 to i32
    %cond3A = arith.constant 0 : i32
    %cond3A_4 = arith.cmpi ne, %convert_element_type3A, %cond3A : i32
    scf.if %cond3A_4 {
      %mul3A_15 = arith.constant 124 : i32
      %mul3A_16 = arith.muli %arg1, %mul3A_15 : i32
      %add3A = arith.constant 0 : i32
      %add3A_17 = arith.addi %mul3A_16, %add3A : i32
      "tpu.region"() ({
        %run_scoped3A = tpu.sem_alloc : memref<!tpu.dma_semaphore, #tpu.memory_space<semaphore_mem>>
        %dma_start3A_157 = arith.constant 0 : i32
        %dma_start3A_158 = arith.constant 0 : i32
        %dma_start3A_159 = arith.constant 0 : i32
        %dma_start3A_160 = tpu.memref_slice %arg6[%dma_start3A_157, %dma_start3A_158, %dma_start3A_159] : memref<62x2x128xi32, #tpu.memory_space<vmem>> -> memref<62x2x128xi32, #tpu.memory_space<vmem>>
        %dma_start3A_161 = arith.constant 0 : i32
        %dma_start3A_162 = arith.constant 0 : i32
        %dma_start3A_163 = tpu.memref_slice %arg3[%add3A_17, %dma_start3A_161, %dma_start3A_162] : memref<2560x2x128xi32, #tpu.memory_space<hbm>> -> memref<62x2x128xi32, #tpu.memory_space<hbm>>
        %dma_start3A_164 = arith.constant 0 : i32
        %dma_start3A_165 = arith.constant 0 : i32
        %dma_start3A_166 = arith.constant 0 : i32
        %dma_start3A_167 = tpu.memref_slice %arg6[%dma_start3A_164, %dma_start3A_165, %dma_start3A_166] : memref<62x2x128xi32, #tpu.memory_space<vmem>> -> memref<62x2x128xi32, #tpu.memory_space<vmem>>
        %dma_start3A_168 = arith.constant 0 : i32
        %dma_start3A_169 = arith.constant 0 : i32
        %dma_start3A_170 = tpu.memref_slice %arg3[%add3A_17, %dma_start3A_168, %dma_start3A_169] : memref<2560x2x128xi32, #tpu.memory_space<hbm>> -> memref<62x2x128xi32, #tpu.memory_space<hbm>>
        tpu.enqueue_dma source(%dma_start3A_170 : memref<62x2x128xi32, #tpu.memory_space<hbm>>) target(%dma_start3A_167 : memref<62x2x128xi32, #tpu.memory_space<vmem>>) target_semaphore(%run_scoped3A : memref<!tpu.dma_semaphore, #tpu.memory_space<semaphore_mem>>)
        %dma_wait3A_171 = arith.constant 0 : i32
        %dma_wait3A_172 = arith.constant 0 : i32
        %dma_wait3A_173 = arith.constant 0 : i32
        %dma_wait3A_174 = tpu.memref_slice %arg6[%dma_wait3A_171, %dma_wait3A_172, %dma_wait3A_173] : memref<62x2x128xi32, #tpu.memory_space<vmem>> -> memref<62x2x128xi32, #tpu.memory_space<vmem>>
        %dma_wait3A_175 = arith.constant 0 : i32
        %dma_wait3A_176 = arith.constant 0 : i32
        %dma_wait3A_177 = tpu.memref_slice %arg3[%add3A_17, %dma_wait3A_175, %dma_wait3A_176] : memref<2560x2x128xi32, #tpu.memory_space<hbm>> -> memref<62x2x128xi32, #tpu.memory_space<hbm>>
        %dma_wait3A_178 = arith.constant 0 : i32
        %dma_wait3A_179 = arith.constant 0 : i32
        %dma_wait3A_180 = arith.constant 0 : i32
        %dma_wait3A_181 = tpu.memref_slice %arg6[%dma_wait3A_178, %dma_wait3A_179, %dma_wait3A_180] : memref<62x2x128xi32, #tpu.memory_space<vmem>> -> memref<62x2x128xi32, #tpu.memory_space<vmem>>
        %dma_wait3A_182 = arith.constant 0 : i32
        %dma_wait3A_183 = arith.constant 0 : i32
        %dma_wait3A_184 = tpu.memref_slice %arg3[%add3A_17, %dma_wait3A_182, %dma_wait3A_183] : memref<2560x2x128xi32, #tpu.memory_space<hbm>> -> memref<62x2x128xi32, #tpu.memory_space<hbm>>
        tpu.wait_dma2 semaphore(%run_scoped3A : memref<!tpu.dma_semaphore, #tpu.memory_space<semaphore_mem>>) src(%dma_wait3A_184 : memref<62x2x128xi32, #tpu.memory_space<hbm>>) dst(%dma_wait3A_181 : memref<62x2x128xi32, #tpu.memory_space<vmem>>)
        tpu.yield
      }) : () -> ()
      %dma_start3A = arith.constant 0 : i32
      %dma_start3A_18 = arith.constant 0 : i32
      %dma_start3A_19 = arith.constant 0 : i32
      %dma_start3A_20 = arith.constant 0 : i32
      %dma_start3A_21 = arith.constant 0 : i32
      %dma_start3A_22 = arith.constant 0 : i32
      %dma_start3A_23 = tpu.memref_slice %arg7[%dma_start3A_19, %dma_start3A_21, %dma_start3A_22] : memref<2x128x128xf32, #tpu.memory_space<vmem>> -> memref<1x128x128xf32, #tpu.memory_space<vmem>>
      %dma_start3A_24 = tpu.memref_squeeze %dma_start3A_23 : memref<1x128x128xf32, #tpu.memory_space<vmem>> -> memref<128x128xf32, #tpu.memory_space<vmem>>
      %dma_start3A_25 = arith.constant 0 : i32
      %dma_start3A_26 = tpu.memref_slice %arg6[%dma_start3A, %dma_start3A_18, %dma_start3A_25] : memref<62x2x128xi32, #tpu.memory_space<vmem>> -> memref<1x1x128xi32, #tpu.memory_space<vmem>>
      %dma_start3A_27 = tpu.memref_squeeze %dma_start3A_26 : memref<1x1x128xi32, #tpu.memory_space<vmem>> -> memref<128xi32, #tpu.memory_space<vmem>>
      %dma_start3A_28 = arith.constant 0 : i32
      %dma_start3A_29 = arith.constant 0 : i32
      %dma_start3A_30 = tpu.memref_slice %arg2[%dma_start3A_28, %dma_start3A_29] : memref<10240x128xf32, #tpu.memory_space<hbm>> -> memref<10240x128xf32, #tpu.memory_space<hbm>>
      %dma_start3A_31 = tpu.memref_slice %arg9[%dma_start3A_20] : memref<2x!tpu.dma_semaphore, #tpu.memory_space<semaphore_mem>> -> memref<1x!tpu.dma_semaphore, #tpu.memory_space<semaphore_mem>>
      %dma_start3A_32 = tpu.memref_squeeze %dma_start3A_31 : memref<1x!tpu.dma_semaphore, #tpu.memory_space<semaphore_mem>> -> memref<!tpu.dma_semaphore, #tpu.memory_space<semaphore_mem>>
      tpu.enqueue_indirect_dma source(%dma_start3A_30 : memref<10240x128xf32, #tpu.memory_space<hbm>>) target(%dma_start3A_24 : memref<128x128xf32, #tpu.memory_space<vmem>>) offsets(%dma_start3A_27 : memref<128xi32, #tpu.memory_space<vmem>>) semaphore(%dma_start3A_32 : memref<!tpu.dma_semaphore, #tpu.memory_space<semaphore_mem>>)
      %dma_start3A_33 = arith.constant 1 : i32
      %dma_start3A_34 = arith.constant 0 : i32
      %dma_start3A_35 = arith.constant 1 : i32
      %dma_start3A_36 = arith.constant 1 : i32
      %dma_start3A_37 = arith.constant 0 : i32
      %dma_start3A_38 = arith.constant 0 : i32
      %dma_start3A_39 = tpu.memref_slice %arg7[%dma_start3A_35, %dma_start3A_37, %dma_start3A_38] : memref<2x128x128xf32, #tpu.memory_space<vmem>> -> memref<1x128x128xf32, #tpu.memory_space<vmem>>
      %dma_start3A_40 = tpu.memref_squeeze %dma_start3A_39 : memref<1x128x128xf32, #tpu.memory_space<vmem>> -> memref<128x128xf32, #tpu.memory_space<vmem>>
      %dma_start3A_41 = arith.constant 0 : i32
      %dma_start3A_42 = tpu.memref_slice %arg6[%dma_start3A_33, %dma_start3A_34, %dma_start3A_41] : memref<62x2x128xi32, #tpu.memory_space<vmem>> -> memref<1x1x128xi32, #tpu.memory_space<vmem>>
      %dma_start3A_43 = tpu.memref_squeeze %dma_start3A_42 : memref<1x1x128xi32, #tpu.memory_space<vmem>> -> memref<128xi32, #tpu.memory_space<vmem>>
      %dma_start3A_44 = arith.constant 0 : i32
      %dma_start3A_45 = arith.constant 0 : i32
      %dma_start3A_46 = tpu.memref_slice %arg2[%dma_start3A_44, %dma_start3A_45] : memref<10240x128xf32, #tpu.memory_space<hbm>> -> memref<10240x128xf32, #tpu.memory_space<hbm>>
      %dma_start3A_47 = tpu.memref_slice %arg9[%dma_start3A_36] : memref<2x!tpu.dma_semaphore, #tpu.memory_space<semaphore_mem>> -> memref<1x!tpu.dma_semaphore, #tpu.memory_space<semaphore_mem>>
      %dma_start3A_48 = tpu.memref_squeeze %dma_start3A_47 : memref<1x!tpu.dma_semaphore, #tpu.memory_space<semaphore_mem>> -> memref<!tpu.dma_semaphore, #tpu.memory_space<semaphore_mem>>
      tpu.enqueue_indirect_dma source(%dma_start3A_46 : memref<10240x128xf32, #tpu.memory_space<hbm>>) target(%dma_start3A_40 : memref<128x128xf32, #tpu.memory_space<vmem>>) offsets(%dma_start3A_43 : memref<128xi32, #tpu.memory_space<vmem>>) semaphore(%dma_start3A_48 : memref<!tpu.dma_semaphore, #tpu.memory_space<semaphore_mem>>)
      %scan3A = arith.constant 0 : i32
      %scan3A_49 = arith.constant 0 : i32
      %scan3A_50 = arith.constant 31 : i32
      %scan3A_51 = arith.addi %scan3A_49, %scan3A_50 : i32
      %scan3A_52 = arith.constant 1 : i32
      scf.for %scan3A_157 = %scan3A_49 to %scan3A_51 step %scan3A_52  : i32 {
        %mul3A_158 = arith.constant 2 : i32
        %mul3A_159 = arith.muli %scan3A_157, %mul3A_158 : i32
        %add3A_160 = arith.constant 0 : i32
        %add3A_161 = arith.addi %mul3A_159, %add3A_160 : i32
        %dma_wait3A_162 = arith.constant 0 : i32
        %dma_wait3A_163 = arith.constant 0 : i32
        %dma_wait3A_164 = arith.constant 0 : i32
        %dma_wait3A_165 = arith.constant 0 : i32
        %dma_wait3A_166 = arith.constant 0 : i32
        %dma_wait3A_167 = tpu.memref_slice %arg7[%dma_wait3A_163, %dma_wait3A_165, %dma_wait3A_166] : memref<2x128x128xf32, #tpu.memory_space<vmem>> -> memref<1x128x128xf32, #tpu.memory_space<vmem>>
        %dma_wait3A_168 = tpu.memref_squeeze %dma_wait3A_167 : memref<1x128x128xf32, #tpu.memory_space<vmem>> -> memref<128x128xf32, #tpu.memory_space<vmem>>
        %dma_wait3A_169 = arith.constant 0 : i32
        %dma_wait3A_170 = tpu.memref_slice %arg6[%add3A_161, %dma_wait3A_162, %dma_wait3A_169] : memref<62x2x128xi32, #tpu.memory_space<vmem>> -> memref<1x1x128xi32, #tpu.memory_space<vmem>>
        %dma_wait3A_171 = tpu.memref_squeeze %dma_wait3A_170 : memref<1x1x128xi32, #tpu.memory_space<vmem>> -> memref<128xi32, #tpu.memory_space<vmem>>
        %dma_wait3A_172 = arith.constant 0 : i32
        %dma_wait3A_173 = arith.constant 0 : i32
        %dma_wait3A_174 = tpu.memref_slice %arg2[%dma_wait3A_172, %dma_wait3A_173] : memref<10240x128xf32, #tpu.memory_space<hbm>> -> memref<10240x128xf32, #tpu.memory_space<hbm>>
        %dma_wait3A_175 = tpu.memref_slice %arg9[%dma_wait3A_164] : memref<2x!tpu.dma_semaphore, #tpu.memory_space<semaphore_mem>> -> memref<1x!tpu.dma_semaphore, #tpu.memory_space<semaphore_mem>>
        %dma_wait3A_176 = tpu.memref_squeeze %dma_wait3A_175 : memref<1x!tpu.dma_semaphore, #tpu.memory_space<semaphore_mem>> -> memref<!tpu.dma_semaphore, #tpu.memory_space<semaphore_mem>>
        tpu.wait_indirect_dma semaphore(%dma_wait3A_176 : memref<!tpu.dma_semaphore, #tpu.memory_space<semaphore_mem>>) src(%dma_wait3A_174 : memref<10240x128xf32, #tpu.memory_space<hbm>>) dst(%dma_wait3A_168 : memref<128x128xf32, #tpu.memory_space<vmem>>)
        %run_scoped3A = arith.constant 0 : i32
        %run_scoped3A_177 = arith.constant 1 : i32
        "tpu.region"() ({
          %run_scoped3A_238 = tpu.sem_alloc : memref<!tpu.dma_semaphore, #tpu.memory_space<semaphore_mem>>
          %dma_start3A_239 = arith.constant 0 : i32
          %dma_start3A_240 = arith.constant 0 : i32
          %dma_start3A_241 = tpu.memref_slice %arg7[%run_scoped3A, %dma_start3A_239, %dma_start3A_240] : memref<2x128x128xf32, #tpu.memory_space<vmem>> -> memref<1x128x128xf32, #tpu.memory_space<vmem>>
          %dma_start3A_242 = tpu.memref_squeeze %dma_start3A_241 : memref<1x128x128xf32, #tpu.memory_space<vmem>> -> memref<128x128xf32, #tpu.memory_space<vmem>>
          %dma_start3A_243 = arith.constant 0 : i32
          %dma_start3A_244 = tpu.memref_slice %arg6[%add3A_161, %run_scoped3A_177, %dma_start3A_243] : memref<62x2x128xi32, #tpu.memory_space<vmem>> -> memref<1x1x128xi32, #tpu.memory_space<vmem>>
          %dma_start3A_245 = tpu.memref_squeeze %dma_start3A_244 : memref<1x1x128xi32, #tpu.memory_space<vmem>> -> memref<128xi32, #tpu.memory_space<vmem>>
          %dma_start3A_246 = arith.constant 0 : i32
          %dma_start3A_247 = arith.constant 0 : i32
          %dma_start3A_248 = tpu.memref_slice %arg8[%dma_start3A_246, %dma_start3A_247] : memref<10240x128xf32, #tpu.memory_space<vmem_shared>> -> memref<10240x128xf32, #tpu.memory_space<vmem_shared>>
          tpu.enqueue_indirect_dma source(%dma_start3A_242 : memref<128x128xf32, #tpu.memory_space<vmem>>) target(%dma_start3A_248 : memref<10240x128xf32, #tpu.memory_space<vmem_shared>>) offsets(%dma_start3A_245 : memref<128xi32, #tpu.memory_space<vmem>>) semaphore(%run_scoped3A_238 : memref<!tpu.dma_semaphore, #tpu.memory_space<semaphore_mem>>) {add = true}
          %dma_wait3A_249 = arith.constant 0 : i32
          %dma_wait3A_250 = arith.constant 0 : i32
          %dma_wait3A_251 = tpu.memref_slice %arg7[%run_scoped3A, %dma_wait3A_249, %dma_wait3A_250] : memref<2x128x128xf32, #tpu.memory_space<vmem>> -> memref<1x128x128xf32, #tpu.memory_space<vmem>>
          %dma_wait3A_252 = tpu.memref_squeeze %dma_wait3A_251 : memref<1x128x128xf32, #tpu.memory_space<vmem>> -> memref<128x128xf32, #tpu.memory_space<vmem>>
          %dma_wait3A_253 = arith.constant 0 : i32
          %dma_wait3A_254 = tpu.memref_slice %arg6[%add3A_161, %run_scoped3A_177, %dma_wait3A_253] : memref<62x2x128xi32, #tpu.memory_space<vmem>> -> memref<1x1x128xi32, #tpu.memory_space<vmem>>
          %dma_wait3A_255 = tpu.memref_squeeze %dma_wait3A_254 : memref<1x1x128xi32, #tpu.memory_space<vmem>> -> memref<128xi32, #tpu.memory_space<vmem>>
          %dma_wait3A_256 = arith.constant 0 : i32
          %dma_wait3A_257 = arith.constant 0 : i32
          %dma_wait3A_258 = tpu.memref_slice %arg8[%dma_wait3A_256, %dma_wait3A_257] : memref<10240x128xf32, #tpu.memory_space<vmem_shared>> -> memref<10240x128xf32, #tpu.memory_space<vmem_shared>>
          tpu.wait_indirect_dma semaphore(%run_scoped3A_238 : memref<!tpu.dma_semaphore, #tpu.memory_space<semaphore_mem>>) src(%dma_wait3A_252 : memref<128x128xf32, #tpu.memory_space<vmem>>) dst(%dma_wait3A_258 : memref<10240x128xf32, #tpu.memory_space<vmem_shared>>)
          tpu.yield
        }) : () -> ()
        %add3A_178 = arith.constant 2 : i32
        %add3A_179 = arith.addi %add3A_161, %add3A_178 : i32
        %ge3A = arith.constant 62 : i32
        %ge3A_180 = arith.cmpi sge, %add3A_179, %ge3A : i32
        %sub3A = arith.constant 62 : i32
        %sub3A_181 = arith.subi %add3A_179, %sub3A : i32
        %select_n3A = arith.select %ge3A_180, %sub3A_181, %add3A_179 : i32
        %dma_start3A_182 = arith.constant 0 : i32
        %dma_start3A_183 = arith.constant 0 : i32
        %dma_start3A_184 = arith.constant 0 : i32
        %dma_start3A_185 = arith.constant 0 : i32
        %dma_start3A_186 = arith.constant 0 : i32
        %dma_start3A_187 = tpu.memref_slice %arg7[%dma_start3A_183, %dma_start3A_185, %dma_start3A_186] : memref<2x128x128xf32, #tpu.memory_space<vmem>> -> memref<1x128x128xf32, #tpu.memory_space<vmem>>
        %dma_start3A_188 = tpu.memref_squeeze %dma_start3A_187 : memref<1x128x128xf32, #tpu.memory_space<vmem>> -> memref<128x128xf32, #tpu.memory_space<vmem>>
        %dma_start3A_189 = arith.constant 0 : i32
        %dma_start3A_190 = tpu.memref_slice %arg6[%select_n3A, %dma_start3A_182, %dma_start3A_189] : memref<62x2x128xi32, #tpu.memory_space<vmem>> -> memref<1x1x128xi32, #tpu.memory_space<vmem>>
        %dma_start3A_191 = tpu.memref_squeeze %dma_start3A_190 : memref<1x1x128xi32, #tpu.memory_space<vmem>> -> memref<128xi32, #tpu.memory_space<vmem>>
        %dma_start3A_192 = arith.constant 0 : i32
        %dma_start3A_193 = arith.constant 0 : i32
        %dma_start3A_194 = tpu.memref_slice %arg2[%dma_start3A_192, %dma_start3A_193] : memref<10240x128xf32, #tpu.memory_space<hbm>> -> memref<10240x128xf32, #tpu.memory_space<hbm>>
        %dma_start3A_195 = tpu.memref_slice %arg9[%dma_start3A_184] : memref<2x!tpu.dma_semaphore, #tpu.memory_space<semaphore_mem>> -> memref<1x!tpu.dma_semaphore, #tpu.memory_space<semaphore_mem>>
        %dma_start3A_196 = tpu.memref_squeeze %dma_start3A_195 : memref<1x!tpu.dma_semaphore, #tpu.memory_space<semaphore_mem>> -> memref<!tpu.dma_semaphore, #tpu.memory_space<semaphore_mem>>
        tpu.enqueue_indirect_dma source(%dma_start3A_194 : memref<10240x128xf32, #tpu.memory_space<hbm>>) target(%dma_start3A_188 : memref<128x128xf32, #tpu.memory_space<vmem>>) offsets(%dma_start3A_191 : memref<128xi32, #tpu.memory_space<vmem>>) semaphore(%dma_start3A_196 : memref<!tpu.dma_semaphore, #tpu.memory_space<semaphore_mem>>)
        %add3A_197 = arith.constant 1 : i32
        %add3A_198 = arith.addi %mul3A_159, %add3A_197 : i32
        %dma_wait3A_199 = arith.constant 0 : i32
        %dma_wait3A_200 = arith.constant 1 : i32
        %dma_wait3A_201 = arith.constant 1 : i32
        %dma_wait3A_202 = arith.constant 0 : i32
        %dma_wait3A_203 = arith.constant 0 : i32
        %dma_wait3A_204 = tpu.memref_slice %arg7[%dma_wait3A_200, %dma_wait3A_202, %dma_wait3A_203] : memref<2x128x128xf32, #tpu.memory_space<vmem>> -> memref<1x128x128xf32, #tpu.memory_space<vmem>>
        %dma_wait3A_205 = tpu.memref_squeeze %dma_wait3A_204 : memref<1x128x128xf32, #tpu.memory_space<vmem>> -> memref<128x128xf32, #tpu.memory_space<vmem>>
        %dma_wait3A_206 = arith.constant 0 : i32
        %dma_wait3A_207 = tpu.memref_slice %arg6[%add3A_198, %dma_wait3A_199, %dma_wait3A_206] : memref<62x2x128xi32, #tpu.memory_space<vmem>> -> memref<1x1x128xi32, #tpu.memory_space<vmem>>
        %dma_wait3A_208 = tpu.memref_squeeze %dma_wait3A_207 : memref<1x1x128xi32, #tpu.memory_space<vmem>> -> memref<128xi32, #tpu.memory_space<vmem>>
        %dma_wait3A_209 = arith.constant 0 : i32
        %dma_wait3A_210 = arith.constant 0 : i32
        %dma_wait3A_211 = tpu.memref_slice %arg2[%dma_wait3A_209, %dma_wait3A_210] : memref<10240x128xf32, #tpu.memory_space<hbm>> -> memref<10240x128xf32, #tpu.memory_space<hbm>>
        %dma_wait3A_212 = tpu.memref_slice %arg9[%dma_wait3A_201] : memref<2x!tpu.dma_semaphore, #tpu.memory_space<semaphore_mem>> -> memref<1x!tpu.dma_semaphore, #tpu.memory_space<semaphore_mem>>
        %dma_wait3A_213 = tpu.memref_squeeze %dma_wait3A_212 : memref<1x!tpu.dma_semaphore, #tpu.memory_space<semaphore_mem>> -> memref<!tpu.dma_semaphore, #tpu.memory_space<semaphore_mem>>
        tpu.wait_indirect_dma semaphore(%dma_wait3A_213 : memref<!tpu.dma_semaphore, #tpu.memory_space<semaphore_mem>>) src(%dma_wait3A_211 : memref<10240x128xf32, #tpu.memory_space<hbm>>) dst(%dma_wait3A_205 : memref<128x128xf32, #tpu.memory_space<vmem>>)
        %run_scoped3A_214 = arith.constant 1 : i32
        %run_scoped3A_215 = arith.constant 1 : i32
        "tpu.region"() ({
          %run_scoped3A_238 = tpu.sem_alloc : memref<!tpu.dma_semaphore, #tpu.memory_space<semaphore_mem>>
          %dma_start3A_239 = arith.constant 0 : i32
          %dma_start3A_240 = arith.constant 0 : i32
          %dma_start3A_241 = tpu.memref_slice %arg7[%run_scoped3A_214, %dma_start3A_239, %dma_start3A_240] : memref<2x128x128xf32, #tpu.memory_space<vmem>> -> memref<1x128x128xf32, #tpu.memory_space<vmem>>
          %dma_start3A_242 = tpu.memref_squeeze %dma_start3A_241 : memref<1x128x128xf32, #tpu.memory_space<vmem>> -> memref<128x128xf32, #tpu.memory_space<vmem>>
          %dma_start3A_243 = arith.constant 0 : i32
          %dma_start3A_244 = tpu.memref_slice %arg6[%add3A_198, %run_scoped3A_215, %dma_start3A_243] : memref<62x2x128xi32, #tpu.memory_space<vmem>> -> memref<1x1x128xi32, #tpu.memory_space<vmem>>
          %dma_start3A_245 = tpu.memref_squeeze %dma_start3A_244 : memref<1x1x128xi32, #tpu.memory_space<vmem>> -> memref<128xi32, #tpu.memory_space<vmem>>
          %dma_start3A_246 = arith.constant 0 : i32
          %dma_start3A_247 = arith.constant 0 : i32
          %dma_start3A_248 = tpu.memref_slice %arg8[%dma_start3A_246, %dma_start3A_247] : memref<10240x128xf32, #tpu.memory_space<vmem_shared>> -> memref<10240x128xf32, #tpu.memory_space<vmem_shared>>
          tpu.enqueue_indirect_dma source(%dma_start3A_242 : memref<128x128xf32, #tpu.memory_space<vmem>>) target(%dma_start3A_248 : memref<10240x128xf32, #tpu.memory_space<vmem_shared>>) offsets(%dma_start3A_245 : memref<128xi32, #tpu.memory_space<vmem>>) semaphore(%run_scoped3A_238 : memref<!tpu.dma_semaphore, #tpu.memory_space<semaphore_mem>>) {add = true}
          %dma_wait3A_249 = arith.constant 0 : i32
          %dma_wait3A_250 = arith.constant 0 : i32
          %dma_wait3A_251 = tpu.memref_slice %arg7[%run_scoped3A_214, %dma_wait3A_249, %dma_wait3A_250] : memref<2x128x128xf32, #tpu.memory_space<vmem>> -> memref<1x128x128xf32, #tpu.memory_space<vmem>>
          %dma_wait3A_252 = tpu.memref_squeeze %dma_wait3A_251 : memref<1x128x128xf32, #tpu.memory_space<vmem>> -> memref<128x128xf32, #tpu.memory_space<vmem>>
          %dma_wait3A_253 = arith.constant 0 : i32
          %dma_wait3A_254 = tpu.memref_slice %arg6[%add3A_198, %run_scoped3A_215, %dma_wait3A_253] : memref<62x2x128xi32, #tpu.memory_space<vmem>> -> memref<1x1x128xi32, #tpu.memory_space<vmem>>
          %dma_wait3A_255 = tpu.memref_squeeze %dma_wait3A_254 : memref<1x1x128xi32, #tpu.memory_space<vmem>> -> memref<128xi32, #tpu.memory_space<vmem>>
          %dma_wait3A_256 = arith.constant 0 : i32
          %dma_wait3A_257 = arith.constant 0 : i32
          %dma_wait3A_258 = tpu.memref_slice %arg8[%dma_wait3A_256, %dma_wait3A_257] : memref<10240x128xf32, #tpu.memory_space<vmem_shared>> -> memref<10240x128xf32, #tpu.memory_space<vmem_shared>>
          tpu.wait_indirect_dma semaphore(%run_scoped3A_238 : memref<!tpu.dma_semaphore, #tpu.memory_space<semaphore_mem>>) src(%dma_wait3A_252 : memref<128x128xf32, #tpu.memory_space<vmem>>) dst(%dma_wait3A_258 : memref<10240x128xf32, #tpu.memory_space<vmem_shared>>)
          tpu.yield
        }) : () -> ()
        %add3A_216 = arith.constant 2 : i32
        %add3A_217 = arith.addi %add3A_198, %add3A_216 : i32
        %ge3A_218 = arith.constant 62 : i32
        %ge3A_219 = arith.cmpi sge, %add3A_217, %ge3A_218 : i32
        %sub3A_220 = arith.constant 62 : i32
        %sub3A_221 = arith.subi %add3A_217, %sub3A_220 : i32
        %select_n3A_222 = arith.select %ge3A_219, %sub3A_221, %add3A_217 : i32
        %dma_start3A_223 = arith.constant 0 : i32
        %dma_start3A_224 = arith.constant 1 : i32
        %dma_start3A_225 = arith.constant 1 : i32
        %dma_start3A_226 = arith.constant 0 : i32
        %dma_start3A_227 = arith.constant 0 : i32
        %dma_start3A_228 = tpu.memref_slice %arg7[%dma_start3A_224, %dma_start3A_226, %dma_start3A_227] : memref<2x128x128xf32, #tpu.memory_space<vmem>> -> memref<1x128x128xf32, #tpu.memory_space<vmem>>
        %dma_start3A_229 = tpu.memref_squeeze %dma_start3A_228 : memref<1x128x128xf32, #tpu.memory_space<vmem>> -> memref<128x128xf32, #tpu.memory_space<vmem>>
        %dma_start3A_230 = arith.constant 0 : i32
        %dma_start3A_231 = tpu.memref_slice %arg6[%select_n3A_222, %dma_start3A_223, %dma_start3A_230] : memref<62x2x128xi32, #tpu.memory_space<vmem>> -> memref<1x1x128xi32, #tpu.memory_space<vmem>>
        %dma_start3A_232 = tpu.memref_squeeze %dma_start3A_231 : memref<1x1x128xi32, #tpu.memory_space<vmem>> -> memref<128xi32, #tpu.memory_space<vmem>>
        %dma_start3A_233 = arith.constant 0 : i32
        %dma_start3A_234 = arith.constant 0 : i32
        %dma_start3A_235 = tpu.memref_slice %arg2[%dma_start3A_233, %dma_start3A_234] : memref<10240x128xf32, #tpu.memory_space<hbm>> -> memref<10240x128xf32, #tpu.memory_space<hbm>>
        %dma_start3A_236 = tpu.memref_slice %arg9[%dma_start3A_225] : memref<2x!tpu.dma_semaphore, #tpu.memory_space<semaphore_mem>> -> memref<1x!tpu.dma_semaphore, #tpu.memory_space<semaphore_mem>>
        %dma_start3A_237 = tpu.memref_squeeze %dma_start3A_236 : memref<1x!tpu.dma_semaphore, #tpu.memory_space<semaphore_mem>> -> memref<!tpu.dma_semaphore, #tpu.memory_space<semaphore_mem>>
        tpu.enqueue_indirect_dma source(%dma_start3A_235 : memref<10240x128xf32, #tpu.memory_space<hbm>>) target(%dma_start3A_229 : memref<128x128xf32, #tpu.memory_space<vmem>>) offsets(%dma_start3A_232 : memref<128xi32, #tpu.memory_space<vmem>>) semaphore(%dma_start3A_237 : memref<!tpu.dma_semaphore, #tpu.memory_space<semaphore_mem>>)
      }
      %scan3A_53 = arith.constant 31 : i32
      %dma_wait3A = arith.constant 0 : i32
      %dma_wait3A_54 = arith.constant 0 : i32
      %dma_wait3A_55 = arith.constant 0 : i32
      %dma_wait3A_56 = arith.constant 0 : i32
      %dma_wait3A_57 = arith.constant 0 : i32
      %dma_wait3A_58 = arith.constant 0 : i32
      %dma_wait3A_59 = tpu.memref_slice %arg7[%dma_wait3A_55, %dma_wait3A_57, %dma_wait3A_58] : memref<2x128x128xf32, #tpu.memory_space<vmem>> -> memref<1x128x128xf32, #tpu.memory_space<vmem>>
      %dma_wait3A_60 = tpu.memref_squeeze %dma_wait3A_59 : memref<1x128x128xf32, #tpu.memory_space<vmem>> -> memref<128x128xf32, #tpu.memory_space<vmem>>
      %dma_wait3A_61 = arith.constant 0 : i32
      %dma_wait3A_62 = tpu.memref_slice %arg6[%dma_wait3A, %dma_wait3A_54, %dma_wait3A_61] : memref<62x2x128xi32, #tpu.memory_space<vmem>> -> memref<1x1x128xi32, #tpu.memory_space<vmem>>
      %dma_wait3A_63 = tpu.memref_squeeze %dma_wait3A_62 : memref<1x1x128xi32, #tpu.memory_space<vmem>> -> memref<128xi32, #tpu.memory_space<vmem>>
      %dma_wait3A_64 = arith.constant 0 : i32
      %dma_wait3A_65 = arith.constant 0 : i32
      %dma_wait3A_66 = tpu.memref_slice %arg2[%dma_wait3A_64, %dma_wait3A_65] : memref<10240x128xf32, #tpu.memory_space<hbm>> -> memref<10240x128xf32, #tpu.memory_space<hbm>>
      %dma_wait3A_67 = tpu.memref_slice %arg9[%dma_wait3A_56] : memref<2x!tpu.dma_semaphore, #tpu.memory_space<semaphore_mem>> -> memref<1x!tpu.dma_semaphore, #tpu.memory_space<semaphore_mem>>
      %dma_wait3A_68 = tpu.memref_squeeze %dma_wait3A_67 : memref<1x!tpu.dma_semaphore, #tpu.memory_space<semaphore_mem>> -> memref<!tpu.dma_semaphore, #tpu.memory_space<semaphore_mem>>
      tpu.wait_indirect_dma semaphore(%dma_wait3A_68 : memref<!tpu.dma_semaphore, #tpu.memory_space<semaphore_mem>>) src(%dma_wait3A_66 : memref<10240x128xf32, #tpu.memory_space<hbm>>) dst(%dma_wait3A_60 : memref<128x128xf32, #tpu.memory_space<vmem>>)
      %dma_wait3A_69 = arith.constant 1 : i32
      %dma_wait3A_70 = arith.constant 0 : i32
      %dma_wait3A_71 = arith.constant 1 : i32
      %dma_wait3A_72 = arith.constant 1 : i32
      %dma_wait3A_73 = arith.constant 0 : i32
      %dma_wait3A_74 = arith.constant 0 : i32
      %dma_wait3A_75 = tpu.memref_slice %arg7[%dma_wait3A_71, %dma_wait3A_73, %dma_wait3A_74] : memref<2x128x128xf32, #tpu.memory_space<vmem>> -> memref<1x128x128xf32, #tpu.memory_space<vmem>>
      %dma_wait3A_76 = tpu.memref_squeeze %dma_wait3A_75 : memref<1x128x128xf32, #tpu.memory_space<vmem>> -> memref<128x128xf32, #tpu.memory_space<vmem>>
      %dma_wait3A_77 = arith.constant 0 : i32
      %dma_wait3A_78 = tpu.memref_slice %arg6[%dma_wait3A_69, %dma_wait3A_70, %dma_wait3A_77] : memref<62x2x128xi32, #tpu.memory_space<vmem>> -> memref<1x1x128xi32, #tpu.memory_space<vmem>>
      %dma_wait3A_79 = tpu.memref_squeeze %dma_wait3A_78 : memref<1x1x128xi32, #tpu.memory_space<vmem>> -> memref<128xi32, #tpu.memory_space<vmem>>
      %dma_wait3A_80 = arith.constant 0 : i32
      %dma_wait3A_81 = arith.constant 0 : i32
      %dma_wait3A_82 = tpu.memref_slice %arg2[%dma_wait3A_80, %dma_wait3A_81] : memref<10240x128xf32, #tpu.memory_space<hbm>> -> memref<10240x128xf32, #tpu.memory_space<hbm>>
      %dma_wait3A_83 = tpu.memref_slice %arg9[%dma_wait3A_72] : memref<2x!tpu.dma_semaphore, #tpu.memory_space<semaphore_mem>> -> memref<1x!tpu.dma_semaphore, #tpu.memory_space<semaphore_mem>>
      %dma_wait3A_84 = tpu.memref_squeeze %dma_wait3A_83 : memref<1x!tpu.dma_semaphore, #tpu.memory_space<semaphore_mem>> -> memref<!tpu.dma_semaphore, #tpu.memory_space<semaphore_mem>>
      tpu.wait_indirect_dma semaphore(%dma_wait3A_84 : memref<!tpu.dma_semaphore, #tpu.memory_space<semaphore_mem>>) src(%dma_wait3A_82 : memref<10240x128xf32, #tpu.memory_space<hbm>>) dst(%dma_wait3A_76 : memref<128x128xf32, #tpu.memory_space<vmem>>)
      %add3A_85 = arith.constant 62 : i32
      %add3A_86 = arith.addi %mul3A_16, %add3A_85 : i32
      "tpu.region"() ({
        %run_scoped3A = tpu.sem_alloc : memref<!tpu.dma_semaphore, #tpu.memory_space<semaphore_mem>>
        %dma_start3A_157 = arith.constant 0 : i32
        %dma_start3A_158 = arith.constant 0 : i32
        %dma_start3A_159 = arith.constant 0 : i32
        %dma_start3A_160 = tpu.memref_slice %arg6[%dma_start3A_157, %dma_start3A_158, %dma_start3A_159] : memref<62x2x128xi32, #tpu.memory_space<vmem>> -> memref<62x2x128xi32, #tpu.memory_space<vmem>>
        %dma_start3A_161 = arith.constant 0 : i32
        %dma_start3A_162 = arith.constant 0 : i32
        %dma_start3A_163 = tpu.memref_slice %arg3[%add3A_86, %dma_start3A_161, %dma_start3A_162] : memref<2560x2x128xi32, #tpu.memory_space<hbm>> -> memref<62x2x128xi32, #tpu.memory_space<hbm>>
        %dma_start3A_164 = arith.constant 0 : i32
        %dma_start3A_165 = arith.constant 0 : i32
        %dma_start3A_166 = arith.constant 0 : i32
        %dma_start3A_167 = tpu.memref_slice %arg6[%dma_start3A_164, %dma_start3A_165, %dma_start3A_166] : memref<62x2x128xi32, #tpu.memory_space<vmem>> -> memref<62x2x128xi32, #tpu.memory_space<vmem>>
        %dma_start3A_168 = arith.constant 0 : i32
        %dma_start3A_169 = arith.constant 0 : i32
        %dma_start3A_170 = tpu.memref_slice %arg3[%add3A_86, %dma_start3A_168, %dma_start3A_169] : memref<2560x2x128xi32, #tpu.memory_space<hbm>> -> memref<62x2x128xi32, #tpu.memory_space<hbm>>
        tpu.enqueue_dma source(%dma_start3A_170 : memref<62x2x128xi32, #tpu.memory_space<hbm>>) target(%dma_start3A_167 : memref<62x2x128xi32, #tpu.memory_space<vmem>>) target_semaphore(%run_scoped3A : memref<!tpu.dma_semaphore, #tpu.memory_space<semaphore_mem>>)
        %dma_wait3A_171 = arith.constant 0 : i32
        %dma_wait3A_172 = arith.constant 0 : i32
        %dma_wait3A_173 = arith.constant 0 : i32
        %dma_wait3A_174 = tpu.memref_slice %arg6[%dma_wait3A_171, %dma_wait3A_172, %dma_wait3A_173] : memref<62x2x128xi32, #tpu.memory_space<vmem>> -> memref<62x2x128xi32, #tpu.memory_space<vmem>>
        %dma_wait3A_175 = arith.constant 0 : i32
        %dma_wait3A_176 = arith.constant 0 : i32
        %dma_wait3A_177 = tpu.memref_slice %arg3[%add3A_86, %dma_wait3A_175, %dma_wait3A_176] : memref<2560x2x128xi32, #tpu.memory_space<hbm>> -> memref<62x2x128xi32, #tpu.memory_space<hbm>>
        %dma_wait3A_178 = arith.constant 0 : i32
        %dma_wait3A_179 = arith.constant 0 : i32
        %dma_wait3A_180 = arith.constant 0 : i32
        %dma_wait3A_181 = tpu.memref_slice %arg6[%dma_wait3A_178, %dma_wait3A_179, %dma_wait3A_180] : memref<62x2x128xi32, #tpu.memory_space<vmem>> -> memref<62x2x128xi32, #tpu.memory_space<vmem>>
        %dma_wait3A_182 = arith.constant 0 : i32
        %dma_wait3A_183 = arith.constant 0 : i32
        %dma_wait3A_184 = tpu.memref_slice %arg3[%add3A_86, %dma_wait3A_182, %dma_wait3A_183] : memref<2560x2x128xi32, #tpu.memory_space<hbm>> -> memref<62x2x128xi32, #tpu.memory_space<hbm>>
        tpu.wait_dma2 semaphore(%run_scoped3A : memref<!tpu.dma_semaphore, #tpu.memory_space<semaphore_mem>>) src(%dma_wait3A_184 : memref<62x2x128xi32, #tpu.memory_space<hbm>>) dst(%dma_wait3A_181 : memref<62x2x128xi32, #tpu.memory_space<vmem>>)
        tpu.yield
      }) : () -> ()
      %dma_start3A_87 = arith.constant 0 : i32
      %dma_start3A_88 = arith.constant 0 : i32
      %dma_start3A_89 = arith.constant 0 : i32
      %dma_start3A_90 = arith.constant 0 : i32
      %dma_start3A_91 = arith.constant 0 : i32
      %dma_start3A_92 = arith.constant 0 : i32
      %dma_start3A_93 = tpu.memref_slice %arg7[%dma_start3A_89, %dma_start3A_91, %dma_start3A_92] : memref<2x128x128xf32, #tpu.memory_space<vmem>> -> memref<1x128x128xf32, #tpu.memory_space<vmem>>
      %dma_start3A_94 = tpu.memref_squeeze %dma_start3A_93 : memref<1x128x128xf32, #tpu.memory_space<vmem>> -> memref<128x128xf32, #tpu.memory_space<vmem>>
      %dma_start3A_95 = arith.constant 0 : i32
      %dma_start3A_96 = tpu.memref_slice %arg6[%dma_start3A_87, %dma_start3A_88, %dma_start3A_95] : memref<62x2x128xi32, #tpu.memory_space<vmem>> -> memref<1x1x128xi32, #tpu.memory_space<vmem>>
      %dma_start3A_97 = tpu.memref_squeeze %dma_start3A_96 : memref<1x1x128xi32, #tpu.memory_space<vmem>> -> memref<128xi32, #tpu.memory_space<vmem>>
      %dma_start3A_98 = arith.constant 0 : i32
      %dma_start3A_99 = arith.constant 0 : i32
      %dma_start3A_100 = tpu.memref_slice %arg2[%dma_start3A_98, %dma_start3A_99] : memref<10240x128xf32, #tpu.memory_space<hbm>> -> memref<10240x128xf32, #tpu.memory_space<hbm>>
      %dma_start3A_101 = tpu.memref_slice %arg9[%dma_start3A_90] : memref<2x!tpu.dma_semaphore, #tpu.memory_space<semaphore_mem>> -> memref<1x!tpu.dma_semaphore, #tpu.memory_space<semaphore_mem>>
      %dma_start3A_102 = tpu.memref_squeeze %dma_start3A_101 : memref<1x!tpu.dma_semaphore, #tpu.memory_space<semaphore_mem>> -> memref<!tpu.dma_semaphore, #tpu.memory_space<semaphore_mem>>
      tpu.enqueue_indirect_dma source(%dma_start3A_100 : memref<10240x128xf32, #tpu.memory_space<hbm>>) target(%dma_start3A_94 : memref<128x128xf32, #tpu.memory_space<vmem>>) offsets(%dma_start3A_97 : memref<128xi32, #tpu.memory_space<vmem>>) semaphore(%dma_start3A_102 : memref<!tpu.dma_semaphore, #tpu.memory_space<semaphore_mem>>)
      %dma_start3A_103 = arith.constant 1 : i32
      %dma_start3A_104 = arith.constant 0 : i32
      %dma_start3A_105 = arith.constant 1 : i32
      %dma_start3A_106 = arith.constant 1 : i32
      %dma_start3A_107 = arith.constant 0 : i32
      %dma_start3A_108 = arith.constant 0 : i32
      %dma_start3A_109 = tpu.memref_slice %arg7[%dma_start3A_105, %dma_start3A_107, %dma_start3A_108] : memref<2x128x128xf32, #tpu.memory_space<vmem>> -> memref<1x128x128xf32, #tpu.memory_space<vmem>>
      %dma_start3A_110 = tpu.memref_squeeze %dma_start3A_109 : memref<1x128x128xf32, #tpu.memory_space<vmem>> -> memref<128x128xf32, #tpu.memory_space<vmem>>
      %dma_start3A_111 = arith.constant 0 : i32
      %dma_start3A_112 = tpu.memref_slice %arg6[%dma_start3A_103, %dma_start3A_104, %dma_start3A_111] : memref<62x2x128xi32, #tpu.memory_space<vmem>> -> memref<1x1x128xi32, #tpu.memory_space<vmem>>
      %dma_start3A_113 = tpu.memref_squeeze %dma_start3A_112 : memref<1x1x128xi32, #tpu.memory_space<vmem>> -> memref<128xi32, #tpu.memory_space<vmem>>
      %dma_start3A_114 = arith.constant 0 : i32
      %dma_start3A_115 = arith.constant 0 : i32
      %dma_start3A_116 = tpu.memref_slice %arg2[%dma_start3A_114, %dma_start3A_115] : memref<10240x128xf32, #tpu.memory_space<hbm>> -> memref<10240x128xf32, #tpu.memory_space<hbm>>
      %dma_start3A_117 = tpu.memref_slice %arg9[%dma_start3A_106] : memref<2x!tpu.dma_semaphore, #tpu.memory_space<semaphore_mem>> -> memref<1x!tpu.dma_semaphore, #tpu.memory_space<semaphore_mem>>
      %dma_start3A_118 = tpu.memref_squeeze %dma_start3A_117 : memref<1x!tpu.dma_semaphore, #tpu.memory_space<semaphore_mem>> -> memref<!tpu.dma_semaphore, #tpu.memory_space<semaphore_mem>>
      tpu.enqueue_indirect_dma source(%dma_start3A_116 : memref<10240x128xf32, #tpu.memory_space<hbm>>) target(%dma_start3A_110 : memref<128x128xf32, #tpu.memory_space<vmem>>) offsets(%dma_start3A_113 : memref<128xi32, #tpu.memory_space<vmem>>) semaphore(%dma_start3A_118 : memref<!tpu.dma_semaphore, #tpu.memory_space<semaphore_mem>>)
      %scan3A_119 = arith.constant 0 : i32
      %scan3A_120 = arith.constant 0 : i32
      %scan3A_121 = arith.constant 31 : i32
      %scan3A_122 = arith.addi %scan3A_120, %scan3A_121 : i32
      %scan3A_123 = arith.constant 1 : i32
      scf.for %scan3A_157 = %scan3A_120 to %scan3A_122 step %scan3A_123  : i32 {
        %mul3A_158 = arith.constant 2 : i32
        %mul3A_159 = arith.muli %scan3A_157, %mul3A_158 : i32
        %add3A_160 = arith.constant 0 : i32
        %add3A_161 = arith.addi %mul3A_159, %add3A_160 : i32
        %dma_wait3A_162 = arith.constant 0 : i32
        %dma_wait3A_163 = arith.constant 0 : i32
        %dma_wait3A_164 = arith.constant 0 : i32
        %dma_wait3A_165 = arith.constant 0 : i32
        %dma_wait3A_166 = arith.constant 0 : i32
        %dma_wait3A_167 = tpu.memref_slice %arg7[%dma_wait3A_163, %dma_wait3A_165, %dma_wait3A_166] : memref<2x128x128xf32, #tpu.memory_space<vmem>> -> memref<1x128x128xf32, #tpu.memory_space<vmem>>
        %dma_wait3A_168 = tpu.memref_squeeze %dma_wait3A_167 : memref<1x128x128xf32, #tpu.memory_space<vmem>> -> memref<128x128xf32, #tpu.memory_space<vmem>>
        %dma_wait3A_169 = arith.constant 0 : i32
        %dma_wait3A_170 = tpu.memref_slice %arg6[%add3A_161, %dma_wait3A_162, %dma_wait3A_169] : memref<62x2x128xi32, #tpu.memory_space<vmem>> -> memref<1x1x128xi32, #tpu.memory_space<vmem>>
        %dma_wait3A_171 = tpu.memref_squeeze %dma_wait3A_170 : memref<1x1x128xi32, #tpu.memory_space<vmem>> -> memref<128xi32, #tpu.memory_space<vmem>>
        %dma_wait3A_172 = arith.constant 0 : i32
        %dma_wait3A_173 = arith.constant 0 : i32
        %dma_wait3A_174 = tpu.memref_slice %arg2[%dma_wait3A_172, %dma_wait3A_173] : memref<10240x128xf32, #tpu.memory_space<hbm>> -> memref<10240x128xf32, #tpu.memory_space<hbm>>
        %dma_wait3A_175 = tpu.memref_slice %arg9[%dma_wait3A_164] : memref<2x!tpu.dma_semaphore, #tpu.memory_space<semaphore_mem>> -> memref<1x!tpu.dma_semaphore, #tpu.memory_space<semaphore_mem>>
        %dma_wait3A_176 = tpu.memref_squeeze %dma_wait3A_175 : memref<1x!tpu.dma_semaphore, #tpu.memory_space<semaphore_mem>> -> memref<!tpu.dma_semaphore, #tpu.memory_space<semaphore_mem>>
        tpu.wait_indirect_dma semaphore(%dma_wait3A_176 : memref<!tpu.dma_semaphore, #tpu.memory_space<semaphore_mem>>) src(%dma_wait3A_174 : memref<10240x128xf32, #tpu.memory_space<hbm>>) dst(%dma_wait3A_168 : memref<128x128xf32, #tpu.memory_space<vmem>>)
        %run_scoped3A = arith.constant 0 : i32
        %run_scoped3A_177 = arith.constant 1 : i32
        "tpu.region"() ({
          %run_scoped3A_238 = tpu.sem_alloc : memref<!tpu.dma_semaphore, #tpu.memory_space<semaphore_mem>>
          %dma_start3A_239 = arith.constant 0 : i32
          %dma_start3A_240 = arith.constant 0 : i32
          %dma_start3A_241 = tpu.memref_slice %arg7[%run_scoped3A, %dma_start3A_239, %dma_start3A_240] : memref<2x128x128xf32, #tpu.memory_space<vmem>> -> memref<1x128x128xf32, #tpu.memory_space<vmem>>
          %dma_start3A_242 = tpu.memref_squeeze %dma_start3A_241 : memref<1x128x128xf32, #tpu.memory_space<vmem>> -> memref<128x128xf32, #tpu.memory_space<vmem>>
          %dma_start3A_243 = arith.constant 0 : i32
          %dma_start3A_244 = tpu.memref_slice %arg6[%add3A_161, %run_scoped3A_177, %dma_start3A_243] : memref<62x2x128xi32, #tpu.memory_space<vmem>> -> memref<1x1x128xi32, #tpu.memory_space<vmem>>
          %dma_start3A_245 = tpu.memref_squeeze %dma_start3A_244 : memref<1x1x128xi32, #tpu.memory_space<vmem>> -> memref<128xi32, #tpu.memory_space<vmem>>
          %dma_start3A_246 = arith.constant 0 : i32
          %dma_start3A_247 = arith.constant 0 : i32
          %dma_start3A_248 = tpu.memref_slice %arg8[%dma_start3A_246, %dma_start3A_247] : memref<10240x128xf32, #tpu.memory_space<vmem_shared>> -> memref<10240x128xf32, #tpu.memory_space<vmem_shared>>
          tpu.enqueue_indirect_dma source(%dma_start3A_242 : memref<128x128xf32, #tpu.memory_space<vmem>>) target(%dma_start3A_248 : memref<10240x128xf32, #tpu.memory_space<vmem_shared>>) offsets(%dma_start3A_245 : memref<128xi32, #tpu.memory_space<vmem>>) semaphore(%run_scoped3A_238 : memref<!tpu.dma_semaphore, #tpu.memory_space<semaphore_mem>>) {add = true}
          %dma_wait3A_249 = arith.constant 0 : i32
          %dma_wait3A_250 = arith.constant 0 : i32
          %dma_wait3A_251 = tpu.memref_slice %arg7[%run_scoped3A, %dma_wait3A_249, %dma_wait3A_250] : memref<2x128x128xf32, #tpu.memory_space<vmem>> -> memref<1x128x128xf32, #tpu.memory_space<vmem>>
          %dma_wait3A_252 = tpu.memref_squeeze %dma_wait3A_251 : memref<1x128x128xf32, #tpu.memory_space<vmem>> -> memref<128x128xf32, #tpu.memory_space<vmem>>
          %dma_wait3A_253 = arith.constant 0 : i32
          %dma_wait3A_254 = tpu.memref_slice %arg6[%add3A_161, %run_scoped3A_177, %dma_wait3A_253] : memref<62x2x128xi32, #tpu.memory_space<vmem>> -> memref<1x1x128xi32, #tpu.memory_space<vmem>>
          %dma_wait3A_255 = tpu.memref_squeeze %dma_wait3A_254 : memref<1x1x128xi32, #tpu.memory_space<vmem>> -> memref<128xi32, #tpu.memory_space<vmem>>
          %dma_wait3A_256 = arith.constant 0 : i32
          %dma_wait3A_257 = arith.constant 0 : i32
          %dma_wait3A_258 = tpu.memref_slice %arg8[%dma_wait3A_256, %dma_wait3A_257] : memref<10240x128xf32, #tpu.memory_space<vmem_shared>> -> memref<10240x128xf32, #tpu.memory_space<vmem_shared>>
          tpu.wait_indirect_dma semaphore(%run_scoped3A_238 : memref<!tpu.dma_semaphore, #tpu.memory_space<semaphore_mem>>) src(%dma_wait3A_252 : memref<128x128xf32, #tpu.memory_space<vmem>>) dst(%dma_wait3A_258 : memref<10240x128xf32, #tpu.memory_space<vmem_shared>>)
          tpu.yield
        }) : () -> ()
        %add3A_178 = arith.constant 2 : i32
        %add3A_179 = arith.addi %add3A_161, %add3A_178 : i32
        %ge3A = arith.constant 62 : i32
        %ge3A_180 = arith.cmpi sge, %add3A_179, %ge3A : i32
        %sub3A = arith.constant 62 : i32
        %sub3A_181 = arith.subi %add3A_179, %sub3A : i32
        %select_n3A = arith.select %ge3A_180, %sub3A_181, %add3A_179 : i32
        %dma_start3A_182 = arith.constant 0 : i32
        %dma_start3A_183 = arith.constant 0 : i32
        %dma_start3A_184 = arith.constant 0 : i32
        %dma_start3A_185 = arith.constant 0 : i32
        %dma_start3A_186 = arith.constant 0 : i32
        %dma_start3A_187 = tpu.memref_slice %arg7[%dma_start3A_183, %dma_start3A_185, %dma_start3A_186] : memref<2x128x128xf32, #tpu.memory_space<vmem>> -> memref<1x128x128xf32, #tpu.memory_space<vmem>>
        %dma_start3A_188 = tpu.memref_squeeze %dma_start3A_187 : memref<1x128x128xf32, #tpu.memory_space<vmem>> -> memref<128x128xf32, #tpu.memory_space<vmem>>
        %dma_start3A_189 = arith.constant 0 : i32
        %dma_start3A_190 = tpu.memref_slice %arg6[%select_n3A, %dma_start3A_182, %dma_start3A_189] : memref<62x2x128xi32, #tpu.memory_space<vmem>> -> memref<1x1x128xi32, #tpu.memory_space<vmem>>
        %dma_start3A_191 = tpu.memref_squeeze %dma_start3A_190 : memref<1x1x128xi32, #tpu.memory_space<vmem>> -> memref<128xi32, #tpu.memory_space<vmem>>
        %dma_start3A_192 = arith.constant 0 : i32
        %dma_start3A_193 = arith.constant 0 : i32
        %dma_start3A_194 = tpu.memref_slice %arg2[%dma_start3A_192, %dma_start3A_193] : memref<10240x128xf32, #tpu.memory_space<hbm>> -> memref<10240x128xf32, #tpu.memory_space<hbm>>
        %dma_start3A_195 = tpu.memref_slice %arg9[%dma_start3A_184] : memref<2x!tpu.dma_semaphore, #tpu.memory_space<semaphore_mem>> -> memref<1x!tpu.dma_semaphore, #tpu.memory_space<semaphore_mem>>
        %dma_start3A_196 = tpu.memref_squeeze %dma_start3A_195 : memref<1x!tpu.dma_semaphore, #tpu.memory_space<semaphore_mem>> -> memref<!tpu.dma_semaphore, #tpu.memory_space<semaphore_mem>>
        tpu.enqueue_indirect_dma source(%dma_start3A_194 : memref<10240x128xf32, #tpu.memory_space<hbm>>) target(%dma_start3A_188 : memref<128x128xf32, #tpu.memory_space<vmem>>) offsets(%dma_start3A_191 : memref<128xi32, #tpu.memory_space<vmem>>) semaphore(%dma_start3A_196 : memref<!tpu.dma_semaphore, #tpu.memory_space<semaphore_mem>>)
        %add3A_197 = arith.constant 1 : i32
        %add3A_198 = arith.addi %mul3A_159, %add3A_197 : i32
        %dma_wait3A_199 = arith.constant 0 : i32
        %dma_wait3A_200 = arith.constant 1 : i32
        %dma_wait3A_201 = arith.constant 1 : i32
        %dma_wait3A_202 = arith.constant 0 : i32
        %dma_wait3A_203 = arith.constant 0 : i32
        %dma_wait3A_204 = tpu.memref_slice %arg7[%dma_wait3A_200, %dma_wait3A_202, %dma_wait3A_203] : memref<2x128x128xf32, #tpu.memory_space<vmem>> -> memref<1x128x128xf32, #tpu.memory_space<vmem>>
        %dma_wait3A_205 = tpu.memref_squeeze %dma_wait3A_204 : memref<1x128x128xf32, #tpu.memory_space<vmem>> -> memref<128x128xf32, #tpu.memory_space<vmem>>
        %dma_wait3A_206 = arith.constant 0 : i32
        %dma_wait3A_207 = tpu.memref_slice %arg6[%add3A_198, %dma_wait3A_199, %dma_wait3A_206] : memref<62x2x128xi32, #tpu.memory_space<vmem>> -> memref<1x1x128xi32, #tpu.memory_space<vmem>>
        %dma_wait3A_208 = tpu.memref_squeeze %dma_wait3A_207 : memref<1x1x128xi32, #tpu.memory_space<vmem>> -> memref<128xi32, #tpu.memory_space<vmem>>
        %dma_wait3A_209 = arith.constant 0 : i32
        %dma_wait3A_210 = arith.constant 0 : i32
        %dma_wait3A_211 = tpu.memref_slice %arg2[%dma_wait3A_209, %dma_wait3A_210] : memref<10240x128xf32, #tpu.memory_space<hbm>> -> memref<10240x128xf32, #tpu.memory_space<hbm>>
        %dma_wait3A_212 = tpu.memref_slice %arg9[%dma_wait3A_201] : memref<2x!tpu.dma_semaphore, #tpu.memory_space<semaphore_mem>> -> memref<1x!tpu.dma_semaphore, #tpu.memory_space<semaphore_mem>>
        %dma_wait3A_213 = tpu.memref_squeeze %dma_wait3A_212 : memref<1x!tpu.dma_semaphore, #tpu.memory_space<semaphore_mem>> -> memref<!tpu.dma_semaphore, #tpu.memory_space<semaphore_mem>>
        tpu.wait_indirect_dma semaphore(%dma_wait3A_213 : memref<!tpu.dma_semaphore, #tpu.memory_space<semaphore_mem>>) src(%dma_wait3A_211 : memref<10240x128xf32, #tpu.memory_space<hbm>>) dst(%dma_wait3A_205 : memref<128x128xf32, #tpu.memory_space<vmem>>)
        %run_scoped3A_214 = arith.constant 1 : i32
        %run_scoped3A_215 = arith.constant 1 : i32
        "tpu.region"() ({
          %run_scoped3A_238 = tpu.sem_alloc : memref<!tpu.dma_semaphore, #tpu.memory_space<semaphore_mem>>
          %dma_start3A_239 = arith.constant 0 : i32
          %dma_start3A_240 = arith.constant 0 : i32
          %dma_start3A_241 = tpu.memref_slice %arg7[%run_scoped3A_214, %dma_start3A_239, %dma_start3A_240] : memref<2x128x128xf32, #tpu.memory_space<vmem>> -> memref<1x128x128xf32, #tpu.memory_space<vmem>>
          %dma_start3A_242 = tpu.memref_squeeze %dma_start3A_241 : memref<1x128x128xf32, #tpu.memory_space<vmem>> -> memref<128x128xf32, #tpu.memory_space<vmem>>
          %dma_start3A_243 = arith.constant 0 : i32
          %dma_start3A_244 = tpu.memref_slice %arg6[%add3A_198, %run_scoped3A_215, %dma_start3A_243] : memref<62x2x128xi32, #tpu.memory_space<vmem>> -> memref<1x1x128xi32, #tpu.memory_space<vmem>>
          %dma_start3A_245 = tpu.memref_squeeze %dma_start3A_244 : memref<1x1x128xi32, #tpu.memory_space<vmem>> -> memref<128xi32, #tpu.memory_space<vmem>>
          %dma_start3A_246 = arith.constant 0 : i32
          %dma_start3A_247 = arith.constant 0 : i32
          %dma_start3A_248 = tpu.memref_slice %arg8[%dma_start3A_246, %dma_start3A_247] : memref<10240x128xf32, #tpu.memory_space<vmem_shared>> -> memref<10240x128xf32, #tpu.memory_space<vmem_shared>>
          tpu.enqueue_indirect_dma source(%dma_start3A_242 : memref<128x128xf32, #tpu.memory_space<vmem>>) target(%dma_start3A_248 : memref<10240x128xf32, #tpu.memory_space<vmem_shared>>) offsets(%dma_start3A_245 : memref<128xi32, #tpu.memory_space<vmem>>) semaphore(%run_scoped3A_238 : memref<!tpu.dma_semaphore, #tpu.memory_space<semaphore_mem>>) {add = true}
          %dma_wait3A_249 = arith.constant 0 : i32
          %dma_wait3A_250 = arith.constant 0 : i32
          %dma_wait3A_251 = tpu.memref_slice %arg7[%run_scoped3A_214, %dma_wait3A_249, %dma_wait3A_250] : memref<2x128x128xf32, #tpu.memory_space<vmem>> -> memref<1x128x128xf32, #tpu.memory_space<vmem>>
          %dma_wait3A_252 = tpu.memref_squeeze %dma_wait3A_251 : memref<1x128x128xf32, #tpu.memory_space<vmem>> -> memref<128x128xf32, #tpu.memory_space<vmem>>
          %dma_wait3A_253 = arith.constant 0 : i32
          %dma_wait3A_254 = tpu.memref_slice %arg6[%add3A_198, %run_scoped3A_215, %dma_wait3A_253] : memref<62x2x128xi32, #tpu.memory_space<vmem>> -> memref<1x1x128xi32, #tpu.memory_space<vmem>>
          %dma_wait3A_255 = tpu.memref_squeeze %dma_wait3A_254 : memref<1x1x128xi32, #tpu.memory_space<vmem>> -> memref<128xi32, #tpu.memory_space<vmem>>
          %dma_wait3A_256 = arith.constant 0 : i32
          %dma_wait3A_257 = arith.constant 0 : i32
          %dma_wait3A_258 = tpu.memref_slice %arg8[%dma_wait3A_256, %dma_wait3A_257] : memref<10240x128xf32, #tpu.memory_space<vmem_shared>> -> memref<10240x128xf32, #tpu.memory_space<vmem_shared>>
          tpu.wait_indirect_dma semaphore(%run_scoped3A_238 : memref<!tpu.dma_semaphore, #tpu.memory_space<semaphore_mem>>) src(%dma_wait3A_252 : memref<128x128xf32, #tpu.memory_space<vmem>>) dst(%dma_wait3A_258 : memref<10240x128xf32, #tpu.memory_space<vmem_shared>>)
          tpu.yield
        }) : () -> ()
        %add3A_216 = arith.constant 2 : i32
        %add3A_217 = arith.addi %add3A_198, %add3A_216 : i32
        %ge3A_218 = arith.constant 62 : i32
        %ge3A_219 = arith.cmpi sge, %add3A_217, %ge3A_218 : i32
        %sub3A_220 = arith.constant 62 : i32
        %sub3A_221 = arith.subi %add3A_217, %sub3A_220 : i32
        %select_n3A_222 = arith.select %ge3A_219, %sub3A_221, %add3A_217 : i32
        %dma_start3A_223 = arith.constant 0 : i32
        %dma_start3A_224 = arith.constant 1 : i32
        %dma_start3A_225 = arith.constant 1 : i32
        %dma_start3A_226 = arith.constant 0 : i32
        %dma_start3A_227 = arith.constant 0 : i32
        %dma_start3A_228 = tpu.memref_slice %arg7[%dma_start3A_224, %dma_start3A_226, %dma_start3A_227] : memref<2x128x128xf32, #tpu.memory_space<vmem>> -> memref<1x128x128xf32, #tpu.memory_space<vmem>>
        %dma_start3A_229 = tpu.memref_squeeze %dma_start3A_228 : memref<1x128x128xf32, #tpu.memory_space<vmem>> -> memref<128x128xf32, #tpu.memory_space<vmem>>
        %dma_start3A_230 = arith.constant 0 : i32
        %dma_start3A_231 = tpu.memref_slice %arg6[%select_n3A_222, %dma_start3A_223, %dma_start3A_230] : memref<62x2x128xi32, #tpu.memory_space<vmem>> -> memref<1x1x128xi32, #tpu.memory_space<vmem>>
        %dma_start3A_232 = tpu.memref_squeeze %dma_start3A_231 : memref<1x1x128xi32, #tpu.memory_space<vmem>> -> memref<128xi32, #tpu.memory_space<vmem>>
        %dma_start3A_233 = arith.constant 0 : i32
        %dma_start3A_234 = arith.constant 0 : i32
        %dma_start3A_235 = tpu.memref_slice %arg2[%dma_start3A_233, %dma_start3A_234] : memref<10240x128xf32, #tpu.memory_space<hbm>> -> memref<10240x128xf32, #tpu.memory_space<hbm>>
        %dma_start3A_236 = tpu.memref_slice %arg9[%dma_start3A_225] : memref<2x!tpu.dma_semaphore, #tpu.memory_space<semaphore_mem>> -> memref<1x!tpu.dma_semaphore, #tpu.memory_space<semaphore_mem>>
        %dma_start3A_237 = tpu.memref_squeeze %dma_start3A_236 : memref<1x!tpu.dma_semaphore, #tpu.memory_space<semaphore_mem>> -> memref<!tpu.dma_semaphore, #tpu.memory_space<semaphore_mem>>
        tpu.enqueue_indirect_dma source(%dma_start3A_235 : memref<10240x128xf32, #tpu.memory_space<hbm>>) target(%dma_start3A_229 : memref<128x128xf32, #tpu.memory_space<vmem>>) offsets(%dma_start3A_232 : memref<128xi32, #tpu.memory_space<vmem>>) semaphore(%dma_start3A_237 : memref<!tpu.dma_semaphore, #tpu.memory_space<semaphore_mem>>)
      }
      %scan3A_124 = arith.constant 31 : i32
      %dma_wait3A_125 = arith.constant 0 : i32
      %dma_wait3A_126 = arith.constant 0 : i32
      %dma_wait3A_127 = arith.constant 0 : i32
      %dma_wait3A_128 = arith.constant 0 : i32
      %dma_wait3A_129 = arith.constant 0 : i32
      %dma_wait3A_130 = arith.constant 0 : i32
      %dma_wait3A_131 = tpu.memref_slice %arg7[%dma_wait3A_127, %dma_wait3A_129, %dma_wait3A_130] : memref<2x128x128xf32, #tpu.memory_space<vmem>> -> memref<1x128x128xf32, #tpu.memory_space<vmem>>
      %dma_wait3A_132 = tpu.memref_squeeze %dma_wait3A_131 : memref<1x128x128xf32, #tpu.memory_space<vmem>> -> memref<128x128xf32, #tpu.memory_space<vmem>>
      %dma_wait3A_133 = arith.constant 0 : i32
      %dma_wait3A_134 = tpu.memref_slice %arg6[%dma_wait3A_125, %dma_wait3A_126, %dma_wait3A_133] : memref<62x2x128xi32, #tpu.memory_space<vmem>> -> memref<1x1x128xi32, #tpu.memory_space<vmem>>
      %dma_wait3A_135 = tpu.memref_squeeze %dma_wait3A_134 : memref<1x1x128xi32, #tpu.memory_space<vmem>> -> memref<128xi32, #tpu.memory_space<vmem>>
      %dma_wait3A_136 = arith.constant 0 : i32
      %dma_wait3A_137 = arith.constant 0 : i32
      %dma_wait3A_138 = tpu.memref_slice %arg2[%dma_wait3A_136, %dma_wait3A_137] : memref<10240x128xf32, #tpu.memory_space<hbm>> -> memref<10240x128xf32, #tpu.memory_space<hbm>>
      %dma_wait3A_139 = tpu.memref_slice %arg9[%dma_wait3A_128] : memref<2x!tpu.dma_semaphore, #tpu.memory_space<semaphore_mem>> -> memref<1x!tpu.dma_semaphore, #tpu.memory_space<semaphore_mem>>
      %dma_wait3A_140 = tpu.memref_squeeze %dma_wait3A_139 : memref<1x!tpu.dma_semaphore, #tpu.memory_space<semaphore_mem>> -> memref<!tpu.dma_semaphore, #tpu.memory_space<semaphore_mem>>
      tpu.wait_indirect_dma semaphore(%dma_wait3A_140 : memref<!tpu.dma_semaphore, #tpu.memory_space<semaphore_mem>>) src(%dma_wait3A_138 : memref<10240x128xf32, #tpu.memory_space<hbm>>) dst(%dma_wait3A_132 : memref<128x128xf32, #tpu.memory_space<vmem>>)
      %dma_wait3A_141 = arith.constant 1 : i32
      %dma_wait3A_142 = arith.constant 0 : i32
      %dma_wait3A_143 = arith.constant 1 : i32
      %dma_wait3A_144 = arith.constant 1 : i32
      %dma_wait3A_145 = arith.constant 0 : i32
      %dma_wait3A_146 = arith.constant 0 : i32
      %dma_wait3A_147 = tpu.memref_slice %arg7[%dma_wait3A_143, %dma_wait3A_145, %dma_wait3A_146] : memref<2x128x128xf32, #tpu.memory_space<vmem>> -> memref<1x128x128xf32, #tpu.memory_space<vmem>>
      %dma_wait3A_148 = tpu.memref_squeeze %dma_wait3A_147 : memref<1x128x128xf32, #tpu.memory_space<vmem>> -> memref<128x128xf32, #tpu.memory_space<vmem>>
      %dma_wait3A_149 = arith.constant 0 : i32
      %dma_wait3A_150 = tpu.memref_slice %arg6[%dma_wait3A_141, %dma_wait3A_142, %dma_wait3A_149] : memref<62x2x128xi32, #tpu.memory_space<vmem>> -> memref<1x1x128xi32, #tpu.memory_space<vmem>>
      %dma_wait3A_151 = tpu.memref_squeeze %dma_wait3A_150 : memref<1x1x128xi32, #tpu.memory_space<vmem>> -> memref<128xi32, #tpu.memory_space<vmem>>
      %dma_wait3A_152 = arith.constant 0 : i32
      %dma_wait3A_153 = arith.constant 0 : i32
      %dma_wait3A_154 = tpu.memref_slice %arg2[%dma_wait3A_152, %dma_wait3A_153] : memref<10240x128xf32, #tpu.memory_space<hbm>> -> memref<10240x128xf32, #tpu.memory_space<hbm>>
      %dma_wait3A_155 = tpu.memref_slice %arg9[%dma_wait3A_144] : memref<2x!tpu.dma_semaphore, #tpu.memory_space<semaphore_mem>> -> memref<1x!tpu.dma_semaphore, #tpu.memory_space<semaphore_mem>>
      %dma_wait3A_156 = tpu.memref_squeeze %dma_wait3A_155 : memref<1x!tpu.dma_semaphore, #tpu.memory_space<semaphore_mem>> -> memref<!tpu.dma_semaphore, #tpu.memory_space<semaphore_mem>>
      tpu.wait_indirect_dma semaphore(%dma_wait3A_156 : memref<!tpu.dma_semaphore, #tpu.memory_space<semaphore_mem>>) src(%dma_wait3A_154 : memref<10240x128xf32, #tpu.memory_space<hbm>>) dst(%dma_wait3A_148 : memref<128x128xf32, #tpu.memory_space<vmem>>)
    } else {
    }
    %eq3A_5 = arith.constant 1 : i32
    %eq3A_6 = arith.cmpi eq, %arg0, %eq3A_5 : i32
    %convert_element_type3A_7 = arith.extui %eq3A_6 : i1 to i32
    %cond3A_8 = arith.constant 0 : i32
    %cond3A_9 = arith.cmpi ne, %convert_element_type3A_7, %cond3A_8 : i32
    scf.if %cond3A_9 {
      %mul3A_15 = arith.constant 36 : i32
      %mul3A_16 = arith.muli %arg1, %mul3A_15 : i32
      %add3A = arith.constant 1984 : i32
      %add3A_17 = arith.addi %add3A, %mul3A_16 : i32
      %add3A_18 = arith.constant 0 : i32
      %add3A_19 = arith.addi %add3A_17, %add3A_18 : i32
      "tpu.region"() ({
        %run_scoped3A = tpu.sem_alloc : memref<!tpu.dma_semaphore, #tpu.memory_space<semaphore_mem>>
        %dma_start3A_159 = arith.constant 0 : i32
        %dma_start3A_160 = arith.constant 0 : i32
        %dma_start3A_161 = arith.constant 0 : i32
        %dma_start3A_162 = tpu.memref_slice %arg6[%dma_start3A_159, %dma_start3A_160, %dma_start3A_161] : memref<62x2x128xi32, #tpu.memory_space<vmem>> -> memref<18x2x128xi32, #tpu.memory_space<vmem>>
        %dma_start3A_163 = arith.constant 0 : i32
        %dma_start3A_164 = arith.constant 0 : i32
        %dma_start3A_165 = tpu.memref_slice %arg3[%add3A_19, %dma_start3A_163, %dma_start3A_164] : memref<2560x2x128xi32, #tpu.memory_space<hbm>> -> memref<18x2x128xi32, #tpu.memory_space<hbm>>
        %dma_start3A_166 = arith.constant 0 : i32
        %dma_start3A_167 = arith.constant 0 : i32
        %dma_start3A_168 = arith.constant 0 : i32
        %dma_start3A_169 = tpu.memref_slice %arg6[%dma_start3A_166, %dma_start3A_167, %dma_start3A_168] : memref<62x2x128xi32, #tpu.memory_space<vmem>> -> memref<18x2x128xi32, #tpu.memory_space<vmem>>
        %dma_start3A_170 = arith.constant 0 : i32
        %dma_start3A_171 = arith.constant 0 : i32
        %dma_start3A_172 = tpu.memref_slice %arg3[%add3A_19, %dma_start3A_170, %dma_start3A_171] : memref<2560x2x128xi32, #tpu.memory_space<hbm>> -> memref<18x2x128xi32, #tpu.memory_space<hbm>>
        tpu.enqueue_dma source(%dma_start3A_172 : memref<18x2x128xi32, #tpu.memory_space<hbm>>) target(%dma_start3A_169 : memref<18x2x128xi32, #tpu.memory_space<vmem>>) target_semaphore(%run_scoped3A : memref<!tpu.dma_semaphore, #tpu.memory_space<semaphore_mem>>)
        %dma_wait3A_173 = arith.constant 0 : i32
        %dma_wait3A_174 = arith.constant 0 : i32
        %dma_wait3A_175 = arith.constant 0 : i32
        %dma_wait3A_176 = tpu.memref_slice %arg6[%dma_wait3A_173, %dma_wait3A_174, %dma_wait3A_175] : memref<62x2x128xi32, #tpu.memory_space<vmem>> -> memref<18x2x128xi32, #tpu.memory_space<vmem>>
        %dma_wait3A_177 = arith.constant 0 : i32
        %dma_wait3A_178 = arith.constant 0 : i32
        %dma_wait3A_179 = tpu.memref_slice %arg3[%add3A_19, %dma_wait3A_177, %dma_wait3A_178] : memref<2560x2x128xi32, #tpu.memory_space<hbm>> -> memref<18x2x128xi32, #tpu.memory_space<hbm>>
        %dma_wait3A_180 = arith.constant 0 : i32
        %dma_wait3A_181 = arith.constant 0 : i32
        %dma_wait3A_182 = arith.constant 0 : i32
        %dma_wait3A_183 = tpu.memref_slice %arg6[%dma_wait3A_180, %dma_wait3A_181, %dma_wait3A_182] : memref<62x2x128xi32, #tpu.memory_space<vmem>> -> memref<18x2x128xi32, #tpu.memory_space<vmem>>
        %dma_wait3A_184 = arith.constant 0 : i32
        %dma_wait3A_185 = arith.constant 0 : i32
        %dma_wait3A_186 = tpu.memref_slice %arg3[%add3A_19, %dma_wait3A_184, %dma_wait3A_185] : memref<2560x2x128xi32, #tpu.memory_space<hbm>> -> memref<18x2x128xi32, #tpu.memory_space<hbm>>
        tpu.wait_dma2 semaphore(%run_scoped3A : memref<!tpu.dma_semaphore, #tpu.memory_space<semaphore_mem>>) src(%dma_wait3A_186 : memref<18x2x128xi32, #tpu.memory_space<hbm>>) dst(%dma_wait3A_183 : memref<18x2x128xi32, #tpu.memory_space<vmem>>)
        tpu.yield
      }) : () -> ()
      %dma_start3A = arith.constant 0 : i32
      %dma_start3A_20 = arith.constant 0 : i32
      %dma_start3A_21 = arith.constant 0 : i32
      %dma_start3A_22 = arith.constant 0 : i32
      %dma_start3A_23 = arith.constant 0 : i32
      %dma_start3A_24 = arith.constant 0 : i32
      %dma_start3A_25 = tpu.memref_slice %arg7[%dma_start3A_21, %dma_start3A_23, %dma_start3A_24] : memref<2x128x128xf32, #tpu.memory_space<vmem>> -> memref<1x128x128xf32, #tpu.memory_space<vmem>>
      %dma_start3A_26 = tpu.memref_squeeze %dma_start3A_25 : memref<1x128x128xf32, #tpu.memory_space<vmem>> -> memref<128x128xf32, #tpu.memory_space<vmem>>
      %dma_start3A_27 = arith.constant 0 : i32
      %dma_start3A_28 = tpu.memref_slice %arg6[%dma_start3A, %dma_start3A_20, %dma_start3A_27] : memref<62x2x128xi32, #tpu.memory_space<vmem>> -> memref<1x1x128xi32, #tpu.memory_space<vmem>>
      %dma_start3A_29 = tpu.memref_squeeze %dma_start3A_28 : memref<1x1x128xi32, #tpu.memory_space<vmem>> -> memref<128xi32, #tpu.memory_space<vmem>>
      %dma_start3A_30 = arith.constant 0 : i32
      %dma_start3A_31 = arith.constant 0 : i32
      %dma_start3A_32 = tpu.memref_slice %arg2[%dma_start3A_30, %dma_start3A_31] : memref<10240x128xf32, #tpu.memory_space<hbm>> -> memref<10240x128xf32, #tpu.memory_space<hbm>>
      %dma_start3A_33 = tpu.memref_slice %arg9[%dma_start3A_22] : memref<2x!tpu.dma_semaphore, #tpu.memory_space<semaphore_mem>> -> memref<1x!tpu.dma_semaphore, #tpu.memory_space<semaphore_mem>>
      %dma_start3A_34 = tpu.memref_squeeze %dma_start3A_33 : memref<1x!tpu.dma_semaphore, #tpu.memory_space<semaphore_mem>> -> memref<!tpu.dma_semaphore, #tpu.memory_space<semaphore_mem>>
      tpu.enqueue_indirect_dma source(%dma_start3A_32 : memref<10240x128xf32, #tpu.memory_space<hbm>>) target(%dma_start3A_26 : memref<128x128xf32, #tpu.memory_space<vmem>>) offsets(%dma_start3A_29 : memref<128xi32, #tpu.memory_space<vmem>>) semaphore(%dma_start3A_34 : memref<!tpu.dma_semaphore, #tpu.memory_space<semaphore_mem>>)
      %dma_start3A_35 = arith.constant 1 : i32
      %dma_start3A_36 = arith.constant 0 : i32
      %dma_start3A_37 = arith.constant 1 : i32
      %dma_start3A_38 = arith.constant 1 : i32
      %dma_start3A_39 = arith.constant 0 : i32
      %dma_start3A_40 = arith.constant 0 : i32
      %dma_start3A_41 = tpu.memref_slice %arg7[%dma_start3A_37, %dma_start3A_39, %dma_start3A_40] : memref<2x128x128xf32, #tpu.memory_space<vmem>> -> memref<1x128x128xf32, #tpu.memory_space<vmem>>
      %dma_start3A_42 = tpu.memref_squeeze %dma_start3A_41 : memref<1x128x128xf32, #tpu.memory_space<vmem>> -> memref<128x128xf32, #tpu.memory_space<vmem>>
      %dma_start3A_43 = arith.constant 0 : i32
      %dma_start3A_44 = tpu.memref_slice %arg6[%dma_start3A_35, %dma_start3A_36, %dma_start3A_43] : memref<62x2x128xi32, #tpu.memory_space<vmem>> -> memref<1x1x128xi32, #tpu.memory_space<vmem>>
      %dma_start3A_45 = tpu.memref_squeeze %dma_start3A_44 : memref<1x1x128xi32, #tpu.memory_space<vmem>> -> memref<128xi32, #tpu.memory_space<vmem>>
      %dma_start3A_46 = arith.constant 0 : i32
      %dma_start3A_47 = arith.constant 0 : i32
      %dma_start3A_48 = tpu.memref_slice %arg2[%dma_start3A_46, %dma_start3A_47] : memref<10240x128xf32, #tpu.memory_space<hbm>> -> memref<10240x128xf32, #tpu.memory_space<hbm>>
      %dma_start3A_49 = tpu.memref_slice %arg9[%dma_start3A_38] : memref<2x!tpu.dma_semaphore, #tpu.memory_space<semaphore_mem>> -> memref<1x!tpu.dma_semaphore, #tpu.memory_space<semaphore_mem>>
      %dma_start3A_50 = tpu.memref_squeeze %dma_start3A_49 : memref<1x!tpu.dma_semaphore, #tpu.memory_space<semaphore_mem>> -> memref<!tpu.dma_semaphore, #tpu.memory_space<semaphore_mem>>
      tpu.enqueue_indirect_dma source(%dma_start3A_48 : memref<10240x128xf32, #tpu.memory_space<hbm>>) target(%dma_start3A_42 : memref<128x128xf32, #tpu.memory_space<vmem>>) offsets(%dma_start3A_45 : memref<128xi32, #tpu.memory_space<vmem>>) semaphore(%dma_start3A_50 : memref<!tpu.dma_semaphore, #tpu.memory_space<semaphore_mem>>)
      %scan3A = arith.constant 0 : i32
      %scan3A_51 = arith.constant 0 : i32
      %scan3A_52 = arith.constant 9 : i32
      %scan3A_53 = arith.addi %scan3A_51, %scan3A_52 : i32
      %scan3A_54 = arith.constant 1 : i32
      scf.for %scan3A_159 = %scan3A_51 to %scan3A_53 step %scan3A_54  : i32 {
        %mul3A_160 = arith.constant 2 : i32
        %mul3A_161 = arith.muli %scan3A_159, %mul3A_160 : i32
        %add3A_162 = arith.constant 0 : i32
        %add3A_163 = arith.addi %mul3A_161, %add3A_162 : i32
        %dma_wait3A_164 = arith.constant 0 : i32
        %dma_wait3A_165 = arith.constant 0 : i32
        %dma_wait3A_166 = arith.constant 0 : i32
        %dma_wait3A_167 = arith.constant 0 : i32
        %dma_wait3A_168 = arith.constant 0 : i32
        %dma_wait3A_169 = tpu.memref_slice %arg7[%dma_wait3A_165, %dma_wait3A_167, %dma_wait3A_168] : memref<2x128x128xf32, #tpu.memory_space<vmem>> -> memref<1x128x128xf32, #tpu.memory_space<vmem>>
        %dma_wait3A_170 = tpu.memref_squeeze %dma_wait3A_169 : memref<1x128x128xf32, #tpu.memory_space<vmem>> -> memref<128x128xf32, #tpu.memory_space<vmem>>
        %dma_wait3A_171 = arith.constant 0 : i32
        %dma_wait3A_172 = tpu.memref_slice %arg6[%add3A_163, %dma_wait3A_164, %dma_wait3A_171] : memref<62x2x128xi32, #tpu.memory_space<vmem>> -> memref<1x1x128xi32, #tpu.memory_space<vmem>>
        %dma_wait3A_173 = tpu.memref_squeeze %dma_wait3A_172 : memref<1x1x128xi32, #tpu.memory_space<vmem>> -> memref<128xi32, #tpu.memory_space<vmem>>
        %dma_wait3A_174 = arith.constant 0 : i32
        %dma_wait3A_175 = arith.constant 0 : i32
        %dma_wait3A_176 = tpu.memref_slice %arg2[%dma_wait3A_174, %dma_wait3A_175] : memref<10240x128xf32, #tpu.memory_space<hbm>> -> memref<10240x128xf32, #tpu.memory_space<hbm>>
        %dma_wait3A_177 = tpu.memref_slice %arg9[%dma_wait3A_166] : memref<2x!tpu.dma_semaphore, #tpu.memory_space<semaphore_mem>> -> memref<1x!tpu.dma_semaphore, #tpu.memory_space<semaphore_mem>>
        %dma_wait3A_178 = tpu.memref_squeeze %dma_wait3A_177 : memref<1x!tpu.dma_semaphore, #tpu.memory_space<semaphore_mem>> -> memref<!tpu.dma_semaphore, #tpu.memory_space<semaphore_mem>>
        tpu.wait_indirect_dma semaphore(%dma_wait3A_178 : memref<!tpu.dma_semaphore, #tpu.memory_space<semaphore_mem>>) src(%dma_wait3A_176 : memref<10240x128xf32, #tpu.memory_space<hbm>>) dst(%dma_wait3A_170 : memref<128x128xf32, #tpu.memory_space<vmem>>)
        %run_scoped3A = arith.constant 0 : i32
        %run_scoped3A_179 = arith.constant 1 : i32
        "tpu.region"() ({
          %run_scoped3A_240 = tpu.sem_alloc : memref<!tpu.dma_semaphore, #tpu.memory_space<semaphore_mem>>
          %dma_start3A_241 = arith.constant 0 : i32
          %dma_start3A_242 = arith.constant 0 : i32
          %dma_start3A_243 = tpu.memref_slice %arg7[%run_scoped3A, %dma_start3A_241, %dma_start3A_242] : memref<2x128x128xf32, #tpu.memory_space<vmem>> -> memref<1x128x128xf32, #tpu.memory_space<vmem>>
          %dma_start3A_244 = tpu.memref_squeeze %dma_start3A_243 : memref<1x128x128xf32, #tpu.memory_space<vmem>> -> memref<128x128xf32, #tpu.memory_space<vmem>>
          %dma_start3A_245 = arith.constant 0 : i32
          %dma_start3A_246 = tpu.memref_slice %arg6[%add3A_163, %run_scoped3A_179, %dma_start3A_245] : memref<62x2x128xi32, #tpu.memory_space<vmem>> -> memref<1x1x128xi32, #tpu.memory_space<vmem>>
          %dma_start3A_247 = tpu.memref_squeeze %dma_start3A_246 : memref<1x1x128xi32, #tpu.memory_space<vmem>> -> memref<128xi32, #tpu.memory_space<vmem>>
          %dma_start3A_248 = arith.constant 0 : i32
          %dma_start3A_249 = arith.constant 0 : i32
          %dma_start3A_250 = tpu.memref_slice %arg8[%dma_start3A_248, %dma_start3A_249] : memref<10240x128xf32, #tpu.memory_space<vmem_shared>> -> memref<10240x128xf32, #tpu.memory_space<vmem_shared>>
          tpu.enqueue_indirect_dma source(%dma_start3A_244 : memref<128x128xf32, #tpu.memory_space<vmem>>) target(%dma_start3A_250 : memref<10240x128xf32, #tpu.memory_space<vmem_shared>>) offsets(%dma_start3A_247 : memref<128xi32, #tpu.memory_space<vmem>>) semaphore(%run_scoped3A_240 : memref<!tpu.dma_semaphore, #tpu.memory_space<semaphore_mem>>) {add = true}
          %dma_wait3A_251 = arith.constant 0 : i32
          %dma_wait3A_252 = arith.constant 0 : i32
          %dma_wait3A_253 = tpu.memref_slice %arg7[%run_scoped3A, %dma_wait3A_251, %dma_wait3A_252] : memref<2x128x128xf32, #tpu.memory_space<vmem>> -> memref<1x128x128xf32, #tpu.memory_space<vmem>>
          %dma_wait3A_254 = tpu.memref_squeeze %dma_wait3A_253 : memref<1x128x128xf32, #tpu.memory_space<vmem>> -> memref<128x128xf32, #tpu.memory_space<vmem>>
          %dma_wait3A_255 = arith.constant 0 : i32
          %dma_wait3A_256 = tpu.memref_slice %arg6[%add3A_163, %run_scoped3A_179, %dma_wait3A_255] : memref<62x2x128xi32, #tpu.memory_space<vmem>> -> memref<1x1x128xi32, #tpu.memory_space<vmem>>
          %dma_wait3A_257 = tpu.memref_squeeze %dma_wait3A_256 : memref<1x1x128xi32, #tpu.memory_space<vmem>> -> memref<128xi32, #tpu.memory_space<vmem>>
          %dma_wait3A_258 = arith.constant 0 : i32
          %dma_wait3A_259 = arith.constant 0 : i32
          %dma_wait3A_260 = tpu.memref_slice %arg8[%dma_wait3A_258, %dma_wait3A_259] : memref<10240x128xf32, #tpu.memory_space<vmem_shared>> -> memref<10240x128xf32, #tpu.memory_space<vmem_shared>>
          tpu.wait_indirect_dma semaphore(%run_scoped3A_240 : memref<!tpu.dma_semaphore, #tpu.memory_space<semaphore_mem>>) src(%dma_wait3A_254 : memref<128x128xf32, #tpu.memory_space<vmem>>) dst(%dma_wait3A_260 : memref<10240x128xf32, #tpu.memory_space<vmem_shared>>)
          tpu.yield
        }) : () -> ()
        %add3A_180 = arith.constant 2 : i32
        %add3A_181 = arith.addi %add3A_163, %add3A_180 : i32
        %ge3A = arith.constant 18 : i32
        %ge3A_182 = arith.cmpi sge, %add3A_181, %ge3A : i32
        %sub3A = arith.constant 18 : i32
        %sub3A_183 = arith.subi %add3A_181, %sub3A : i32
        %select_n3A = arith.select %ge3A_182, %sub3A_183, %add3A_181 : i32
        %dma_start3A_184 = arith.constant 0 : i32
        %dma_start3A_185 = arith.constant 0 : i32
        %dma_start3A_186 = arith.constant 0 : i32
        %dma_start3A_187 = arith.constant 0 : i32
        %dma_start3A_188 = arith.constant 0 : i32
        %dma_start3A_189 = tpu.memref_slice %arg7[%dma_start3A_185, %dma_start3A_187, %dma_start3A_188] : memref<2x128x128xf32, #tpu.memory_space<vmem>> -> memref<1x128x128xf32, #tpu.memory_space<vmem>>
        %dma_start3A_190 = tpu.memref_squeeze %dma_start3A_189 : memref<1x128x128xf32, #tpu.memory_space<vmem>> -> memref<128x128xf32, #tpu.memory_space<vmem>>
        %dma_start3A_191 = arith.constant 0 : i32
        %dma_start3A_192 = tpu.memref_slice %arg6[%select_n3A, %dma_start3A_184, %dma_start3A_191] : memref<62x2x128xi32, #tpu.memory_space<vmem>> -> memref<1x1x128xi32, #tpu.memory_space<vmem>>
        %dma_start3A_193 = tpu.memref_squeeze %dma_start3A_192 : memref<1x1x128xi32, #tpu.memory_space<vmem>> -> memref<128xi32, #tpu.memory_space<vmem>>
        %dma_start3A_194 = arith.constant 0 : i32
        %dma_start3A_195 = arith.constant 0 : i32
        %dma_start3A_196 = tpu.memref_slice %arg2[%dma_start3A_194, %dma_start3A_195] : memref<10240x128xf32, #tpu.memory_space<hbm>> -> memref<10240x128xf32, #tpu.memory_space<hbm>>
        %dma_start3A_197 = tpu.memref_slice %arg9[%dma_start3A_186] : memref<2x!tpu.dma_semaphore, #tpu.memory_space<semaphore_mem>> -> memref<1x!tpu.dma_semaphore, #tpu.memory_space<semaphore_mem>>
        %dma_start3A_198 = tpu.memref_squeeze %dma_start3A_197 : memref<1x!tpu.dma_semaphore, #tpu.memory_space<semaphore_mem>> -> memref<!tpu.dma_semaphore, #tpu.memory_space<semaphore_mem>>
        tpu.enqueue_indirect_dma source(%dma_start3A_196 : memref<10240x128xf32, #tpu.memory_space<hbm>>) target(%dma_start3A_190 : memref<128x128xf32, #tpu.memory_space<vmem>>) offsets(%dma_start3A_193 : memref<128xi32, #tpu.memory_space<vmem>>) semaphore(%dma_start3A_198 : memref<!tpu.dma_semaphore, #tpu.memory_space<semaphore_mem>>)
        %add3A_199 = arith.constant 1 : i32
        %add3A_200 = arith.addi %mul3A_161, %add3A_199 : i32
        %dma_wait3A_201 = arith.constant 0 : i32
        %dma_wait3A_202 = arith.constant 1 : i32
        %dma_wait3A_203 = arith.constant 1 : i32
        %dma_wait3A_204 = arith.constant 0 : i32
        %dma_wait3A_205 = arith.constant 0 : i32
        %dma_wait3A_206 = tpu.memref_slice %arg7[%dma_wait3A_202, %dma_wait3A_204, %dma_wait3A_205] : memref<2x128x128xf32, #tpu.memory_space<vmem>> -> memref<1x128x128xf32, #tpu.memory_space<vmem>>
        %dma_wait3A_207 = tpu.memref_squeeze %dma_wait3A_206 : memref<1x128x128xf32, #tpu.memory_space<vmem>> -> memref<128x128xf32, #tpu.memory_space<vmem>>
        %dma_wait3A_208 = arith.constant 0 : i32
        %dma_wait3A_209 = tpu.memref_slice %arg6[%add3A_200, %dma_wait3A_201, %dma_wait3A_208] : memref<62x2x128xi32, #tpu.memory_space<vmem>> -> memref<1x1x128xi32, #tpu.memory_space<vmem>>
        %dma_wait3A_210 = tpu.memref_squeeze %dma_wait3A_209 : memref<1x1x128xi32, #tpu.memory_space<vmem>> -> memref<128xi32, #tpu.memory_space<vmem>>
        %dma_wait3A_211 = arith.constant 0 : i32
        %dma_wait3A_212 = arith.constant 0 : i32
        %dma_wait3A_213 = tpu.memref_slice %arg2[%dma_wait3A_211, %dma_wait3A_212] : memref<10240x128xf32, #tpu.memory_space<hbm>> -> memref<10240x128xf32, #tpu.memory_space<hbm>>
        %dma_wait3A_214 = tpu.memref_slice %arg9[%dma_wait3A_203] : memref<2x!tpu.dma_semaphore, #tpu.memory_space<semaphore_mem>> -> memref<1x!tpu.dma_semaphore, #tpu.memory_space<semaphore_mem>>
        %dma_wait3A_215 = tpu.memref_squeeze %dma_wait3A_214 : memref<1x!tpu.dma_semaphore, #tpu.memory_space<semaphore_mem>> -> memref<!tpu.dma_semaphore, #tpu.memory_space<semaphore_mem>>
        tpu.wait_indirect_dma semaphore(%dma_wait3A_215 : memref<!tpu.dma_semaphore, #tpu.memory_space<semaphore_mem>>) src(%dma_wait3A_213 : memref<10240x128xf32, #tpu.memory_space<hbm>>) dst(%dma_wait3A_207 : memref<128x128xf32, #tpu.memory_space<vmem>>)
        %run_scoped3A_216 = arith.constant 1 : i32
        %run_scoped3A_217 = arith.constant 1 : i32
        "tpu.region"() ({
          %run_scoped3A_240 = tpu.sem_alloc : memref<!tpu.dma_semaphore, #tpu.memory_space<semaphore_mem>>
          %dma_start3A_241 = arith.constant 0 : i32
          %dma_start3A_242 = arith.constant 0 : i32
          %dma_start3A_243 = tpu.memref_slice %arg7[%run_scoped3A_216, %dma_start3A_241, %dma_start3A_242] : memref<2x128x128xf32, #tpu.memory_space<vmem>> -> memref<1x128x128xf32, #tpu.memory_space<vmem>>
          %dma_start3A_244 = tpu.memref_squeeze %dma_start3A_243 : memref<1x128x128xf32, #tpu.memory_space<vmem>> -> memref<128x128xf32, #tpu.memory_space<vmem>>
          %dma_start3A_245 = arith.constant 0 : i32
          %dma_start3A_246 = tpu.memref_slice %arg6[%add3A_200, %run_scoped3A_217, %dma_start3A_245] : memref<62x2x128xi32, #tpu.memory_space<vmem>> -> memref<1x1x128xi32, #tpu.memory_space<vmem>>
          %dma_start3A_247 = tpu.memref_squeeze %dma_start3A_246 : memref<1x1x128xi32, #tpu.memory_space<vmem>> -> memref<128xi32, #tpu.memory_space<vmem>>
          %dma_start3A_248 = arith.constant 0 : i32
          %dma_start3A_249 = arith.constant 0 : i32
          %dma_start3A_250 = tpu.memref_slice %arg8[%dma_start3A_248, %dma_start3A_249] : memref<10240x128xf32, #tpu.memory_space<vmem_shared>> -> memref<10240x128xf32, #tpu.memory_space<vmem_shared>>
          tpu.enqueue_indirect_dma source(%dma_start3A_244 : memref<128x128xf32, #tpu.memory_space<vmem>>) target(%dma_start3A_250 : memref<10240x128xf32, #tpu.memory_space<vmem_shared>>) offsets(%dma_start3A_247 : memref<128xi32, #tpu.memory_space<vmem>>) semaphore(%run_scoped3A_240 : memref<!tpu.dma_semaphore, #tpu.memory_space<semaphore_mem>>) {add = true}
          %dma_wait3A_251 = arith.constant 0 : i32
          %dma_wait3A_252 = arith.constant 0 : i32
          %dma_wait3A_253 = tpu.memref_slice %arg7[%run_scoped3A_216, %dma_wait3A_251, %dma_wait3A_252] : memref<2x128x128xf32, #tpu.memory_space<vmem>> -> memref<1x128x128xf32, #tpu.memory_space<vmem>>
          %dma_wait3A_254 = tpu.memref_squeeze %dma_wait3A_253 : memref<1x128x128xf32, #tpu.memory_space<vmem>> -> memref<128x128xf32, #tpu.memory_space<vmem>>
          %dma_wait3A_255 = arith.constant 0 : i32
          %dma_wait3A_256 = tpu.memref_slice %arg6[%add3A_200, %run_scoped3A_217, %dma_wait3A_255] : memref<62x2x128xi32, #tpu.memory_space<vmem>> -> memref<1x1x128xi32, #tpu.memory_space<vmem>>
          %dma_wait3A_257 = tpu.memref_squeeze %dma_wait3A_256 : memref<1x1x128xi32, #tpu.memory_space<vmem>> -> memref<128xi32, #tpu.memory_space<vmem>>
          %dma_wait3A_258 = arith.constant 0 : i32
          %dma_wait3A_259 = arith.constant 0 : i32
          %dma_wait3A_260 = tpu.memref_slice %arg8[%dma_wait3A_258, %dma_wait3A_259] : memref<10240x128xf32, #tpu.memory_space<vmem_shared>> -> memref<10240x128xf32, #tpu.memory_space<vmem_shared>>
          tpu.wait_indirect_dma semaphore(%run_scoped3A_240 : memref<!tpu.dma_semaphore, #tpu.memory_space<semaphore_mem>>) src(%dma_wait3A_254 : memref<128x128xf32, #tpu.memory_space<vmem>>) dst(%dma_wait3A_260 : memref<10240x128xf32, #tpu.memory_space<vmem_shared>>)
          tpu.yield
        }) : () -> ()
        %add3A_218 = arith.constant 2 : i32
        %add3A_219 = arith.addi %add3A_200, %add3A_218 : i32
        %ge3A_220 = arith.constant 18 : i32
        %ge3A_221 = arith.cmpi sge, %add3A_219, %ge3A_220 : i32
        %sub3A_222 = arith.constant 18 : i32
        %sub3A_223 = arith.subi %add3A_219, %sub3A_222 : i32
        %select_n3A_224 = arith.select %ge3A_221, %sub3A_223, %add3A_219 : i32
        %dma_start3A_225 = arith.constant 0 : i32
        %dma_start3A_226 = arith.constant 1 : i32
        %dma_start3A_227 = arith.constant 1 : i32
        %dma_start3A_228 = arith.constant 0 : i32
        %dma_start3A_229 = arith.constant 0 : i32
        %dma_start3A_230 = tpu.memref_slice %arg7[%dma_start3A_226, %dma_start3A_228, %dma_start3A_229] : memref<2x128x128xf32, #tpu.memory_space<vmem>> -> memref<1x128x128xf32, #tpu.memory_space<vmem>>
        %dma_start3A_231 = tpu.memref_squeeze %dma_start3A_230 : memref<1x128x128xf32, #tpu.memory_space<vmem>> -> memref<128x128xf32, #tpu.memory_space<vmem>>
        %dma_start3A_232 = arith.constant 0 : i32
        %dma_start3A_233 = tpu.memref_slice %arg6[%select_n3A_224, %dma_start3A_225, %dma_start3A_232] : memref<62x2x128xi32, #tpu.memory_space<vmem>> -> memref<1x1x128xi32, #tpu.memory_space<vmem>>
        %dma_start3A_234 = tpu.memref_squeeze %dma_start3A_233 : memref<1x1x128xi32, #tpu.memory_space<vmem>> -> memref<128xi32, #tpu.memory_space<vmem>>
        %dma_start3A_235 = arith.constant 0 : i32
        %dma_start3A_236 = arith.constant 0 : i32
        %dma_start3A_237 = tpu.memref_slice %arg2[%dma_start3A_235, %dma_start3A_236] : memref<10240x128xf32, #tpu.memory_space<hbm>> -> memref<10240x128xf32, #tpu.memory_space<hbm>>
        %dma_start3A_238 = tpu.memref_slice %arg9[%dma_start3A_227] : memref<2x!tpu.dma_semaphore, #tpu.memory_space<semaphore_mem>> -> memref<1x!tpu.dma_semaphore, #tpu.memory_space<semaphore_mem>>
        %dma_start3A_239 = tpu.memref_squeeze %dma_start3A_238 : memref<1x!tpu.dma_semaphore, #tpu.memory_space<semaphore_mem>> -> memref<!tpu.dma_semaphore, #tpu.memory_space<semaphore_mem>>
        tpu.enqueue_indirect_dma source(%dma_start3A_237 : memref<10240x128xf32, #tpu.memory_space<hbm>>) target(%dma_start3A_231 : memref<128x128xf32, #tpu.memory_space<vmem>>) offsets(%dma_start3A_234 : memref<128xi32, #tpu.memory_space<vmem>>) semaphore(%dma_start3A_239 : memref<!tpu.dma_semaphore, #tpu.memory_space<semaphore_mem>>)
      }
      %scan3A_55 = arith.constant 9 : i32
      %dma_wait3A = arith.constant 0 : i32
      %dma_wait3A_56 = arith.constant 0 : i32
      %dma_wait3A_57 = arith.constant 0 : i32
      %dma_wait3A_58 = arith.constant 0 : i32
      %dma_wait3A_59 = arith.constant 0 : i32
      %dma_wait3A_60 = arith.constant 0 : i32
      %dma_wait3A_61 = tpu.memref_slice %arg7[%dma_wait3A_57, %dma_wait3A_59, %dma_wait3A_60] : memref<2x128x128xf32, #tpu.memory_space<vmem>> -> memref<1x128x128xf32, #tpu.memory_space<vmem>>
      %dma_wait3A_62 = tpu.memref_squeeze %dma_wait3A_61 : memref<1x128x128xf32, #tpu.memory_space<vmem>> -> memref<128x128xf32, #tpu.memory_space<vmem>>
      %dma_wait3A_63 = arith.constant 0 : i32
      %dma_wait3A_64 = tpu.memref_slice %arg6[%dma_wait3A, %dma_wait3A_56, %dma_wait3A_63] : memref<62x2x128xi32, #tpu.memory_space<vmem>> -> memref<1x1x128xi32, #tpu.memory_space<vmem>>
      %dma_wait3A_65 = tpu.memref_squeeze %dma_wait3A_64 : memref<1x1x128xi32, #tpu.memory_space<vmem>> -> memref<128xi32, #tpu.memory_space<vmem>>
      %dma_wait3A_66 = arith.constant 0 : i32
      %dma_wait3A_67 = arith.constant 0 : i32
      %dma_wait3A_68 = tpu.memref_slice %arg2[%dma_wait3A_66, %dma_wait3A_67] : memref<10240x128xf32, #tpu.memory_space<hbm>> -> memref<10240x128xf32, #tpu.memory_space<hbm>>
      %dma_wait3A_69 = tpu.memref_slice %arg9[%dma_wait3A_58] : memref<2x!tpu.dma_semaphore, #tpu.memory_space<semaphore_mem>> -> memref<1x!tpu.dma_semaphore, #tpu.memory_space<semaphore_mem>>
      %dma_wait3A_70 = tpu.memref_squeeze %dma_wait3A_69 : memref<1x!tpu.dma_semaphore, #tpu.memory_space<semaphore_mem>> -> memref<!tpu.dma_semaphore, #tpu.memory_space<semaphore_mem>>
      tpu.wait_indirect_dma semaphore(%dma_wait3A_70 : memref<!tpu.dma_semaphore, #tpu.memory_space<semaphore_mem>>) src(%dma_wait3A_68 : memref<10240x128xf32, #tpu.memory_space<hbm>>) dst(%dma_wait3A_62 : memref<128x128xf32, #tpu.memory_space<vmem>>)
      %dma_wait3A_71 = arith.constant 1 : i32
      %dma_wait3A_72 = arith.constant 0 : i32
      %dma_wait3A_73 = arith.constant 1 : i32
      %dma_wait3A_74 = arith.constant 1 : i32
      %dma_wait3A_75 = arith.constant 0 : i32
      %dma_wait3A_76 = arith.constant 0 : i32
      %dma_wait3A_77 = tpu.memref_slice %arg7[%dma_wait3A_73, %dma_wait3A_75, %dma_wait3A_76] : memref<2x128x128xf32, #tpu.memory_space<vmem>> -> memref<1x128x128xf32, #tpu.memory_space<vmem>>
      %dma_wait3A_78 = tpu.memref_squeeze %dma_wait3A_77 : memref<1x128x128xf32, #tpu.memory_space<vmem>> -> memref<128x128xf32, #tpu.memory_space<vmem>>
      %dma_wait3A_79 = arith.constant 0 : i32
      %dma_wait3A_80 = tpu.memref_slice %arg6[%dma_wait3A_71, %dma_wait3A_72, %dma_wait3A_79] : memref<62x2x128xi32, #tpu.memory_space<vmem>> -> memref<1x1x128xi32, #tpu.memory_space<vmem>>
      %dma_wait3A_81 = tpu.memref_squeeze %dma_wait3A_80 : memref<1x1x128xi32, #tpu.memory_space<vmem>> -> memref<128xi32, #tpu.memory_space<vmem>>
      %dma_wait3A_82 = arith.constant 0 : i32
      %dma_wait3A_83 = arith.constant 0 : i32
      %dma_wait3A_84 = tpu.memref_slice %arg2[%dma_wait3A_82, %dma_wait3A_83] : memref<10240x128xf32, #tpu.memory_space<hbm>> -> memref<10240x128xf32, #tpu.memory_space<hbm>>
      %dma_wait3A_85 = tpu.memref_slice %arg9[%dma_wait3A_74] : memref<2x!tpu.dma_semaphore, #tpu.memory_space<semaphore_mem>> -> memref<1x!tpu.dma_semaphore, #tpu.memory_space<semaphore_mem>>
      %dma_wait3A_86 = tpu.memref_squeeze %dma_wait3A_85 : memref<1x!tpu.dma_semaphore, #tpu.memory_space<semaphore_mem>> -> memref<!tpu.dma_semaphore, #tpu.memory_space<semaphore_mem>>
      tpu.wait_indirect_dma semaphore(%dma_wait3A_86 : memref<!tpu.dma_semaphore, #tpu.memory_space<semaphore_mem>>) src(%dma_wait3A_84 : memref<10240x128xf32, #tpu.memory_space<hbm>>) dst(%dma_wait3A_78 : memref<128x128xf32, #tpu.memory_space<vmem>>)
      %add3A_87 = arith.constant 18 : i32
      %add3A_88 = arith.addi %add3A_17, %add3A_87 : i32
      "tpu.region"() ({
        %run_scoped3A = tpu.sem_alloc : memref<!tpu.dma_semaphore, #tpu.memory_space<semaphore_mem>>
        %dma_start3A_159 = arith.constant 0 : i32
        %dma_start3A_160 = arith.constant 0 : i32
        %dma_start3A_161 = arith.constant 0 : i32
        %dma_start3A_162 = tpu.memref_slice %arg6[%dma_start3A_159, %dma_start3A_160, %dma_start3A_161] : memref<62x2x128xi32, #tpu.memory_space<vmem>> -> memref<18x2x128xi32, #tpu.memory_space<vmem>>
        %dma_start3A_163 = arith.constant 0 : i32
        %dma_start3A_164 = arith.constant 0 : i32
        %dma_start3A_165 = tpu.memref_slice %arg3[%add3A_88, %dma_start3A_163, %dma_start3A_164] : memref<2560x2x128xi32, #tpu.memory_space<hbm>> -> memref<18x2x128xi32, #tpu.memory_space<hbm>>
        %dma_start3A_166 = arith.constant 0 : i32
        %dma_start3A_167 = arith.constant 0 : i32
        %dma_start3A_168 = arith.constant 0 : i32
        %dma_start3A_169 = tpu.memref_slice %arg6[%dma_start3A_166, %dma_start3A_167, %dma_start3A_168] : memref<62x2x128xi32, #tpu.memory_space<vmem>> -> memref<18x2x128xi32, #tpu.memory_space<vmem>>
        %dma_start3A_170 = arith.constant 0 : i32
        %dma_start3A_171 = arith.constant 0 : i32
        %dma_start3A_172 = tpu.memref_slice %arg3[%add3A_88, %dma_start3A_170, %dma_start3A_171] : memref<2560x2x128xi32, #tpu.memory_space<hbm>> -> memref<18x2x128xi32, #tpu.memory_space<hbm>>
        tpu.enqueue_dma source(%dma_start3A_172 : memref<18x2x128xi32, #tpu.memory_space<hbm>>) target(%dma_start3A_169 : memref<18x2x128xi32, #tpu.memory_space<vmem>>) target_semaphore(%run_scoped3A : memref<!tpu.dma_semaphore, #tpu.memory_space<semaphore_mem>>)
        %dma_wait3A_173 = arith.constant 0 : i32
        %dma_wait3A_174 = arith.constant 0 : i32
        %dma_wait3A_175 = arith.constant 0 : i32
        %dma_wait3A_176 = tpu.memref_slice %arg6[%dma_wait3A_173, %dma_wait3A_174, %dma_wait3A_175] : memref<62x2x128xi32, #tpu.memory_space<vmem>> -> memref<18x2x128xi32, #tpu.memory_space<vmem>>
        %dma_wait3A_177 = arith.constant 0 : i32
        %dma_wait3A_178 = arith.constant 0 : i32
        %dma_wait3A_179 = tpu.memref_slice %arg3[%add3A_88, %dma_wait3A_177, %dma_wait3A_178] : memref<2560x2x128xi32, #tpu.memory_space<hbm>> -> memref<18x2x128xi32, #tpu.memory_space<hbm>>
        %dma_wait3A_180 = arith.constant 0 : i32
        %dma_wait3A_181 = arith.constant 0 : i32
        %dma_wait3A_182 = arith.constant 0 : i32
        %dma_wait3A_183 = tpu.memref_slice %arg6[%dma_wait3A_180, %dma_wait3A_181, %dma_wait3A_182] : memref<62x2x128xi32, #tpu.memory_space<vmem>> -> memref<18x2x128xi32, #tpu.memory_space<vmem>>
        %dma_wait3A_184 = arith.constant 0 : i32
        %dma_wait3A_185 = arith.constant 0 : i32
        %dma_wait3A_186 = tpu.memref_slice %arg3[%add3A_88, %dma_wait3A_184, %dma_wait3A_185] : memref<2560x2x128xi32, #tpu.memory_space<hbm>> -> memref<18x2x128xi32, #tpu.memory_space<hbm>>
        tpu.wait_dma2 semaphore(%run_scoped3A : memref<!tpu.dma_semaphore, #tpu.memory_space<semaphore_mem>>) src(%dma_wait3A_186 : memref<18x2x128xi32, #tpu.memory_space<hbm>>) dst(%dma_wait3A_183 : memref<18x2x128xi32, #tpu.memory_space<vmem>>)
        tpu.yield
      }) : () -> ()
      %dma_start3A_89 = arith.constant 0 : i32
      %dma_start3A_90 = arith.constant 0 : i32
      %dma_start3A_91 = arith.constant 0 : i32
      %dma_start3A_92 = arith.constant 0 : i32
      %dma_start3A_93 = arith.constant 0 : i32
      %dma_start3A_94 = arith.constant 0 : i32
      %dma_start3A_95 = tpu.memref_slice %arg7[%dma_start3A_91, %dma_start3A_93, %dma_start3A_94] : memref<2x128x128xf32, #tpu.memory_space<vmem>> -> memref<1x128x128xf32, #tpu.memory_space<vmem>>
      %dma_start3A_96 = tpu.memref_squeeze %dma_start3A_95 : memref<1x128x128xf32, #tpu.memory_space<vmem>> -> memref<128x128xf32, #tpu.memory_space<vmem>>
      %dma_start3A_97 = arith.constant 0 : i32
      %dma_start3A_98 = tpu.memref_slice %arg6[%dma_start3A_89, %dma_start3A_90, %dma_start3A_97] : memref<62x2x128xi32, #tpu.memory_space<vmem>> -> memref<1x1x128xi32, #tpu.memory_space<vmem>>
      %dma_start3A_99 = tpu.memref_squeeze %dma_start3A_98 : memref<1x1x128xi32, #tpu.memory_space<vmem>> -> memref<128xi32, #tpu.memory_space<vmem>>
      %dma_start3A_100 = arith.constant 0 : i32
      %dma_start3A_101 = arith.constant 0 : i32
      %dma_start3A_102 = tpu.memref_slice %arg2[%dma_start3A_100, %dma_start3A_101] : memref<10240x128xf32, #tpu.memory_space<hbm>> -> memref<10240x128xf32, #tpu.memory_space<hbm>>
      %dma_start3A_103 = tpu.memref_slice %arg9[%dma_start3A_92] : memref<2x!tpu.dma_semaphore, #tpu.memory_space<semaphore_mem>> -> memref<1x!tpu.dma_semaphore, #tpu.memory_space<semaphore_mem>>
      %dma_start3A_104 = tpu.memref_squeeze %dma_start3A_103 : memref<1x!tpu.dma_semaphore, #tpu.memory_space<semaphore_mem>> -> memref<!tpu.dma_semaphore, #tpu.memory_space<semaphore_mem>>
      tpu.enqueue_indirect_dma source(%dma_start3A_102 : memref<10240x128xf32, #tpu.memory_space<hbm>>) target(%dma_start3A_96 : memref<128x128xf32, #tpu.memory_space<vmem>>) offsets(%dma_start3A_99 : memref<128xi32, #tpu.memory_space<vmem>>) semaphore(%dma_start3A_104 : memref<!tpu.dma_semaphore, #tpu.memory_space<semaphore_mem>>)
      %dma_start3A_105 = arith.constant 1 : i32
      %dma_start3A_106 = arith.constant 0 : i32
      %dma_start3A_107 = arith.constant 1 : i32
      %dma_start3A_108 = arith.constant 1 : i32
      %dma_start3A_109 = arith.constant 0 : i32
      %dma_start3A_110 = arith.constant 0 : i32
      %dma_start3A_111 = tpu.memref_slice %arg7[%dma_start3A_107, %dma_start3A_109, %dma_start3A_110] : memref<2x128x128xf32, #tpu.memory_space<vmem>> -> memref<1x128x128xf32, #tpu.memory_space<vmem>>
      %dma_start3A_112 = tpu.memref_squeeze %dma_start3A_111 : memref<1x128x128xf32, #tpu.memory_space<vmem>> -> memref<128x128xf32, #tpu.memory_space<vmem>>
      %dma_start3A_113 = arith.constant 0 : i32
      %dma_start3A_114 = tpu.memref_slice %arg6[%dma_start3A_105, %dma_start3A_106, %dma_start3A_113] : memref<62x2x128xi32, #tpu.memory_space<vmem>> -> memref<1x1x128xi32, #tpu.memory_space<vmem>>
      %dma_start3A_115 = tpu.memref_squeeze %dma_start3A_114 : memref<1x1x128xi32, #tpu.memory_space<vmem>> -> memref<128xi32, #tpu.memory_space<vmem>>
      %dma_start3A_116 = arith.constant 0 : i32
      %dma_start3A_117 = arith.constant 0 : i32
      %dma_start3A_118 = tpu.memref_slice %arg2[%dma_start3A_116, %dma_start3A_117] : memref<10240x128xf32, #tpu.memory_space<hbm>> -> memref<10240x128xf32, #tpu.memory_space<hbm>>
      %dma_start3A_119 = tpu.memref_slice %arg9[%dma_start3A_108] : memref<2x!tpu.dma_semaphore, #tpu.memory_space<semaphore_mem>> -> memref<1x!tpu.dma_semaphore, #tpu.memory_space<semaphore_mem>>
      %dma_start3A_120 = tpu.memref_squeeze %dma_start3A_119 : memref<1x!tpu.dma_semaphore, #tpu.memory_space<semaphore_mem>> -> memref<!tpu.dma_semaphore, #tpu.memory_space<semaphore_mem>>
      tpu.enqueue_indirect_dma source(%dma_start3A_118 : memref<10240x128xf32, #tpu.memory_space<hbm>>) target(%dma_start3A_112 : memref<128x128xf32, #tpu.memory_space<vmem>>) offsets(%dma_start3A_115 : memref<128xi32, #tpu.memory_space<vmem>>) semaphore(%dma_start3A_120 : memref<!tpu.dma_semaphore, #tpu.memory_space<semaphore_mem>>)
      %scan3A_121 = arith.constant 0 : i32
      %scan3A_122 = arith.constant 0 : i32
      %scan3A_123 = arith.constant 9 : i32
      %scan3A_124 = arith.addi %scan3A_122, %scan3A_123 : i32
      %scan3A_125 = arith.constant 1 : i32
      scf.for %scan3A_159 = %scan3A_122 to %scan3A_124 step %scan3A_125  : i32 {
        %mul3A_160 = arith.constant 2 : i32
        %mul3A_161 = arith.muli %scan3A_159, %mul3A_160 : i32
        %add3A_162 = arith.constant 0 : i32
        %add3A_163 = arith.addi %mul3A_161, %add3A_162 : i32
        %dma_wait3A_164 = arith.constant 0 : i32
        %dma_wait3A_165 = arith.constant 0 : i32
        %dma_wait3A_166 = arith.constant 0 : i32
        %dma_wait3A_167 = arith.constant 0 : i32
        %dma_wait3A_168 = arith.constant 0 : i32
        %dma_wait3A_169 = tpu.memref_slice %arg7[%dma_wait3A_165, %dma_wait3A_167, %dma_wait3A_168] : memref<2x128x128xf32, #tpu.memory_space<vmem>> -> memref<1x128x128xf32, #tpu.memory_space<vmem>>
        %dma_wait3A_170 = tpu.memref_squeeze %dma_wait3A_169 : memref<1x128x128xf32, #tpu.memory_space<vmem>> -> memref<128x128xf32, #tpu.memory_space<vmem>>
        %dma_wait3A_171 = arith.constant 0 : i32
        %dma_wait3A_172 = tpu.memref_slice %arg6[%add3A_163, %dma_wait3A_164, %dma_wait3A_171] : memref<62x2x128xi32, #tpu.memory_space<vmem>> -> memref<1x1x128xi32, #tpu.memory_space<vmem>>
        %dma_wait3A_173 = tpu.memref_squeeze %dma_wait3A_172 : memref<1x1x128xi32, #tpu.memory_space<vmem>> -> memref<128xi32, #tpu.memory_space<vmem>>
        %dma_wait3A_174 = arith.constant 0 : i32
        %dma_wait3A_175 = arith.constant 0 : i32
        %dma_wait3A_176 = tpu.memref_slice %arg2[%dma_wait3A_174, %dma_wait3A_175] : memref<10240x128xf32, #tpu.memory_space<hbm>> -> memref<10240x128xf32, #tpu.memory_space<hbm>>
        %dma_wait3A_177 = tpu.memref_slice %arg9[%dma_wait3A_166] : memref<2x!tpu.dma_semaphore, #tpu.memory_space<semaphore_mem>> -> memref<1x!tpu.dma_semaphore, #tpu.memory_space<semaphore_mem>>
        %dma_wait3A_178 = tpu.memref_squeeze %dma_wait3A_177 : memref<1x!tpu.dma_semaphore, #tpu.memory_space<semaphore_mem>> -> memref<!tpu.dma_semaphore, #tpu.memory_space<semaphore_mem>>
        tpu.wait_indirect_dma semaphore(%dma_wait3A_178 : memref<!tpu.dma_semaphore, #tpu.memory_space<semaphore_mem>>) src(%dma_wait3A_176 : memref<10240x128xf32, #tpu.memory_space<hbm>>) dst(%dma_wait3A_170 : memref<128x128xf32, #tpu.memory_space<vmem>>)
        %run_scoped3A = arith.constant 0 : i32
        %run_scoped3A_179 = arith.constant 1 : i32
        "tpu.region"() ({
          %run_scoped3A_240 = tpu.sem_alloc : memref<!tpu.dma_semaphore, #tpu.memory_space<semaphore_mem>>
          %dma_start3A_241 = arith.constant 0 : i32
          %dma_start3A_242 = arith.constant 0 : i32
          %dma_start3A_243 = tpu.memref_slice %arg7[%run_scoped3A, %dma_start3A_241, %dma_start3A_242] : memref<2x128x128xf32, #tpu.memory_space<vmem>> -> memref<1x128x128xf32, #tpu.memory_space<vmem>>
          %dma_start3A_244 = tpu.memref_squeeze %dma_start3A_243 : memref<1x128x128xf32, #tpu.memory_space<vmem>> -> memref<128x128xf32, #tpu.memory_space<vmem>>
          %dma_start3A_245 = arith.constant 0 : i32
          %dma_start3A_246 = tpu.memref_slice %arg6[%add3A_163, %run_scoped3A_179, %dma_start3A_245] : memref<62x2x128xi32, #tpu.memory_space<vmem>> -> memref<1x1x128xi32, #tpu.memory_space<vmem>>
          %dma_start3A_247 = tpu.memref_squeeze %dma_start3A_246 : memref<1x1x128xi32, #tpu.memory_space<vmem>> -> memref<128xi32, #tpu.memory_space<vmem>>
          %dma_start3A_248 = arith.constant 0 : i32
          %dma_start3A_249 = arith.constant 0 : i32
          %dma_start3A_250 = tpu.memref_slice %arg8[%dma_start3A_248, %dma_start3A_249] : memref<10240x128xf32, #tpu.memory_space<vmem_shared>> -> memref<10240x128xf32, #tpu.memory_space<vmem_shared>>
          tpu.enqueue_indirect_dma source(%dma_start3A_244 : memref<128x128xf32, #tpu.memory_space<vmem>>) target(%dma_start3A_250 : memref<10240x128xf32, #tpu.memory_space<vmem_shared>>) offsets(%dma_start3A_247 : memref<128xi32, #tpu.memory_space<vmem>>) semaphore(%run_scoped3A_240 : memref<!tpu.dma_semaphore, #tpu.memory_space<semaphore_mem>>) {add = true}
          %dma_wait3A_251 = arith.constant 0 : i32
          %dma_wait3A_252 = arith.constant 0 : i32
          %dma_wait3A_253 = tpu.memref_slice %arg7[%run_scoped3A, %dma_wait3A_251, %dma_wait3A_252] : memref<2x128x128xf32, #tpu.memory_space<vmem>> -> memref<1x128x128xf32, #tpu.memory_space<vmem>>
          %dma_wait3A_254 = tpu.memref_squeeze %dma_wait3A_253 : memref<1x128x128xf32, #tpu.memory_space<vmem>> -> memref<128x128xf32, #tpu.memory_space<vmem>>
          %dma_wait3A_255 = arith.constant 0 : i32
          %dma_wait3A_256 = tpu.memref_slice %arg6[%add3A_163, %run_scoped3A_179, %dma_wait3A_255] : memref<62x2x128xi32, #tpu.memory_space<vmem>> -> memref<1x1x128xi32, #tpu.memory_space<vmem>>
          %dma_wait3A_257 = tpu.memref_squeeze %dma_wait3A_256 : memref<1x1x128xi32, #tpu.memory_space<vmem>> -> memref<128xi32, #tpu.memory_space<vmem>>
          %dma_wait3A_258 = arith.constant 0 : i32
          %dma_wait3A_259 = arith.constant 0 : i32
          %dma_wait3A_260 = tpu.memref_slice %arg8[%dma_wait3A_258, %dma_wait3A_259] : memref<10240x128xf32, #tpu.memory_space<vmem_shared>> -> memref<10240x128xf32, #tpu.memory_space<vmem_shared>>
          tpu.wait_indirect_dma semaphore(%run_scoped3A_240 : memref<!tpu.dma_semaphore, #tpu.memory_space<semaphore_mem>>) src(%dma_wait3A_254 : memref<128x128xf32, #tpu.memory_space<vmem>>) dst(%dma_wait3A_260 : memref<10240x128xf32, #tpu.memory_space<vmem_shared>>)
          tpu.yield
        }) : () -> ()
        %add3A_180 = arith.constant 2 : i32
        %add3A_181 = arith.addi %add3A_163, %add3A_180 : i32
        %ge3A = arith.constant 18 : i32
        %ge3A_182 = arith.cmpi sge, %add3A_181, %ge3A : i32
        %sub3A = arith.constant 18 : i32
        %sub3A_183 = arith.subi %add3A_181, %sub3A : i32
        %select_n3A = arith.select %ge3A_182, %sub3A_183, %add3A_181 : i32
        %dma_start3A_184 = arith.constant 0 : i32
        %dma_start3A_185 = arith.constant 0 : i32
        %dma_start3A_186 = arith.constant 0 : i32
        %dma_start3A_187 = arith.constant 0 : i32
        %dma_start3A_188 = arith.constant 0 : i32
        %dma_start3A_189 = tpu.memref_slice %arg7[%dma_start3A_185, %dma_start3A_187, %dma_start3A_188] : memref<2x128x128xf32, #tpu.memory_space<vmem>> -> memref<1x128x128xf32, #tpu.memory_space<vmem>>
        %dma_start3A_190 = tpu.memref_squeeze %dma_start3A_189 : memref<1x128x128xf32, #tpu.memory_space<vmem>> -> memref<128x128xf32, #tpu.memory_space<vmem>>
        %dma_start3A_191 = arith.constant 0 : i32
        %dma_start3A_192 = tpu.memref_slice %arg6[%select_n3A, %dma_start3A_184, %dma_start3A_191] : memref<62x2x128xi32, #tpu.memory_space<vmem>> -> memref<1x1x128xi32, #tpu.memory_space<vmem>>
        %dma_start3A_193 = tpu.memref_squeeze %dma_start3A_192 : memref<1x1x128xi32, #tpu.memory_space<vmem>> -> memref<128xi32, #tpu.memory_space<vmem>>
        %dma_start3A_194 = arith.constant 0 : i32
        %dma_start3A_195 = arith.constant 0 : i32
        %dma_start3A_196 = tpu.memref_slice %arg2[%dma_start3A_194, %dma_start3A_195] : memref<10240x128xf32, #tpu.memory_space<hbm>> -> memref<10240x128xf32, #tpu.memory_space<hbm>>
        %dma_start3A_197 = tpu.memref_slice %arg9[%dma_start3A_186] : memref<2x!tpu.dma_semaphore, #tpu.memory_space<semaphore_mem>> -> memref<1x!tpu.dma_semaphore, #tpu.memory_space<semaphore_mem>>
        %dma_start3A_198 = tpu.memref_squeeze %dma_start3A_197 : memref<1x!tpu.dma_semaphore, #tpu.memory_space<semaphore_mem>> -> memref<!tpu.dma_semaphore, #tpu.memory_space<semaphore_mem>>
        tpu.enqueue_indirect_dma source(%dma_start3A_196 : memref<10240x128xf32, #tpu.memory_space<hbm>>) target(%dma_start3A_190 : memref<128x128xf32, #tpu.memory_space<vmem>>) offsets(%dma_start3A_193 : memref<128xi32, #tpu.memory_space<vmem>>) semaphore(%dma_start3A_198 : memref<!tpu.dma_semaphore, #tpu.memory_space<semaphore_mem>>)
        %add3A_199 = arith.constant 1 : i32
        %add3A_200 = arith.addi %mul3A_161, %add3A_199 : i32
        %dma_wait3A_201 = arith.constant 0 : i32
        %dma_wait3A_202 = arith.constant 1 : i32
        %dma_wait3A_203 = arith.constant 1 : i32
        %dma_wait3A_204 = arith.constant 0 : i32
        %dma_wait3A_205 = arith.constant 0 : i32
        %dma_wait3A_206 = tpu.memref_slice %arg7[%dma_wait3A_202, %dma_wait3A_204, %dma_wait3A_205] : memref<2x128x128xf32, #tpu.memory_space<vmem>> -> memref<1x128x128xf32, #tpu.memory_space<vmem>>
        %dma_wait3A_207 = tpu.memref_squeeze %dma_wait3A_206 : memref<1x128x128xf32, #tpu.memory_space<vmem>> -> memref<128x128xf32, #tpu.memory_space<vmem>>
        %dma_wait3A_208 = arith.constant 0 : i32
        %dma_wait3A_209 = tpu.memref_slice %arg6[%add3A_200, %dma_wait3A_201, %dma_wait3A_208] : memref<62x2x128xi32, #tpu.memory_space<vmem>> -> memref<1x1x128xi32, #tpu.memory_space<vmem>>
        %dma_wait3A_210 = tpu.memref_squeeze %dma_wait3A_209 : memref<1x1x128xi32, #tpu.memory_space<vmem>> -> memref<128xi32, #tpu.memory_space<vmem>>
        %dma_wait3A_211 = arith.constant 0 : i32
        %dma_wait3A_212 = arith.constant 0 : i32
        %dma_wait3A_213 = tpu.memref_slice %arg2[%dma_wait3A_211, %dma_wait3A_212] : memref<10240x128xf32, #tpu.memory_space<hbm>> -> memref<10240x128xf32, #tpu.memory_space<hbm>>
        %dma_wait3A_214 = tpu.memref_slice %arg9[%dma_wait3A_203] : memref<2x!tpu.dma_semaphore, #tpu.memory_space<semaphore_mem>> -> memref<1x!tpu.dma_semaphore, #tpu.memory_space<semaphore_mem>>
        %dma_wait3A_215 = tpu.memref_squeeze %dma_wait3A_214 : memref<1x!tpu.dma_semaphore, #tpu.memory_space<semaphore_mem>> -> memref<!tpu.dma_semaphore, #tpu.memory_space<semaphore_mem>>
        tpu.wait_indirect_dma semaphore(%dma_wait3A_215 : memref<!tpu.dma_semaphore, #tpu.memory_space<semaphore_mem>>) src(%dma_wait3A_213 : memref<10240x128xf32, #tpu.memory_space<hbm>>) dst(%dma_wait3A_207 : memref<128x128xf32, #tpu.memory_space<vmem>>)
        %run_scoped3A_216 = arith.constant 1 : i32
        %run_scoped3A_217 = arith.constant 1 : i32
        "tpu.region"() ({
          %run_scoped3A_240 = tpu.sem_alloc : memref<!tpu.dma_semaphore, #tpu.memory_space<semaphore_mem>>
          %dma_start3A_241 = arith.constant 0 : i32
          %dma_start3A_242 = arith.constant 0 : i32
          %dma_start3A_243 = tpu.memref_slice %arg7[%run_scoped3A_216, %dma_start3A_241, %dma_start3A_242] : memref<2x128x128xf32, #tpu.memory_space<vmem>> -> memref<1x128x128xf32, #tpu.memory_space<vmem>>
          %dma_start3A_244 = tpu.memref_squeeze %dma_start3A_243 : memref<1x128x128xf32, #tpu.memory_space<vmem>> -> memref<128x128xf32, #tpu.memory_space<vmem>>
          %dma_start3A_245 = arith.constant 0 : i32
          %dma_start3A_246 = tpu.memref_slice %arg6[%add3A_200, %run_scoped3A_217, %dma_start3A_245] : memref<62x2x128xi32, #tpu.memory_space<vmem>> -> memref<1x1x128xi32, #tpu.memory_space<vmem>>
          %dma_start3A_247 = tpu.memref_squeeze %dma_start3A_246 : memref<1x1x128xi32, #tpu.memory_space<vmem>> -> memref<128xi32, #tpu.memory_space<vmem>>
          %dma_start3A_248 = arith.constant 0 : i32
          %dma_start3A_249 = arith.constant 0 : i32
          %dma_start3A_250 = tpu.memref_slice %arg8[%dma_start3A_248, %dma_start3A_249] : memref<10240x128xf32, #tpu.memory_space<vmem_shared>> -> memref<10240x128xf32, #tpu.memory_space<vmem_shared>>
          tpu.enqueue_indirect_dma source(%dma_start3A_244 : memref<128x128xf32, #tpu.memory_space<vmem>>) target(%dma_start3A_250 : memref<10240x128xf32, #tpu.memory_space<vmem_shared>>) offsets(%dma_start3A_247 : memref<128xi32, #tpu.memory_space<vmem>>) semaphore(%run_scoped3A_240 : memref<!tpu.dma_semaphore, #tpu.memory_space<semaphore_mem>>) {add = true}
          %dma_wait3A_251 = arith.constant 0 : i32
          %dma_wait3A_252 = arith.constant 0 : i32
          %dma_wait3A_253 = tpu.memref_slice %arg7[%run_scoped3A_216, %dma_wait3A_251, %dma_wait3A_252] : memref<2x128x128xf32, #tpu.memory_space<vmem>> -> memref<1x128x128xf32, #tpu.memory_space<vmem>>
          %dma_wait3A_254 = tpu.memref_squeeze %dma_wait3A_253 : memref<1x128x128xf32, #tpu.memory_space<vmem>> -> memref<128x128xf32, #tpu.memory_space<vmem>>
          %dma_wait3A_255 = arith.constant 0 : i32
          %dma_wait3A_256 = tpu.memref_slice %arg6[%add3A_200, %run_scoped3A_217, %dma_wait3A_255] : memref<62x2x128xi32, #tpu.memory_space<vmem>> -> memref<1x1x128xi32, #tpu.memory_space<vmem>>
          %dma_wait3A_257 = tpu.memref_squeeze %dma_wait3A_256 : memref<1x1x128xi32, #tpu.memory_space<vmem>> -> memref<128xi32, #tpu.memory_space<vmem>>
          %dma_wait3A_258 = arith.constant 0 : i32
          %dma_wait3A_259 = arith.constant 0 : i32
          %dma_wait3A_260 = tpu.memref_slice %arg8[%dma_wait3A_258, %dma_wait3A_259] : memref<10240x128xf32, #tpu.memory_space<vmem_shared>> -> memref<10240x128xf32, #tpu.memory_space<vmem_shared>>
          tpu.wait_indirect_dma semaphore(%run_scoped3A_240 : memref<!tpu.dma_semaphore, #tpu.memory_space<semaphore_mem>>) src(%dma_wait3A_254 : memref<128x128xf32, #tpu.memory_space<vmem>>) dst(%dma_wait3A_260 : memref<10240x128xf32, #tpu.memory_space<vmem_shared>>)
          tpu.yield
        }) : () -> ()
        %add3A_218 = arith.constant 2 : i32
        %add3A_219 = arith.addi %add3A_200, %add3A_218 : i32
        %ge3A_220 = arith.constant 18 : i32
        %ge3A_221 = arith.cmpi sge, %add3A_219, %ge3A_220 : i32
        %sub3A_222 = arith.constant 18 : i32
        %sub3A_223 = arith.subi %add3A_219, %sub3A_222 : i32
        %select_n3A_224 = arith.select %ge3A_221, %sub3A_223, %add3A_219 : i32
        %dma_start3A_225 = arith.constant 0 : i32
        %dma_start3A_226 = arith.constant 1 : i32
        %dma_start3A_227 = arith.constant 1 : i32
        %dma_start3A_228 = arith.constant 0 : i32
        %dma_start3A_229 = arith.constant 0 : i32
        %dma_start3A_230 = tpu.memref_slice %arg7[%dma_start3A_226, %dma_start3A_228, %dma_start3A_229] : memref<2x128x128xf32, #tpu.memory_space<vmem>> -> memref<1x128x128xf32, #tpu.memory_space<vmem>>
        %dma_start3A_231 = tpu.memref_squeeze %dma_start3A_230 : memref<1x128x128xf32, #tpu.memory_space<vmem>> -> memref<128x128xf32, #tpu.memory_space<vmem>>
        %dma_start3A_232 = arith.constant 0 : i32
        %dma_start3A_233 = tpu.memref_slice %arg6[%select_n3A_224, %dma_start3A_225, %dma_start3A_232] : memref<62x2x128xi32, #tpu.memory_space<vmem>> -> memref<1x1x128xi32, #tpu.memory_space<vmem>>
        %dma_start3A_234 = tpu.memref_squeeze %dma_start3A_233 : memref<1x1x128xi32, #tpu.memory_space<vmem>> -> memref<128xi32, #tpu.memory_space<vmem>>
        %dma_start3A_235 = arith.constant 0 : i32
        %dma_start3A_236 = arith.constant 0 : i32
        %dma_start3A_237 = tpu.memref_slice %arg2[%dma_start3A_235, %dma_start3A_236] : memref<10240x128xf32, #tpu.memory_space<hbm>> -> memref<10240x128xf32, #tpu.memory_space<hbm>>
        %dma_start3A_238 = tpu.memref_slice %arg9[%dma_start3A_227] : memref<2x!tpu.dma_semaphore, #tpu.memory_space<semaphore_mem>> -> memref<1x!tpu.dma_semaphore, #tpu.memory_space<semaphore_mem>>
        %dma_start3A_239 = tpu.memref_squeeze %dma_start3A_238 : memref<1x!tpu.dma_semaphore, #tpu.memory_space<semaphore_mem>> -> memref<!tpu.dma_semaphore, #tpu.memory_space<semaphore_mem>>
        tpu.enqueue_indirect_dma source(%dma_start3A_237 : memref<10240x128xf32, #tpu.memory_space<hbm>>) target(%dma_start3A_231 : memref<128x128xf32, #tpu.memory_space<vmem>>) offsets(%dma_start3A_234 : memref<128xi32, #tpu.memory_space<vmem>>) semaphore(%dma_start3A_239 : memref<!tpu.dma_semaphore, #tpu.memory_space<semaphore_mem>>)
      }
      %scan3A_126 = arith.constant 9 : i32
      %dma_wait3A_127 = arith.constant 0 : i32
      %dma_wait3A_128 = arith.constant 0 : i32
      %dma_wait3A_129 = arith.constant 0 : i32
      %dma_wait3A_130 = arith.constant 0 : i32
      %dma_wait3A_131 = arith.constant 0 : i32
      %dma_wait3A_132 = arith.constant 0 : i32
      %dma_wait3A_133 = tpu.memref_slice %arg7[%dma_wait3A_129, %dma_wait3A_131, %dma_wait3A_132] : memref<2x128x128xf32, #tpu.memory_space<vmem>> -> memref<1x128x128xf32, #tpu.memory_space<vmem>>
      %dma_wait3A_134 = tpu.memref_squeeze %dma_wait3A_133 : memref<1x128x128xf32, #tpu.memory_space<vmem>> -> memref<128x128xf32, #tpu.memory_space<vmem>>
      %dma_wait3A_135 = arith.constant 0 : i32
      %dma_wait3A_136 = tpu.memref_slice %arg6[%dma_wait3A_127, %dma_wait3A_128, %dma_wait3A_135] : memref<62x2x128xi32, #tpu.memory_space<vmem>> -> memref<1x1x128xi32, #tpu.memory_space<vmem>>
      %dma_wait3A_137 = tpu.memref_squeeze %dma_wait3A_136 : memref<1x1x128xi32, #tpu.memory_space<vmem>> -> memref<128xi32, #tpu.memory_space<vmem>>
      %dma_wait3A_138 = arith.constant 0 : i32
      %dma_wait3A_139 = arith.constant 0 : i32
      %dma_wait3A_140 = tpu.memref_slice %arg2[%dma_wait3A_138, %dma_wait3A_139] : memref<10240x128xf32, #tpu.memory_space<hbm>> -> memref<10240x128xf32, #tpu.memory_space<hbm>>
      %dma_wait3A_141 = tpu.memref_slice %arg9[%dma_wait3A_130] : memref<2x!tpu.dma_semaphore, #tpu.memory_space<semaphore_mem>> -> memref<1x!tpu.dma_semaphore, #tpu.memory_space<semaphore_mem>>
      %dma_wait3A_142 = tpu.memref_squeeze %dma_wait3A_141 : memref<1x!tpu.dma_semaphore, #tpu.memory_space<semaphore_mem>> -> memref<!tpu.dma_semaphore, #tpu.memory_space<semaphore_mem>>
      tpu.wait_indirect_dma semaphore(%dma_wait3A_142 : memref<!tpu.dma_semaphore, #tpu.memory_space<semaphore_mem>>) src(%dma_wait3A_140 : memref<10240x128xf32, #tpu.memory_space<hbm>>) dst(%dma_wait3A_134 : memref<128x128xf32, #tpu.memory_space<vmem>>)
      %dma_wait3A_143 = arith.constant 1 : i32
      %dma_wait3A_144 = arith.constant 0 : i32
      %dma_wait3A_145 = arith.constant 1 : i32
      %dma_wait3A_146 = arith.constant 1 : i32
      %dma_wait3A_147 = arith.constant 0 : i32
      %dma_wait3A_148 = arith.constant 0 : i32
      %dma_wait3A_149 = tpu.memref_slice %arg7[%dma_wait3A_145, %dma_wait3A_147, %dma_wait3A_148] : memref<2x128x128xf32, #tpu.memory_space<vmem>> -> memref<1x128x128xf32, #tpu.memory_space<vmem>>
      %dma_wait3A_150 = tpu.memref_squeeze %dma_wait3A_149 : memref<1x128x128xf32, #tpu.memory_space<vmem>> -> memref<128x128xf32, #tpu.memory_space<vmem>>
      %dma_wait3A_151 = arith.constant 0 : i32
      %dma_wait3A_152 = tpu.memref_slice %arg6[%dma_wait3A_143, %dma_wait3A_144, %dma_wait3A_151] : memref<62x2x128xi32, #tpu.memory_space<vmem>> -> memref<1x1x128xi32, #tpu.memory_space<vmem>>
      %dma_wait3A_153 = tpu.memref_squeeze %dma_wait3A_152 : memref<1x1x128xi32, #tpu.memory_space<vmem>> -> memref<128xi32, #tpu.memory_space<vmem>>
      %dma_wait3A_154 = arith.constant 0 : i32
      %dma_wait3A_155 = arith.constant 0 : i32
      %dma_wait3A_156 = tpu.memref_slice %arg2[%dma_wait3A_154, %dma_wait3A_155] : memref<10240x128xf32, #tpu.memory_space<hbm>> -> memref<10240x128xf32, #tpu.memory_space<hbm>>
      %dma_wait3A_157 = tpu.memref_slice %arg9[%dma_wait3A_146] : memref<2x!tpu.dma_semaphore, #tpu.memory_space<semaphore_mem>> -> memref<1x!tpu.dma_semaphore, #tpu.memory_space<semaphore_mem>>
      %dma_wait3A_158 = tpu.memref_squeeze %dma_wait3A_157 : memref<1x!tpu.dma_semaphore, #tpu.memory_space<semaphore_mem>> -> memref<!tpu.dma_semaphore, #tpu.memory_space<semaphore_mem>>
      tpu.wait_indirect_dma semaphore(%dma_wait3A_158 : memref<!tpu.dma_semaphore, #tpu.memory_space<semaphore_mem>>) src(%dma_wait3A_156 : memref<10240x128xf32, #tpu.memory_space<hbm>>) dst(%dma_wait3A_150 : memref<128x128xf32, #tpu.memory_space<vmem>>)
    } else {
    }
    %barrier3A_10 = arith.constant 0 : index
    tpu.barrier barrier_id(%barrier3A_10)
    "tpu.trace_stop"() : () -> ()
    "tpu.trace_start"() <{level = 10 : i32, message = "agg_flush"}> : () -> ()
    %mul3A_11 = arith.constant 640 : i32
    %mul3A_12 = arith.muli %arg1, %mul3A_11 : i32
    %mul3A_13 = arith.constant 640 : i32
    %mul3A_14 = arith.muli %arg1, %mul3A_13 : i32
    "tpu.region"() ({
      %run_scoped3A = tpu.sem_alloc : memref<!tpu.dma_semaphore, #tpu.memory_space<semaphore_mem>>
      %dma_start3A = arith.constant 0 : i32
      %dma_start3A_15 = tpu.memref_slice %arg5[%arg0, %mul3A_14, %dma_start3A] : memref<2x10240x128xf32, #tpu.memory_space<hbm>> -> memref<1x640x128xf32, #tpu.memory_space<hbm>>
      %dma_start3A_16 = tpu.memref_squeeze %dma_start3A_15 : memref<1x640x128xf32, #tpu.memory_space<hbm>> -> memref<640x128xf32, #tpu.memory_space<hbm>>
      %dma_start3A_17 = arith.constant 0 : i32
      %dma_start3A_18 = tpu.memref_slice %arg8[%mul3A_12, %dma_start3A_17] : memref<10240x128xf32, #tpu.memory_space<vmem_shared>> -> memref<640x128xf32, #tpu.memory_space<vmem_shared>>
      tpu.enqueue_dma source(%dma_start3A_18 : memref<640x128xf32, #tpu.memory_space<vmem_shared>>) target(%dma_start3A_16 : memref<640x128xf32, #tpu.memory_space<hbm>>) target_semaphore(%run_scoped3A : memref<!tpu.dma_semaphore, #tpu.memory_space<semaphore_mem>>)
      %dma_wait3A = arith.constant 0 : i32
      %dma_wait3A_19 = tpu.memref_slice %arg5[%arg0, %mul3A_14, %dma_wait3A] : memref<2x10240x128xf32, #tpu.memory_space<hbm>> -> memref<1x640x128xf32, #tpu.memory_space<hbm>>
      %dma_wait3A_20 = tpu.memref_squeeze %dma_wait3A_19 : memref<1x640x128xf32, #tpu.memory_space<hbm>> -> memref<640x128xf32, #tpu.memory_space<hbm>>
      %dma_wait3A_21 = arith.constant 0 : i32
      %dma_wait3A_22 = tpu.memref_slice %arg8[%mul3A_12, %dma_wait3A_21] : memref<10240x128xf32, #tpu.memory_space<vmem_shared>> -> memref<640x128xf32, #tpu.memory_space<vmem_shared>>
      tpu.wait_dma2 semaphore(%run_scoped3A : memref<!tpu.dma_semaphore, #tpu.memory_space<semaphore_mem>>) src(%dma_wait3A_22 : memref<640x128xf32, #tpu.memory_space<vmem_shared>>) dst(%dma_wait3A_20 : memref<640x128xf32, #tpu.memory_space<hbm>>)
      tpu.yield
    }) : () -> ()
    "tpu.trace_stop"() : () -> ()
    return
  }
}

#map = affine_map<(d0, d1) -> (0, 0)>
#map1 = affine_map<(d0, d1) -> (0, 0, 0)>
module attributes {stable_mosaic.version = 14 : i64} {
  func.func @k(%arg0: i32, %arg1: i32, %arg2: memref<10240x128xf32, #tpu.memory_space<hbm>>, %arg3: memref<2560x2x128xi32, #tpu.memory_space<hbm>>, %arg4: memref<10240x128xf32, #tpu.memory_space<hbm>>, %arg5: memref<2x10240x128xf32, #tpu.memory_space<hbm>>, %arg6: memref<62x2x128xi32, #tpu.memory_space<vmem>>, %arg7: memref<2x128x128xf32, #tpu.memory_space<vmem>>, %arg8: memref<10240x128xf32, #tpu.memory_space<vmem_shared>>, %arg9: memref<2x!tpu.dma_semaphore, #tpu.memory_space<semaphore_mem>>) attributes {dimension_semantics = [#tpu.dimension_semantics<core_parallel>, #tpu.dimension_semantics<subcore_parallel>], iteration_bounds = array<i64: 2, 16>, scalar_prefetch = 0 : i64, scratch_operands = 4 : i64, tpu.core_type = #tpu.core_type<sc_vector_subcore>, window_params = [{transform_indices = #map}, {transform_indices = #map1}, {transform_indices = #map}, {transform_indices = #map1}]} {
    "tpu.trace_start"() <{level = 10 : i32, message = "agg_zero"}> : () -> ()
    %mul3A = arith.constant 640 : i32
    %mul3A_0 = arith.muli %arg1, %mul3A : i32
    %mul3A_1 = arith.constant 640 : i32
    %mul3A_2 = arith.muli %arg1, %mul3A_1 : i32
    "tpu.region"() ({
      %run_scoped3A = tpu.sem_alloc : memref<!tpu.dma_semaphore, #tpu.memory_space<semaphore_mem>>
      %dma_start3A = arith.constant 0 : i32
      %dma_start3A_15 = tpu.memref_slice %arg8[%mul3A_2, %dma_start3A] : memref<10240x128xf32, #tpu.memory_space<vmem_shared>> -> memref<640x128xf32, #tpu.memory_space<vmem_shared>>
      %dma_start3A_16 = arith.constant 0 : i32
      %dma_start3A_17 = tpu.memref_slice %arg4[%mul3A_0, %dma_start3A_16] : memref<10240x128xf32, #tpu.memory_space<hbm>> -> memref<640x128xf32, #tpu.memory_space<hbm>>
      tpu.enqueue_dma source(%dma_start3A_17 : memref<640x128xf32, #tpu.memory_space<hbm>>) target(%dma_start3A_15 : memref<640x128xf32, #tpu.memory_space<vmem_shared>>) target_semaphore(%run_scoped3A : memref<!tpu.dma_semaphore, #tpu.memory_space<semaphore_mem>>)
      %dma_wait3A = arith.constant 0 : i32
      %dma_wait3A_18 = tpu.memref_slice %arg8[%mul3A_2, %dma_wait3A] : memref<10240x128xf32, #tpu.memory_space<vmem_shared>> -> memref<640x128xf32, #tpu.memory_space<vmem_shared>>
      %dma_wait3A_19 = arith.constant 0 : i32
      %dma_wait3A_20 = tpu.memref_slice %arg4[%mul3A_0, %dma_wait3A_19] : memref<10240x128xf32, #tpu.memory_space<hbm>> -> memref<640x128xf32, #tpu.memory_space<hbm>>
      tpu.wait_dma2 semaphore(%run_scoped3A : memref<!tpu.dma_semaphore, #tpu.memory_space<semaphore_mem>>) src(%dma_wait3A_20 : memref<640x128xf32, #tpu.memory_space<hbm>>) dst(%dma_wait3A_18 : memref<640x128xf32, #tpu.memory_space<vmem_shared>>)
      tpu.yield
    }) : () -> ()
    %barrier3A = arith.constant 0 : index
    tpu.barrier barrier_id(%barrier3A)
    %eq3A = arith.constant 0 : i32
    "tpu.trace_stop"() : () -> ()
    "tpu.trace_start"() <{level = 10 : i32, message = "agg_edges"}> : () -> ()
    %eq3A_3 = arith.cmpi eq, %arg0, %eq3A : i32
    %convert_element_type3A = arith.extui %eq3A_3 : i1 to i32
    %cond3A = arith.constant 0 : i32
    %cond3A_4 = arith.cmpi ne, %convert_element_type3A, %cond3A : i32
    scf.if %cond3A_4 {
      %mul3A_15 = arith.constant 124 : i32
      %mul3A_16 = arith.muli %arg1, %mul3A_15 : i32
      %add3A = arith.constant 0 : i32
      %add3A_17 = arith.addi %mul3A_16, %add3A : i32
      "tpu.region"() ({
        %run_scoped3A = tpu.sem_alloc : memref<!tpu.dma_semaphore, #tpu.memory_space<semaphore_mem>>
        %dma_start3A_157 = arith.constant 0 : i32
        %dma_start3A_158 = arith.constant 0 : i32
        %dma_start3A_159 = arith.constant 0 : i32
        %dma_start3A_160 = tpu.memref_slice %arg6[%dma_start3A_157, %dma_start3A_158, %dma_start3A_159] : memref<62x2x128xi32, #tpu.memory_space<vmem>> -> memref<62x2x128xi32, #tpu.memory_space<vmem>>
        %dma_start3A_161 = arith.constant 0 : i32
        %dma_start3A_162 = arith.constant 0 : i32
        %dma_start3A_163 = tpu.memref_slice %arg3[%add3A_17, %dma_start3A_161, %dma_start3A_162] : memref<2560x2x128xi32, #tpu.memory_space<hbm>> -> memref<62x2x128xi32, #tpu.memory_space<hbm>>
        %dma_start3A_164 = arith.constant 0 : i32
        %dma_start3A_165 = arith.constant 0 : i32
        %dma_start3A_166 = arith.constant 0 : i32
        %dma_start3A_167 = tpu.memref_slice %arg6[%dma_start3A_164, %dma_start3A_165, %dma_start3A_166] : memref<62x2x128xi32, #tpu.memory_space<vmem>> -> memref<62x2x128xi32, #tpu.memory_space<vmem>>
        %dma_start3A_168 = arith.constant 0 : i32
        %dma_start3A_169 = arith.constant 0 : i32
        %dma_start3A_170 = tpu.memref_slice %arg3[%add3A_17, %dma_start3A_168, %dma_start3A_169] : memref<2560x2x128xi32, #tpu.memory_space<hbm>> -> memref<62x2x128xi32, #tpu.memory_space<hbm>>
        tpu.enqueue_dma source(%dma_start3A_170 : memref<62x2x128xi32, #tpu.memory_space<hbm>>) target(%dma_start3A_167 : memref<62x2x128xi32, #tpu.memory_space<vmem>>) target_semaphore(%run_scoped3A : memref<!tpu.dma_semaphore, #tpu.memory_space<semaphore_mem>>)
        %dma_wait3A_171 = arith.constant 0 : i32
        %dma_wait3A_172 = arith.constant 0 : i32
        %dma_wait3A_173 = arith.constant 0 : i32
        %dma_wait3A_174 = tpu.memref_slice %arg6[%dma_wait3A_171, %dma_wait3A_172, %dma_wait3A_173] : memref<62x2x128xi32, #tpu.memory_space<vmem>> -> memref<62x2x128xi32, #tpu.memory_space<vmem>>
        %dma_wait3A_175 = arith.constant 0 : i32
        %dma_wait3A_176 = arith.constant 0 : i32
        %dma_wait3A_177 = tpu.memref_slice %arg3[%add3A_17, %dma_wait3A_175, %dma_wait3A_176] : memref<2560x2x128xi32, #tpu.memory_space<hbm>> -> memref<62x2x128xi32, #tpu.memory_space<hbm>>
        %dma_wait3A_178 = arith.constant 0 : i32
        %dma_wait3A_179 = arith.constant 0 : i32
        %dma_wait3A_180 = arith.constant 0 : i32
        %dma_wait3A_181 = tpu.memref_slice %arg6[%dma_wait3A_178, %dma_wait3A_179, %dma_wait3A_180] : memref<62x2x128xi32, #tpu.memory_space<vmem>> -> memref<62x2x128xi32, #tpu.memory_space<vmem>>
        %dma_wait3A_182 = arith.constant 0 : i32
        %dma_wait3A_183 = arith.constant 0 : i32
        %dma_wait3A_184 = tpu.memref_slice %arg3[%add3A_17, %dma_wait3A_182, %dma_wait3A_183] : memref<2560x2x128xi32, #tpu.memory_space<hbm>> -> memref<62x2x128xi32, #tpu.memory_space<hbm>>
        tpu.wait_dma2 semaphore(%run_scoped3A : memref<!tpu.dma_semaphore, #tpu.memory_space<semaphore_mem>>) src(%dma_wait3A_184 : memref<62x2x128xi32, #tpu.memory_space<hbm>>) dst(%dma_wait3A_181 : memref<62x2x128xi32, #tpu.memory_space<vmem>>)
        tpu.yield
      }) : () -> ()
      %dma_start3A = arith.constant 0 : i32
      %dma_start3A_18 = arith.constant 0 : i32
      %dma_start3A_19 = arith.constant 0 : i32
      %dma_start3A_20 = arith.constant 0 : i32
      %dma_start3A_21 = arith.constant 0 : i32
      %dma_start3A_22 = arith.constant 0 : i32
      %dma_start3A_23 = tpu.memref_slice %arg7[%dma_start3A_19, %dma_start3A_21, %dma_start3A_22] : memref<2x128x128xf32, #tpu.memory_space<vmem>> -> memref<1x128x128xf32, #tpu.memory_space<vmem>>
      %dma_start3A_24 = tpu.memref_squeeze %dma_start3A_23 : memref<1x128x128xf32, #tpu.memory_space<vmem>> -> memref<128x128xf32, #tpu.memory_space<vmem>>
      %dma_start3A_25 = arith.constant 0 : i32
      %dma_start3A_26 = tpu.memref_slice %arg6[%dma_start3A, %dma_start3A_18, %dma_start3A_25] : memref<62x2x128xi32, #tpu.memory_space<vmem>> -> memref<1x1x128xi32, #tpu.memory_space<vmem>>
      %dma_start3A_27 = tpu.memref_squeeze %dma_start3A_26 : memref<1x1x128xi32, #tpu.memory_space<vmem>> -> memref<128xi32, #tpu.memory_space<vmem>>
      %dma_start3A_28 = arith.constant 0 : i32
      %dma_start3A_29 = arith.constant 0 : i32
      %dma_start3A_30 = tpu.memref_slice %arg2[%dma_start3A_28, %dma_start3A_29] : memref<10240x128xf32, #tpu.memory_space<hbm>> -> memref<10240x128xf32, #tpu.memory_space<hbm>>
      %dma_start3A_31 = tpu.memref_slice %arg9[%dma_start3A_20] : memref<2x!tpu.dma_semaphore, #tpu.memory_space<semaphore_mem>> -> memref<1x!tpu.dma_semaphore, #tpu.memory_space<semaphore_mem>>
      %dma_start3A_32 = tpu.memref_squeeze %dma_start3A_31 : memref<1x!tpu.dma_semaphore, #tpu.memory_space<semaphore_mem>> -> memref<!tpu.dma_semaphore, #tpu.memory_space<semaphore_mem>>
      tpu.enqueue_indirect_dma source(%dma_start3A_30 : memref<10240x128xf32, #tpu.memory_space<hbm>>) target(%dma_start3A_24 : memref<128x128xf32, #tpu.memory_space<vmem>>) offsets(%dma_start3A_27 : memref<128xi32, #tpu.memory_space<vmem>>) semaphore(%dma_start3A_32 : memref<!tpu.dma_semaphore, #tpu.memory_space<semaphore_mem>>)
      %dma_start3A_33 = arith.constant 1 : i32
      %dma_start3A_34 = arith.constant 0 : i32
      %dma_start3A_35 = arith.constant 1 : i32
      %dma_start3A_36 = arith.constant 1 : i32
      %dma_start3A_37 = arith.constant 0 : i32
      %dma_start3A_38 = arith.constant 0 : i32
      %dma_start3A_39 = tpu.memref_slice %arg7[%dma_start3A_35, %dma_start3A_37, %dma_start3A_38] : memref<2x128x128xf32, #tpu.memory_space<vmem>> -> memref<1x128x128xf32, #tpu.memory_space<vmem>>
      %dma_start3A_40 = tpu.memref_squeeze %dma_start3A_39 : memref<1x128x128xf32, #tpu.memory_space<vmem>> -> memref<128x128xf32, #tpu.memory_space<vmem>>
      %dma_start3A_41 = arith.constant 0 : i32
      %dma_start3A_42 = tpu.memref_slice %arg6[%dma_start3A_33, %dma_start3A_34, %dma_start3A_41] : memref<62x2x128xi32, #tpu.memory_space<vmem>> -> memref<1x1x128xi32, #tpu.memory_space<vmem>>
      %dma_start3A_43 = tpu.memref_squeeze %dma_start3A_42 : memref<1x1x128xi32, #tpu.memory_space<vmem>> -> memref<128xi32, #tpu.memory_space<vmem>>
      %dma_start3A_44 = arith.constant 0 : i32
      %dma_start3A_45 = arith.constant 0 : i32
      %dma_start3A_46 = tpu.memref_slice %arg2[%dma_start3A_44, %dma_start3A_45] : memref<10240x128xf32, #tpu.memory_space<hbm>> -> memref<10240x128xf32, #tpu.memory_space<hbm>>
      %dma_start3A_47 = tpu.memref_slice %arg9[%dma_start3A_36] : memref<2x!tpu.dma_semaphore, #tpu.memory_space<semaphore_mem>> -> memref<1x!tpu.dma_semaphore, #tpu.memory_space<semaphore_mem>>
      %dma_start3A_48 = tpu.memref_squeeze %dma_start3A_47 : memref<1x!tpu.dma_semaphore, #tpu.memory_space<semaphore_mem>> -> memref<!tpu.dma_semaphore, #tpu.memory_space<semaphore_mem>>
      tpu.enqueue_indirect_dma source(%dma_start3A_46 : memref<10240x128xf32, #tpu.memory_space<hbm>>) target(%dma_start3A_40 : memref<128x128xf32, #tpu.memory_space<vmem>>) offsets(%dma_start3A_43 : memref<128xi32, #tpu.memory_space<vmem>>) semaphore(%dma_start3A_48 : memref<!tpu.dma_semaphore, #tpu.memory_space<semaphore_mem>>)
      %scan3A = arith.constant 0 : i32
      %scan3A_49 = arith.constant 0 : i32
      %scan3A_50 = arith.constant 31 : i32
      %scan3A_51 = arith.addi %scan3A_49, %scan3A_50 : i32
      %scan3A_52 = arith.constant 1 : i32
      scf.for %scan3A_157 = %scan3A_49 to %scan3A_51 step %scan3A_52  : i32 {
        %mul3A_158 = arith.constant 2 : i32
        %mul3A_159 = arith.muli %scan3A_157, %mul3A_158 : i32
        %add3A_160 = arith.constant 0 : i32
        %add3A_161 = arith.addi %mul3A_159, %add3A_160 : i32
        %dma_wait3A_162 = arith.constant 0 : i32
        %dma_wait3A_163 = arith.constant 0 : i32
        %dma_wait3A_164 = arith.constant 0 : i32
        %dma_wait3A_165 = arith.constant 0 : i32
        %dma_wait3A_166 = arith.constant 0 : i32
        %dma_wait3A_167 = tpu.memref_slice %arg7[%dma_wait3A_163, %dma_wait3A_165, %dma_wait3A_166] : memref<2x128x128xf32, #tpu.memory_space<vmem>> -> memref<1x128x128xf32, #tpu.memory_space<vmem>>
        %dma_wait3A_168 = tpu.memref_squeeze %dma_wait3A_167 : memref<1x128x128xf32, #tpu.memory_space<vmem>> -> memref<128x128xf32, #tpu.memory_space<vmem>>
        %dma_wait3A_169 = arith.constant 0 : i32
        %dma_wait3A_170 = tpu.memref_slice %arg6[%add3A_161, %dma_wait3A_162, %dma_wait3A_169] : memref<62x2x128xi32, #tpu.memory_space<vmem>> -> memref<1x1x128xi32, #tpu.memory_space<vmem>>
        %dma_wait3A_171 = tpu.memref_squeeze %dma_wait3A_170 : memref<1x1x128xi32, #tpu.memory_space<vmem>> -> memref<128xi32, #tpu.memory_space<vmem>>
        %dma_wait3A_172 = arith.constant 0 : i32
        %dma_wait3A_173 = arith.constant 0 : i32
        %dma_wait3A_174 = tpu.memref_slice %arg2[%dma_wait3A_172, %dma_wait3A_173] : memref<10240x128xf32, #tpu.memory_space<hbm>> -> memref<10240x128xf32, #tpu.memory_space<hbm>>
        %dma_wait3A_175 = tpu.memref_slice %arg9[%dma_wait3A_164] : memref<2x!tpu.dma_semaphore, #tpu.memory_space<semaphore_mem>> -> memref<1x!tpu.dma_semaphore, #tpu.memory_space<semaphore_mem>>
        %dma_wait3A_176 = tpu.memref_squeeze %dma_wait3A_175 : memref<1x!tpu.dma_semaphore, #tpu.memory_space<semaphore_mem>> -> memref<!tpu.dma_semaphore, #tpu.memory_space<semaphore_mem>>
        tpu.wait_indirect_dma semaphore(%dma_wait3A_176 : memref<!tpu.dma_semaphore, #tpu.memory_space<semaphore_mem>>) src(%dma_wait3A_174 : memref<10240x128xf32, #tpu.memory_space<hbm>>) dst(%dma_wait3A_168 : memref<128x128xf32, #tpu.memory_space<vmem>>)
        %run_scoped3A = arith.constant 0 : i32
        %run_scoped3A_177 = arith.constant 1 : i32
        "tpu.region"() ({
          %run_scoped3A_238 = tpu.sem_alloc : memref<!tpu.dma_semaphore, #tpu.memory_space<semaphore_mem>>
          %dma_start3A_239 = arith.constant 0 : i32
          %dma_start3A_240 = arith.constant 0 : i32
          %dma_start3A_241 = tpu.memref_slice %arg7[%run_scoped3A, %dma_start3A_239, %dma_start3A_240] : memref<2x128x128xf32, #tpu.memory_space<vmem>> -> memref<1x128x128xf32, #tpu.memory_space<vmem>>
          %dma_start3A_242 = tpu.memref_squeeze %dma_start3A_241 : memref<1x128x128xf32, #tpu.memory_space<vmem>> -> memref<128x128xf32, #tpu.memory_space<vmem>>
          %dma_start3A_243 = arith.constant 0 : i32
          %dma_start3A_244 = tpu.memref_slice %arg6[%add3A_161, %run_scoped3A_177, %dma_start3A_243] : memref<62x2x128xi32, #tpu.memory_space<vmem>> -> memref<1x1x128xi32, #tpu.memory_space<vmem>>
          %dma_start3A_245 = tpu.memref_squeeze %dma_start3A_244 : memref<1x1x128xi32, #tpu.memory_space<vmem>> -> memref<128xi32, #tpu.memory_space<vmem>>
          %dma_start3A_246 = arith.constant 0 : i32
          %dma_start3A_247 = arith.constant 0 : i32
          %dma_start3A_248 = tpu.memref_slice %arg8[%dma_start3A_246, %dma_start3A_247] : memref<10240x128xf32, #tpu.memory_space<vmem_shared>> -> memref<10240x128xf32, #tpu.memory_space<vmem_shared>>
          tpu.enqueue_indirect_dma source(%dma_start3A_242 : memref<128x128xf32, #tpu.memory_space<vmem>>) target(%dma_start3A_248 : memref<10240x128xf32, #tpu.memory_space<vmem_shared>>) offsets(%dma_start3A_245 : memref<128xi32, #tpu.memory_space<vmem>>) semaphore(%run_scoped3A_238 : memref<!tpu.dma_semaphore, #tpu.memory_space<semaphore_mem>>) {add = true}
          %dma_wait3A_249 = arith.constant 0 : i32
          %dma_wait3A_250 = arith.constant 0 : i32
          %dma_wait3A_251 = tpu.memref_slice %arg7[%run_scoped3A, %dma_wait3A_249, %dma_wait3A_250] : memref<2x128x128xf32, #tpu.memory_space<vmem>> -> memref<1x128x128xf32, #tpu.memory_space<vmem>>
          %dma_wait3A_252 = tpu.memref_squeeze %dma_wait3A_251 : memref<1x128x128xf32, #tpu.memory_space<vmem>> -> memref<128x128xf32, #tpu.memory_space<vmem>>
          %dma_wait3A_253 = arith.constant 0 : i32
          %dma_wait3A_254 = tpu.memref_slice %arg6[%add3A_161, %run_scoped3A_177, %dma_wait3A_253] : memref<62x2x128xi32, #tpu.memory_space<vmem>> -> memref<1x1x128xi32, #tpu.memory_space<vmem>>
          %dma_wait3A_255 = tpu.memref_squeeze %dma_wait3A_254 : memref<1x1x128xi32, #tpu.memory_space<vmem>> -> memref<128xi32, #tpu.memory_space<vmem>>
          %dma_wait3A_256 = arith.constant 0 : i32
          %dma_wait3A_257 = arith.constant 0 : i32
          %dma_wait3A_258 = tpu.memref_slice %arg8[%dma_wait3A_256, %dma_wait3A_257] : memref<10240x128xf32, #tpu.memory_space<vmem_shared>> -> memref<10240x128xf32, #tpu.memory_space<vmem_shared>>
          tpu.wait_indirect_dma semaphore(%run_scoped3A_238 : memref<!tpu.dma_semaphore, #tpu.memory_space<semaphore_mem>>) src(%dma_wait3A_252 : memref<128x128xf32, #tpu.memory_space<vmem>>) dst(%dma_wait3A_258 : memref<10240x128xf32, #tpu.memory_space<vmem_shared>>)
          tpu.yield
        }) : () -> ()
        %add3A_178 = arith.constant 2 : i32
        %add3A_179 = arith.addi %add3A_161, %add3A_178 : i32
        %ge3A = arith.constant 62 : i32
        %ge3A_180 = arith.cmpi sge, %add3A_179, %ge3A : i32
        %sub3A = arith.constant 62 : i32
        %sub3A_181 = arith.subi %add3A_179, %sub3A : i32
        %select_n3A = arith.select %ge3A_180, %sub3A_181, %add3A_179 : i32
        %dma_start3A_182 = arith.constant 0 : i32
        %dma_start3A_183 = arith.constant 0 : i32
        %dma_start3A_184 = arith.constant 0 : i32
        %dma_start3A_185 = arith.constant 0 : i32
        %dma_start3A_186 = arith.constant 0 : i32
        %dma_start3A_187 = tpu.memref_slice %arg7[%dma_start3A_183, %dma_start3A_185, %dma_start3A_186] : memref<2x128x128xf32, #tpu.memory_space<vmem>> -> memref<1x128x128xf32, #tpu.memory_space<vmem>>
        %dma_start3A_188 = tpu.memref_squeeze %dma_start3A_187 : memref<1x128x128xf32, #tpu.memory_space<vmem>> -> memref<128x128xf32, #tpu.memory_space<vmem>>
        %dma_start3A_189 = arith.constant 0 : i32
        %dma_start3A_190 = tpu.memref_slice %arg6[%select_n3A, %dma_start3A_182, %dma_start3A_189] : memref<62x2x128xi32, #tpu.memory_space<vmem>> -> memref<1x1x128xi32, #tpu.memory_space<vmem>>
        %dma_start3A_191 = tpu.memref_squeeze %dma_start3A_190 : memref<1x1x128xi32, #tpu.memory_space<vmem>> -> memref<128xi32, #tpu.memory_space<vmem>>
        %dma_start3A_192 = arith.constant 0 : i32
        %dma_start3A_193 = arith.constant 0 : i32
        %dma_start3A_194 = tpu.memref_slice %arg2[%dma_start3A_192, %dma_start3A_193] : memref<10240x128xf32, #tpu.memory_space<hbm>> -> memref<10240x128xf32, #tpu.memory_space<hbm>>
        %dma_start3A_195 = tpu.memref_slice %arg9[%dma_start3A_184] : memref<2x!tpu.dma_semaphore, #tpu.memory_space<semaphore_mem>> -> memref<1x!tpu.dma_semaphore, #tpu.memory_space<semaphore_mem>>
        %dma_start3A_196 = tpu.memref_squeeze %dma_start3A_195 : memref<1x!tpu.dma_semaphore, #tpu.memory_space<semaphore_mem>> -> memref<!tpu.dma_semaphore, #tpu.memory_space<semaphore_mem>>
        tpu.enqueue_indirect_dma source(%dma_start3A_194 : memref<10240x128xf32, #tpu.memory_space<hbm>>) target(%dma_start3A_188 : memref<128x128xf32, #tpu.memory_space<vmem>>) offsets(%dma_start3A_191 : memref<128xi32, #tpu.memory_space<vmem>>) semaphore(%dma_start3A_196 : memref<!tpu.dma_semaphore, #tpu.memory_space<semaphore_mem>>)
        %add3A_197 = arith.constant 1 : i32
        %add3A_198 = arith.addi %mul3A_159, %add3A_197 : i32
        %dma_wait3A_199 = arith.constant 0 : i32
        %dma_wait3A_200 = arith.constant 1 : i32
        %dma_wait3A_201 = arith.constant 1 : i32
        %dma_wait3A_202 = arith.constant 0 : i32
        %dma_wait3A_203 = arith.constant 0 : i32
        %dma_wait3A_204 = tpu.memref_slice %arg7[%dma_wait3A_200, %dma_wait3A_202, %dma_wait3A_203] : memref<2x128x128xf32, #tpu.memory_space<vmem>> -> memref<1x128x128xf32, #tpu.memory_space<vmem>>
        %dma_wait3A_205 = tpu.memref_squeeze %dma_wait3A_204 : memref<1x128x128xf32, #tpu.memory_space<vmem>> -> memref<128x128xf32, #tpu.memory_space<vmem>>
        %dma_wait3A_206 = arith.constant 0 : i32
        %dma_wait3A_207 = tpu.memref_slice %arg6[%add3A_198, %dma_wait3A_199, %dma_wait3A_206] : memref<62x2x128xi32, #tpu.memory_space<vmem>> -> memref<1x1x128xi32, #tpu.memory_space<vmem>>
        %dma_wait3A_208 = tpu.memref_squeeze %dma_wait3A_207 : memref<1x1x128xi32, #tpu.memory_space<vmem>> -> memref<128xi32, #tpu.memory_space<vmem>>
        %dma_wait3A_209 = arith.constant 0 : i32
        %dma_wait3A_210 = arith.constant 0 : i32
        %dma_wait3A_211 = tpu.memref_slice %arg2[%dma_wait3A_209, %dma_wait3A_210] : memref<10240x128xf32, #tpu.memory_space<hbm>> -> memref<10240x128xf32, #tpu.memory_space<hbm>>
        %dma_wait3A_212 = tpu.memref_slice %arg9[%dma_wait3A_201] : memref<2x!tpu.dma_semaphore, #tpu.memory_space<semaphore_mem>> -> memref<1x!tpu.dma_semaphore, #tpu.memory_space<semaphore_mem>>
        %dma_wait3A_213 = tpu.memref_squeeze %dma_wait3A_212 : memref<1x!tpu.dma_semaphore, #tpu.memory_space<semaphore_mem>> -> memref<!tpu.dma_semaphore, #tpu.memory_space<semaphore_mem>>
        tpu.wait_indirect_dma semaphore(%dma_wait3A_213 : memref<!tpu.dma_semaphore, #tpu.memory_space<semaphore_mem>>) src(%dma_wait3A_211 : memref<10240x128xf32, #tpu.memory_space<hbm>>) dst(%dma_wait3A_205 : memref<128x128xf32, #tpu.memory_space<vmem>>)
        %run_scoped3A_214 = arith.constant 1 : i32
        %run_scoped3A_215 = arith.constant 1 : i32
        "tpu.region"() ({
          %run_scoped3A_238 = tpu.sem_alloc : memref<!tpu.dma_semaphore, #tpu.memory_space<semaphore_mem>>
          %dma_start3A_239 = arith.constant 0 : i32
          %dma_start3A_240 = arith.constant 0 : i32
          %dma_start3A_241 = tpu.memref_slice %arg7[%run_scoped3A_214, %dma_start3A_239, %dma_start3A_240] : memref<2x128x128xf32, #tpu.memory_space<vmem>> -> memref<1x128x128xf32, #tpu.memory_space<vmem>>
          %dma_start3A_242 = tpu.memref_squeeze %dma_start3A_241 : memref<1x128x128xf32, #tpu.memory_space<vmem>> -> memref<128x128xf32, #tpu.memory_space<vmem>>
          %dma_start3A_243 = arith.constant 0 : i32
          %dma_start3A_244 = tpu.memref_slice %arg6[%add3A_198, %run_scoped3A_215, %dma_start3A_243] : memref<62x2x128xi32, #tpu.memory_space<vmem>> -> memref<1x1x128xi32, #tpu.memory_space<vmem>>
          %dma_start3A_245 = tpu.memref_squeeze %dma_start3A_244 : memref<1x1x128xi32, #tpu.memory_space<vmem>> -> memref<128xi32, #tpu.memory_space<vmem>>
          %dma_start3A_246 = arith.constant 0 : i32
          %dma_start3A_247 = arith.constant 0 : i32
          %dma_start3A_248 = tpu.memref_slice %arg8[%dma_start3A_246, %dma_start3A_247] : memref<10240x128xf32, #tpu.memory_space<vmem_shared>> -> memref<10240x128xf32, #tpu.memory_space<vmem_shared>>
          tpu.enqueue_indirect_dma source(%dma_start3A_242 : memref<128x128xf32, #tpu.memory_space<vmem>>) target(%dma_start3A_248 : memref<10240x128xf32, #tpu.memory_space<vmem_shared>>) offsets(%dma_start3A_245 : memref<128xi32, #tpu.memory_space<vmem>>) semaphore(%run_scoped3A_238 : memref<!tpu.dma_semaphore, #tpu.memory_space<semaphore_mem>>) {add = true}
          %dma_wait3A_249 = arith.constant 0 : i32
          %dma_wait3A_250 = arith.constant 0 : i32
          %dma_wait3A_251 = tpu.memref_slice %arg7[%run_scoped3A_214, %dma_wait3A_249, %dma_wait3A_250] : memref<2x128x128xf32, #tpu.memory_space<vmem>> -> memref<1x128x128xf32, #tpu.memory_space<vmem>>
          %dma_wait3A_252 = tpu.memref_squeeze %dma_wait3A_251 : memref<1x128x128xf32, #tpu.memory_space<vmem>> -> memref<128x128xf32, #tpu.memory_space<vmem>>
          %dma_wait3A_253 = arith.constant 0 : i32
          %dma_wait3A_254 = tpu.memref_slice %arg6[%add3A_198, %run_scoped3A_215, %dma_wait3A_253] : memref<62x2x128xi32, #tpu.memory_space<vmem>> -> memref<1x1x128xi32, #tpu.memory_space<vmem>>
          %dma_wait3A_255 = tpu.memref_squeeze %dma_wait3A_254 : memref<1x1x128xi32, #tpu.memory_space<vmem>> -> memref<128xi32, #tpu.memory_space<vmem>>
          %dma_wait3A_256 = arith.constant 0 : i32
          %dma_wait3A_257 = arith.constant 0 : i32
          %dma_wait3A_258 = tpu.memref_slice %arg8[%dma_wait3A_256, %dma_wait3A_257] : memref<10240x128xf32, #tpu.memory_space<vmem_shared>> -> memref<10240x128xf32, #tpu.memory_space<vmem_shared>>
          tpu.wait_indirect_dma semaphore(%run_scoped3A_238 : memref<!tpu.dma_semaphore, #tpu.memory_space<semaphore_mem>>) src(%dma_wait3A_252 : memref<128x128xf32, #tpu.memory_space<vmem>>) dst(%dma_wait3A_258 : memref<10240x128xf32, #tpu.memory_space<vmem_shared>>)
          tpu.yield
        }) : () -> ()
        %add3A_216 = arith.constant 2 : i32
        %add3A_217 = arith.addi %add3A_198, %add3A_216 : i32
        %ge3A_218 = arith.constant 62 : i32
        %ge3A_219 = arith.cmpi sge, %add3A_217, %ge3A_218 : i32
        %sub3A_220 = arith.constant 62 : i32
        %sub3A_221 = arith.subi %add3A_217, %sub3A_220 : i32
        %select_n3A_222 = arith.select %ge3A_219, %sub3A_221, %add3A_217 : i32
        %dma_start3A_223 = arith.constant 0 : i32
        %dma_start3A_224 = arith.constant 1 : i32
        %dma_start3A_225 = arith.constant 1 : i32
        %dma_start3A_226 = arith.constant 0 : i32
        %dma_start3A_227 = arith.constant 0 : i32
        %dma_start3A_228 = tpu.memref_slice %arg7[%dma_start3A_224, %dma_start3A_226, %dma_start3A_227] : memref<2x128x128xf32, #tpu.memory_space<vmem>> -> memref<1x128x128xf32, #tpu.memory_space<vmem>>
        %dma_start3A_229 = tpu.memref_squeeze %dma_start3A_228 : memref<1x128x128xf32, #tpu.memory_space<vmem>> -> memref<128x128xf32, #tpu.memory_space<vmem>>
        %dma_start3A_230 = arith.constant 0 : i32
        %dma_start3A_231 = tpu.memref_slice %arg6[%select_n3A_222, %dma_start3A_223, %dma_start3A_230] : memref<62x2x128xi32, #tpu.memory_space<vmem>> -> memref<1x1x128xi32, #tpu.memory_space<vmem>>
        %dma_start3A_232 = tpu.memref_squeeze %dma_start3A_231 : memref<1x1x128xi32, #tpu.memory_space<vmem>> -> memref<128xi32, #tpu.memory_space<vmem>>
        %dma_start3A_233 = arith.constant 0 : i32
        %dma_start3A_234 = arith.constant 0 : i32
        %dma_start3A_235 = tpu.memref_slice %arg2[%dma_start3A_233, %dma_start3A_234] : memref<10240x128xf32, #tpu.memory_space<hbm>> -> memref<10240x128xf32, #tpu.memory_space<hbm>>
        %dma_start3A_236 = tpu.memref_slice %arg9[%dma_start3A_225] : memref<2x!tpu.dma_semaphore, #tpu.memory_space<semaphore_mem>> -> memref<1x!tpu.dma_semaphore, #tpu.memory_space<semaphore_mem>>
        %dma_start3A_237 = tpu.memref_squeeze %dma_start3A_236 : memref<1x!tpu.dma_semaphore, #tpu.memory_space<semaphore_mem>> -> memref<!tpu.dma_semaphore, #tpu.memory_space<semaphore_mem>>
        tpu.enqueue_indirect_dma source(%dma_start3A_235 : memref<10240x128xf32, #tpu.memory_space<hbm>>) target(%dma_start3A_229 : memref<128x128xf32, #tpu.memory_space<vmem>>) offsets(%dma_start3A_232 : memref<128xi32, #tpu.memory_space<vmem>>) semaphore(%dma_start3A_237 : memref<!tpu.dma_semaphore, #tpu.memory_space<semaphore_mem>>)
      }
      %scan3A_53 = arith.constant 31 : i32
      %dma_wait3A = arith.constant 0 : i32
      %dma_wait3A_54 = arith.constant 0 : i32
      %dma_wait3A_55 = arith.constant 0 : i32
      %dma_wait3A_56 = arith.constant 0 : i32
      %dma_wait3A_57 = arith.constant 0 : i32
      %dma_wait3A_58 = arith.constant 0 : i32
      %dma_wait3A_59 = tpu.memref_slice %arg7[%dma_wait3A_55, %dma_wait3A_57, %dma_wait3A_58] : memref<2x128x128xf32, #tpu.memory_space<vmem>> -> memref<1x128x128xf32, #tpu.memory_space<vmem>>
      %dma_wait3A_60 = tpu.memref_squeeze %dma_wait3A_59 : memref<1x128x128xf32, #tpu.memory_space<vmem>> -> memref<128x128xf32, #tpu.memory_space<vmem>>
      %dma_wait3A_61 = arith.constant 0 : i32
      %dma_wait3A_62 = tpu.memref_slice %arg6[%dma_wait3A, %dma_wait3A_54, %dma_wait3A_61] : memref<62x2x128xi32, #tpu.memory_space<vmem>> -> memref<1x1x128xi32, #tpu.memory_space<vmem>>
      %dma_wait3A_63 = tpu.memref_squeeze %dma_wait3A_62 : memref<1x1x128xi32, #tpu.memory_space<vmem>> -> memref<128xi32, #tpu.memory_space<vmem>>
      %dma_wait3A_64 = arith.constant 0 : i32
      %dma_wait3A_65 = arith.constant 0 : i32
      %dma_wait3A_66 = tpu.memref_slice %arg2[%dma_wait3A_64, %dma_wait3A_65] : memref<10240x128xf32, #tpu.memory_space<hbm>> -> memref<10240x128xf32, #tpu.memory_space<hbm>>
      %dma_wait3A_67 = tpu.memref_slice %arg9[%dma_wait3A_56] : memref<2x!tpu.dma_semaphore, #tpu.memory_space<semaphore_mem>> -> memref<1x!tpu.dma_semaphore, #tpu.memory_space<semaphore_mem>>
      %dma_wait3A_68 = tpu.memref_squeeze %dma_wait3A_67 : memref<1x!tpu.dma_semaphore, #tpu.memory_space<semaphore_mem>> -> memref<!tpu.dma_semaphore, #tpu.memory_space<semaphore_mem>>
      tpu.wait_indirect_dma semaphore(%dma_wait3A_68 : memref<!tpu.dma_semaphore, #tpu.memory_space<semaphore_mem>>) src(%dma_wait3A_66 : memref<10240x128xf32, #tpu.memory_space<hbm>>) dst(%dma_wait3A_60 : memref<128x128xf32, #tpu.memory_space<vmem>>)
      %dma_wait3A_69 = arith.constant 1 : i32
      %dma_wait3A_70 = arith.constant 0 : i32
      %dma_wait3A_71 = arith.constant 1 : i32
      %dma_wait3A_72 = arith.constant 1 : i32
      %dma_wait3A_73 = arith.constant 0 : i32
      %dma_wait3A_74 = arith.constant 0 : i32
      %dma_wait3A_75 = tpu.memref_slice %arg7[%dma_wait3A_71, %dma_wait3A_73, %dma_wait3A_74] : memref<2x128x128xf32, #tpu.memory_space<vmem>> -> memref<1x128x128xf32, #tpu.memory_space<vmem>>
      %dma_wait3A_76 = tpu.memref_squeeze %dma_wait3A_75 : memref<1x128x128xf32, #tpu.memory_space<vmem>> -> memref<128x128xf32, #tpu.memory_space<vmem>>
      %dma_wait3A_77 = arith.constant 0 : i32
      %dma_wait3A_78 = tpu.memref_slice %arg6[%dma_wait3A_69, %dma_wait3A_70, %dma_wait3A_77] : memref<62x2x128xi32, #tpu.memory_space<vmem>> -> memref<1x1x128xi32, #tpu.memory_space<vmem>>
      %dma_wait3A_79 = tpu.memref_squeeze %dma_wait3A_78 : memref<1x1x128xi32, #tpu.memory_space<vmem>> -> memref<128xi32, #tpu.memory_space<vmem>>
      %dma_wait3A_80 = arith.constant 0 : i32
      %dma_wait3A_81 = arith.constant 0 : i32
      %dma_wait3A_82 = tpu.memref_slice %arg2[%dma_wait3A_80, %dma_wait3A_81] : memref<10240x128xf32, #tpu.memory_space<hbm>> -> memref<10240x128xf32, #tpu.memory_space<hbm>>
      %dma_wait3A_83 = tpu.memref_slice %arg9[%dma_wait3A_72] : memref<2x!tpu.dma_semaphore, #tpu.memory_space<semaphore_mem>> -> memref<1x!tpu.dma_semaphore, #tpu.memory_space<semaphore_mem>>
      %dma_wait3A_84 = tpu.memref_squeeze %dma_wait3A_83 : memref<1x!tpu.dma_semaphore, #tpu.memory_space<semaphore_mem>> -> memref<!tpu.dma_semaphore, #tpu.memory_space<semaphore_mem>>
      tpu.wait_indirect_dma semaphore(%dma_wait3A_84 : memref<!tpu.dma_semaphore, #tpu.memory_space<semaphore_mem>>) src(%dma_wait3A_82 : memref<10240x128xf32, #tpu.memory_space<hbm>>) dst(%dma_wait3A_76 : memref<128x128xf32, #tpu.memory_space<vmem>>)
      %add3A_85 = arith.constant 62 : i32
      %add3A_86 = arith.addi %mul3A_16, %add3A_85 : i32
      "tpu.region"() ({
        %run_scoped3A = tpu.sem_alloc : memref<!tpu.dma_semaphore, #tpu.memory_space<semaphore_mem>>
        %dma_start3A_157 = arith.constant 0 : i32
        %dma_start3A_158 = arith.constant 0 : i32
        %dma_start3A_159 = arith.constant 0 : i32
        %dma_start3A_160 = tpu.memref_slice %arg6[%dma_start3A_157, %dma_start3A_158, %dma_start3A_159] : memref<62x2x128xi32, #tpu.memory_space<vmem>> -> memref<62x2x128xi32, #tpu.memory_space<vmem>>
        %dma_start3A_161 = arith.constant 0 : i32
        %dma_start3A_162 = arith.constant 0 : i32
        %dma_start3A_163 = tpu.memref_slice %arg3[%add3A_86, %dma_start3A_161, %dma_start3A_162] : memref<2560x2x128xi32, #tpu.memory_space<hbm>> -> memref<62x2x128xi32, #tpu.memory_space<hbm>>
        %dma_start3A_164 = arith.constant 0 : i32
        %dma_start3A_165 = arith.constant 0 : i32
        %dma_start3A_166 = arith.constant 0 : i32
        %dma_start3A_167 = tpu.memref_slice %arg6[%dma_start3A_164, %dma_start3A_165, %dma_start3A_166] : memref<62x2x128xi32, #tpu.memory_space<vmem>> -> memref<62x2x128xi32, #tpu.memory_space<vmem>>
        %dma_start3A_168 = arith.constant 0 : i32
        %dma_start3A_169 = arith.constant 0 : i32
        %dma_start3A_170 = tpu.memref_slice %arg3[%add3A_86, %dma_start3A_168, %dma_start3A_169] : memref<2560x2x128xi32, #tpu.memory_space<hbm>> -> memref<62x2x128xi32, #tpu.memory_space<hbm>>
        tpu.enqueue_dma source(%dma_start3A_170 : memref<62x2x128xi32, #tpu.memory_space<hbm>>) target(%dma_start3A_167 : memref<62x2x128xi32, #tpu.memory_space<vmem>>) target_semaphore(%run_scoped3A : memref<!tpu.dma_semaphore, #tpu.memory_space<semaphore_mem>>)
        %dma_wait3A_171 = arith.constant 0 : i32
        %dma_wait3A_172 = arith.constant 0 : i32
        %dma_wait3A_173 = arith.constant 0 : i32
        %dma_wait3A_174 = tpu.memref_slice %arg6[%dma_wait3A_171, %dma_wait3A_172, %dma_wait3A_173] : memref<62x2x128xi32, #tpu.memory_space<vmem>> -> memref<62x2x128xi32, #tpu.memory_space<vmem>>
        %dma_wait3A_175 = arith.constant 0 : i32
        %dma_wait3A_176 = arith.constant 0 : i32
        %dma_wait3A_177 = tpu.memref_slice %arg3[%add3A_86, %dma_wait3A_175, %dma_wait3A_176] : memref<2560x2x128xi32, #tpu.memory_space<hbm>> -> memref<62x2x128xi32, #tpu.memory_space<hbm>>
        %dma_wait3A_178 = arith.constant 0 : i32
        %dma_wait3A_179 = arith.constant 0 : i32
        %dma_wait3A_180 = arith.constant 0 : i32
        %dma_wait3A_181 = tpu.memref_slice %arg6[%dma_wait3A_178, %dma_wait3A_179, %dma_wait3A_180] : memref<62x2x128xi32, #tpu.memory_space<vmem>> -> memref<62x2x128xi32, #tpu.memory_space<vmem>>
        %dma_wait3A_182 = arith.constant 0 : i32
        %dma_wait3A_183 = arith.constant 0 : i32
        %dma_wait3A_184 = tpu.memref_slice %arg3[%add3A_86, %dma_wait3A_182, %dma_wait3A_183] : memref<2560x2x128xi32, #tpu.memory_space<hbm>> -> memref<62x2x128xi32, #tpu.memory_space<hbm>>
        tpu.wait_dma2 semaphore(%run_scoped3A : memref<!tpu.dma_semaphore, #tpu.memory_space<semaphore_mem>>) src(%dma_wait3A_184 : memref<62x2x128xi32, #tpu.memory_space<hbm>>) dst(%dma_wait3A_181 : memref<62x2x128xi32, #tpu.memory_space<vmem>>)
        tpu.yield
      }) : () -> ()
      %dma_start3A_87 = arith.constant 0 : i32
      %dma_start3A_88 = arith.constant 0 : i32
      %dma_start3A_89 = arith.constant 0 : i32
      %dma_start3A_90 = arith.constant 0 : i32
      %dma_start3A_91 = arith.constant 0 : i32
      %dma_start3A_92 = arith.constant 0 : i32
      %dma_start3A_93 = tpu.memref_slice %arg7[%dma_start3A_89, %dma_start3A_91, %dma_start3A_92] : memref<2x128x128xf32, #tpu.memory_space<vmem>> -> memref<1x128x128xf32, #tpu.memory_space<vmem>>
      %dma_start3A_94 = tpu.memref_squeeze %dma_start3A_93 : memref<1x128x128xf32, #tpu.memory_space<vmem>> -> memref<128x128xf32, #tpu.memory_space<vmem>>
      %dma_start3A_95 = arith.constant 0 : i32
      %dma_start3A_96 = tpu.memref_slice %arg6[%dma_start3A_87, %dma_start3A_88, %dma_start3A_95] : memref<62x2x128xi32, #tpu.memory_space<vmem>> -> memref<1x1x128xi32, #tpu.memory_space<vmem>>
      %dma_start3A_97 = tpu.memref_squeeze %dma_start3A_96 : memref<1x1x128xi32, #tpu.memory_space<vmem>> -> memref<128xi32, #tpu.memory_space<vmem>>
      %dma_start3A_98 = arith.constant 0 : i32
      %dma_start3A_99 = arith.constant 0 : i32
      %dma_start3A_100 = tpu.memref_slice %arg2[%dma_start3A_98, %dma_start3A_99] : memref<10240x128xf32, #tpu.memory_space<hbm>> -> memref<10240x128xf32, #tpu.memory_space<hbm>>
      %dma_start3A_101 = tpu.memref_slice %arg9[%dma_start3A_90] : memref<2x!tpu.dma_semaphore, #tpu.memory_space<semaphore_mem>> -> memref<1x!tpu.dma_semaphore, #tpu.memory_space<semaphore_mem>>
      %dma_start3A_102 = tpu.memref_squeeze %dma_start3A_101 : memref<1x!tpu.dma_semaphore, #tpu.memory_space<semaphore_mem>> -> memref<!tpu.dma_semaphore, #tpu.memory_space<semaphore_mem>>
      tpu.enqueue_indirect_dma source(%dma_start3A_100 : memref<10240x128xf32, #tpu.memory_space<hbm>>) target(%dma_start3A_94 : memref<128x128xf32, #tpu.memory_space<vmem>>) offsets(%dma_start3A_97 : memref<128xi32, #tpu.memory_space<vmem>>) semaphore(%dma_start3A_102 : memref<!tpu.dma_semaphore, #tpu.memory_space<semaphore_mem>>)
      %dma_start3A_103 = arith.constant 1 : i32
      %dma_start3A_104 = arith.constant 0 : i32
      %dma_start3A_105 = arith.constant 1 : i32
      %dma_start3A_106 = arith.constant 1 : i32
      %dma_start3A_107 = arith.constant 0 : i32
      %dma_start3A_108 = arith.constant 0 : i32
      %dma_start3A_109 = tpu.memref_slice %arg7[%dma_start3A_105, %dma_start3A_107, %dma_start3A_108] : memref<2x128x128xf32, #tpu.memory_space<vmem>> -> memref<1x128x128xf32, #tpu.memory_space<vmem>>
      %dma_start3A_110 = tpu.memref_squeeze %dma_start3A_109 : memref<1x128x128xf32, #tpu.memory_space<vmem>> -> memref<128x128xf32, #tpu.memory_space<vmem>>
      %dma_start3A_111 = arith.constant 0 : i32
      %dma_start3A_112 = tpu.memref_slice %arg6[%dma_start3A_103, %dma_start3A_104, %dma_start3A_111] : memref<62x2x128xi32, #tpu.memory_space<vmem>> -> memref<1x1x128xi32, #tpu.memory_space<vmem>>
      %dma_start3A_113 = tpu.memref_squeeze %dma_start3A_112 : memref<1x1x128xi32, #tpu.memory_space<vmem>> -> memref<128xi32, #tpu.memory_space<vmem>>
      %dma_start3A_114 = arith.constant 0 : i32
      %dma_start3A_115 = arith.constant 0 : i32
      %dma_start3A_116 = tpu.memref_slice %arg2[%dma_start3A_114, %dma_start3A_115] : memref<10240x128xf32, #tpu.memory_space<hbm>> -> memref<10240x128xf32, #tpu.memory_space<hbm>>
      %dma_start3A_117 = tpu.memref_slice %arg9[%dma_start3A_106] : memref<2x!tpu.dma_semaphore, #tpu.memory_space<semaphore_mem>> -> memref<1x!tpu.dma_semaphore, #tpu.memory_space<semaphore_mem>>
      %dma_start3A_118 = tpu.memref_squeeze %dma_start3A_117 : memref<1x!tpu.dma_semaphore, #tpu.memory_space<semaphore_mem>> -> memref<!tpu.dma_semaphore, #tpu.memory_space<semaphore_mem>>
      tpu.enqueue_indirect_dma source(%dma_start3A_116 : memref<10240x128xf32, #tpu.memory_space<hbm>>) target(%dma_start3A_110 : memref<128x128xf32, #tpu.memory_space<vmem>>) offsets(%dma_start3A_113 : memref<128xi32, #tpu.memory_space<vmem>>) semaphore(%dma_start3A_118 : memref<!tpu.dma_semaphore, #tpu.memory_space<semaphore_mem>>)
      %scan3A_119 = arith.constant 0 : i32
      %scan3A_120 = arith.constant 0 : i32
      %scan3A_121 = arith.constant 31 : i32
      %scan3A_122 = arith.addi %scan3A_120, %scan3A_121 : i32
      %scan3A_123 = arith.constant 1 : i32
      scf.for %scan3A_157 = %scan3A_120 to %scan3A_122 step %scan3A_123  : i32 {
        %mul3A_158 = arith.constant 2 : i32
        %mul3A_159 = arith.muli %scan3A_157, %mul3A_158 : i32
        %add3A_160 = arith.constant 0 : i32
        %add3A_161 = arith.addi %mul3A_159, %add3A_160 : i32
        %dma_wait3A_162 = arith.constant 0 : i32
        %dma_wait3A_163 = arith.constant 0 : i32
        %dma_wait3A_164 = arith.constant 0 : i32
        %dma_wait3A_165 = arith.constant 0 : i32
        %dma_wait3A_166 = arith.constant 0 : i32
        %dma_wait3A_167 = tpu.memref_slice %arg7[%dma_wait3A_163, %dma_wait3A_165, %dma_wait3A_166] : memref<2x128x128xf32, #tpu.memory_space<vmem>> -> memref<1x128x128xf32, #tpu.memory_space<vmem>>
        %dma_wait3A_168 = tpu.memref_squeeze %dma_wait3A_167 : memref<1x128x128xf32, #tpu.memory_space<vmem>> -> memref<128x128xf32, #tpu.memory_space<vmem>>
        %dma_wait3A_169 = arith.constant 0 : i32
        %dma_wait3A_170 = tpu.memref_slice %arg6[%add3A_161, %dma_wait3A_162, %dma_wait3A_169] : memref<62x2x128xi32, #tpu.memory_space<vmem>> -> memref<1x1x128xi32, #tpu.memory_space<vmem>>
        %dma_wait3A_171 = tpu.memref_squeeze %dma_wait3A_170 : memref<1x1x128xi32, #tpu.memory_space<vmem>> -> memref<128xi32, #tpu.memory_space<vmem>>
        %dma_wait3A_172 = arith.constant 0 : i32
        %dma_wait3A_173 = arith.constant 0 : i32
        %dma_wait3A_174 = tpu.memref_slice %arg2[%dma_wait3A_172, %dma_wait3A_173] : memref<10240x128xf32, #tpu.memory_space<hbm>> -> memref<10240x128xf32, #tpu.memory_space<hbm>>
        %dma_wait3A_175 = tpu.memref_slice %arg9[%dma_wait3A_164] : memref<2x!tpu.dma_semaphore, #tpu.memory_space<semaphore_mem>> -> memref<1x!tpu.dma_semaphore, #tpu.memory_space<semaphore_mem>>
        %dma_wait3A_176 = tpu.memref_squeeze %dma_wait3A_175 : memref<1x!tpu.dma_semaphore, #tpu.memory_space<semaphore_mem>> -> memref<!tpu.dma_semaphore, #tpu.memory_space<semaphore_mem>>
        tpu.wait_indirect_dma semaphore(%dma_wait3A_176 : memref<!tpu.dma_semaphore, #tpu.memory_space<semaphore_mem>>) src(%dma_wait3A_174 : memref<10240x128xf32, #tpu.memory_space<hbm>>) dst(%dma_wait3A_168 : memref<128x128xf32, #tpu.memory_space<vmem>>)
        %run_scoped3A = arith.constant 0 : i32
        %run_scoped3A_177 = arith.constant 1 : i32
        "tpu.region"() ({
          %run_scoped3A_238 = tpu.sem_alloc : memref<!tpu.dma_semaphore, #tpu.memory_space<semaphore_mem>>
          %dma_start3A_239 = arith.constant 0 : i32
          %dma_start3A_240 = arith.constant 0 : i32
          %dma_start3A_241 = tpu.memref_slice %arg7[%run_scoped3A, %dma_start3A_239, %dma_start3A_240] : memref<2x128x128xf32, #tpu.memory_space<vmem>> -> memref<1x128x128xf32, #tpu.memory_space<vmem>>
          %dma_start3A_242 = tpu.memref_squeeze %dma_start3A_241 : memref<1x128x128xf32, #tpu.memory_space<vmem>> -> memref<128x128xf32, #tpu.memory_space<vmem>>
          %dma_start3A_243 = arith.constant 0 : i32
          %dma_start3A_244 = tpu.memref_slice %arg6[%add3A_161, %run_scoped3A_177, %dma_start3A_243] : memref<62x2x128xi32, #tpu.memory_space<vmem>> -> memref<1x1x128xi32, #tpu.memory_space<vmem>>
          %dma_start3A_245 = tpu.memref_squeeze %dma_start3A_244 : memref<1x1x128xi32, #tpu.memory_space<vmem>> -> memref<128xi32, #tpu.memory_space<vmem>>
          %dma_start3A_246 = arith.constant 0 : i32
          %dma_start3A_247 = arith.constant 0 : i32
          %dma_start3A_248 = tpu.memref_slice %arg8[%dma_start3A_246, %dma_start3A_247] : memref<10240x128xf32, #tpu.memory_space<vmem_shared>> -> memref<10240x128xf32, #tpu.memory_space<vmem_shared>>
          tpu.enqueue_indirect_dma source(%dma_start3A_242 : memref<128x128xf32, #tpu.memory_space<vmem>>) target(%dma_start3A_248 : memref<10240x128xf32, #tpu.memory_space<vmem_shared>>) offsets(%dma_start3A_245 : memref<128xi32, #tpu.memory_space<vmem>>) semaphore(%run_scoped3A_238 : memref<!tpu.dma_semaphore, #tpu.memory_space<semaphore_mem>>) {add = true}
          %dma_wait3A_249 = arith.constant 0 : i32
          %dma_wait3A_250 = arith.constant 0 : i32
          %dma_wait3A_251 = tpu.memref_slice %arg7[%run_scoped3A, %dma_wait3A_249, %dma_wait3A_250] : memref<2x128x128xf32, #tpu.memory_space<vmem>> -> memref<1x128x128xf32, #tpu.memory_space<vmem>>
          %dma_wait3A_252 = tpu.memref_squeeze %dma_wait3A_251 : memref<1x128x128xf32, #tpu.memory_space<vmem>> -> memref<128x128xf32, #tpu.memory_space<vmem>>
          %dma_wait3A_253 = arith.constant 0 : i32
          %dma_wait3A_254 = tpu.memref_slice %arg6[%add3A_161, %run_scoped3A_177, %dma_wait3A_253] : memref<62x2x128xi32, #tpu.memory_space<vmem>> -> memref<1x1x128xi32, #tpu.memory_space<vmem>>
          %dma_wait3A_255 = tpu.memref_squeeze %dma_wait3A_254 : memref<1x1x128xi32, #tpu.memory_space<vmem>> -> memref<128xi32, #tpu.memory_space<vmem>>
          %dma_wait3A_256 = arith.constant 0 : i32
          %dma_wait3A_257 = arith.constant 0 : i32
          %dma_wait3A_258 = tpu.memref_slice %arg8[%dma_wait3A_256, %dma_wait3A_257] : memref<10240x128xf32, #tpu.memory_space<vmem_shared>> -> memref<10240x128xf32, #tpu.memory_space<vmem_shared>>
          tpu.wait_indirect_dma semaphore(%run_scoped3A_238 : memref<!tpu.dma_semaphore, #tpu.memory_space<semaphore_mem>>) src(%dma_wait3A_252 : memref<128x128xf32, #tpu.memory_space<vmem>>) dst(%dma_wait3A_258 : memref<10240x128xf32, #tpu.memory_space<vmem_shared>>)
          tpu.yield
        }) : () -> ()
        %add3A_178 = arith.constant 2 : i32
        %add3A_179 = arith.addi %add3A_161, %add3A_178 : i32
        %ge3A = arith.constant 62 : i32
        %ge3A_180 = arith.cmpi sge, %add3A_179, %ge3A : i32
        %sub3A = arith.constant 62 : i32
        %sub3A_181 = arith.subi %add3A_179, %sub3A : i32
        %select_n3A = arith.select %ge3A_180, %sub3A_181, %add3A_179 : i32
        %dma_start3A_182 = arith.constant 0 : i32
        %dma_start3A_183 = arith.constant 0 : i32
        %dma_start3A_184 = arith.constant 0 : i32
        %dma_start3A_185 = arith.constant 0 : i32
        %dma_start3A_186 = arith.constant 0 : i32
        %dma_start3A_187 = tpu.memref_slice %arg7[%dma_start3A_183, %dma_start3A_185, %dma_start3A_186] : memref<2x128x128xf32, #tpu.memory_space<vmem>> -> memref<1x128x128xf32, #tpu.memory_space<vmem>>
        %dma_start3A_188 = tpu.memref_squeeze %dma_start3A_187 : memref<1x128x128xf32, #tpu.memory_space<vmem>> -> memref<128x128xf32, #tpu.memory_space<vmem>>
        %dma_start3A_189 = arith.constant 0 : i32
        %dma_start3A_190 = tpu.memref_slice %arg6[%select_n3A, %dma_start3A_182, %dma_start3A_189] : memref<62x2x128xi32, #tpu.memory_space<vmem>> -> memref<1x1x128xi32, #tpu.memory_space<vmem>>
        %dma_start3A_191 = tpu.memref_squeeze %dma_start3A_190 : memref<1x1x128xi32, #tpu.memory_space<vmem>> -> memref<128xi32, #tpu.memory_space<vmem>>
        %dma_start3A_192 = arith.constant 0 : i32
        %dma_start3A_193 = arith.constant 0 : i32
        %dma_start3A_194 = tpu.memref_slice %arg2[%dma_start3A_192, %dma_start3A_193] : memref<10240x128xf32, #tpu.memory_space<hbm>> -> memref<10240x128xf32, #tpu.memory_space<hbm>>
        %dma_start3A_195 = tpu.memref_slice %arg9[%dma_start3A_184] : memref<2x!tpu.dma_semaphore, #tpu.memory_space<semaphore_mem>> -> memref<1x!tpu.dma_semaphore, #tpu.memory_space<semaphore_mem>>
        %dma_start3A_196 = tpu.memref_squeeze %dma_start3A_195 : memref<1x!tpu.dma_semaphore, #tpu.memory_space<semaphore_mem>> -> memref<!tpu.dma_semaphore, #tpu.memory_space<semaphore_mem>>
        tpu.enqueue_indirect_dma source(%dma_start3A_194 : memref<10240x128xf32, #tpu.memory_space<hbm>>) target(%dma_start3A_188 : memref<128x128xf32, #tpu.memory_space<vmem>>) offsets(%dma_start3A_191 : memref<128xi32, #tpu.memory_space<vmem>>) semaphore(%dma_start3A_196 : memref<!tpu.dma_semaphore, #tpu.memory_space<semaphore_mem>>)
        %add3A_197 = arith.constant 1 : i32
        %add3A_198 = arith.addi %mul3A_159, %add3A_197 : i32
        %dma_wait3A_199 = arith.constant 0 : i32
        %dma_wait3A_200 = arith.constant 1 : i32
        %dma_wait3A_201 = arith.constant 1 : i32
        %dma_wait3A_202 = arith.constant 0 : i32
        %dma_wait3A_203 = arith.constant 0 : i32
        %dma_wait3A_204 = tpu.memref_slice %arg7[%dma_wait3A_200, %dma_wait3A_202, %dma_wait3A_203] : memref<2x128x128xf32, #tpu.memory_space<vmem>> -> memref<1x128x128xf32, #tpu.memory_space<vmem>>
        %dma_wait3A_205 = tpu.memref_squeeze %dma_wait3A_204 : memref<1x128x128xf32, #tpu.memory_space<vmem>> -> memref<128x128xf32, #tpu.memory_space<vmem>>
        %dma_wait3A_206 = arith.constant 0 : i32
        %dma_wait3A_207 = tpu.memref_slice %arg6[%add3A_198, %dma_wait3A_199, %dma_wait3A_206] : memref<62x2x128xi32, #tpu.memory_space<vmem>> -> memref<1x1x128xi32, #tpu.memory_space<vmem>>
        %dma_wait3A_208 = tpu.memref_squeeze %dma_wait3A_207 : memref<1x1x128xi32, #tpu.memory_space<vmem>> -> memref<128xi32, #tpu.memory_space<vmem>>
        %dma_wait3A_209 = arith.constant 0 : i32
        %dma_wait3A_210 = arith.constant 0 : i32
        %dma_wait3A_211 = tpu.memref_slice %arg2[%dma_wait3A_209, %dma_wait3A_210] : memref<10240x128xf32, #tpu.memory_space<hbm>> -> memref<10240x128xf32, #tpu.memory_space<hbm>>
        %dma_wait3A_212 = tpu.memref_slice %arg9[%dma_wait3A_201] : memref<2x!tpu.dma_semaphore, #tpu.memory_space<semaphore_mem>> -> memref<1x!tpu.dma_semaphore, #tpu.memory_space<semaphore_mem>>
        %dma_wait3A_213 = tpu.memref_squeeze %dma_wait3A_212 : memref<1x!tpu.dma_semaphore, #tpu.memory_space<semaphore_mem>> -> memref<!tpu.dma_semaphore, #tpu.memory_space<semaphore_mem>>
        tpu.wait_indirect_dma semaphore(%dma_wait3A_213 : memref<!tpu.dma_semaphore, #tpu.memory_space<semaphore_mem>>) src(%dma_wait3A_211 : memref<10240x128xf32, #tpu.memory_space<hbm>>) dst(%dma_wait3A_205 : memref<128x128xf32, #tpu.memory_space<vmem>>)
        %run_scoped3A_214 = arith.constant 1 : i32
        %run_scoped3A_215 = arith.constant 1 : i32
        "tpu.region"() ({
          %run_scoped3A_238 = tpu.sem_alloc : memref<!tpu.dma_semaphore, #tpu.memory_space<semaphore_mem>>
          %dma_start3A_239 = arith.constant 0 : i32
          %dma_start3A_240 = arith.constant 0 : i32
          %dma_start3A_241 = tpu.memref_slice %arg7[%run_scoped3A_214, %dma_start3A_239, %dma_start3A_240] : memref<2x128x128xf32, #tpu.memory_space<vmem>> -> memref<1x128x128xf32, #tpu.memory_space<vmem>>
          %dma_start3A_242 = tpu.memref_squeeze %dma_start3A_241 : memref<1x128x128xf32, #tpu.memory_space<vmem>> -> memref<128x128xf32, #tpu.memory_space<vmem>>
          %dma_start3A_243 = arith.constant 0 : i32
          %dma_start3A_244 = tpu.memref_slice %arg6[%add3A_198, %run_scoped3A_215, %dma_start3A_243] : memref<62x2x128xi32, #tpu.memory_space<vmem>> -> memref<1x1x128xi32, #tpu.memory_space<vmem>>
          %dma_start3A_245 = tpu.memref_squeeze %dma_start3A_244 : memref<1x1x128xi32, #tpu.memory_space<vmem>> -> memref<128xi32, #tpu.memory_space<vmem>>
          %dma_start3A_246 = arith.constant 0 : i32
          %dma_start3A_247 = arith.constant 0 : i32
          %dma_start3A_248 = tpu.memref_slice %arg8[%dma_start3A_246, %dma_start3A_247] : memref<10240x128xf32, #tpu.memory_space<vmem_shared>> -> memref<10240x128xf32, #tpu.memory_space<vmem_shared>>
          tpu.enqueue_indirect_dma source(%dma_start3A_242 : memref<128x128xf32, #tpu.memory_space<vmem>>) target(%dma_start3A_248 : memref<10240x128xf32, #tpu.memory_space<vmem_shared>>) offsets(%dma_start3A_245 : memref<128xi32, #tpu.memory_space<vmem>>) semaphore(%run_scoped3A_238 : memref<!tpu.dma_semaphore, #tpu.memory_space<semaphore_mem>>) {add = true}
          %dma_wait3A_249 = arith.constant 0 : i32
          %dma_wait3A_250 = arith.constant 0 : i32
          %dma_wait3A_251 = tpu.memref_slice %arg7[%run_scoped3A_214, %dma_wait3A_249, %dma_wait3A_250] : memref<2x128x128xf32, #tpu.memory_space<vmem>> -> memref<1x128x128xf32, #tpu.memory_space<vmem>>
          %dma_wait3A_252 = tpu.memref_squeeze %dma_wait3A_251 : memref<1x128x128xf32, #tpu.memory_space<vmem>> -> memref<128x128xf32, #tpu.memory_space<vmem>>
          %dma_wait3A_253 = arith.constant 0 : i32
          %dma_wait3A_254 = tpu.memref_slice %arg6[%add3A_198, %run_scoped3A_215, %dma_wait3A_253] : memref<62x2x128xi32, #tpu.memory_space<vmem>> -> memref<1x1x128xi32, #tpu.memory_space<vmem>>
          %dma_wait3A_255 = tpu.memref_squeeze %dma_wait3A_254 : memref<1x1x128xi32, #tpu.memory_space<vmem>> -> memref<128xi32, #tpu.memory_space<vmem>>
          %dma_wait3A_256 = arith.constant 0 : i32
          %dma_wait3A_257 = arith.constant 0 : i32
          %dma_wait3A_258 = tpu.memref_slice %arg8[%dma_wait3A_256, %dma_wait3A_257] : memref<10240x128xf32, #tpu.memory_space<vmem_shared>> -> memref<10240x128xf32, #tpu.memory_space<vmem_shared>>
          tpu.wait_indirect_dma semaphore(%run_scoped3A_238 : memref<!tpu.dma_semaphore, #tpu.memory_space<semaphore_mem>>) src(%dma_wait3A_252 : memref<128x128xf32, #tpu.memory_space<vmem>>) dst(%dma_wait3A_258 : memref<10240x128xf32, #tpu.memory_space<vmem_shared>>)
          tpu.yield
        }) : () -> ()
        %add3A_216 = arith.constant 2 : i32
        %add3A_217 = arith.addi %add3A_198, %add3A_216 : i32
        %ge3A_218 = arith.constant 62 : i32
        %ge3A_219 = arith.cmpi sge, %add3A_217, %ge3A_218 : i32
        %sub3A_220 = arith.constant 62 : i32
        %sub3A_221 = arith.subi %add3A_217, %sub3A_220 : i32
        %select_n3A_222 = arith.select %ge3A_219, %sub3A_221, %add3A_217 : i32
        %dma_start3A_223 = arith.constant 0 : i32
        %dma_start3A_224 = arith.constant 1 : i32
        %dma_start3A_225 = arith.constant 1 : i32
        %dma_start3A_226 = arith.constant 0 : i32
        %dma_start3A_227 = arith.constant 0 : i32
        %dma_start3A_228 = tpu.memref_slice %arg7[%dma_start3A_224, %dma_start3A_226, %dma_start3A_227] : memref<2x128x128xf32, #tpu.memory_space<vmem>> -> memref<1x128x128xf32, #tpu.memory_space<vmem>>
        %dma_start3A_229 = tpu.memref_squeeze %dma_start3A_228 : memref<1x128x128xf32, #tpu.memory_space<vmem>> -> memref<128x128xf32, #tpu.memory_space<vmem>>
        %dma_start3A_230 = arith.constant 0 : i32
        %dma_start3A_231 = tpu.memref_slice %arg6[%select_n3A_222, %dma_start3A_223, %dma_start3A_230] : memref<62x2x128xi32, #tpu.memory_space<vmem>> -> memref<1x1x128xi32, #tpu.memory_space<vmem>>
        %dma_start3A_232 = tpu.memref_squeeze %dma_start3A_231 : memref<1x1x128xi32, #tpu.memory_space<vmem>> -> memref<128xi32, #tpu.memory_space<vmem>>
        %dma_start3A_233 = arith.constant 0 : i32
        %dma_start3A_234 = arith.constant 0 : i32
        %dma_start3A_235 = tpu.memref_slice %arg2[%dma_start3A_233, %dma_start3A_234] : memref<10240x128xf32, #tpu.memory_space<hbm>> -> memref<10240x128xf32, #tpu.memory_space<hbm>>
        %dma_start3A_236 = tpu.memref_slice %arg9[%dma_start3A_225] : memref<2x!tpu.dma_semaphore, #tpu.memory_space<semaphore_mem>> -> memref<1x!tpu.dma_semaphore, #tpu.memory_space<semaphore_mem>>
        %dma_start3A_237 = tpu.memref_squeeze %dma_start3A_236 : memref<1x!tpu.dma_semaphore, #tpu.memory_space<semaphore_mem>> -> memref<!tpu.dma_semaphore, #tpu.memory_space<semaphore_mem>>
        tpu.enqueue_indirect_dma source(%dma_start3A_235 : memref<10240x128xf32, #tpu.memory_space<hbm>>) target(%dma_start3A_229 : memref<128x128xf32, #tpu.memory_space<vmem>>) offsets(%dma_start3A_232 : memref<128xi32, #tpu.memory_space<vmem>>) semaphore(%dma_start3A_237 : memref<!tpu.dma_semaphore, #tpu.memory_space<semaphore_mem>>)
      }
      %scan3A_124 = arith.constant 31 : i32
      %dma_wait3A_125 = arith.constant 0 : i32
      %dma_wait3A_126 = arith.constant 0 : i32
      %dma_wait3A_127 = arith.constant 0 : i32
      %dma_wait3A_128 = arith.constant 0 : i32
      %dma_wait3A_129 = arith.constant 0 : i32
      %dma_wait3A_130 = arith.constant 0 : i32
      %dma_wait3A_131 = tpu.memref_slice %arg7[%dma_wait3A_127, %dma_wait3A_129, %dma_wait3A_130] : memref<2x128x128xf32, #tpu.memory_space<vmem>> -> memref<1x128x128xf32, #tpu.memory_space<vmem>>
      %dma_wait3A_132 = tpu.memref_squeeze %dma_wait3A_131 : memref<1x128x128xf32, #tpu.memory_space<vmem>> -> memref<128x128xf32, #tpu.memory_space<vmem>>
      %dma_wait3A_133 = arith.constant 0 : i32
      %dma_wait3A_134 = tpu.memref_slice %arg6[%dma_wait3A_125, %dma_wait3A_126, %dma_wait3A_133] : memref<62x2x128xi32, #tpu.memory_space<vmem>> -> memref<1x1x128xi32, #tpu.memory_space<vmem>>
      %dma_wait3A_135 = tpu.memref_squeeze %dma_wait3A_134 : memref<1x1x128xi32, #tpu.memory_space<vmem>> -> memref<128xi32, #tpu.memory_space<vmem>>
      %dma_wait3A_136 = arith.constant 0 : i32
      %dma_wait3A_137 = arith.constant 0 : i32
      %dma_wait3A_138 = tpu.memref_slice %arg2[%dma_wait3A_136, %dma_wait3A_137] : memref<10240x128xf32, #tpu.memory_space<hbm>> -> memref<10240x128xf32, #tpu.memory_space<hbm>>
      %dma_wait3A_139 = tpu.memref_slice %arg9[%dma_wait3A_128] : memref<2x!tpu.dma_semaphore, #tpu.memory_space<semaphore_mem>> -> memref<1x!tpu.dma_semaphore, #tpu.memory_space<semaphore_mem>>
      %dma_wait3A_140 = tpu.memref_squeeze %dma_wait3A_139 : memref<1x!tpu.dma_semaphore, #tpu.memory_space<semaphore_mem>> -> memref<!tpu.dma_semaphore, #tpu.memory_space<semaphore_mem>>
      tpu.wait_indirect_dma semaphore(%dma_wait3A_140 : memref<!tpu.dma_semaphore, #tpu.memory_space<semaphore_mem>>) src(%dma_wait3A_138 : memref<10240x128xf32, #tpu.memory_space<hbm>>) dst(%dma_wait3A_132 : memref<128x128xf32, #tpu.memory_space<vmem>>)
      %dma_wait3A_141 = arith.constant 1 : i32
      %dma_wait3A_142 = arith.constant 0 : i32
      %dma_wait3A_143 = arith.constant 1 : i32
      %dma_wait3A_144 = arith.constant 1 : i32
      %dma_wait3A_145 = arith.constant 0 : i32
      %dma_wait3A_146 = arith.constant 0 : i32
      %dma_wait3A_147 = tpu.memref_slice %arg7[%dma_wait3A_143, %dma_wait3A_145, %dma_wait3A_146] : memref<2x128x128xf32, #tpu.memory_space<vmem>> -> memref<1x128x128xf32, #tpu.memory_space<vmem>>
      %dma_wait3A_148 = tpu.memref_squeeze %dma_wait3A_147 : memref<1x128x128xf32, #tpu.memory_space<vmem>> -> memref<128x128xf32, #tpu.memory_space<vmem>>
      %dma_wait3A_149 = arith.constant 0 : i32
      %dma_wait3A_150 = tpu.memref_slice %arg6[%dma_wait3A_141, %dma_wait3A_142, %dma_wait3A_149] : memref<62x2x128xi32, #tpu.memory_space<vmem>> -> memref<1x1x128xi32, #tpu.memory_space<vmem>>
      %dma_wait3A_151 = tpu.memref_squeeze %dma_wait3A_150 : memref<1x1x128xi32, #tpu.memory_space<vmem>> -> memref<128xi32, #tpu.memory_space<vmem>>
      %dma_wait3A_152 = arith.constant 0 : i32
      %dma_wait3A_153 = arith.constant 0 : i32
      %dma_wait3A_154 = tpu.memref_slice %arg2[%dma_wait3A_152, %dma_wait3A_153] : memref<10240x128xf32, #tpu.memory_space<hbm>> -> memref<10240x128xf32, #tpu.memory_space<hbm>>
      %dma_wait3A_155 = tpu.memref_slice %arg9[%dma_wait3A_144] : memref<2x!tpu.dma_semaphore, #tpu.memory_space<semaphore_mem>> -> memref<1x!tpu.dma_semaphore, #tpu.memory_space<semaphore_mem>>
      %dma_wait3A_156 = tpu.memref_squeeze %dma_wait3A_155 : memref<1x!tpu.dma_semaphore, #tpu.memory_space<semaphore_mem>> -> memref<!tpu.dma_semaphore, #tpu.memory_space<semaphore_mem>>
      tpu.wait_indirect_dma semaphore(%dma_wait3A_156 : memref<!tpu.dma_semaphore, #tpu.memory_space<semaphore_mem>>) src(%dma_wait3A_154 : memref<10240x128xf32, #tpu.memory_space<hbm>>) dst(%dma_wait3A_148 : memref<128x128xf32, #tpu.memory_space<vmem>>)
    } else {
    }
    %eq3A_5 = arith.constant 1 : i32
    %eq3A_6 = arith.cmpi eq, %arg0, %eq3A_5 : i32
    %convert_element_type3A_7 = arith.extui %eq3A_6 : i1 to i32
    %cond3A_8 = arith.constant 0 : i32
    %cond3A_9 = arith.cmpi ne, %convert_element_type3A_7, %cond3A_8 : i32
    scf.if %cond3A_9 {
      %mul3A_15 = arith.constant 36 : i32
      %mul3A_16 = arith.muli %arg1, %mul3A_15 : i32
      %add3A = arith.constant 1984 : i32
      %add3A_17 = arith.addi %add3A, %mul3A_16 : i32
      %add3A_18 = arith.constant 0 : i32
      %add3A_19 = arith.addi %add3A_17, %add3A_18 : i32
      "tpu.region"() ({
        %run_scoped3A = tpu.sem_alloc : memref<!tpu.dma_semaphore, #tpu.memory_space<semaphore_mem>>
        %dma_start3A_159 = arith.constant 0 : i32
        %dma_start3A_160 = arith.constant 0 : i32
        %dma_start3A_161 = arith.constant 0 : i32
        %dma_start3A_162 = tpu.memref_slice %arg6[%dma_start3A_159, %dma_start3A_160, %dma_start3A_161] : memref<62x2x128xi32, #tpu.memory_space<vmem>> -> memref<18x2x128xi32, #tpu.memory_space<vmem>>
        %dma_start3A_163 = arith.constant 0 : i32
        %dma_start3A_164 = arith.constant 0 : i32
        %dma_start3A_165 = tpu.memref_slice %arg3[%add3A_19, %dma_start3A_163, %dma_start3A_164] : memref<2560x2x128xi32, #tpu.memory_space<hbm>> -> memref<18x2x128xi32, #tpu.memory_space<hbm>>
        %dma_start3A_166 = arith.constant 0 : i32
        %dma_start3A_167 = arith.constant 0 : i32
        %dma_start3A_168 = arith.constant 0 : i32
        %dma_start3A_169 = tpu.memref_slice %arg6[%dma_start3A_166, %dma_start3A_167, %dma_start3A_168] : memref<62x2x128xi32, #tpu.memory_space<vmem>> -> memref<18x2x128xi32, #tpu.memory_space<vmem>>
        %dma_start3A_170 = arith.constant 0 : i32
        %dma_start3A_171 = arith.constant 0 : i32
        %dma_start3A_172 = tpu.memref_slice %arg3[%add3A_19, %dma_start3A_170, %dma_start3A_171] : memref<2560x2x128xi32, #tpu.memory_space<hbm>> -> memref<18x2x128xi32, #tpu.memory_space<hbm>>
        tpu.enqueue_dma source(%dma_start3A_172 : memref<18x2x128xi32, #tpu.memory_space<hbm>>) target(%dma_start3A_169 : memref<18x2x128xi32, #tpu.memory_space<vmem>>) target_semaphore(%run_scoped3A : memref<!tpu.dma_semaphore, #tpu.memory_space<semaphore_mem>>)
        %dma_wait3A_173 = arith.constant 0 : i32
        %dma_wait3A_174 = arith.constant 0 : i32
        %dma_wait3A_175 = arith.constant 0 : i32
        %dma_wait3A_176 = tpu.memref_slice %arg6[%dma_wait3A_173, %dma_wait3A_174, %dma_wait3A_175] : memref<62x2x128xi32, #tpu.memory_space<vmem>> -> memref<18x2x128xi32, #tpu.memory_space<vmem>>
        %dma_wait3A_177 = arith.constant 0 : i32
        %dma_wait3A_178 = arith.constant 0 : i32
        %dma_wait3A_179 = tpu.memref_slice %arg3[%add3A_19, %dma_wait3A_177, %dma_wait3A_178] : memref<2560x2x128xi32, #tpu.memory_space<hbm>> -> memref<18x2x128xi32, #tpu.memory_space<hbm>>
        %dma_wait3A_180 = arith.constant 0 : i32
        %dma_wait3A_181 = arith.constant 0 : i32
        %dma_wait3A_182 = arith.constant 0 : i32
        %dma_wait3A_183 = tpu.memref_slice %arg6[%dma_wait3A_180, %dma_wait3A_181, %dma_wait3A_182] : memref<62x2x128xi32, #tpu.memory_space<vmem>> -> memref<18x2x128xi32, #tpu.memory_space<vmem>>
        %dma_wait3A_184 = arith.constant 0 : i32
        %dma_wait3A_185 = arith.constant 0 : i32
        %dma_wait3A_186 = tpu.memref_slice %arg3[%add3A_19, %dma_wait3A_184, %dma_wait3A_185] : memref<2560x2x128xi32, #tpu.memory_space<hbm>> -> memref<18x2x128xi32, #tpu.memory_space<hbm>>
        tpu.wait_dma2 semaphore(%run_scoped3A : memref<!tpu.dma_semaphore, #tpu.memory_space<semaphore_mem>>) src(%dma_wait3A_186 : memref<18x2x128xi32, #tpu.memory_space<hbm>>) dst(%dma_wait3A_183 : memref<18x2x128xi32, #tpu.memory_space<vmem>>)
        tpu.yield
      }) : () -> ()
      %dma_start3A = arith.constant 0 : i32
      %dma_start3A_20 = arith.constant 0 : i32
      %dma_start3A_21 = arith.constant 0 : i32
      %dma_start3A_22 = arith.constant 0 : i32
      %dma_start3A_23 = arith.constant 0 : i32
      %dma_start3A_24 = arith.constant 0 : i32
      %dma_start3A_25 = tpu.memref_slice %arg7[%dma_start3A_21, %dma_start3A_23, %dma_start3A_24] : memref<2x128x128xf32, #tpu.memory_space<vmem>> -> memref<1x128x128xf32, #tpu.memory_space<vmem>>
      %dma_start3A_26 = tpu.memref_squeeze %dma_start3A_25 : memref<1x128x128xf32, #tpu.memory_space<vmem>> -> memref<128x128xf32, #tpu.memory_space<vmem>>
      %dma_start3A_27 = arith.constant 0 : i32
      %dma_start3A_28 = tpu.memref_slice %arg6[%dma_start3A, %dma_start3A_20, %dma_start3A_27] : memref<62x2x128xi32, #tpu.memory_space<vmem>> -> memref<1x1x128xi32, #tpu.memory_space<vmem>>
      %dma_start3A_29 = tpu.memref_squeeze %dma_start3A_28 : memref<1x1x128xi32, #tpu.memory_space<vmem>> -> memref<128xi32, #tpu.memory_space<vmem>>
      %dma_start3A_30 = arith.constant 0 : i32
      %dma_start3A_31 = arith.constant 0 : i32
      %dma_start3A_32 = tpu.memref_slice %arg2[%dma_start3A_30, %dma_start3A_31] : memref<10240x128xf32, #tpu.memory_space<hbm>> -> memref<10240x128xf32, #tpu.memory_space<hbm>>
      %dma_start3A_33 = tpu.memref_slice %arg9[%dma_start3A_22] : memref<2x!tpu.dma_semaphore, #tpu.memory_space<semaphore_mem>> -> memref<1x!tpu.dma_semaphore, #tpu.memory_space<semaphore_mem>>
      %dma_start3A_34 = tpu.memref_squeeze %dma_start3A_33 : memref<1x!tpu.dma_semaphore, #tpu.memory_space<semaphore_mem>> -> memref<!tpu.dma_semaphore, #tpu.memory_space<semaphore_mem>>
      tpu.enqueue_indirect_dma source(%dma_start3A_32 : memref<10240x128xf32, #tpu.memory_space<hbm>>) target(%dma_start3A_26 : memref<128x128xf32, #tpu.memory_space<vmem>>) offsets(%dma_start3A_29 : memref<128xi32, #tpu.memory_space<vmem>>) semaphore(%dma_start3A_34 : memref<!tpu.dma_semaphore, #tpu.memory_space<semaphore_mem>>)
      %dma_start3A_35 = arith.constant 1 : i32
      %dma_start3A_36 = arith.constant 0 : i32
      %dma_start3A_37 = arith.constant 1 : i32
      %dma_start3A_38 = arith.constant 1 : i32
      %dma_start3A_39 = arith.constant 0 : i32
      %dma_start3A_40 = arith.constant 0 : i32
      %dma_start3A_41 = tpu.memref_slice %arg7[%dma_start3A_37, %dma_start3A_39, %dma_start3A_40] : memref<2x128x128xf32, #tpu.memory_space<vmem>> -> memref<1x128x128xf32, #tpu.memory_space<vmem>>
      %dma_start3A_42 = tpu.memref_squeeze %dma_start3A_41 : memref<1x128x128xf32, #tpu.memory_space<vmem>> -> memref<128x128xf32, #tpu.memory_space<vmem>>
      %dma_start3A_43 = arith.constant 0 : i32
      %dma_start3A_44 = tpu.memref_slice %arg6[%dma_start3A_35, %dma_start3A_36, %dma_start3A_43] : memref<62x2x128xi32, #tpu.memory_space<vmem>> -> memref<1x1x128xi32, #tpu.memory_space<vmem>>
      %dma_start3A_45 = tpu.memref_squeeze %dma_start3A_44 : memref<1x1x128xi32, #tpu.memory_space<vmem>> -> memref<128xi32, #tpu.memory_space<vmem>>
      %dma_start3A_46 = arith.constant 0 : i32
      %dma_start3A_47 = arith.constant 0 : i32
      %dma_start3A_48 = tpu.memref_slice %arg2[%dma_start3A_46, %dma_start3A_47] : memref<10240x128xf32, #tpu.memory_space<hbm>> -> memref<10240x128xf32, #tpu.memory_space<hbm>>
      %dma_start3A_49 = tpu.memref_slice %arg9[%dma_start3A_38] : memref<2x!tpu.dma_semaphore, #tpu.memory_space<semaphore_mem>> -> memref<1x!tpu.dma_semaphore, #tpu.memory_space<semaphore_mem>>
      %dma_start3A_50 = tpu.memref_squeeze %dma_start3A_49 : memref<1x!tpu.dma_semaphore, #tpu.memory_space<semaphore_mem>> -> memref<!tpu.dma_semaphore, #tpu.memory_space<semaphore_mem>>
      tpu.enqueue_indirect_dma source(%dma_start3A_48 : memref<10240x128xf32, #tpu.memory_space<hbm>>) target(%dma_start3A_42 : memref<128x128xf32, #tpu.memory_space<vmem>>) offsets(%dma_start3A_45 : memref<128xi32, #tpu.memory_space<vmem>>) semaphore(%dma_start3A_50 : memref<!tpu.dma_semaphore, #tpu.memory_space<semaphore_mem>>)
      %scan3A = arith.constant 0 : i32
      %scan3A_51 = arith.constant 0 : i32
      %scan3A_52 = arith.constant 9 : i32
      %scan3A_53 = arith.addi %scan3A_51, %scan3A_52 : i32
      %scan3A_54 = arith.constant 1 : i32
      scf.for %scan3A_159 = %scan3A_51 to %scan3A_53 step %scan3A_54  : i32 {
        %mul3A_160 = arith.constant 2 : i32
        %mul3A_161 = arith.muli %scan3A_159, %mul3A_160 : i32
        %add3A_162 = arith.constant 0 : i32
        %add3A_163 = arith.addi %mul3A_161, %add3A_162 : i32
        %dma_wait3A_164 = arith.constant 0 : i32
        %dma_wait3A_165 = arith.constant 0 : i32
        %dma_wait3A_166 = arith.constant 0 : i32
        %dma_wait3A_167 = arith.constant 0 : i32
        %dma_wait3A_168 = arith.constant 0 : i32
        %dma_wait3A_169 = tpu.memref_slice %arg7[%dma_wait3A_165, %dma_wait3A_167, %dma_wait3A_168] : memref<2x128x128xf32, #tpu.memory_space<vmem>> -> memref<1x128x128xf32, #tpu.memory_space<vmem>>
        %dma_wait3A_170 = tpu.memref_squeeze %dma_wait3A_169 : memref<1x128x128xf32, #tpu.memory_space<vmem>> -> memref<128x128xf32, #tpu.memory_space<vmem>>
        %dma_wait3A_171 = arith.constant 0 : i32
        %dma_wait3A_172 = tpu.memref_slice %arg6[%add3A_163, %dma_wait3A_164, %dma_wait3A_171] : memref<62x2x128xi32, #tpu.memory_space<vmem>> -> memref<1x1x128xi32, #tpu.memory_space<vmem>>
        %dma_wait3A_173 = tpu.memref_squeeze %dma_wait3A_172 : memref<1x1x128xi32, #tpu.memory_space<vmem>> -> memref<128xi32, #tpu.memory_space<vmem>>
        %dma_wait3A_174 = arith.constant 0 : i32
        %dma_wait3A_175 = arith.constant 0 : i32
        %dma_wait3A_176 = tpu.memref_slice %arg2[%dma_wait3A_174, %dma_wait3A_175] : memref<10240x128xf32, #tpu.memory_space<hbm>> -> memref<10240x128xf32, #tpu.memory_space<hbm>>
        %dma_wait3A_177 = tpu.memref_slice %arg9[%dma_wait3A_166] : memref<2x!tpu.dma_semaphore, #tpu.memory_space<semaphore_mem>> -> memref<1x!tpu.dma_semaphore, #tpu.memory_space<semaphore_mem>>
        %dma_wait3A_178 = tpu.memref_squeeze %dma_wait3A_177 : memref<1x!tpu.dma_semaphore, #tpu.memory_space<semaphore_mem>> -> memref<!tpu.dma_semaphore, #tpu.memory_space<semaphore_mem>>
        tpu.wait_indirect_dma semaphore(%dma_wait3A_178 : memref<!tpu.dma_semaphore, #tpu.memory_space<semaphore_mem>>) src(%dma_wait3A_176 : memref<10240x128xf32, #tpu.memory_space<hbm>>) dst(%dma_wait3A_170 : memref<128x128xf32, #tpu.memory_space<vmem>>)
        %run_scoped3A = arith.constant 0 : i32
        %run_scoped3A_179 = arith.constant 1 : i32
        "tpu.region"() ({
          %run_scoped3A_240 = tpu.sem_alloc : memref<!tpu.dma_semaphore, #tpu.memory_space<semaphore_mem>>
          %dma_start3A_241 = arith.constant 0 : i32
          %dma_start3A_242 = arith.constant 0 : i32
          %dma_start3A_243 = tpu.memref_slice %arg7[%run_scoped3A, %dma_start3A_241, %dma_start3A_242] : memref<2x128x128xf32, #tpu.memory_space<vmem>> -> memref<1x128x128xf32, #tpu.memory_space<vmem>>
          %dma_start3A_244 = tpu.memref_squeeze %dma_start3A_243 : memref<1x128x128xf32, #tpu.memory_space<vmem>> -> memref<128x128xf32, #tpu.memory_space<vmem>>
          %dma_start3A_245 = arith.constant 0 : i32
          %dma_start3A_246 = tpu.memref_slice %arg6[%add3A_163, %run_scoped3A_179, %dma_start3A_245] : memref<62x2x128xi32, #tpu.memory_space<vmem>> -> memref<1x1x128xi32, #tpu.memory_space<vmem>>
          %dma_start3A_247 = tpu.memref_squeeze %dma_start3A_246 : memref<1x1x128xi32, #tpu.memory_space<vmem>> -> memref<128xi32, #tpu.memory_space<vmem>>
          %dma_start3A_248 = arith.constant 0 : i32
          %dma_start3A_249 = arith.constant 0 : i32
          %dma_start3A_250 = tpu.memref_slice %arg8[%dma_start3A_248, %dma_start3A_249] : memref<10240x128xf32, #tpu.memory_space<vmem_shared>> -> memref<10240x128xf32, #tpu.memory_space<vmem_shared>>
          tpu.enqueue_indirect_dma source(%dma_start3A_244 : memref<128x128xf32, #tpu.memory_space<vmem>>) target(%dma_start3A_250 : memref<10240x128xf32, #tpu.memory_space<vmem_shared>>) offsets(%dma_start3A_247 : memref<128xi32, #tpu.memory_space<vmem>>) semaphore(%run_scoped3A_240 : memref<!tpu.dma_semaphore, #tpu.memory_space<semaphore_mem>>) {add = true}
          %dma_wait3A_251 = arith.constant 0 : i32
          %dma_wait3A_252 = arith.constant 0 : i32
          %dma_wait3A_253 = tpu.memref_slice %arg7[%run_scoped3A, %dma_wait3A_251, %dma_wait3A_252] : memref<2x128x128xf32, #tpu.memory_space<vmem>> -> memref<1x128x128xf32, #tpu.memory_space<vmem>>
          %dma_wait3A_254 = tpu.memref_squeeze %dma_wait3A_253 : memref<1x128x128xf32, #tpu.memory_space<vmem>> -> memref<128x128xf32, #tpu.memory_space<vmem>>
          %dma_wait3A_255 = arith.constant 0 : i32
          %dma_wait3A_256 = tpu.memref_slice %arg6[%add3A_163, %run_scoped3A_179, %dma_wait3A_255] : memref<62x2x128xi32, #tpu.memory_space<vmem>> -> memref<1x1x128xi32, #tpu.memory_space<vmem>>
          %dma_wait3A_257 = tpu.memref_squeeze %dma_wait3A_256 : memref<1x1x128xi32, #tpu.memory_space<vmem>> -> memref<128xi32, #tpu.memory_space<vmem>>
          %dma_wait3A_258 = arith.constant 0 : i32
          %dma_wait3A_259 = arith.constant 0 : i32
          %dma_wait3A_260 = tpu.memref_slice %arg8[%dma_wait3A_258, %dma_wait3A_259] : memref<10240x128xf32, #tpu.memory_space<vmem_shared>> -> memref<10240x128xf32, #tpu.memory_space<vmem_shared>>
          tpu.wait_indirect_dma semaphore(%run_scoped3A_240 : memref<!tpu.dma_semaphore, #tpu.memory_space<semaphore_mem>>) src(%dma_wait3A_254 : memref<128x128xf32, #tpu.memory_space<vmem>>) dst(%dma_wait3A_260 : memref<10240x128xf32, #tpu.memory_space<vmem_shared>>)
          tpu.yield
        }) : () -> ()
        %add3A_180 = arith.constant 2 : i32
        %add3A_181 = arith.addi %add3A_163, %add3A_180 : i32
        %ge3A = arith.constant 18 : i32
        %ge3A_182 = arith.cmpi sge, %add3A_181, %ge3A : i32
        %sub3A = arith.constant 18 : i32
        %sub3A_183 = arith.subi %add3A_181, %sub3A : i32
        %select_n3A = arith.select %ge3A_182, %sub3A_183, %add3A_181 : i32
        %dma_start3A_184 = arith.constant 0 : i32
        %dma_start3A_185 = arith.constant 0 : i32
        %dma_start3A_186 = arith.constant 0 : i32
        %dma_start3A_187 = arith.constant 0 : i32
        %dma_start3A_188 = arith.constant 0 : i32
        %dma_start3A_189 = tpu.memref_slice %arg7[%dma_start3A_185, %dma_start3A_187, %dma_start3A_188] : memref<2x128x128xf32, #tpu.memory_space<vmem>> -> memref<1x128x128xf32, #tpu.memory_space<vmem>>
        %dma_start3A_190 = tpu.memref_squeeze %dma_start3A_189 : memref<1x128x128xf32, #tpu.memory_space<vmem>> -> memref<128x128xf32, #tpu.memory_space<vmem>>
        %dma_start3A_191 = arith.constant 0 : i32
        %dma_start3A_192 = tpu.memref_slice %arg6[%select_n3A, %dma_start3A_184, %dma_start3A_191] : memref<62x2x128xi32, #tpu.memory_space<vmem>> -> memref<1x1x128xi32, #tpu.memory_space<vmem>>
        %dma_start3A_193 = tpu.memref_squeeze %dma_start3A_192 : memref<1x1x128xi32, #tpu.memory_space<vmem>> -> memref<128xi32, #tpu.memory_space<vmem>>
        %dma_start3A_194 = arith.constant 0 : i32
        %dma_start3A_195 = arith.constant 0 : i32
        %dma_start3A_196 = tpu.memref_slice %arg2[%dma_start3A_194, %dma_start3A_195] : memref<10240x128xf32, #tpu.memory_space<hbm>> -> memref<10240x128xf32, #tpu.memory_space<hbm>>
        %dma_start3A_197 = tpu.memref_slice %arg9[%dma_start3A_186] : memref<2x!tpu.dma_semaphore, #tpu.memory_space<semaphore_mem>> -> memref<1x!tpu.dma_semaphore, #tpu.memory_space<semaphore_mem>>
        %dma_start3A_198 = tpu.memref_squeeze %dma_start3A_197 : memref<1x!tpu.dma_semaphore, #tpu.memory_space<semaphore_mem>> -> memref<!tpu.dma_semaphore, #tpu.memory_space<semaphore_mem>>
        tpu.enqueue_indirect_dma source(%dma_start3A_196 : memref<10240x128xf32, #tpu.memory_space<hbm>>) target(%dma_start3A_190 : memref<128x128xf32, #tpu.memory_space<vmem>>) offsets(%dma_start3A_193 : memref<128xi32, #tpu.memory_space<vmem>>) semaphore(%dma_start3A_198 : memref<!tpu.dma_semaphore, #tpu.memory_space<semaphore_mem>>)
        %add3A_199 = arith.constant 1 : i32
        %add3A_200 = arith.addi %mul3A_161, %add3A_199 : i32
        %dma_wait3A_201 = arith.constant 0 : i32
        %dma_wait3A_202 = arith.constant 1 : i32
        %dma_wait3A_203 = arith.constant 1 : i32
        %dma_wait3A_204 = arith.constant 0 : i32
        %dma_wait3A_205 = arith.constant 0 : i32
        %dma_wait3A_206 = tpu.memref_slice %arg7[%dma_wait3A_202, %dma_wait3A_204, %dma_wait3A_205] : memref<2x128x128xf32, #tpu.memory_space<vmem>> -> memref<1x128x128xf32, #tpu.memory_space<vmem>>
        %dma_wait3A_207 = tpu.memref_squeeze %dma_wait3A_206 : memref<1x128x128xf32, #tpu.memory_space<vmem>> -> memref<128x128xf32, #tpu.memory_space<vmem>>
        %dma_wait3A_208 = arith.constant 0 : i32
        %dma_wait3A_209 = tpu.memref_slice %arg6[%add3A_200, %dma_wait3A_201, %dma_wait3A_208] : memref<62x2x128xi32, #tpu.memory_space<vmem>> -> memref<1x1x128xi32, #tpu.memory_space<vmem>>
        %dma_wait3A_210 = tpu.memref_squeeze %dma_wait3A_209 : memref<1x1x128xi32, #tpu.memory_space<vmem>> -> memref<128xi32, #tpu.memory_space<vmem>>
        %dma_wait3A_211 = arith.constant 0 : i32
        %dma_wait3A_212 = arith.constant 0 : i32
        %dma_wait3A_213 = tpu.memref_slice %arg2[%dma_wait3A_211, %dma_wait3A_212] : memref<10240x128xf32, #tpu.memory_space<hbm>> -> memref<10240x128xf32, #tpu.memory_space<hbm>>
        %dma_wait3A_214 = tpu.memref_slice %arg9[%dma_wait3A_203] : memref<2x!tpu.dma_semaphore, #tpu.memory_space<semaphore_mem>> -> memref<1x!tpu.dma_semaphore, #tpu.memory_space<semaphore_mem>>
        %dma_wait3A_215 = tpu.memref_squeeze %dma_wait3A_214 : memref<1x!tpu.dma_semaphore, #tpu.memory_space<semaphore_mem>> -> memref<!tpu.dma_semaphore, #tpu.memory_space<semaphore_mem>>
        tpu.wait_indirect_dma semaphore(%dma_wait3A_215 : memref<!tpu.dma_semaphore, #tpu.memory_space<semaphore_mem>>) src(%dma_wait3A_213 : memref<10240x128xf32, #tpu.memory_space<hbm>>) dst(%dma_wait3A_207 : memref<128x128xf32, #tpu.memory_space<vmem>>)
        %run_scoped3A_216 = arith.constant 1 : i32
        %run_scoped3A_217 = arith.constant 1 : i32
        "tpu.region"() ({
          %run_scoped3A_240 = tpu.sem_alloc : memref<!tpu.dma_semaphore, #tpu.memory_space<semaphore_mem>>
          %dma_start3A_241 = arith.constant 0 : i32
          %dma_start3A_242 = arith.constant 0 : i32
          %dma_start3A_243 = tpu.memref_slice %arg7[%run_scoped3A_216, %dma_start3A_241, %dma_start3A_242] : memref<2x128x128xf32, #tpu.memory_space<vmem>> -> memref<1x128x128xf32, #tpu.memory_space<vmem>>
          %dma_start3A_244 = tpu.memref_squeeze %dma_start3A_243 : memref<1x128x128xf32, #tpu.memory_space<vmem>> -> memref<128x128xf32, #tpu.memory_space<vmem>>
          %dma_start3A_245 = arith.constant 0 : i32
          %dma_start3A_246 = tpu.memref_slice %arg6[%add3A_200, %run_scoped3A_217, %dma_start3A_245] : memref<62x2x128xi32, #tpu.memory_space<vmem>> -> memref<1x1x128xi32, #tpu.memory_space<vmem>>
          %dma_start3A_247 = tpu.memref_squeeze %dma_start3A_246 : memref<1x1x128xi32, #tpu.memory_space<vmem>> -> memref<128xi32, #tpu.memory_space<vmem>>
          %dma_start3A_248 = arith.constant 0 : i32
          %dma_start3A_249 = arith.constant 0 : i32
          %dma_start3A_250 = tpu.memref_slice %arg8[%dma_start3A_248, %dma_start3A_249] : memref<10240x128xf32, #tpu.memory_space<vmem_shared>> -> memref<10240x128xf32, #tpu.memory_space<vmem_shared>>
          tpu.enqueue_indirect_dma source(%dma_start3A_244 : memref<128x128xf32, #tpu.memory_space<vmem>>) target(%dma_start3A_250 : memref<10240x128xf32, #tpu.memory_space<vmem_shared>>) offsets(%dma_start3A_247 : memref<128xi32, #tpu.memory_space<vmem>>) semaphore(%run_scoped3A_240 : memref<!tpu.dma_semaphore, #tpu.memory_space<semaphore_mem>>) {add = true}
          %dma_wait3A_251 = arith.constant 0 : i32
          %dma_wait3A_252 = arith.constant 0 : i32
          %dma_wait3A_253 = tpu.memref_slice %arg7[%run_scoped3A_216, %dma_wait3A_251, %dma_wait3A_252] : memref<2x128x128xf32, #tpu.memory_space<vmem>> -> memref<1x128x128xf32, #tpu.memory_space<vmem>>
          %dma_wait3A_254 = tpu.memref_squeeze %dma_wait3A_253 : memref<1x128x128xf32, #tpu.memory_space<vmem>> -> memref<128x128xf32, #tpu.memory_space<vmem>>
          %dma_wait3A_255 = arith.constant 0 : i32
          %dma_wait3A_256 = tpu.memref_slice %arg6[%add3A_200, %run_scoped3A_217, %dma_wait3A_255] : memref<62x2x128xi32, #tpu.memory_space<vmem>> -> memref<1x1x128xi32, #tpu.memory_space<vmem>>
          %dma_wait3A_257 = tpu.memref_squeeze %dma_wait3A_256 : memref<1x1x128xi32, #tpu.memory_space<vmem>> -> memref<128xi32, #tpu.memory_space<vmem>>
          %dma_wait3A_258 = arith.constant 0 : i32
          %dma_wait3A_259 = arith.constant 0 : i32
          %dma_wait3A_260 = tpu.memref_slice %arg8[%dma_wait3A_258, %dma_wait3A_259] : memref<10240x128xf32, #tpu.memory_space<vmem_shared>> -> memref<10240x128xf32, #tpu.memory_space<vmem_shared>>
          tpu.wait_indirect_dma semaphore(%run_scoped3A_240 : memref<!tpu.dma_semaphore, #tpu.memory_space<semaphore_mem>>) src(%dma_wait3A_254 : memref<128x128xf32, #tpu.memory_space<vmem>>) dst(%dma_wait3A_260 : memref<10240x128xf32, #tpu.memory_space<vmem_shared>>)
          tpu.yield
        }) : () -> ()
        %add3A_218 = arith.constant 2 : i32
        %add3A_219 = arith.addi %add3A_200, %add3A_218 : i32
        %ge3A_220 = arith.constant 18 : i32
        %ge3A_221 = arith.cmpi sge, %add3A_219, %ge3A_220 : i32
        %sub3A_222 = arith.constant 18 : i32
        %sub3A_223 = arith.subi %add3A_219, %sub3A_222 : i32
        %select_n3A_224 = arith.select %ge3A_221, %sub3A_223, %add3A_219 : i32
        %dma_start3A_225 = arith.constant 0 : i32
        %dma_start3A_226 = arith.constant 1 : i32
        %dma_start3A_227 = arith.constant 1 : i32
        %dma_start3A_228 = arith.constant 0 : i32
        %dma_start3A_229 = arith.constant 0 : i32
        %dma_start3A_230 = tpu.memref_slice %arg7[%dma_start3A_226, %dma_start3A_228, %dma_start3A_229] : memref<2x128x128xf32, #tpu.memory_space<vmem>> -> memref<1x128x128xf32, #tpu.memory_space<vmem>>
        %dma_start3A_231 = tpu.memref_squeeze %dma_start3A_230 : memref<1x128x128xf32, #tpu.memory_space<vmem>> -> memref<128x128xf32, #tpu.memory_space<vmem>>
        %dma_start3A_232 = arith.constant 0 : i32
        %dma_start3A_233 = tpu.memref_slice %arg6[%select_n3A_224, %dma_start3A_225, %dma_start3A_232] : memref<62x2x128xi32, #tpu.memory_space<vmem>> -> memref<1x1x128xi32, #tpu.memory_space<vmem>>
        %dma_start3A_234 = tpu.memref_squeeze %dma_start3A_233 : memref<1x1x128xi32, #tpu.memory_space<vmem>> -> memref<128xi32, #tpu.memory_space<vmem>>
        %dma_start3A_235 = arith.constant 0 : i32
        %dma_start3A_236 = arith.constant 0 : i32
        %dma_start3A_237 = tpu.memref_slice %arg2[%dma_start3A_235, %dma_start3A_236] : memref<10240x128xf32, #tpu.memory_space<hbm>> -> memref<10240x128xf32, #tpu.memory_space<hbm>>
        %dma_start3A_238 = tpu.memref_slice %arg9[%dma_start3A_227] : memref<2x!tpu.dma_semaphore, #tpu.memory_space<semaphore_mem>> -> memref<1x!tpu.dma_semaphore, #tpu.memory_space<semaphore_mem>>
        %dma_start3A_239 = tpu.memref_squeeze %dma_start3A_238 : memref<1x!tpu.dma_semaphore, #tpu.memory_space<semaphore_mem>> -> memref<!tpu.dma_semaphore, #tpu.memory_space<semaphore_mem>>
        tpu.enqueue_indirect_dma source(%dma_start3A_237 : memref<10240x128xf32, #tpu.memory_space<hbm>>) target(%dma_start3A_231 : memref<128x128xf32, #tpu.memory_space<vmem>>) offsets(%dma_start3A_234 : memref<128xi32, #tpu.memory_space<vmem>>) semaphore(%dma_start3A_239 : memref<!tpu.dma_semaphore, #tpu.memory_space<semaphore_mem>>)
      }
      %scan3A_55 = arith.constant 9 : i32
      %dma_wait3A = arith.constant 0 : i32
      %dma_wait3A_56 = arith.constant 0 : i32
      %dma_wait3A_57 = arith.constant 0 : i32
      %dma_wait3A_58 = arith.constant 0 : i32
      %dma_wait3A_59 = arith.constant 0 : i32
      %dma_wait3A_60 = arith.constant 0 : i32
      %dma_wait3A_61 = tpu.memref_slice %arg7[%dma_wait3A_57, %dma_wait3A_59, %dma_wait3A_60] : memref<2x128x128xf32, #tpu.memory_space<vmem>> -> memref<1x128x128xf32, #tpu.memory_space<vmem>>
      %dma_wait3A_62 = tpu.memref_squeeze %dma_wait3A_61 : memref<1x128x128xf32, #tpu.memory_space<vmem>> -> memref<128x128xf32, #tpu.memory_space<vmem>>
      %dma_wait3A_63 = arith.constant 0 : i32
      %dma_wait3A_64 = tpu.memref_slice %arg6[%dma_wait3A, %dma_wait3A_56, %dma_wait3A_63] : memref<62x2x128xi32, #tpu.memory_space<vmem>> -> memref<1x1x128xi32, #tpu.memory_space<vmem>>
      %dma_wait3A_65 = tpu.memref_squeeze %dma_wait3A_64 : memref<1x1x128xi32, #tpu.memory_space<vmem>> -> memref<128xi32, #tpu.memory_space<vmem>>
      %dma_wait3A_66 = arith.constant 0 : i32
      %dma_wait3A_67 = arith.constant 0 : i32
      %dma_wait3A_68 = tpu.memref_slice %arg2[%dma_wait3A_66, %dma_wait3A_67] : memref<10240x128xf32, #tpu.memory_space<hbm>> -> memref<10240x128xf32, #tpu.memory_space<hbm>>
      %dma_wait3A_69 = tpu.memref_slice %arg9[%dma_wait3A_58] : memref<2x!tpu.dma_semaphore, #tpu.memory_space<semaphore_mem>> -> memref<1x!tpu.dma_semaphore, #tpu.memory_space<semaphore_mem>>
      %dma_wait3A_70 = tpu.memref_squeeze %dma_wait3A_69 : memref<1x!tpu.dma_semaphore, #tpu.memory_space<semaphore_mem>> -> memref<!tpu.dma_semaphore, #tpu.memory_space<semaphore_mem>>
      tpu.wait_indirect_dma semaphore(%dma_wait3A_70 : memref<!tpu.dma_semaphore, #tpu.memory_space<semaphore_mem>>) src(%dma_wait3A_68 : memref<10240x128xf32, #tpu.memory_space<hbm>>) dst(%dma_wait3A_62 : memref<128x128xf32, #tpu.memory_space<vmem>>)
      %dma_wait3A_71 = arith.constant 1 : i32
      %dma_wait3A_72 = arith.constant 0 : i32
      %dma_wait3A_73 = arith.constant 1 : i32
      %dma_wait3A_74 = arith.constant 1 : i32
      %dma_wait3A_75 = arith.constant 0 : i32
      %dma_wait3A_76 = arith.constant 0 : i32
      %dma_wait3A_77 = tpu.memref_slice %arg7[%dma_wait3A_73, %dma_wait3A_75, %dma_wait3A_76] : memref<2x128x128xf32, #tpu.memory_space<vmem>> -> memref<1x128x128xf32, #tpu.memory_space<vmem>>
      %dma_wait3A_78 = tpu.memref_squeeze %dma_wait3A_77 : memref<1x128x128xf32, #tpu.memory_space<vmem>> -> memref<128x128xf32, #tpu.memory_space<vmem>>
      %dma_wait3A_79 = arith.constant 0 : i32
      %dma_wait3A_80 = tpu.memref_slice %arg6[%dma_wait3A_71, %dma_wait3A_72, %dma_wait3A_79] : memref<62x2x128xi32, #tpu.memory_space<vmem>> -> memref<1x1x128xi32, #tpu.memory_space<vmem>>
      %dma_wait3A_81 = tpu.memref_squeeze %dma_wait3A_80 : memref<1x1x128xi32, #tpu.memory_space<vmem>> -> memref<128xi32, #tpu.memory_space<vmem>>
      %dma_wait3A_82 = arith.constant 0 : i32
      %dma_wait3A_83 = arith.constant 0 : i32
      %dma_wait3A_84 = tpu.memref_slice %arg2[%dma_wait3A_82, %dma_wait3A_83] : memref<10240x128xf32, #tpu.memory_space<hbm>> -> memref<10240x128xf32, #tpu.memory_space<hbm>>
      %dma_wait3A_85 = tpu.memref_slice %arg9[%dma_wait3A_74] : memref<2x!tpu.dma_semaphore, #tpu.memory_space<semaphore_mem>> -> memref<1x!tpu.dma_semaphore, #tpu.memory_space<semaphore_mem>>
      %dma_wait3A_86 = tpu.memref_squeeze %dma_wait3A_85 : memref<1x!tpu.dma_semaphore, #tpu.memory_space<semaphore_mem>> -> memref<!tpu.dma_semaphore, #tpu.memory_space<semaphore_mem>>
      tpu.wait_indirect_dma semaphore(%dma_wait3A_86 : memref<!tpu.dma_semaphore, #tpu.memory_space<semaphore_mem>>) src(%dma_wait3A_84 : memref<10240x128xf32, #tpu.memory_space<hbm>>) dst(%dma_wait3A_78 : memref<128x128xf32, #tpu.memory_space<vmem>>)
      %add3A_87 = arith.constant 18 : i32
      %add3A_88 = arith.addi %add3A_17, %add3A_87 : i32
      "tpu.region"() ({
        %run_scoped3A = tpu.sem_alloc : memref<!tpu.dma_semaphore, #tpu.memory_space<semaphore_mem>>
        %dma_start3A_159 = arith.constant 0 : i32
        %dma_start3A_160 = arith.constant 0 : i32
        %dma_start3A_161 = arith.constant 0 : i32
        %dma_start3A_162 = tpu.memref_slice %arg6[%dma_start3A_159, %dma_start3A_160, %dma_start3A_161] : memref<62x2x128xi32, #tpu.memory_space<vmem>> -> memref<18x2x128xi32, #tpu.memory_space<vmem>>
        %dma_start3A_163 = arith.constant 0 : i32
        %dma_start3A_164 = arith.constant 0 : i32
        %dma_start3A_165 = tpu.memref_slice %arg3[%add3A_88, %dma_start3A_163, %dma_start3A_164] : memref<2560x2x128xi32, #tpu.memory_space<hbm>> -> memref<18x2x128xi32, #tpu.memory_space<hbm>>
        %dma_start3A_166 = arith.constant 0 : i32
        %dma_start3A_167 = arith.constant 0 : i32
        %dma_start3A_168 = arith.constant 0 : i32
        %dma_start3A_169 = tpu.memref_slice %arg6[%dma_start3A_166, %dma_start3A_167, %dma_start3A_168] : memref<62x2x128xi32, #tpu.memory_space<vmem>> -> memref<18x2x128xi32, #tpu.memory_space<vmem>>
        %dma_start3A_170 = arith.constant 0 : i32
        %dma_start3A_171 = arith.constant 0 : i32
        %dma_start3A_172 = tpu.memref_slice %arg3[%add3A_88, %dma_start3A_170, %dma_start3A_171] : memref<2560x2x128xi32, #tpu.memory_space<hbm>> -> memref<18x2x128xi32, #tpu.memory_space<hbm>>
        tpu.enqueue_dma source(%dma_start3A_172 : memref<18x2x128xi32, #tpu.memory_space<hbm>>) target(%dma_start3A_169 : memref<18x2x128xi32, #tpu.memory_space<vmem>>) target_semaphore(%run_scoped3A : memref<!tpu.dma_semaphore, #tpu.memory_space<semaphore_mem>>)
        %dma_wait3A_173 = arith.constant 0 : i32
        %dma_wait3A_174 = arith.constant 0 : i32
        %dma_wait3A_175 = arith.constant 0 : i32
        %dma_wait3A_176 = tpu.memref_slice %arg6[%dma_wait3A_173, %dma_wait3A_174, %dma_wait3A_175] : memref<62x2x128xi32, #tpu.memory_space<vmem>> -> memref<18x2x128xi32, #tpu.memory_space<vmem>>
        %dma_wait3A_177 = arith.constant 0 : i32
        %dma_wait3A_178 = arith.constant 0 : i32
        %dma_wait3A_179 = tpu.memref_slice %arg3[%add3A_88, %dma_wait3A_177, %dma_wait3A_178] : memref<2560x2x128xi32, #tpu.memory_space<hbm>> -> memref<18x2x128xi32, #tpu.memory_space<hbm>>
        %dma_wait3A_180 = arith.constant 0 : i32
        %dma_wait3A_181 = arith.constant 0 : i32
        %dma_wait3A_182 = arith.constant 0 : i32
        %dma_wait3A_183 = tpu.memref_slice %arg6[%dma_wait3A_180, %dma_wait3A_181, %dma_wait3A_182] : memref<62x2x128xi32, #tpu.memory_space<vmem>> -> memref<18x2x128xi32, #tpu.memory_space<vmem>>
        %dma_wait3A_184 = arith.constant 0 : i32
        %dma_wait3A_185 = arith.constant 0 : i32
        %dma_wait3A_186 = tpu.memref_slice %arg3[%add3A_88, %dma_wait3A_184, %dma_wait3A_185] : memref<2560x2x128xi32, #tpu.memory_space<hbm>> -> memref<18x2x128xi32, #tpu.memory_space<hbm>>
        tpu.wait_dma2 semaphore(%run_scoped3A : memref<!tpu.dma_semaphore, #tpu.memory_space<semaphore_mem>>) src(%dma_wait3A_186 : memref<18x2x128xi32, #tpu.memory_space<hbm>>) dst(%dma_wait3A_183 : memref<18x2x128xi32, #tpu.memory_space<vmem>>)
        tpu.yield
      }) : () -> ()
      %dma_start3A_89 = arith.constant 0 : i32
      %dma_start3A_90 = arith.constant 0 : i32
      %dma_start3A_91 = arith.constant 0 : i32
      %dma_start3A_92 = arith.constant 0 : i32
      %dma_start3A_93 = arith.constant 0 : i32
      %dma_start3A_94 = arith.constant 0 : i32
      %dma_start3A_95 = tpu.memref_slice %arg7[%dma_start3A_91, %dma_start3A_93, %dma_start3A_94] : memref<2x128x128xf32, #tpu.memory_space<vmem>> -> memref<1x128x128xf32, #tpu.memory_space<vmem>>
      %dma_start3A_96 = tpu.memref_squeeze %dma_start3A_95 : memref<1x128x128xf32, #tpu.memory_space<vmem>> -> memref<128x128xf32, #tpu.memory_space<vmem>>
      %dma_start3A_97 = arith.constant 0 : i32
      %dma_start3A_98 = tpu.memref_slice %arg6[%dma_start3A_89, %dma_start3A_90, %dma_start3A_97] : memref<62x2x128xi32, #tpu.memory_space<vmem>> -> memref<1x1x128xi32, #tpu.memory_space<vmem>>
      %dma_start3A_99 = tpu.memref_squeeze %dma_start3A_98 : memref<1x1x128xi32, #tpu.memory_space<vmem>> -> memref<128xi32, #tpu.memory_space<vmem>>
      %dma_start3A_100 = arith.constant 0 : i32
      %dma_start3A_101 = arith.constant 0 : i32
      %dma_start3A_102 = tpu.memref_slice %arg2[%dma_start3A_100, %dma_start3A_101] : memref<10240x128xf32, #tpu.memory_space<hbm>> -> memref<10240x128xf32, #tpu.memory_space<hbm>>
      %dma_start3A_103 = tpu.memref_slice %arg9[%dma_start3A_92] : memref<2x!tpu.dma_semaphore, #tpu.memory_space<semaphore_mem>> -> memref<1x!tpu.dma_semaphore, #tpu.memory_space<semaphore_mem>>
      %dma_start3A_104 = tpu.memref_squeeze %dma_start3A_103 : memref<1x!tpu.dma_semaphore, #tpu.memory_space<semaphore_mem>> -> memref<!tpu.dma_semaphore, #tpu.memory_space<semaphore_mem>>
      tpu.enqueue_indirect_dma source(%dma_start3A_102 : memref<10240x128xf32, #tpu.memory_space<hbm>>) target(%dma_start3A_96 : memref<128x128xf32, #tpu.memory_space<vmem>>) offsets(%dma_start3A_99 : memref<128xi32, #tpu.memory_space<vmem>>) semaphore(%dma_start3A_104 : memref<!tpu.dma_semaphore, #tpu.memory_space<semaphore_mem>>)
      %dma_start3A_105 = arith.constant 1 : i32
      %dma_start3A_106 = arith.constant 0 : i32
      %dma_start3A_107 = arith.constant 1 : i32
      %dma_start3A_108 = arith.constant 1 : i32
      %dma_start3A_109 = arith.constant 0 : i32
      %dma_start3A_110 = arith.constant 0 : i32
      %dma_start3A_111 = tpu.memref_slice %arg7[%dma_start3A_107, %dma_start3A_109, %dma_start3A_110] : memref<2x128x128xf32, #tpu.memory_space<vmem>> -> memref<1x128x128xf32, #tpu.memory_space<vmem>>
      %dma_start3A_112 = tpu.memref_squeeze %dma_start3A_111 : memref<1x128x128xf32, #tpu.memory_space<vmem>> -> memref<128x128xf32, #tpu.memory_space<vmem>>
      %dma_start3A_113 = arith.constant 0 : i32
      %dma_start3A_114 = tpu.memref_slice %arg6[%dma_start3A_105, %dma_start3A_106, %dma_start3A_113] : memref<62x2x128xi32, #tpu.memory_space<vmem>> -> memref<1x1x128xi32, #tpu.memory_space<vmem>>
      %dma_start3A_115 = tpu.memref_squeeze %dma_start3A_114 : memref<1x1x128xi32, #tpu.memory_space<vmem>> -> memref<128xi32, #tpu.memory_space<vmem>>
      %dma_start3A_116 = arith.constant 0 : i32
      %dma_start3A_117 = arith.constant 0 : i32
      %dma_start3A_118 = tpu.memref_slice %arg2[%dma_start3A_116, %dma_start3A_117] : memref<10240x128xf32, #tpu.memory_space<hbm>> -> memref<10240x128xf32, #tpu.memory_space<hbm>>
      %dma_start3A_119 = tpu.memref_slice %arg9[%dma_start3A_108] : memref<2x!tpu.dma_semaphore, #tpu.memory_space<semaphore_mem>> -> memref<1x!tpu.dma_semaphore, #tpu.memory_space<semaphore_mem>>
      %dma_start3A_120 = tpu.memref_squeeze %dma_start3A_119 : memref<1x!tpu.dma_semaphore, #tpu.memory_space<semaphore_mem>> -> memref<!tpu.dma_semaphore, #tpu.memory_space<semaphore_mem>>
      tpu.enqueue_indirect_dma source(%dma_start3A_118 : memref<10240x128xf32, #tpu.memory_space<hbm>>) target(%dma_start3A_112 : memref<128x128xf32, #tpu.memory_space<vmem>>) offsets(%dma_start3A_115 : memref<128xi32, #tpu.memory_space<vmem>>) semaphore(%dma_start3A_120 : memref<!tpu.dma_semaphore, #tpu.memory_space<semaphore_mem>>)
      %scan3A_121 = arith.constant 0 : i32
      %scan3A_122 = arith.constant 0 : i32
      %scan3A_123 = arith.constant 9 : i32
      %scan3A_124 = arith.addi %scan3A_122, %scan3A_123 : i32
      %scan3A_125 = arith.constant 1 : i32
      scf.for %scan3A_159 = %scan3A_122 to %scan3A_124 step %scan3A_125  : i32 {
        %mul3A_160 = arith.constant 2 : i32
        %mul3A_161 = arith.muli %scan3A_159, %mul3A_160 : i32
        %add3A_162 = arith.constant 0 : i32
        %add3A_163 = arith.addi %mul3A_161, %add3A_162 : i32
        %dma_wait3A_164 = arith.constant 0 : i32
        %dma_wait3A_165 = arith.constant 0 : i32
        %dma_wait3A_166 = arith.constant 0 : i32
        %dma_wait3A_167 = arith.constant 0 : i32
        %dma_wait3A_168 = arith.constant 0 : i32
        %dma_wait3A_169 = tpu.memref_slice %arg7[%dma_wait3A_165, %dma_wait3A_167, %dma_wait3A_168] : memref<2x128x128xf32, #tpu.memory_space<vmem>> -> memref<1x128x128xf32, #tpu.memory_space<vmem>>
        %dma_wait3A_170 = tpu.memref_squeeze %dma_wait3A_169 : memref<1x128x128xf32, #tpu.memory_space<vmem>> -> memref<128x128xf32, #tpu.memory_space<vmem>>
        %dma_wait3A_171 = arith.constant 0 : i32
        %dma_wait3A_172 = tpu.memref_slice %arg6[%add3A_163, %dma_wait3A_164, %dma_wait3A_171] : memref<62x2x128xi32, #tpu.memory_space<vmem>> -> memref<1x1x128xi32, #tpu.memory_space<vmem>>
        %dma_wait3A_173 = tpu.memref_squeeze %dma_wait3A_172 : memref<1x1x128xi32, #tpu.memory_space<vmem>> -> memref<128xi32, #tpu.memory_space<vmem>>
        %dma_wait3A_174 = arith.constant 0 : i32
        %dma_wait3A_175 = arith.constant 0 : i32
        %dma_wait3A_176 = tpu.memref_slice %arg2[%dma_wait3A_174, %dma_wait3A_175] : memref<10240x128xf32, #tpu.memory_space<hbm>> -> memref<10240x128xf32, #tpu.memory_space<hbm>>
        %dma_wait3A_177 = tpu.memref_slice %arg9[%dma_wait3A_166] : memref<2x!tpu.dma_semaphore, #tpu.memory_space<semaphore_mem>> -> memref<1x!tpu.dma_semaphore, #tpu.memory_space<semaphore_mem>>
        %dma_wait3A_178 = tpu.memref_squeeze %dma_wait3A_177 : memref<1x!tpu.dma_semaphore, #tpu.memory_space<semaphore_mem>> -> memref<!tpu.dma_semaphore, #tpu.memory_space<semaphore_mem>>
        tpu.wait_indirect_dma semaphore(%dma_wait3A_178 : memref<!tpu.dma_semaphore, #tpu.memory_space<semaphore_mem>>) src(%dma_wait3A_176 : memref<10240x128xf32, #tpu.memory_space<hbm>>) dst(%dma_wait3A_170 : memref<128x128xf32, #tpu.memory_space<vmem>>)
        %run_scoped3A = arith.constant 0 : i32
        %run_scoped3A_179 = arith.constant 1 : i32
        "tpu.region"() ({
          %run_scoped3A_240 = tpu.sem_alloc : memref<!tpu.dma_semaphore, #tpu.memory_space<semaphore_mem>>
          %dma_start3A_241 = arith.constant 0 : i32
          %dma_start3A_242 = arith.constant 0 : i32
          %dma_start3A_243 = tpu.memref_slice %arg7[%run_scoped3A, %dma_start3A_241, %dma_start3A_242] : memref<2x128x128xf32, #tpu.memory_space<vmem>> -> memref<1x128x128xf32, #tpu.memory_space<vmem>>
          %dma_start3A_244 = tpu.memref_squeeze %dma_start3A_243 : memref<1x128x128xf32, #tpu.memory_space<vmem>> -> memref<128x128xf32, #tpu.memory_space<vmem>>
          %dma_start3A_245 = arith.constant 0 : i32
          %dma_start3A_246 = tpu.memref_slice %arg6[%add3A_163, %run_scoped3A_179, %dma_start3A_245] : memref<62x2x128xi32, #tpu.memory_space<vmem>> -> memref<1x1x128xi32, #tpu.memory_space<vmem>>
          %dma_start3A_247 = tpu.memref_squeeze %dma_start3A_246 : memref<1x1x128xi32, #tpu.memory_space<vmem>> -> memref<128xi32, #tpu.memory_space<vmem>>
          %dma_start3A_248 = arith.constant 0 : i32
          %dma_start3A_249 = arith.constant 0 : i32
          %dma_start3A_250 = tpu.memref_slice %arg8[%dma_start3A_248, %dma_start3A_249] : memref<10240x128xf32, #tpu.memory_space<vmem_shared>> -> memref<10240x128xf32, #tpu.memory_space<vmem_shared>>
          tpu.enqueue_indirect_dma source(%dma_start3A_244 : memref<128x128xf32, #tpu.memory_space<vmem>>) target(%dma_start3A_250 : memref<10240x128xf32, #tpu.memory_space<vmem_shared>>) offsets(%dma_start3A_247 : memref<128xi32, #tpu.memory_space<vmem>>) semaphore(%run_scoped3A_240 : memref<!tpu.dma_semaphore, #tpu.memory_space<semaphore_mem>>) {add = true}
          %dma_wait3A_251 = arith.constant 0 : i32
          %dma_wait3A_252 = arith.constant 0 : i32
          %dma_wait3A_253 = tpu.memref_slice %arg7[%run_scoped3A, %dma_wait3A_251, %dma_wait3A_252] : memref<2x128x128xf32, #tpu.memory_space<vmem>> -> memref<1x128x128xf32, #tpu.memory_space<vmem>>
          %dma_wait3A_254 = tpu.memref_squeeze %dma_wait3A_253 : memref<1x128x128xf32, #tpu.memory_space<vmem>> -> memref<128x128xf32, #tpu.memory_space<vmem>>
          %dma_wait3A_255 = arith.constant 0 : i32
          %dma_wait3A_256 = tpu.memref_slice %arg6[%add3A_163, %run_scoped3A_179, %dma_wait3A_255] : memref<62x2x128xi32, #tpu.memory_space<vmem>> -> memref<1x1x128xi32, #tpu.memory_space<vmem>>
          %dma_wait3A_257 = tpu.memref_squeeze %dma_wait3A_256 : memref<1x1x128xi32, #tpu.memory_space<vmem>> -> memref<128xi32, #tpu.memory_space<vmem>>
          %dma_wait3A_258 = arith.constant 0 : i32
          %dma_wait3A_259 = arith.constant 0 : i32
          %dma_wait3A_260 = tpu.memref_slice %arg8[%dma_wait3A_258, %dma_wait3A_259] : memref<10240x128xf32, #tpu.memory_space<vmem_shared>> -> memref<10240x128xf32, #tpu.memory_space<vmem_shared>>
          tpu.wait_indirect_dma semaphore(%run_scoped3A_240 : memref<!tpu.dma_semaphore, #tpu.memory_space<semaphore_mem>>) src(%dma_wait3A_254 : memref<128x128xf32, #tpu.memory_space<vmem>>) dst(%dma_wait3A_260 : memref<10240x128xf32, #tpu.memory_space<vmem_shared>>)
          tpu.yield
        }) : () -> ()
        %add3A_180 = arith.constant 2 : i32
        %add3A_181 = arith.addi %add3A_163, %add3A_180 : i32
        %ge3A = arith.constant 18 : i32
        %ge3A_182 = arith.cmpi sge, %add3A_181, %ge3A : i32
        %sub3A = arith.constant 18 : i32
        %sub3A_183 = arith.subi %add3A_181, %sub3A : i32
        %select_n3A = arith.select %ge3A_182, %sub3A_183, %add3A_181 : i32
        %dma_start3A_184 = arith.constant 0 : i32
        %dma_start3A_185 = arith.constant 0 : i32
        %dma_start3A_186 = arith.constant 0 : i32
        %dma_start3A_187 = arith.constant 0 : i32
        %dma_start3A_188 = arith.constant 0 : i32
        %dma_start3A_189 = tpu.memref_slice %arg7[%dma_start3A_185, %dma_start3A_187, %dma_start3A_188] : memref<2x128x128xf32, #tpu.memory_space<vmem>> -> memref<1x128x128xf32, #tpu.memory_space<vmem>>
        %dma_start3A_190 = tpu.memref_squeeze %dma_start3A_189 : memref<1x128x128xf32, #tpu.memory_space<vmem>> -> memref<128x128xf32, #tpu.memory_space<vmem>>
        %dma_start3A_191 = arith.constant 0 : i32
        %dma_start3A_192 = tpu.memref_slice %arg6[%select_n3A, %dma_start3A_184, %dma_start3A_191] : memref<62x2x128xi32, #tpu.memory_space<vmem>> -> memref<1x1x128xi32, #tpu.memory_space<vmem>>
        %dma_start3A_193 = tpu.memref_squeeze %dma_start3A_192 : memref<1x1x128xi32, #tpu.memory_space<vmem>> -> memref<128xi32, #tpu.memory_space<vmem>>
        %dma_start3A_194 = arith.constant 0 : i32
        %dma_start3A_195 = arith.constant 0 : i32
        %dma_start3A_196 = tpu.memref_slice %arg2[%dma_start3A_194, %dma_start3A_195] : memref<10240x128xf32, #tpu.memory_space<hbm>> -> memref<10240x128xf32, #tpu.memory_space<hbm>>
        %dma_start3A_197 = tpu.memref_slice %arg9[%dma_start3A_186] : memref<2x!tpu.dma_semaphore, #tpu.memory_space<semaphore_mem>> -> memref<1x!tpu.dma_semaphore, #tpu.memory_space<semaphore_mem>>
        %dma_start3A_198 = tpu.memref_squeeze %dma_start3A_197 : memref<1x!tpu.dma_semaphore, #tpu.memory_space<semaphore_mem>> -> memref<!tpu.dma_semaphore, #tpu.memory_space<semaphore_mem>>
        tpu.enqueue_indirect_dma source(%dma_start3A_196 : memref<10240x128xf32, #tpu.memory_space<hbm>>) target(%dma_start3A_190 : memref<128x128xf32, #tpu.memory_space<vmem>>) offsets(%dma_start3A_193 : memref<128xi32, #tpu.memory_space<vmem>>) semaphore(%dma_start3A_198 : memref<!tpu.dma_semaphore, #tpu.memory_space<semaphore_mem>>)
        %add3A_199 = arith.constant 1 : i32
        %add3A_200 = arith.addi %mul3A_161, %add3A_199 : i32
        %dma_wait3A_201 = arith.constant 0 : i32
        %dma_wait3A_202 = arith.constant 1 : i32
        %dma_wait3A_203 = arith.constant 1 : i32
        %dma_wait3A_204 = arith.constant 0 : i32
        %dma_wait3A_205 = arith.constant 0 : i32
        %dma_wait3A_206 = tpu.memref_slice %arg7[%dma_wait3A_202, %dma_wait3A_204, %dma_wait3A_205] : memref<2x128x128xf32, #tpu.memory_space<vmem>> -> memref<1x128x128xf32, #tpu.memory_space<vmem>>
        %dma_wait3A_207 = tpu.memref_squeeze %dma_wait3A_206 : memref<1x128x128xf32, #tpu.memory_space<vmem>> -> memref<128x128xf32, #tpu.memory_space<vmem>>
        %dma_wait3A_208 = arith.constant 0 : i32
        %dma_wait3A_209 = tpu.memref_slice %arg6[%add3A_200, %dma_wait3A_201, %dma_wait3A_208] : memref<62x2x128xi32, #tpu.memory_space<vmem>> -> memref<1x1x128xi32, #tpu.memory_space<vmem>>
        %dma_wait3A_210 = tpu.memref_squeeze %dma_wait3A_209 : memref<1x1x128xi32, #tpu.memory_space<vmem>> -> memref<128xi32, #tpu.memory_space<vmem>>
        %dma_wait3A_211 = arith.constant 0 : i32
        %dma_wait3A_212 = arith.constant 0 : i32
        %dma_wait3A_213 = tpu.memref_slice %arg2[%dma_wait3A_211, %dma_wait3A_212] : memref<10240x128xf32, #tpu.memory_space<hbm>> -> memref<10240x128xf32, #tpu.memory_space<hbm>>
        %dma_wait3A_214 = tpu.memref_slice %arg9[%dma_wait3A_203] : memref<2x!tpu.dma_semaphore, #tpu.memory_space<semaphore_mem>> -> memref<1x!tpu.dma_semaphore, #tpu.memory_space<semaphore_mem>>
        %dma_wait3A_215 = tpu.memref_squeeze %dma_wait3A_214 : memref<1x!tpu.dma_semaphore, #tpu.memory_space<semaphore_mem>> -> memref<!tpu.dma_semaphore, #tpu.memory_space<semaphore_mem>>
        tpu.wait_indirect_dma semaphore(%dma_wait3A_215 : memref<!tpu.dma_semaphore, #tpu.memory_space<semaphore_mem>>) src(%dma_wait3A_213 : memref<10240x128xf32, #tpu.memory_space<hbm>>) dst(%dma_wait3A_207 : memref<128x128xf32, #tpu.memory_space<vmem>>)
        %run_scoped3A_216 = arith.constant 1 : i32
        %run_scoped3A_217 = arith.constant 1 : i32
        "tpu.region"() ({
          %run_scoped3A_240 = tpu.sem_alloc : memref<!tpu.dma_semaphore, #tpu.memory_space<semaphore_mem>>
          %dma_start3A_241 = arith.constant 0 : i32
          %dma_start3A_242 = arith.constant 0 : i32
          %dma_start3A_243 = tpu.memref_slice %arg7[%run_scoped3A_216, %dma_start3A_241, %dma_start3A_242] : memref<2x128x128xf32, #tpu.memory_space<vmem>> -> memref<1x128x128xf32, #tpu.memory_space<vmem>>
          %dma_start3A_244 = tpu.memref_squeeze %dma_start3A_243 : memref<1x128x128xf32, #tpu.memory_space<vmem>> -> memref<128x128xf32, #tpu.memory_space<vmem>>
          %dma_start3A_245 = arith.constant 0 : i32
          %dma_start3A_246 = tpu.memref_slice %arg6[%add3A_200, %run_scoped3A_217, %dma_start3A_245] : memref<62x2x128xi32, #tpu.memory_space<vmem>> -> memref<1x1x128xi32, #tpu.memory_space<vmem>>
          %dma_start3A_247 = tpu.memref_squeeze %dma_start3A_246 : memref<1x1x128xi32, #tpu.memory_space<vmem>> -> memref<128xi32, #tpu.memory_space<vmem>>
          %dma_start3A_248 = arith.constant 0 : i32
          %dma_start3A_249 = arith.constant 0 : i32
          %dma_start3A_250 = tpu.memref_slice %arg8[%dma_start3A_248, %dma_start3A_249] : memref<10240x128xf32, #tpu.memory_space<vmem_shared>> -> memref<10240x128xf32, #tpu.memory_space<vmem_shared>>
          tpu.enqueue_indirect_dma source(%dma_start3A_244 : memref<128x128xf32, #tpu.memory_space<vmem>>) target(%dma_start3A_250 : memref<10240x128xf32, #tpu.memory_space<vmem_shared>>) offsets(%dma_start3A_247 : memref<128xi32, #tpu.memory_space<vmem>>) semaphore(%run_scoped3A_240 : memref<!tpu.dma_semaphore, #tpu.memory_space<semaphore_mem>>) {add = true}
          %dma_wait3A_251 = arith.constant 0 : i32
          %dma_wait3A_252 = arith.constant 0 : i32
          %dma_wait3A_253 = tpu.memref_slice %arg7[%run_scoped3A_216, %dma_wait3A_251, %dma_wait3A_252] : memref<2x128x128xf32, #tpu.memory_space<vmem>> -> memref<1x128x128xf32, #tpu.memory_space<vmem>>
          %dma_wait3A_254 = tpu.memref_squeeze %dma_wait3A_253 : memref<1x128x128xf32, #tpu.memory_space<vmem>> -> memref<128x128xf32, #tpu.memory_space<vmem>>
          %dma_wait3A_255 = arith.constant 0 : i32
          %dma_wait3A_256 = tpu.memref_slice %arg6[%add3A_200, %run_scoped3A_217, %dma_wait3A_255] : memref<62x2x128xi32, #tpu.memory_space<vmem>> -> memref<1x1x128xi32, #tpu.memory_space<vmem>>
          %dma_wait3A_257 = tpu.memref_squeeze %dma_wait3A_256 : memref<1x1x128xi32, #tpu.memory_space<vmem>> -> memref<128xi32, #tpu.memory_space<vmem>>
          %dma_wait3A_258 = arith.constant 0 : i32
          %dma_wait3A_259 = arith.constant 0 : i32
          %dma_wait3A_260 = tpu.memref_slice %arg8[%dma_wait3A_258, %dma_wait3A_259] : memref<10240x128xf32, #tpu.memory_space<vmem_shared>> -> memref<10240x128xf32, #tpu.memory_space<vmem_shared>>
          tpu.wait_indirect_dma semaphore(%run_scoped3A_240 : memref<!tpu.dma_semaphore, #tpu.memory_space<semaphore_mem>>) src(%dma_wait3A_254 : memref<128x128xf32, #tpu.memory_space<vmem>>) dst(%dma_wait3A_260 : memref<10240x128xf32, #tpu.memory_space<vmem_shared>>)
          tpu.yield
        }) : () -> ()
        %add3A_218 = arith.constant 2 : i32
        %add3A_219 = arith.addi %add3A_200, %add3A_218 : i32
        %ge3A_220 = arith.constant 18 : i32
        %ge3A_221 = arith.cmpi sge, %add3A_219, %ge3A_220 : i32
        %sub3A_222 = arith.constant 18 : i32
        %sub3A_223 = arith.subi %add3A_219, %sub3A_222 : i32
        %select_n3A_224 = arith.select %ge3A_221, %sub3A_223, %add3A_219 : i32
        %dma_start3A_225 = arith.constant 0 : i32
        %dma_start3A_226 = arith.constant 1 : i32
        %dma_start3A_227 = arith.constant 1 : i32
        %dma_start3A_228 = arith.constant 0 : i32
        %dma_start3A_229 = arith.constant 0 : i32
        %dma_start3A_230 = tpu.memref_slice %arg7[%dma_start3A_226, %dma_start3A_228, %dma_start3A_229] : memref<2x128x128xf32, #tpu.memory_space<vmem>> -> memref<1x128x128xf32, #tpu.memory_space<vmem>>
        %dma_start3A_231 = tpu.memref_squeeze %dma_start3A_230 : memref<1x128x128xf32, #tpu.memory_space<vmem>> -> memref<128x128xf32, #tpu.memory_space<vmem>>
        %dma_start3A_232 = arith.constant 0 : i32
        %dma_start3A_233 = tpu.memref_slice %arg6[%select_n3A_224, %dma_start3A_225, %dma_start3A_232] : memref<62x2x128xi32, #tpu.memory_space<vmem>> -> memref<1x1x128xi32, #tpu.memory_space<vmem>>
        %dma_start3A_234 = tpu.memref_squeeze %dma_start3A_233 : memref<1x1x128xi32, #tpu.memory_space<vmem>> -> memref<128xi32, #tpu.memory_space<vmem>>
        %dma_start3A_235 = arith.constant 0 : i32
        %dma_start3A_236 = arith.constant 0 : i32
        %dma_start3A_237 = tpu.memref_slice %arg2[%dma_start3A_235, %dma_start3A_236] : memref<10240x128xf32, #tpu.memory_space<hbm>> -> memref<10240x128xf32, #tpu.memory_space<hbm>>
        %dma_start3A_238 = tpu.memref_slice %arg9[%dma_start3A_227] : memref<2x!tpu.dma_semaphore, #tpu.memory_space<semaphore_mem>> -> memref<1x!tpu.dma_semaphore, #tpu.memory_space<semaphore_mem>>
        %dma_start3A_239 = tpu.memref_squeeze %dma_start3A_238 : memref<1x!tpu.dma_semaphore, #tpu.memory_space<semaphore_mem>> -> memref<!tpu.dma_semaphore, #tpu.memory_space<semaphore_mem>>
        tpu.enqueue_indirect_dma source(%dma_start3A_237 : memref<10240x128xf32, #tpu.memory_space<hbm>>) target(%dma_start3A_231 : memref<128x128xf32, #tpu.memory_space<vmem>>) offsets(%dma_start3A_234 : memref<128xi32, #tpu.memory_space<vmem>>) semaphore(%dma_start3A_239 : memref<!tpu.dma_semaphore, #tpu.memory_space<semaphore_mem>>)
      }
      %scan3A_126 = arith.constant 9 : i32
      %dma_wait3A_127 = arith.constant 0 : i32
      %dma_wait3A_128 = arith.constant 0 : i32
      %dma_wait3A_129 = arith.constant 0 : i32
      %dma_wait3A_130 = arith.constant 0 : i32
      %dma_wait3A_131 = arith.constant 0 : i32
      %dma_wait3A_132 = arith.constant 0 : i32
      %dma_wait3A_133 = tpu.memref_slice %arg7[%dma_wait3A_129, %dma_wait3A_131, %dma_wait3A_132] : memref<2x128x128xf32, #tpu.memory_space<vmem>> -> memref<1x128x128xf32, #tpu.memory_space<vmem>>
      %dma_wait3A_134 = tpu.memref_squeeze %dma_wait3A_133 : memref<1x128x128xf32, #tpu.memory_space<vmem>> -> memref<128x128xf32, #tpu.memory_space<vmem>>
      %dma_wait3A_135 = arith.constant 0 : i32
      %dma_wait3A_136 = tpu.memref_slice %arg6[%dma_wait3A_127, %dma_wait3A_128, %dma_wait3A_135] : memref<62x2x128xi32, #tpu.memory_space<vmem>> -> memref<1x1x128xi32, #tpu.memory_space<vmem>>
      %dma_wait3A_137 = tpu.memref_squeeze %dma_wait3A_136 : memref<1x1x128xi32, #tpu.memory_space<vmem>> -> memref<128xi32, #tpu.memory_space<vmem>>
      %dma_wait3A_138 = arith.constant 0 : i32
      %dma_wait3A_139 = arith.constant 0 : i32
      %dma_wait3A_140 = tpu.memref_slice %arg2[%dma_wait3A_138, %dma_wait3A_139] : memref<10240x128xf32, #tpu.memory_space<hbm>> -> memref<10240x128xf32, #tpu.memory_space<hbm>>
      %dma_wait3A_141 = tpu.memref_slice %arg9[%dma_wait3A_130] : memref<2x!tpu.dma_semaphore, #tpu.memory_space<semaphore_mem>> -> memref<1x!tpu.dma_semaphore, #tpu.memory_space<semaphore_mem>>
      %dma_wait3A_142 = tpu.memref_squeeze %dma_wait3A_141 : memref<1x!tpu.dma_semaphore, #tpu.memory_space<semaphore_mem>> -> memref<!tpu.dma_semaphore, #tpu.memory_space<semaphore_mem>>
      tpu.wait_indirect_dma semaphore(%dma_wait3A_142 : memref<!tpu.dma_semaphore, #tpu.memory_space<semaphore_mem>>) src(%dma_wait3A_140 : memref<10240x128xf32, #tpu.memory_space<hbm>>) dst(%dma_wait3A_134 : memref<128x128xf32, #tpu.memory_space<vmem>>)
      %dma_wait3A_143 = arith.constant 1 : i32
      %dma_wait3A_144 = arith.constant 0 : i32
      %dma_wait3A_145 = arith.constant 1 : i32
      %dma_wait3A_146 = arith.constant 1 : i32
      %dma_wait3A_147 = arith.constant 0 : i32
      %dma_wait3A_148 = arith.constant 0 : i32
      %dma_wait3A_149 = tpu.memref_slice %arg7[%dma_wait3A_145, %dma_wait3A_147, %dma_wait3A_148] : memref<2x128x128xf32, #tpu.memory_space<vmem>> -> memref<1x128x128xf32, #tpu.memory_space<vmem>>
      %dma_wait3A_150 = tpu.memref_squeeze %dma_wait3A_149 : memref<1x128x128xf32, #tpu.memory_space<vmem>> -> memref<128x128xf32, #tpu.memory_space<vmem>>
      %dma_wait3A_151 = arith.constant 0 : i32
      %dma_wait3A_152 = tpu.memref_slice %arg6[%dma_wait3A_143, %dma_wait3A_144, %dma_wait3A_151] : memref<62x2x128xi32, #tpu.memory_space<vmem>> -> memref<1x1x128xi32, #tpu.memory_space<vmem>>
      %dma_wait3A_153 = tpu.memref_squeeze %dma_wait3A_152 : memref<1x1x128xi32, #tpu.memory_space<vmem>> -> memref<128xi32, #tpu.memory_space<vmem>>
      %dma_wait3A_154 = arith.constant 0 : i32
      %dma_wait3A_155 = arith.constant 0 : i32
      %dma_wait3A_156 = tpu.memref_slice %arg2[%dma_wait3A_154, %dma_wait3A_155] : memref<10240x128xf32, #tpu.memory_space<hbm>> -> memref<10240x128xf32, #tpu.memory_space<hbm>>
      %dma_wait3A_157 = tpu.memref_slice %arg9[%dma_wait3A_146] : memref<2x!tpu.dma_semaphore, #tpu.memory_space<semaphore_mem>> -> memref<1x!tpu.dma_semaphore, #tpu.memory_space<semaphore_mem>>
      %dma_wait3A_158 = tpu.memref_squeeze %dma_wait3A_157 : memref<1x!tpu.dma_semaphore, #tpu.memory_space<semaphore_mem>> -> memref<!tpu.dma_semaphore, #tpu.memory_space<semaphore_mem>>
      tpu.wait_indirect_dma semaphore(%dma_wait3A_158 : memref<!tpu.dma_semaphore, #tpu.memory_space<semaphore_mem>>) src(%dma_wait3A_156 : memref<10240x128xf32, #tpu.memory_space<hbm>>) dst(%dma_wait3A_150 : memref<128x128xf32, #tpu.memory_space<vmem>>)
    } else {
    }
    %barrier3A_10 = arith.constant 0 : index
    tpu.barrier barrier_id(%barrier3A_10)
    "tpu.trace_stop"() : () -> ()
    "tpu.trace_start"() <{level = 10 : i32, message = "agg_flush"}> : () -> ()
    %mul3A_11 = arith.constant 640 : i32
    %mul3A_12 = arith.muli %arg1, %mul3A_11 : i32
    %mul3A_13 = arith.constant 640 : i32
    %mul3A_14 = arith.muli %arg1, %mul3A_13 : i32
    "tpu.region"() ({
      %run_scoped3A = tpu.sem_alloc : memref<!tpu.dma_semaphore, #tpu.memory_space<semaphore_mem>>
      %dma_start3A = arith.constant 0 : i32
      %dma_start3A_15 = tpu.memref_slice %arg5[%arg0, %mul3A_14, %dma_start3A] : memref<2x10240x128xf32, #tpu.memory_space<hbm>> -> memref<1x640x128xf32, #tpu.memory_space<hbm>>
      %dma_start3A_16 = tpu.memref_squeeze %dma_start3A_15 : memref<1x640x128xf32, #tpu.memory_space<hbm>> -> memref<640x128xf32, #tpu.memory_space<hbm>>
      %dma_start3A_17 = arith.constant 0 : i32
      %dma_start3A_18 = tpu.memref_slice %arg8[%mul3A_12, %dma_start3A_17] : memref<10240x128xf32, #tpu.memory_space<vmem_shared>> -> memref<640x128xf32, #tpu.memory_space<vmem_shared>>
      tpu.enqueue_dma source(%dma_start3A_18 : memref<640x128xf32, #tpu.memory_space<vmem_shared>>) target(%dma_start3A_16 : memref<640x128xf32, #tpu.memory_space<hbm>>) target_semaphore(%run_scoped3A : memref<!tpu.dma_semaphore, #tpu.memory_space<semaphore_mem>>)
      %dma_wait3A = arith.constant 0 : i32
      %dma_wait3A_19 = tpu.memref_slice %arg5[%arg0, %mul3A_14, %dma_wait3A] : memref<2x10240x128xf32, #tpu.memory_space<hbm>> -> memref<1x640x128xf32, #tpu.memory_space<hbm>>
      %dma_wait3A_20 = tpu.memref_squeeze %dma_wait3A_19 : memref<1x640x128xf32, #tpu.memory_space<hbm>> -> memref<640x128xf32, #tpu.memory_space<hbm>>
      %dma_wait3A_21 = arith.constant 0 : i32
      %dma_wait3A_22 = tpu.memref_slice %arg8[%mul3A_12, %dma_wait3A_21] : memref<10240x128xf32, #tpu.memory_space<vmem_shared>> -> memref<640x128xf32, #tpu.memory_space<vmem_shared>>
      tpu.wait_dma2 semaphore(%run_scoped3A : memref<!tpu.dma_semaphore, #tpu.memory_space<semaphore_mem>>) src(%dma_wait3A_22 : memref<640x128xf32, #tpu.memory_space<vmem_shared>>) dst(%dma_wait3A_20 : memref<640x128xf32, #tpu.memory_space<hbm>>)
      tpu.yield
    }) : () -> ()
    "tpu.trace_stop"() : () -> ()
    return
  }
}

module attributes {stable_mosaic.version = 14 : i64} {
  func.func @_mlp_body(%arg0: i32, %arg1: memref<1024x128xf32, #tpu.memory_space<vmem>>, %arg2: memref<2x1024x128xf32, #tpu.memory_space<vmem>>, %arg3: memref<1x1xf32, #tpu.memory_space<smem>>, %arg4: memref<128x128xf32, #tpu.memory_space<vmem>>, %arg5: memref<1x128xf32, #tpu.memory_space<vmem>>, %arg6: memref<1x128xf32, #tpu.memory_space<vmem>>, %arg7: memref<128x128xf32, #tpu.memory_space<vmem>>, %arg8: memref<1x128xf32, #tpu.memory_space<vmem>>, %arg9: memref<1x128xf32, #tpu.memory_space<vmem>>, %arg10: memref<1x128xf32, #tpu.memory_space<vmem>>, %arg11: memref<1x128xf32, #tpu.memory_space<vmem>>, %arg12: memref<1024x128xf32, #tpu.memory_space<vmem>>) attributes {dimension_semantics = [#tpu.dimension_semantics<arbitrary>], iteration_bounds = array<i64: 10>, scalar_prefetch = 0 : i64, scratch_operands = 0 : i64, tpu.core_type = #tpu.core_type<tc>, window_params = [{transform_indices = @transform_0, window_bounds = array<i64: 1024, 128>}, {transform_indices = @transform_1, window_bounds = array<i64: 2, 1024, 128>}, {transform_indices = @transform_2, window_bounds = array<i64: 1, 1>}, {pipeline_mode = #tpu.pipeline_mode<synchronous>, transform_indices = @transform_3, window_bounds = array<i64: 128, 128>}, {pipeline_mode = #tpu.pipeline_mode<synchronous>, transform_indices = @transform_4, window_bounds = array<i64: 1, 128>}, {pipeline_mode = #tpu.pipeline_mode<synchronous>, transform_indices = @transform_5, window_bounds = array<i64: 1, 128>}, {pipeline_mode = #tpu.pipeline_mode<synchronous>, transform_indices = @transform_6, window_bounds = array<i64: 128, 128>}, {pipeline_mode = #tpu.pipeline_mode<synchronous>, transform_indices = @transform_7, window_bounds = array<i64: 1, 128>}, {pipeline_mode = #tpu.pipeline_mode<synchronous>, transform_indices = @transform_8, window_bounds = array<i64: 1, 128>}, {pipeline_mode = #tpu.pipeline_mode<synchronous>, transform_indices = @transform_9, window_bounds = array<i64: 1, 128>}, {pipeline_mode = #tpu.pipeline_mode<synchronous>, transform_indices = @transform_10, window_bounds = array<i64: 1, 128>}, {transform_indices = @transform_11, window_bounds = array<i64: 1024, 128>}]} {
    %get3A = arith.constant 0 : index
    %get3A_0 = arith.constant 0 : index
    %get3A_1 = memref.load %arg3[%get3A, %get3A_0] : memref<1x1xf32, #tpu.memory_space<smem>>
    %add3A = arith.constant 1.000000e+00 : f32
    %add3A_2 = arith.addf %add3A, %get3A_1 : f32
    %get3A_3 = arith.constant 0 : index
    %get3A_4 = arith.constant 0 : index
    %get3A_5 = vector.load %arg1[%get3A_3, %get3A_4] : memref<1024x128xf32, #tpu.memory_space<vmem>>, vector<1024x128xf32>
    %mul3A = vector.broadcast %add3A_2 : f32 to vector<1024x128xf32>
    %mul3A_6 = arith.mulf %mul3A, %get3A_5 : vector<1024x128xf32>
    %get3A_7 = arith.constant 0 : index
    %get3A_8 = arith.constant 0 : index
    %get3A_9 = arith.constant 0 : index
    %get3A_10 = vector.load %arg2[%get3A_7, %get3A_8, %get3A_9] : memref<2x1024x128xf32, #tpu.memory_space<vmem>>, vector<1x1024x128xf32>
    %get3A_11 = vector.shape_cast %get3A_10 : vector<1x1024x128xf32> to vector<1024x128xf32>
    %add3A_12 = arith.addf %mul3A_6, %get3A_11 : vector<1024x128xf32>
    %get3A_13 = arith.constant 1 : index
    %get3A_14 = arith.constant 0 : index
    %get3A_15 = arith.constant 0 : index
    %get3A_16 = vector.load %arg2[%get3A_13, %get3A_14, %get3A_15] : memref<2x1024x128xf32, #tpu.memory_space<vmem>>, vector<1x1024x128xf32>
    %get3A_17 = vector.shape_cast %get3A_16 : vector<1x1024x128xf32> to vector<1024x128xf32>
    %add3A_18 = arith.addf %add3A_12, %get3A_17 : vector<1024x128xf32>
    %get3A_19 = arith.constant 0 : index
    %get3A_20 = arith.constant 0 : index
    %get3A_21 = vector.load %arg4[%get3A_19, %get3A_20] : memref<128x128xf32, #tpu.memory_space<vmem>>, vector<128x128xf32>
    %dot_general3A = arith.constant dense<0.000000e+00> : vector<1024x128xf32>
    %dot_general3A_22 = tpu.matmul %add3A_18, %get3A_21, %dot_general3A {dimension_numbers = #tpu.dot_dimension_numbers<[1], [0], [0], [1], [0, 0, 1, 1], [], []>, transpose_lhs_hint = false} : vector<1024x128xf32>, vector<128x128xf32>, vector<1024x128xf32> -> vector<1024x128xf32>
    %get3A_23 = arith.constant 0 : index
    %get3A_24 = arith.constant 0 : index
    %get3A_25 = vector.load %arg5[%get3A_23, %get3A_24] : memref<1x128xf32, #tpu.memory_space<vmem>>, vector<1x128xf32>
    %get3A_26 = arith.constant 0 : index
    %get3A_27 = arith.constant 0 : index
    %get3A_28 = vector.load %arg6[%get3A_26, %get3A_27] : memref<1x128xf32, #tpu.memory_space<vmem>>, vector<1x128xf32>
    %reduce_sum3A = arith.constant dense<0.000000e+00> : vector<1024xf32>
    %reduce_sum3A_29 = vector.multi_reduction <add>, %dot_general3A_22, %reduce_sum3A [1] : vector<1024x128xf32> to vector<1024xf32>
    %broadcast_in_dim3A = vector.shape_cast %reduce_sum3A_29 : vector<1024xf32> to vector<1024x1xf32>
    %div3A = arith.constant 1.280000e+02 : f32
    %div3A_30 = vector.broadcast %div3A : f32 to vector<1024x1xf32>
    %div3A_31 = arith.divf %broadcast_in_dim3A, %div3A_30 : vector<1024x1xf32>
    %sub3A = vector.broadcast %div3A_31 : vector<1024x1xf32> to vector<1024x128xf32>
    %sub3A_32 = arith.subf %dot_general3A_22, %sub3A : vector<1024x128xf32>
    %sub3A_33 = vector.broadcast %div3A_31 : vector<1024x1xf32> to vector<1024x128xf32>
    %sub3A_34 = arith.subf %dot_general3A_22, %sub3A_33 : vector<1024x128xf32>
    %mul3A_35 = arith.mulf %sub3A_32, %sub3A_34 : vector<1024x128xf32>
    %reduce_sum3A_36 = arith.constant dense<0.000000e+00> : vector<1024xf32>
    %reduce_sum3A_37 = vector.multi_reduction <add>, %mul3A_35, %reduce_sum3A_36 [1] : vector<1024x128xf32> to vector<1024xf32>
    %broadcast_in_dim3A_38 = vector.shape_cast %reduce_sum3A_37 : vector<1024xf32> to vector<1024x1xf32>
    %div3A_39 = arith.constant 1.280000e+02 : f32
    %div3A_40 = vector.broadcast %div3A_39 : f32 to vector<1024x1xf32>
    %div3A_41 = arith.divf %broadcast_in_dim3A_38, %div3A_40 : vector<1024x1xf32>
    %sub3A_42 = vector.broadcast %div3A_31 : vector<1024x1xf32> to vector<1024x128xf32>
    %sub3A_43 = arith.subf %dot_general3A_22, %sub3A_42 : vector<1024x128xf32>
    %add3A_44 = arith.constant 9.99999974E-6 : f32
    %add3A_45 = vector.broadcast %add3A_44 : f32 to vector<1024x1xf32>
    %add3A_46 = arith.addf %div3A_41, %add3A_45 : vector<1024x1xf32>
    %rsqrt3A = math.rsqrt %add3A_46 : vector<1024x1xf32>
    %mul3A_47 = vector.broadcast %rsqrt3A : vector<1024x1xf32> to vector<1024x128xf32>
    %mul3A_48 = arith.mulf %sub3A_43, %mul3A_47 : vector<1024x128xf32>
    %mul3A_49 = vector.broadcast %get3A_25 : vector<1x128xf32> to vector<1024x128xf32>
    %mul3A_50 = arith.mulf %mul3A_48, %mul3A_49 : vector<1024x128xf32>
    %add3A_51 = vector.broadcast %get3A_28 : vector<1x128xf32> to vector<1024x128xf32>
    %add3A_52 = arith.addf %mul3A_50, %add3A_51 : vector<1024x128xf32>
    %max3A = arith.constant 0.000000e+00 : f32
    %max3A_53 = vector.broadcast %max3A : f32 to vector<1024x128xf32>
    %max3A_54 = arith.maximumf %add3A_52, %max3A_53 : vector<1024x128xf32>
    %get3A_55 = arith.constant 0 : index
    %get3A_56 = arith.constant 0 : index
    %get3A_57 = vector.load %arg7[%get3A_55, %get3A_56] : memref<128x128xf32, #tpu.memory_space<vmem>>, vector<128x128xf32>
    %dot_general3A_58 = arith.constant dense<0.000000e+00> : vector<1024x128xf32>
    %dot_general3A_59 = tpu.matmul %max3A_54, %get3A_57, %dot_general3A_58 {dimension_numbers = #tpu.dot_dimension_numbers<[1], [0], [0], [1], [0, 0, 1, 1], [], []>, transpose_lhs_hint = false} : vector<1024x128xf32>, vector<128x128xf32>, vector<1024x128xf32> -> vector<1024x128xf32>
    %get3A_60 = arith.constant 0 : index
    %get3A_61 = arith.constant 0 : index
    %get3A_62 = vector.load %arg8[%get3A_60, %get3A_61] : memref<1x128xf32, #tpu.memory_space<vmem>>, vector<1x128xf32>
    %get3A_63 = arith.constant 0 : index
    %get3A_64 = arith.constant 0 : index
    %get3A_65 = vector.load %arg9[%get3A_63, %get3A_64] : memref<1x128xf32, #tpu.memory_space<vmem>>, vector<1x128xf32>
    %reduce_sum3A_66 = arith.constant dense<0.000000e+00> : vector<1024xf32>
    %reduce_sum3A_67 = vector.multi_reduction <add>, %dot_general3A_59, %reduce_sum3A_66 [1] : vector<1024x128xf32> to vector<1024xf32>
    %broadcast_in_dim3A_68 = vector.shape_cast %reduce_sum3A_67 : vector<1024xf32> to vector<1024x1xf32>
    %div3A_69 = arith.constant 1.280000e+02 : f32
    %div3A_70 = vector.broadcast %div3A_69 : f32 to vector<1024x1xf32>
    %div3A_71 = arith.divf %broadcast_in_dim3A_68, %div3A_70 : vector<1024x1xf32>
    %sub3A_72 = vector.broadcast %div3A_71 : vector<1024x1xf32> to vector<1024x128xf32>
    %sub3A_73 = arith.subf %dot_general3A_59, %sub3A_72 : vector<1024x128xf32>
    %sub3A_74 = vector.broadcast %div3A_71 : vector<1024x1xf32> to vector<1024x128xf32>
    %sub3A_75 = arith.subf %dot_general3A_59, %sub3A_74 : vector<1024x128xf32>
    %mul3A_76 = arith.mulf %sub3A_73, %sub3A_75 : vector<1024x128xf32>
    %reduce_sum3A_77 = arith.constant dense<0.000000e+00> : vector<1024xf32>
    %reduce_sum3A_78 = vector.multi_reduction <add>, %mul3A_76, %reduce_sum3A_77 [1] : vector<1024x128xf32> to vector<1024xf32>
    %broadcast_in_dim3A_79 = vector.shape_cast %reduce_sum3A_78 : vector<1024xf32> to vector<1024x1xf32>
    %div3A_80 = arith.constant 1.280000e+02 : f32
    %div3A_81 = vector.broadcast %div3A_80 : f32 to vector<1024x1xf32>
    %div3A_82 = arith.divf %broadcast_in_dim3A_79, %div3A_81 : vector<1024x1xf32>
    %sub3A_83 = vector.broadcast %div3A_71 : vector<1024x1xf32> to vector<1024x128xf32>
    %sub3A_84 = arith.subf %dot_general3A_59, %sub3A_83 : vector<1024x128xf32>
    %add3A_85 = arith.constant 9.99999974E-6 : f32
    %add3A_86 = vector.broadcast %add3A_85 : f32 to vector<1024x1xf32>
    %add3A_87 = arith.addf %div3A_82, %add3A_86 : vector<1024x1xf32>
    %rsqrt3A_88 = math.rsqrt %add3A_87 : vector<1024x1xf32>
    %mul3A_89 = vector.broadcast %rsqrt3A_88 : vector<1024x1xf32> to vector<1024x128xf32>
    %mul3A_90 = arith.mulf %sub3A_84, %mul3A_89 : vector<1024x128xf32>
    %mul3A_91 = vector.broadcast %get3A_62 : vector<1x128xf32> to vector<1024x128xf32>
    %mul3A_92 = arith.mulf %mul3A_90, %mul3A_91 : vector<1024x128xf32>
    %add3A_93 = vector.broadcast %get3A_65 : vector<1x128xf32> to vector<1024x128xf32>
    %add3A_94 = arith.addf %mul3A_92, %add3A_93 : vector<1024x128xf32>
    %get3A_95 = arith.constant 0 : index
    %get3A_96 = arith.constant 0 : index
    %get3A_97 = vector.load %arg10[%get3A_95, %get3A_96] : memref<1x128xf32, #tpu.memory_space<vmem>>, vector<1x128xf32>
    %get3A_98 = arith.constant 0 : index
    %get3A_99 = arith.constant 0 : index
    %get3A_100 = vector.load %arg11[%get3A_98, %get3A_99] : memref<1x128xf32, #tpu.memory_space<vmem>>, vector<1x128xf32>
    %reduce_sum3A_101 = arith.constant dense<0.000000e+00> : vector<1024xf32>
    %reduce_sum3A_102 = vector.multi_reduction <add>, %add3A_94, %reduce_sum3A_101 [1] : vector<1024x128xf32> to vector<1024xf32>
    %broadcast_in_dim3A_103 = vector.shape_cast %reduce_sum3A_102 : vector<1024xf32> to vector<1024x1xf32>
    %div3A_104 = arith.constant 1.280000e+02 : f32
    %div3A_105 = vector.broadcast %div3A_104 : f32 to vector<1024x1xf32>
    %div3A_106 = arith.divf %broadcast_in_dim3A_103, %div3A_105 : vector<1024x1xf32>
    %sub3A_107 = vector.broadcast %div3A_106 : vector<1024x1xf32> to vector<1024x128xf32>
    %sub3A_108 = arith.subf %add3A_94, %sub3A_107 : vector<1024x128xf32>
    %sub3A_109 = vector.broadcast %div3A_106 : vector<1024x1xf32> to vector<1024x128xf32>
    %sub3A_110 = arith.subf %add3A_94, %sub3A_109 : vector<1024x128xf32>
    %mul3A_111 = arith.mulf %sub3A_108, %sub3A_110 : vector<1024x128xf32>
    %reduce_sum3A_112 = arith.constant dense<0.000000e+00> : vector<1024xf32>
    %reduce_sum3A_113 = vector.multi_reduction <add>, %mul3A_111, %reduce_sum3A_112 [1] : vector<1024x128xf32> to vector<1024xf32>
    %broadcast_in_dim3A_114 = vector.shape_cast %reduce_sum3A_113 : vector<1024xf32> to vector<1024x1xf32>
    %div3A_115 = arith.constant 1.280000e+02 : f32
    %div3A_116 = vector.broadcast %div3A_115 : f32 to vector<1024x1xf32>
    %div3A_117 = arith.divf %broadcast_in_dim3A_114, %div3A_116 : vector<1024x1xf32>
    %sub3A_118 = vector.broadcast %div3A_106 : vector<1024x1xf32> to vector<1024x128xf32>
    %sub3A_119 = arith.subf %add3A_94, %sub3A_118 : vector<1024x128xf32>
    %add3A_120 = arith.constant 9.99999974E-6 : f32
    %add3A_121 = vector.broadcast %add3A_120 : f32 to vector<1024x1xf32>
    %add3A_122 = arith.addf %div3A_117, %add3A_121 : vector<1024x1xf32>
    %rsqrt3A_123 = math.rsqrt %add3A_122 : vector<1024x1xf32>
    %mul3A_124 = vector.broadcast %rsqrt3A_123 : vector<1024x1xf32> to vector<1024x128xf32>
    %mul3A_125 = arith.mulf %sub3A_119, %mul3A_124 : vector<1024x128xf32>
    %mul3A_126 = vector.broadcast %get3A_97 : vector<1x128xf32> to vector<1024x128xf32>
    %mul3A_127 = arith.mulf %mul3A_125, %mul3A_126 : vector<1024x128xf32>
    %add3A_128 = vector.broadcast %get3A_100 : vector<1x128xf32> to vector<1024x128xf32>
    %add3A_129 = arith.addf %mul3A_127, %add3A_128 : vector<1024x128xf32>
    %max3A_130 = arith.constant 0.000000e+00 : f32
    %max3A_131 = vector.broadcast %max3A_130 : f32 to vector<1024x128xf32>
    %max3A_132 = arith.maximumf %add3A_129, %max3A_131 : vector<1024x128xf32>
    %swap3A = arith.constant 0 : index
    %swap3A_133 = arith.constant 0 : index
    %swap3A_134 = vector.load %arg12[%swap3A, %swap3A_133] : memref<1024x128xf32, #tpu.memory_space<vmem>>, vector<1024x128xf32>
    tpu.vector_store %arg12[%swap3A, %swap3A_133], %max3A_132 {strides = array<i32>} : memref<1024x128xf32, #tpu.memory_space<vmem>>, vector<1024x128xf32>,
    return
  }
  func.func @transform_0(%arg0: i32) -> (i32, i32) {
    %c0_i32 = arith.constant 0 : i32
    %c0_i32_0 = arith.constant 0 : i32
    return %arg0, %c0_i32 : i32, i32
  }
  func.func @transform_1(%arg0: i32) -> (i32, i32, i32) {
    %c0_i32 = arith.constant 0 : i32
    %c0_i32_0 = arith.constant 0 : i32
    %c0_i32_1 = arith.constant 0 : i32
    return %c0_i32, %arg0, %c0_i32_0 : i32, i32, i32
  }
  func.func @transform_2(%arg0: i32) -> (i32, i32) {
    %c0_i32 = arith.constant 0 : i32
    %c0_i32_0 = arith.constant 0 : i32
    %c0_i32_1 = arith.constant 0 : i32
    return %c0_i32, %c0_i32_0 : i32, i32
  }
  func.func @transform_3(%arg0: i32) -> (i32, i32) {
    %c0_i32 = arith.constant 0 : i32
    %c0_i32_0 = arith.constant 0 : i32
    %c0_i32_1 = arith.constant 0 : i32
    return %c0_i32, %c0_i32_0 : i32, i32
  }
  func.func @transform_4(%arg0: i32) -> (i32, i32) {
    %c0_i32 = arith.constant 0 : i32
    %c0_i32_0 = arith.constant 0 : i32
    %c0_i32_1 = arith.constant 0 : i32
    return %c0_i32, %c0_i32_0 : i32, i32
  }
  func.func @transform_5(%arg0: i32) -> (i32, i32) {
    %c0_i32 = arith.constant 0 : i32
    %c0_i32_0 = arith.constant 0 : i32
    %c0_i32_1 = arith.constant 0 : i32
    return %c0_i32, %c0_i32_0 : i32, i32
  }
  func.func @transform_6(%arg0: i32) -> (i32, i32) {
    %c0_i32 = arith.constant 0 : i32
    %c0_i32_0 = arith.constant 0 : i32
    %c0_i32_1 = arith.constant 0 : i32
    return %c0_i32, %c0_i32_0 : i32, i32
  }
  func.func @transform_7(%arg0: i32) -> (i32, i32) {
    %c0_i32 = arith.constant 0 : i32
    %c0_i32_0 = arith.constant 0 : i32
    %c0_i32_1 = arith.constant 0 : i32
    return %c0_i32, %c0_i32_0 : i32, i32
  }
  func.func @transform_8(%arg0: i32) -> (i32, i32) {
    %c0_i32 = arith.constant 0 : i32
    %c0_i32_0 = arith.constant 0 : i32
    %c0_i32_1 = arith.constant 0 : i32
    return %c0_i32, %c0_i32_0 : i32, i32
  }
  func.func @transform_9(%arg0: i32) -> (i32, i32) {
    %c0_i32 = arith.constant 0 : i32
    %c0_i32_0 = arith.constant 0 : i32
    %c0_i32_1 = arith.constant 0 : i32
    return %c0_i32, %c0_i32_0 : i32, i32
  }
  func.func @transform_10(%arg0: i32) -> (i32, i32) {
    %c0_i32 = arith.constant 0 : i32
    %c0_i32_0 = arith.constant 0 : i32
    %c0_i32_1 = arith.constant 0 : i32
    return %c0_i32, %c0_i32_0 : i32, i32
  }
  func.func @transform_11(%arg0: i32) -> (i32, i32) {
    %c0_i32 = arith.constant 0 : i32
    %c0_i32_0 = arith.constant 0 : i32
    return %arg0, %c0_i32 : i32, i32
  }
}

module attributes {stable_mosaic.version = 14 : i64} {
  func.func @_pool_body(%arg0: i32, %arg1: memref<1024x128xf32, #tpu.memory_space<vmem>>, %arg2: memref<1x1x1024xi32, #tpu.memory_space<vmem>>, %arg3: memref<128x512xf32, #tpu.memory_space<vmem>>, %arg4: memref<1x512xf32, #tpu.memory_space<vmem>>, %arg5: memref<1x512xf32, #tpu.memory_space<vmem>>, %arg6: memref<64x512xf32, #tpu.memory_space<vmem>>, %arg7: memref<64x128xf32, #tpu.memory_space<vmem>>, %arg8: memref<64x128xf32, #tpu.memory_space<vmem>>) attributes {dimension_semantics = [#tpu.dimension_semantics<arbitrary>], iteration_bounds = array<i64: 10>, scalar_prefetch = 0 : i64, scratch_operands = 2 : i64, tpu.core_type = #tpu.core_type<tc>, window_params = [{transform_indices = @transform_0, window_bounds = array<i64: 1024, 128>}, {transform_indices = @transform_1, window_bounds = array<i64: 1, 1, 1024>}, {pipeline_mode = #tpu.pipeline_mode<synchronous>, transform_indices = @transform_2, window_bounds = array<i64: 128, 512>}, {pipeline_mode = #tpu.pipeline_mode<synchronous>, transform_indices = @transform_3, window_bounds = array<i64: 1, 512>}, {pipeline_mode = #tpu.pipeline_mode<synchronous>, transform_indices = @transform_4, window_bounds = array<i64: 1, 512>}, {pipeline_mode = #tpu.pipeline_mode<synchronous>, transform_indices = @transform_5, window_bounds = array<i64: 64, 512>}]} {
    %eq3A = arith.constant 0 : i32
    %eq3A_0 = arith.cmpi eq, %arg0, %eq3A : i32
    %convert_element_type3A = arith.extui %eq3A_0 : i1 to i32
    %cond3A = arith.constant 0 : i32
    %cond3A_1 = arith.cmpi ne, %convert_element_type3A, %cond3A : i32
    scf.if %cond3A_1 {
      %broadcast_in_dim3A_35 = arith.constant 0.000000e+00 : f32
      %broadcast_in_dim3A_36 = vector.broadcast %broadcast_in_dim3A_35 : f32 to vector<64x128xf32>
      %swap3A_37 = arith.constant 0 : index
      %swap3A_38 = arith.constant 0 : index
      %swap3A_39 = vector.load %arg7[%swap3A_37, %swap3A_38] : memref<64x128xf32, #tpu.memory_space<vmem>>, vector<64x128xf32>
      tpu.vector_store %arg7[%swap3A_37, %swap3A_38], %broadcast_in_dim3A_36 {strides = array<i32>} : memref<64x128xf32, #tpu.memory_space<vmem>>, vector<64x128xf32>,
      %broadcast_in_dim3A_40 = arith.constant 0.000000e+00 : f32
      %broadcast_in_dim3A_41 = vector.broadcast %broadcast_in_dim3A_40 : f32 to vector<64x128xf32>
      %swap3A_42 = arith.constant 0 : index
      %swap3A_43 = arith.constant 0 : index
      %swap3A_44 = vector.load %arg8[%swap3A_42, %swap3A_43] : memref<64x128xf32, #tpu.memory_space<vmem>>, vector<64x128xf32>
      tpu.vector_store %arg8[%swap3A_42, %swap3A_43], %broadcast_in_dim3A_41 {strides = array<i32>} : memref<64x128xf32, #tpu.memory_space<vmem>>, vector<64x128xf32>,
    } else {
    }
    %get3A = arith.constant 0 : index
    %get3A_2 = arith.constant 0 : index
    %get3A_3 = arith.constant 0 : index
    %get3A_4 = vector.load %arg2[%get3A, %get3A_2, %get3A_3] : memref<1x1x1024xi32, #tpu.memory_space<vmem>>, vector<1x1x1024xi32>
    %get3A_5 = vector.shape_cast %get3A_4 : vector<1x1x1024xi32> to vector<1024xi32>
    %broadcast_in_dim3A = vector.shape_cast %get3A_5 : vector<1024xi32> to vector<1024x1xi32>
    %iota3A = tpu.iota {dimensions = array<i32: 1>} : vector<1024x64xi32>
    %eq3A_6 = vector.broadcast %broadcast_in_dim3A : vector<1024x1xi32> to vector<1024x64xi32>
    %eq3A_7 = arith.cmpi eq, %eq3A_6, %iota3A : vector<1024x64xi32>
    %convert_element_type3A_8 = arith.extui %eq3A_7 : vector<1024x64xi1> to vector<1024x64xi32>
    %convert_element_type3A_9 = arith.sitofp %convert_element_type3A_8 : vector<1024x64xi32> to vector<1024x64xf32>
    %get3A_10 = arith.constant 0 : index
    %get3A_11 = arith.constant 0 : index
    %get3A_12 = vector.load %arg7[%get3A_10, %get3A_11] : memref<64x128xf32, #tpu.memory_space<vmem>>, vector<64x128xf32>
    %get3A_13 = arith.constant 0 : index
    %get3A_14 = arith.constant 0 : index
    %get3A_15 = vector.load %arg1[%get3A_13, %get3A_14] : memref<1024x128xf32, #tpu.memory_space<vmem>>, vector<1024x128xf32>
    %dot_general3A = arith.constant dense<0.000000e+00> : vector<64x128xf32>
    %dot_general3A_16 = tpu.matmul %convert_element_type3A_9, %get3A_15, %dot_general3A {dimension_numbers = #tpu.dot_dimension_numbers<[0], [0], [1], [1], [0, 1, 1, 1], [], []>, transpose_lhs_hint = false} : vector<1024x64xf32>, vector<1024x128xf32>, vector<64x128xf32> -> vector<64x128xf32>
    %add3A = arith.addf %get3A_12, %dot_general3A_16 : vector<64x128xf32>
    %swap3A = arith.constant 0 : index
    %swap3A_17 = arith.constant 0 : index
    %swap3A_18 = vector.load %arg7[%swap3A, %swap3A_17] : memref<64x128xf32, #tpu.memory_space<vmem>>, vector<64x128xf32>
    tpu.vector_store %arg7[%swap3A, %swap3A_17], %add3A {strides = array<i32>} : memref<64x128xf32, #tpu.memory_space<vmem>>, vector<64x128xf32>,
    %get3A_19 = arith.constant 0 : index
    %get3A_20 = arith.constant 0 : index
    %get3A_21 = vector.load %arg8[%get3A_19, %get3A_20] : memref<64x128xf32, #tpu.memory_space<vmem>>, vector<64x128xf32>
    %broadcast_in_dim3A_22 = arith.constant 1.000000e+00 : f32
    %broadcast_in_dim3A_23 = vector.broadcast %broadcast_in_dim3A_22 : f32 to vector<1024x128xf32>
    %dot_general3A_24 = arith.constant dense<0.000000e+00> : vector<64x128xf32>
    %dot_general3A_25 = tpu.matmul %convert_element_type3A_9, %broadcast_in_dim3A_23, %dot_general3A_24 {dimension_numbers = #tpu.dot_dimension_numbers<[0], [0], [1], [1], [0, 1, 1, 1], [], []>, transpose_lhs_hint = false} : vector<1024x64xf32>, vector<1024x128xf32>, vector<64x128xf32> -> vector<64x128xf32>
    %add3A_26 = arith.addf %get3A_21, %dot_general3A_25 : vector<64x128xf32>
    %swap3A_27 = arith.constant 0 : index
    %swap3A_28 = arith.constant 0 : index
    %swap3A_29 = vector.load %arg8[%swap3A_27, %swap3A_28] : memref<64x128xf32, #tpu.memory_space<vmem>>, vector<64x128xf32>
    tpu.vector_store %arg8[%swap3A_27, %swap3A_28], %add3A_26 {strides = array<i32>} : memref<64x128xf32, #tpu.memory_space<vmem>>, vector<64x128xf32>,
    %eq3A_30 = arith.constant 9 : i32
    %eq3A_31 = arith.cmpi eq, %arg0, %eq3A_30 : i32
    %convert_element_type3A_32 = arith.extui %eq3A_31 : i1 to i32
    %cond3A_33 = arith.constant 0 : i32
    %cond3A_34 = arith.cmpi ne, %convert_element_type3A_32, %cond3A_33 : i32
    scf.if %cond3A_34 {
      %get3A_35 = arith.constant 0 : index
      %get3A_36 = arith.constant 0 : index
      %get3A_37 = vector.load %arg7[%get3A_35, %get3A_36] : memref<64x128xf32, #tpu.memory_space<vmem>>, vector<64x128xf32>
      %get3A_38 = arith.constant 0 : index
      %get3A_39 = arith.constant 0 : index
      %get3A_40 = vector.load %arg8[%get3A_38, %get3A_39] : memref<64x128xf32, #tpu.memory_space<vmem>>, vector<64x128xf32>
      %max3A = arith.constant 1.000000e+00 : f32
      %max3A_41 = vector.broadcast %max3A : f32 to vector<64x128xf32>
      %max3A_42 = arith.maximumf %get3A_40, %max3A_41 : vector<64x128xf32>
      %div3A = arith.divf %get3A_37, %max3A_42 : vector<64x128xf32>
      %get3A_43 = arith.constant 0 : index
      %get3A_44 = arith.constant 0 : index
      %get3A_45 = vector.load %arg3[%get3A_43, %get3A_44] : memref<128x512xf32, #tpu.memory_space<vmem>>, vector<128x512xf32>
      %dot_general3A_46 = arith.constant dense<0.000000e+00> : vector<64x512xf32>
      %dot_general3A_47 = tpu.matmul %div3A, %get3A_45, %dot_general3A_46 {dimension_numbers = #tpu.dot_dimension_numbers<[1], [0], [0], [1], [0, 0, 1, 1], [], []>, transpose_lhs_hint = false} : vector<64x128xf32>, vector<128x512xf32>, vector<64x512xf32> -> vector<64x512xf32>
      %get3A_48 = arith.constant 0 : index
      %get3A_49 = arith.constant 0 : index
      %get3A_50 = vector.load %arg4[%get3A_48, %get3A_49] : memref<1x512xf32, #tpu.memory_space<vmem>>, vector<1x512xf32>
      %get3A_51 = arith.constant 0 : index
      %get3A_52 = arith.constant 0 : index
      %get3A_53 = vector.load %arg5[%get3A_51, %get3A_52] : memref<1x512xf32, #tpu.memory_space<vmem>>, vector<1x512xf32>
      %reduce_sum3A = arith.constant dense<0.000000e+00> : vector<64xf32>
      %reduce_sum3A_54 = vector.multi_reduction <add>, %dot_general3A_47, %reduce_sum3A [1] : vector<64x512xf32> to vector<64xf32>
      %broadcast_in_dim3A_55 = vector.shape_cast %reduce_sum3A_54 : vector<64xf32> to vector<64x1xf32>
      %div3A_56 = arith.constant 5.120000e+02 : f32
      %div3A_57 = vector.broadcast %div3A_56 : f32 to vector<64x1xf32>
      %div3A_58 = arith.divf %broadcast_in_dim3A_55, %div3A_57 : vector<64x1xf32>
      %sub3A = vector.broadcast %div3A_58 : vector<64x1xf32> to vector<64x512xf32>
      %sub3A_59 = arith.subf %dot_general3A_47, %sub3A : vector<64x512xf32>
      %sub3A_60 = vector.broadcast %div3A_58 : vector<64x1xf32> to vector<64x512xf32>
      %sub3A_61 = arith.subf %dot_general3A_47, %sub3A_60 : vector<64x512xf32>
      %mul3A = arith.mulf %sub3A_59, %sub3A_61 : vector<64x512xf32>
      %reduce_sum3A_62 = arith.constant dense<0.000000e+00> : vector<64xf32>
      %reduce_sum3A_63 = vector.multi_reduction <add>, %mul3A, %reduce_sum3A_62 [1] : vector<64x512xf32> to vector<64xf32>
      %broadcast_in_dim3A_64 = vector.shape_cast %reduce_sum3A_63 : vector<64xf32> to vector<64x1xf32>
      %div3A_65 = arith.constant 5.120000e+02 : f32
      %div3A_66 = vector.broadcast %div3A_65 : f32 to vector<64x1xf32>
      %div3A_67 = arith.divf %broadcast_in_dim3A_64, %div3A_66 : vector<64x1xf32>
      %sub3A_68 = vector.broadcast %div3A_58 : vector<64x1xf32> to vector<64x512xf32>
      %sub3A_69 = arith.subf %dot_general3A_47, %sub3A_68 : vector<64x512xf32>
      %add3A_70 = arith.constant 9.99999974E-6 : f32
      %add3A_71 = vector.broadcast %add3A_70 : f32 to vector<64x1xf32>
      %add3A_72 = arith.addf %div3A_67, %add3A_71 : vector<64x1xf32>
      %rsqrt3A = math.rsqrt %add3A_72 : vector<64x1xf32>
      %mul3A_73 = vector.broadcast %rsqrt3A : vector<64x1xf32> to vector<64x512xf32>
      %mul3A_74 = arith.mulf %sub3A_69, %mul3A_73 : vector<64x512xf32>
      %mul3A_75 = vector.broadcast %get3A_50 : vector<1x512xf32> to vector<64x512xf32>
      %mul3A_76 = arith.mulf %mul3A_74, %mul3A_75 : vector<64x512xf32>
      %add3A_77 = vector.broadcast %get3A_53 : vector<1x512xf32> to vector<64x512xf32>
      %add3A_78 = arith.addf %mul3A_76, %add3A_77 : vector<64x512xf32>
      %swap3A_79 = arith.constant 0 : index
      %swap3A_80 = arith.constant 0 : index
      %swap3A_81 = vector.load %arg6[%swap3A_79, %swap3A_80] : memref<64x512xf32, #tpu.memory_space<vmem>>, vector<64x512xf32>
      tpu.vector_store %arg6[%swap3A_79, %swap3A_80], %add3A_78 {strides = array<i32>} : memref<64x512xf32, #tpu.memory_space<vmem>>, vector<64x512xf32>,
    } else {
    }
    return
  }
  func.func @transform_0(%arg0: i32) -> (i32, i32) {
    %c0_i32 = arith.constant 0 : i32
    %c0_i32_0 = arith.constant 0 : i32
    return %arg0, %c0_i32 : i32, i32
  }
  func.func @transform_1(%arg0: i32) -> (i32, i32, i32) {
    %c0_i32 = arith.constant 0 : i32
    %c0_i32_0 = arith.constant 0 : i32
    %c0_i32_1 = arith.constant 0 : i32
    return %arg0, %c0_i32, %c0_i32_0 : i32, i32, i32
  }
  func.func @transform_2(%arg0: i32) -> (i32, i32) {
    %c0_i32 = arith.constant 0 : i32
    %c0_i32_0 = arith.constant 0 : i32
    %c0_i32_1 = arith.constant 0 : i32
    return %c0_i32, %c0_i32_0 : i32, i32
  }
  func.func @transform_3(%arg0: i32) -> (i32, i32) {
    %c0_i32 = arith.constant 0 : i32
    %c0_i32_0 = arith.constant 0 : i32
    %c0_i32_1 = arith.constant 0 : i32
    return %c0_i32, %c0_i32_0 : i32, i32
  }
  func.func @transform_4(%arg0: i32) -> (i32, i32) {
    %c0_i32 = arith.constant 0 : i32
    %c0_i32_0 = arith.constant 0 : i32
    %c0_i32_1 = arith.constant 0 : i32
    return %c0_i32, %c0_i32_0 : i32, i32
  }
  func.func @transform_5(%arg0: i32) -> (i32, i32) {
    %c0_i32 = arith.constant 0 : i32
    %c0_i32_0 = arith.constant 0 : i32
    %c0_i32_1 = arith.constant 0 : i32
    return %c0_i32, %c0_i32_0 : i32, i32
  }
}

</mosaic_0001>

<sc_bundles>
// kernel: kernel.12.cloned.1.call-start
scs
__scs_entry_jumppad:
0x0: {  	(pc) =	sbr.rel $0x88, $3  }
0x1: {  	(tag) =	ssettag $0x0;
	lr =	simm.s32 $0x1  }
0x2: {  	[smem:$0x3F80] =	sst lr;
	_ =	strace $0xD0000000  }
0x3: {  	_ = 	snop  }
0x4: {  	_ = 	snop  }
0x5: {  	_ = 	snop  }
0x6: {  	_ = 	snop  }
0x7: {  	_ = 	snop  }
__scs_overlays_trampoline_lowered:
0x8: {  	[smem:$0x3F8F] =	sst s0  }
0x9: {  	[smem:$0x3F90] =	sst s1  }
0xa: {  	[smem:$0x3F91] =	sst s2  }
0xb: {  	[smem:$0x3F92] =	sst s3  }
0xc: {  	[smem:$0x3F93] =	sst s4  }
0xd: {  	[smem:$0x3F94] =	sst s5  }
0xe: {  	[smem:$0x3F95] =	sst s6  }
0xf: {  	[smem:$0x3F96] =	sst s7  }
0x10: {  	[smem:$0x3F97] =	sst s8  }
0x11: {  	[smem:$0x3F98] =	sst s9;
	s0 =	simm.s32 @!p0 $0x0  }
0x12: {  	s1 =	sld [smem:$0x3F7E];
	s0 =	simm.s32 @p0 $0x1  }
0x13: {  	[smem:$0x3F99] =	sst s0;
	s0 =	simm.s32 @!p1 $0x0  }
0x14: {  	s2 =	sld [smem:$0x3F7D];
	s0 =	simm.s32 @p1 $0x1  }
0x15: {  	[smem:$0x3F9A] =	sst s0;
	s0 =	simm.s32 @!p2 $0x0  }
0x16: {  	s3 =	sld [smem:$0x3FDB];
	s0 =	simm.s32 @p2 $0x1  }
0x17: {  	s4 =	simm.s32 $0x1BF5;
	[smem:$0x3F9C] =	sst s0  }
0x18: {  	s0 =	sld [smem:$0x3F7F];
	_ =	swait.ge [sflag:s4], $0x0  }
0x19: {  	s7 =	sld [smem:$0x3F80]  }
0x1a: {  	s8 =	sadd.s32 $0xFFFFE003, lr  }
0x1b: {  	s9 =	sadd.s32 $0xFFFFFEF7, lr;
	s5 =	simm.s32 $0xFFFFFFFF;
	p2 =	slt.u32 s8, $0xFFFFF086  }
0x1c: {  	p1 =	slt.u32 s9, $0xF7A;
	s5 =	simm.s32 @!p2 $0x0  }
0x1d: {  	s5 =	simm.s32 @p1 $0x1;
	p0 =	seq.s32 s7, s2  }
0x1e: {  	s7 =	smul.u32 @!p0 $0xF7A, s2;
	p2 =	seq.s32 @!p0 s5, $0x0  }
0x1f: {  	s9 =	smul.u32 $0xF7A, s1;
	s8 =	simm.s32 @!p0 $0x1BF5;
	p2 =	por !p2, p0  }
0x20: {  	[sflag:s8] =	ssyncset.s32 @!p0 $0xFFFFF086;
	s6 =	sadd.s32 @!p0 s3, s7;
	s7 =	simm.s32 @!p0 $0x108  }
0x21: {  	s3 =	sadd.s32 s3, s9;
	s6 =	sadd.s32 @!p0 $0x88, s6;
	s7 =	simm.s32 @p2 $0x1082  }
0x22: {  	[simem:s7], [sflag:s8] =	dma.local @!p0 [hbm:s6], $0xF7A  }
0x23: {  	s9 =	sor.u32 $0xD0000000, s2;
	s6 =	simm.s32 $0x108;
	_ =	swait.ge @!p0 [sflag:s8], $0x0  }
0x24: {  	s3 =	sadd.s32 $0x88, s3;
	s6 =	simm.s32 @!p1 $0x1082;
	[sflag:s4] =	ssyncset.s32 $0xFFFFF086  }
0x25: {  	[simem:s6], [sflag:s4] =	dma.local [hbm:s3], $0xF7A  }
0x26: {  	[smem:$0x3F80] =	sst s1;
	(tag) =	ssettag s2;
	_ =	strace s9  }
0x27: {  	s1 =	sld [smem:$0x3F90]  }
0x28: {  	s2 =	sld [smem:$0x3F91]  }
0x29: {  	s4 =	sld [smem:$0x3F93]  }
0x2a: {  	p0 =	seq.s32 s5, $0x0;
	s5 =	sld [smem:$0x3F94]  }
0x2b: {  	s6 =	sld [smem:$0x3F95]  }
0x2c: {  	s7 =	sld [smem:$0x3F96]  }
0x2d: {  	s3 =	simm.s32 $0x108;
	s8 =	sld [smem:$0x3F97]  }
0x2e: {  	s3 =	simm.s32 @!p0 $0x1082;
	s9 =	sld [smem:$0x3F98]  }
0x2f: {  	lr =	sadd.s32 s0, s3;
	s0 =	sld [smem:$0x3F8F]  }
0x30: {  	s3 =	sld [smem:$0x3F92]  }
0x31: {  	[smem:$0x3F9B] =	sst s10  }
0x32: {  	s10 =	sld [smem:$0x3F99];
	_ =	sdelay $0x3  }
0x33: {  	p0 =	seq.s32 s10, $0x1;
	s10 =	sld [smem:$0x3F9B];
	_ =	sdelay $0x3  }
0x34: {  	[smem:$0x3F9B] =	sst s10  }
0x35: {  	s10 =	sld [smem:$0x3F9A];
	_ =	sdelay $0x3  }
0x36: {  	p1 =	seq.s32 s10, $0x1;
	s10 =	sld [smem:$0x3F9B];
	_ =	sdelay $0x3  }
0x37: {  	[smem:$0x3F9B] =	sst s10  }
0x38: {  	s10 =	sld [smem:$0x3F9C]  }
0x39: {  	_ = 	snop;
	(pc) =	sbr.ind lr, $3  }
0x3a: {  	_ = 	snop  }
0x3b: {  	_ = 	snop  }
0x3c: {  	p2 =	seq.s32 s10, $0x1;
	s10 =	sld [smem:$0x3F9B]  }
0x3d: {  	_ =	shalt  }
0x3e: {  	_ =	shalt  }
0x3f: {  	_ =	shalt  }
0x40: {  	_ =	shalt  }
0x41: {  	_ =	shalt  }
0x42: {  	_ =	shalt  }
0x43: {  	_ =	shalt  }
0x44: {  	_ =	shalt  }
0x45: {  	_ =	shalt  }
0x46: {  	_ =	shalt  }
0x47: {  	_ =	shalt  }
0x48: {  	_ =	shalt  }
0x49: {  	_ =	shalt  }
0x4a: {  	_ =	shalt  }
0x4b: {  	_ =	shalt  }
0x4c: {  	_ =	shalt  }
0x4d: {  	_ =	shalt  }
0x4e: {  	_ =	shalt  }
0x4f: {  	_ =	shalt  }
0x50: {  	_ =	shalt  }
0x51: {  	_ =	shalt  }
0x52: {  	_ =	shalt  }
0x53: {  	_ =	shalt  }
0x54: {  	_ =	shalt  }
0x55: {  	_ =	shalt  }
0x56: {  	_ =	shalt  }
0x57: {  	_ =	shalt  }
0x58: {  	_ =	shalt  }
0x59: {  	_ =	shalt  }
0x5a: {  	_ =	shalt  }
0x5b: {  	_ =	shalt  }
0x5c: {  	_ =	shalt  }
0x5d: {  	_ =	shalt  }
0x5e: {  	_ =	shalt  }
0x5f: {  	_ =	shalt  }
0x60: {  	_ =	shalt  }
0x61: {  	_ =	shalt  }
0x62: {  	_ =	shalt  }
0x63: {  	_ =	shalt  }
0x64: {  	_ =	shalt  }
0x65: {  	_ =	shalt  }
0x66: {  	_ =	shalt  }
0x67: {  	_ =	shalt  }
0x68: {  	_ =	shalt  }
0x69: {  	_ =	shalt  }
0x6a: {  	_ =	shalt  }
0x6b: {  	_ =	shalt  }
0x6c: {  	_ =	shalt  }
0x6d: {  	_ =	shalt  }
0x6e: {  	_ =	shalt  }
0x6f: {  	_ =	shalt  }
0x70: {  	_ =	shalt  }
0x71: {  	_ =	shalt  }
0x72: {  	_ =	shalt  }
0x73: {  	_ =	shalt  }
0x74: {  	_ =	shalt  }
0x75: {  	_ =	shalt  }
0x76: {  	_ =	shalt  }
0x77: {  	_ =	shalt  }
0x78: {  	_ =	shalt  }
0x79: {  	_ =	shalt  }
0x7a: {  	_ =	shalt  }
0x7b: {  	_ =	shalt  }
0x7c: {  	_ =	shalt  }
0x7d: {  	_ =	shalt  }
0x7e: {  	_ =	shalt  }
0x7f: {  	_ =	shalt  }
0x80: {  	_ =	shalt  }
0x81: {  	_ =	shalt  }
0x82: {  	_ =	shalt  }
0x83: {  	_ =	shalt  }
0x84: {  	_ =	shalt  }
0x85: {  	_ =	shalt  }
0x86: {  	_ =	shalt  }
0x87: {  	_ =	shalt  }
.Lfunc_end0:
.L_simem_size_0:
called_computation.1_lowered:
.L_overlay_start_0:
0x88: {  	s2 =	sld [smem:$0x3FD9]  }
0x89: {  	s3 =	sld [smem:$0x3FFE];
	_ =	sdelay $0x1  }
0x8a: {  	s1 =	srdreg.scid  }
0x8b: {  	s0 =	sand.u32 $0x1, s1  }
0x8c: {  	s16 =	sshll.u32 s0, $0xA;
	s2 =	sadd.s32 s3, s2  }
0x8d: {  	s2 =	sadd.s32 s2, s16  }
0x8e: {  	[smem:$0x3FA7] =	sst s2  }
0x8f: {  	_ = 	snop  }
0x90: {  	(tm) =	ssettm $0x1  }
0x91: {  	s17 =	sld [smem:$0x3FFB];
	_ =	sdelay $0x3  }
0x92: {  	_ =	strace s17  }
0x93: {  	s2 =	sld [smem:$0x3FFC];
	_ =	sdelay $0x3  }
0x94: {  	_ =	strace s2  }
0x95: {  	s2 =	sld [smem:$0x3FFD];
	_ =	sdelay $0x3  }
0x96: {  	_ =	strace s2  }
0x97: {  	_ =	strace $0x8FFFFFFF  }
0x98: {  	s18 =	sld [smem:$0x3FDB];
	_ =	sdelay $0x1  }
0x99: {  	s19 =	simm.s32 $_scs_section_size  }
0x9a: {  	s4 =	simm.s32 $_size__tile_overlayer_lowered;
	s5 =	simm.s32 $_tile_overlayer_lowered  }
0x9b: {  	s22 =	simm.s32 $0x1BFF;
	s21 =	sshll.u32 s5, $0x1;
	s2 =	sadd.s32 s19, s18  }
0x9c: {  	s6 =	simm.s32 $0x0;
	s20 =	sshll.u32 s4, $0x1;
	s4 =	sadd.s32 s21, s2  }
0x9d: {  	[timem:s6], [sflag:s22] =	dma.local [hbm:s4], s20  }
0x9e: {  	_ =	swait.ge [sflag:s22], s20  }
0x9f: {  	s3 =	ssub.s32 $0x0, s20;
	[sflag:s22] =	ssyncset.done $0x0  }
0xa0: {  	[sflag:s22] =	ssyncadd.s32 s3;
	_ =	sdelay $0x1  }
0xa1: {  	s23 =	simm.s32 $0x1B8B  }
0xa2: {  	_ =	swait.ge [sflag:s23], $0x1  }
0xa3: {  	[sflag:s23] =	ssyncset.done $0x0  }
0xa4: {  	s25 =	simm.s32 $0x1B8E;
	s24 =	sld [smem:$0x3FFE];
	[sflag:s23] =	ssyncadd.s32 $0xFFFFFFFF  }
0xa5: {  	s26 =	simm.s32 $execute0_lowered;
	[smem:$0x3FD2] =	sst s25  }
0xa6: {  	s4 =	sshll.u32 s26, $0x1;
	_ =	strace $0x8000004C;
	[dreg:$0x1] =	wrdreg $0xFFFFFFFF  }
0xa7: {  	s28 =	simm.s32 $_size_execute0_lowered;
	s2 =	sadd.s32 s2, s4;
	[dreg:$0x0] =	wrdreg $0x0  }
0xa8: {  	s4 =	sshll.u32 s28, $0x1;
	[dreg:$0x2] =	wrdreg s2  }
0xa9: {  	[dreg:$0x3] =	wrdreg s4  }
0xaa: {  	[dreg:$0x4] =	wrdreg $0xC0  }
0xab: {  	_ =	task [dreg:s6], $0x5FFFF  }
0xac: {  	[dreg:$0x1] =	wrdreg $0xFFFFFFFF  }
0xad: {  	[dreg:$0x0] =	wrdreg $0x60  }
0xae: {  	[dreg:$0x2] =	wrdreg s24  }
0xaf: {  	[dreg:$0x3] =	wrdreg $0xBE000  }
0xb0: {  	[dreg:$0x4] =	wrdreg $0x9  }
0xb1: {  	_ =	task.clear_ibuf [dreg:s6], $0x5FFFF;
	_ =	strace $0x9000004C  }
0xb2: {  	s29 =	simm.s32 $0x9;
	_ =	strace $0x80000051  }
0xb3: {  	_ =	swait.ge [sflag:s29], $0x1  }
0xb4: {  	[sflag:s29] =	ssyncadd.s32 $0xFFFFFFFF  }
0xb5: {  	_ =	strace $0x90000051  }
0xb6: {  	_ =	sfence  }
0xb7: {  	s30 =	sld [smem:$0x0];
	_ =	sdelay $0x2  }
0xb8: {  	s31 =	sshll.u32 s1, $0xD;
	s1 =	sshrl.u32 s1, $0x2  }
0xb9: {  	s3 =	sand.u32 $0x4000, s31;
	s1 =	sadd.s32 s1, s30  }
0xba: {  	s0 =	sor.u32 s3, s0;
	s1 =	sshll.u32 s1, $0x11  }
0xbb: {  	s0 =	sor.u32 s1, s0  }
0xbc: {  	s0 =	sadd.s32 $0x8F2B, s0  }
0xbd: {  	[sflag:s0] =	ssyncadd.remote.s32 $0x1  }
0xbe: {  	_ =	sfence.sel $0xFFFF  }
0xbf: {  	[dreg:$0x0] =	wrdreg $0xFFFFFFFF;
	(pc) =	sbr.abs _section_cstart, $3  }
0xc0: {  	[dreg:$0x1] =	wrdreg $0xFFFFFFFF  }
0xc1: {  	_ =	task.clear_ibuf [dreg:s6], $0x2FFFF;
	_ =	strace $0x9FFFFFFF  }
0xc2: {  	(tm) =	ssettm $0x7FFFFFFF  }
0xc3: {  	_ =	shalt  }
tec
execute0_lowered:
.L_overlay_start_1:
0x0: {  	(tag) =	ssettag $0x1  }
0x1: {  	s0 =	rddreg [dreg:$0x0]  }
0x2: {  	s2 =	rddreg [dreg:$0x1];
	s12 =	stileid.u32  }
0x3: {  	s1 =	srdreg.scid;
	s3 =	simm.s32 $0x0;
	s14 =	simm.s32 $0x3  }
0x4: {  	s15 =	simm.s32 $0x80;
	s16 =	simm.s32 $0x3E00;
	s18 =	simm.s32 $0x7E00  }
0x5: {  	s19 =	simm.s32 $0x1;
	s13 =	simm.s32 $0x100;
	s28 =	simm.s32 $0x280  }
0x6: {  	s29 =	simm.s32 $0x400;
	s30 =	simm.s32 $0x380;
	s5 =	smul.u32 $0x14000, s12  }
0x7: {  	s31 =	simm.s32 $0x500;
	s17 =	simm.s32 $0x600;
	s8 =	smul.u32 $0x50000, s12  }
0x8: {  	s20 =	simm.s32 $0x580;
	s1 =	sand.u32 $0x1, s1;
	s10 =	smul.u32 $0x7C00, s12  }
0x9: {  	[smem:$0x7FF] =	sst s3;
	s4 =	sadd.s32 $0x19A00, s0;
	s22 =	smul.u32 $0x2400, s12  }
0xa: {  	s7 =	sadd.s32 $0x5A00, s0;
	s11 =	smul.u32 $0xF80, s12;
	s26 =	sshll.u32 s12, $0x6  }
0xb: {  	s12 =	simm.s32 $0x700;
	s6 =	smul.u32 $0x140000, s1;
	s21 =	ssub.s32 $0x2, s1  }
0xc: {  	_ =	strace $0x8000004D;
	p0 =	seq.s32 s1, $0x1;
	s9 =	sshrl.u32 s21, $0x1  }
0xd: {  	s8 =	sshrl.u32 s8, $0x2;
	s10 =	sshrl.u32 s10, $0x3;
	s24 =	sadd.s32 s7, s11  }
0xe: {  	s11 =	simm.s32 $0x480;
	s6 =	sadd.s32 s5, s6;
	s5 =	sshrl.u32 s5, $0x3  }
0xf: {  	s8 =	sadd.s32 s8, s2;
	s23 =	sadd.s32 s7, s10;
	[dreg:$0x3] =	wrdreg s24  }
0x10: {  	s6 =	sshrl.u32 s6, $0x3;
	s5 =	sadd.s32 s5, s0;
	s1 =	sadd.s32 $0x7C0, s23  }
0x11: {  	s10 =	sshrl.u32 s8, $0x3;
	s0 =	sadd.s32 s6, s0;
	s6 =	ssub.s32 s21, s9  }
0x12: {  	s5 =	sadd.s32 $0x41A00, s5;
	s9 =	sshrl.u32 s22, $0x3;
	[dreg:$0x4] =	wrdreg s1  }
.Ltmp0:
0x13: {  	s21 =	simm.s32 $0x2;
	s25 =	sadd.s32 s7, s9;
	(pc) =	sbr.rel .LBB2_1-.Ltmp0, $4  }
0x14: {  	s22 =	simm.s32 $0x680;
	s0 =	sadd.s32 $0x69A00, s0;
	s7 =	sadd.s32 $0xF800, s25  }
0x15: {  	s6 =	smax.u32 s6, $0x1;
	s1 =	sadd.s32 $0xFA40, s25;
	[dreg:$0x5] =	wrdreg s7  }
0x16: {  	s9 =	simm.s32 $0x100;
	s25 =	simm.s32 $0x200;
	[dreg:$0x6] =	wrdreg s1  }
0x17: {  	s1 =	sor.u32 $0x1C03, s26;
	s7 =	simm.s32 $0x0;
	s26 =	simm.s32 $0x300  }
.LBB2_7:
0x18: {  	s8 =	rddreg [dreg:$0x5]  }
0x19: {  	[tilespmem:s3], [sflag:$0x3] =	stream.linear.gather [hbm4b:s8+s3], $0x1200, $0x200038;
	[tilespmem:$0x1FE00] =	vst v63  }
0x1a: {  	_ =	swait.ge [sflag:s14], $0x1200  }
0x1b: {  	[sflag:s14] =	ssyncset.done $0x0  }
0x1c: {  	[sflag:s14] =	ssyncadd.s32 $0xFFFFEE00  }
0x1d: {  	[tilespmem:s16], [sflag:$0x1] =	stream.indirect.gather [hbm4b:s4+s15], $0x80, s3, s15, $0x2000b8;
	[tilespmem:$0x1FE00] =	vst v63  }
0x1e: {  	_ = 	snop  }
0x1f: {  	[tilespmem:s18], [sflag:$0x2] =	stream.indirect.gather [hbm4b:s4+s15], $0x80, s9, s15, $0x2000b8;
	[tilespmem:$0x1FE00] =	vst v63  }
0x20: {  	_ =	swait.ge [sflag:s19], $0x4000  }
0x21: {  	[sflag:s19] =	ssyncset.done $0x0  }
0x22: {  	[sflag:s19] =	ssyncadd.s32 $0xFFFFC000  }
0x23: {  	[spmem:s2] =	stream.indirect.scatter.add.f32 [tilespmem:s16], [sflag:$0x3], $0x80, s15, s15, $0x2000b8;
	[tilespmem:$0x1FE00] =	vst v63  }
0x24: {  	_ =	swait.ge [sflag:s14], $0x4000  }
0x25: {  	[sflag:s14] =	ssyncset.done $0x0  }
0x26: {  	[sflag:s14] =	ssyncadd.s32 $0xFFFFC000  }
0x27: {  	[tilespmem:s16], [sflag:$0x1] =	stream.indirect.gather [hbm4b:s4+s15], $0x80, s25, s15, $0x2000b8;
	[tilespmem:$0x1FE00] =	vst v63  }
0x28: {  	_ =	swait.ge [sflag:s21], $0x4000  }
0x29: {  	[sflag:s21] =	ssyncset.done $0x0  }
0x2a: {  	s9 =	simm.s32 $0x180;
	[sflag:s21] =	ssyncadd.s32 $0xFFFFC000  }
0x2b: {  	[spmem:s2] =	stream.indirect.scatter.add.f32 [tilespmem:s18], [sflag:$0x3], $0x80, s9, s15, $0x2000b8;
	[tilespmem:$0x1FE00] =	vst v63  }
0x2c: {  	_ =	swait.ge [sflag:s14], $0x4000  }
0x2d: {  	[sflag:s14] =	ssyncset.done $0x0  }
0x2e: {  	[sflag:s14] =	ssyncadd.s32 $0xFFFFC000  }
0x2f: {  	[tilespmem:s18], [sflag:$0x2] =	stream.indirect.gather [hbm4b:s4+s15], $0x80, s26, s15, $0x2000b8;
	[tilespmem:$0x1FE00] =	vst v63  }
0x30: {  	_ =	swait.ge [sflag:s19], $0x4000  }
0x31: {  	[sflag:s19] =	ssyncset.done $0x0  }
0x32: {  	[sflag:s19] =	ssyncadd.s32 $0xFFFFC000  }
0x33: {  	[spmem:s2] =	stream.indirect.scatter.add.f32 [tilespmem:s16], [sflag:$0x3], $0x80, s28, s15, $0x2000b8;
	[tilespmem:$0x1FE00] =	vst v63  }
0x34: {  	_ =	swait.ge [sflag:s14], $0x4000  }
0x35: {  	[sflag:s14] =	ssyncset.done $0x0  }
0x36: {  	[sflag:s14] =	ssyncadd.s32 $0xFFFFC000  }
0x37: {  	[tilespmem:s16], [sflag:$0x1] =	stream.indirect.gather [hbm4b:s4+s15], $0x80, s29, s15, $0x2000b8;
	[tilespmem:$0x1FE00] =	vst v63  }
0x38: {  	_ =	swait.ge [sflag:s21], $0x4000  }
0x39: {  	[sflag:s21] =	ssyncset.done $0x0  }
0x3a: {  	[sflag:s21] =	ssyncadd.s32 $0xFFFFC000  }
0x3b: {  	[spmem:s2] =	stream.indirect.scatter.add.f32 [tilespmem:s18], [sflag:$0x3], $0x80, s30, s15, $0x2000b8;
	[tilespmem:$0x1FE00] =	vst v63  }
0x3c: {  	_ =	swait.ge [sflag:s14], $0x4000  }
0x3d: {  	[sflag:s14] =	ssyncset.done $0x0  }
0x3e: {  	[sflag:s14] =	ssyncadd.s32 $0xFFFFC000  }
0x3f: {  	[tilespmem:s18], [sflag:$0x2] =	stream.indirect.gather [hbm4b:s4+s15], $0x80, s31, s15, $0x2000b8;
	[tilespmem:$0x1FE00] =	vst v63  }
0x40: {  	_ =	swait.ge [sflag:s19], $0x4000  }
0x41: {  	[sflag:s19] =	ssyncset.done $0x0  }
0x42: {  	[sflag:s19] =	ssyncadd.s32 $0xFFFFC000  }
0x43: {  	[spmem:s2] =	stream.indirect.scatter.add.f32 [tilespmem:s16], [sflag:$0x3], $0x80, s11, s15, $0x2000b8;
	[tilespmem:$0x1FE00] =	vst v63  }
0x44: {  	_ =	swait.ge [sflag:s14], $0x4000  }
0x45: {  	[sflag:s14] =	ssyncset.done $0x0  }
0x46: {  	[sflag:s14] =	ssyncadd.s32 $0xFFFFC000  }
0x47: {  	[tilespmem:s16], [sflag:$0x1] =	stream.indirect.gather [hbm4b:s4+s15], $0x80, s17, s15, $0x2000b8;
	[tilespmem:$0x1FE00] =	vst v63  }
0x48: {  	_ =	swait.ge [sflag:s21], $0x4000  }
0x49: {  	[sflag:s21] =	ssyncset.done $0x0  }
0x4a: {  	[sflag:s21] =	ssyncadd.s32 $0xFFFFC000  }
0x4b: {  	[spmem:s2] =	stream.indirect.scatter.add.f32 [tilespmem:s18], [sflag:$0x3], $0x80, s20, s15, $0x2000b8;
	[tilespmem:$0x1FE00] =	vst v63  }
0x4c: {  	_ =	swait.ge [sflag:s14], $0x4000  }
0x4d: {  	[sflag:s14] =	ssyncset.done $0x0  }
0x4e: {  	[sflag:s14] =	ssyncadd.s32 $0xFFFFC000  }
0x4f: {  	[tilespmem:s18], [sflag:$0x2] =	stream.indirect.gather [hbm4b:s4+s15], $0x80, s12, s15, $0x2000b8;
	[tilespmem:$0x1FE00] =	vst v63  }
0x50: {  	_ =	swait.ge [sflag:s19], $0x4000  }
0x51: {  	[sflag:s19] =	ssyncset.done $0x0  }
0x52: {  	[sflag:s19] =	ssyncadd.s32 $0xFFFFC000  }
0x53: {  	[spmem:s2] =	stream.indirect.scatter.add.f32 [tilespmem:s16], [sflag:$0x3], $0x80, s22, s15, $0x2000b8;
	[tilespmem:$0x1FE00] =	vst v63  }
0x54: {  	_ =	swait.ge [sflag:s14], $0x4000  }
0x55: {  	[sflag:s14] =	ssyncset.done $0x0  }
0x56: {  	s24 =	simm.s32 $0x800;
	[sflag:s14] =	ssyncadd.s32 $0xFFFFC000  }
0x57: {  	[tilespmem:s16], [sflag:$0x1] =	stream.indirect.gather [hbm4b:s4+s15], $0x80, s24, s15, $0x2000b8;
	[tilespmem:$0x1FE00] =	vst v63  }
0x58: {  	_ =	swait.ge [sflag:s21], $0x4000  }
0x59: {  	[sflag:s21] =	ssyncset.done $0x0  }
0x5a: {  	s23 =	simm.s32 $0x780;
	[sflag:s21] =	ssyncadd.s32 $0xFFFFC000  }
0x5b: {  	[spmem:s2] =	stream.indirect.scatter.add.f32 [tilespmem:s18], [sflag:$0x3], $0x80, s23, s15, $0x2000b8;
	[tilespmem:$0x1FE00] =	vst v63  }
0x5c: {  	_ =	swait.ge [sflag:s14], $0x4000  }
0x5d: {  	[sflag:s14] =	ssyncset.done $0x0  }
0x5e: {  	s24 =	simm.s32 $0x900;
	[sflag:s14] =	ssyncadd.s32 $0xFFFFC000  }
0x5f: {  	[tilespmem:s18], [sflag:$0x2] =	stream.indirect.gather [hbm4b:s4+s15], $0x80, s24, s15, $0x2000b8;
	[tilespmem:$0x1FE00] =	vst v63  }
0x60: {  	_ =	swait.ge [sflag:s19], $0x4000  }
0x61: {  	[sflag:s19] =	ssyncset.done $0x0  }
0x62: {  	s23 =	simm.s32 $0x880;
	[sflag:s19] =	ssyncadd.s32 $0xFFFFC000  }
0x63: {  	[spmem:s2] =	stream.indirect.scatter.add.f32 [tilespmem:s16], [sflag:$0x3], $0x80, s23, s15, $0x2000b8;
	[tilespmem:$0x1FE00] =	vst v63  }
0x64: {  	_ =	swait.ge [sflag:s14], $0x4000  }
0x65: {  	[sflag:s14] =	ssyncset.done $0x0  }
0x66: {  	s24 =	simm.s32 $0xA00;
	[sflag:s14] =	ssyncadd.s32 $0xFFFFC000  }
0x67: {  	[tilespmem:s16], [sflag:$0x1] =	stream.indirect.gather [hbm4b:s4+s15], $0x80, s24, s15, $0x2000b8;
	[tilespmem:$0x1FE00] =	vst v63  }
0x68: {  	_ =	swait.ge [sflag:s21], $0x4000  }
0x69: {  	[sflag:s21] =	ssyncset.done $0x0  }
0x6a: {  	s23 =	simm.s32 $0x980;
	[sflag:s21] =	ssyncadd.s32 $0xFFFFC000  }
0x6b: {  	[spmem:s2] =	stream.indirect.scatter.add.f32 [tilespmem:s18], [sflag:$0x3], $0x80, s23, s15, $0x2000b8;
	[tilespmem:$0x1FE00] =	vst v63  }
0x6c: {  	_ =	swait.ge [sflag:s14], $0x4000  }
0x6d: {  	[sflag:s14] =	ssyncset.done $0x0  }
0x6e: {  	s24 =	simm.s32 $0xB00;
	[sflag:s14] =	ssyncadd.s32 $0xFFFFC000  }
0x6f: {  	[tilespmem:s18], [sflag:$0x2] =	stream.indirect.gather [hbm4b:s4+s15], $0x80, s24, s15, $0x2000b8;
	[tilespmem:$0x1FE00] =	vst v63  }
0x70: {  	_ =	swait.ge [sflag:s19], $0x4000  }
0x71: {  	[sflag:s19] =	ssyncset.done $0x0  }
0x72: {  	s23 =	simm.s32 $0xA80;
	[sflag:s19] =	ssyncadd.s32 $0xFFFFC000  }
0x73: {  	[spmem:s2] =	stream.indirect.scatter.add.f32 [tilespmem:s16], [sflag:$0x3], $0x80, s23, s15, $0x2000b8;
	[tilespmem:$0x1FE00] =	vst v63  }
0x74: {  	_ =	swait.ge [sflag:s14], $0x4000  }
0x75: {  	[sflag:s14] =	ssyncset.done $0x0  }
0x76: {  	s24 =	simm.s32 $0xC00;
	[sflag:s14] =	ssyncadd.s32 $0xFFFFC000  }
0x77: {  	[tilespmem:s16], [sflag:$0x1] =	stream.indirect.gather [hbm4b:s4+s15], $0x80, s24, s15, $0x2000b8;
	[tilespmem:$0x1FE00] =	vst v63  }
0x78: {  	_ =	swait.ge [sflag:s21], $0x4000  }
0x79: {  	[sflag:s21] =	ssyncset.done $0x0  }
0x7a: {  	s23 =	simm.s32 $0xB80;
	[sflag:s21] =	ssyncadd.s32 $0xFFFFC000  }
0x7b: {  	[spmem:s2] =	stream.indirect.scatter.add.f32 [tilespmem:s18], [sflag:$0x3], $0x80, s23, s15, $0x2000b8;
	[tilespmem:$0x1FE00] =	vst v63  }
0x7c: {  	_ =	swait.ge [sflag:s14], $0x4000  }
0x7d: {  	[sflag:s14] =	ssyncset.done $0x0  }
0x7e: {  	s24 =	simm.s32 $0xD00;
	[sflag:s14] =	ssyncadd.s32 $0xFFFFC000  }
0x7f: {  	[tilespmem:s18], [sflag:$0x2] =	stream.indirect.gather [hbm4b:s4+s15], $0x80, s24, s15, $0x2000b8;
	[tilespmem:$0x1FE00] =	vst v63  }
0x80: {  	_ =	swait.ge [sflag:s19], $0x4000  }
0x81: {  	[sflag:s19] =	ssyncset.done $0x0  }
0x82: {  	s23 =	simm.s32 $0xC80;
	[sflag:s19] =	ssyncadd.s32 $0xFFFFC000  }
0x83: {  	[spmem:s2] =	stream.indirect.scatter.add.f32 [tilespmem:s16], [sflag:$0x3], $0x80, s23, s15, $0x2000b8;
	[tilespmem:$0x1FE00] =	vst v63  }
0x84: {  	_ =	swait.ge [sflag:s14], $0x4000  }
0x85: {  	[sflag:s14] =	ssyncset.done $0x0  }
0x86: {  	s24 =	simm.s32 $0xE00;
	[sflag:s14] =	ssyncadd.s32 $0xFFFFC000  }
0x87: {  	[tilespmem:s16], [sflag:$0x1] =	stream.indirect.gather [hbm4b:s4+s15], $0x80, s24, s15, $0x2000b8;
	[tilespmem:$0x1FE00] =	vst v63  }
0x88: {  	_ =	swait.ge [sflag:s21], $0x4000  }
0x89: {  	[sflag:s21] =	ssyncset.done $0x0  }
0x8a: {  	s23 =	simm.s32 $0xD80;
	[sflag:s21] =	ssyncadd.s32 $0xFFFFC000  }
0x8b: {  	[spmem:s2] =	stream.indirect.scatter.add.f32 [tilespmem:s18], [sflag:$0x3], $0x80, s23, s15, $0x2000b8;
	[tilespmem:$0x1FE00] =	vst v63  }
0x8c: {  	_ =	swait.ge [sflag:s14], $0x4000  }
0x8d: {  	[sflag:s14] =	ssyncset.done $0x0  }
0x8e: {  	s24 =	simm.s32 $0xF00;
	[sflag:s14] =	ssyncadd.s32 $0xFFFFC000  }
0x8f: {  	[tilespmem:s18], [sflag:$0x2] =	stream.indirect.gather [hbm4b:s4+s15], $0x80, s24, s15, $0x2000b8;
	[tilespmem:$0x1FE00] =	vst v63  }
0x90: {  	_ =	swait.ge [sflag:s19], $0x4000  }
0x91: {  	[sflag:s19] =	ssyncset.done $0x0  }
0x92: {  	s23 =	simm.s32 $0xE80;
	[sflag:s19] =	ssyncadd.s32 $0xFFFFC000  }
0x93: {  	[spmem:s2] =	stream.indirect.scatter.add.f32 [tilespmem:s16], [sflag:$0x3], $0x80, s23, s15, $0x2000b8;
	[tilespmem:$0x1FE00] =	vst v63  }
0x94: {  	_ =	swait.ge [sflag:s14], $0x4000  }
0x95: {  	[sflag:s14] =	ssyncset.done $0x0  }
0x96: {  	s24 =	simm.s32 $0x1000;
	[sflag:s14] =	ssyncadd.s32 $0xFFFFC000  }
0x97: {  	[tilespmem:s16], [sflag:$0x1] =	stream.indirect.gather [hbm4b:s4+s15], $0x80, s24, s15, $0x2000b8;
	[tilespmem:$0x1FE00] =	vst v63  }
0x98: {  	_ =	swait.ge [sflag:s21], $0x4000  }
0x99: {  	[sflag:s21] =	ssyncset.done $0x0  }
0x9a: {  	s23 =	simm.s32 $0xF80;
	[sflag:s21] =	ssyncadd.s32 $0xFFFFC000  }
0x9b: {  	[spmem:s2] =	stream.indirect.scatter.add.f32 [tilespmem:s18], [sflag:$0x3], $0x80, s23, s15, $0x2000b8;
	[tilespmem:$0x1FE00] =	vst v63  }
0x9c: {  	_ =	swait.ge [sflag:s14], $0x4000  }
0x9d: {  	[sflag:s14] =	ssyncset.done $0x0  }
0x9e: {  	s24 =	simm.s32 $0x1100;
	[sflag:s14] =	ssyncadd.s32 $0xFFFFC000  }
0x9f: {  	[tilespmem:s18], [sflag:$0x2] =	stream.indirect.gather [hbm4b:s4+s15], $0x80, s24, s15, $0x2000b8;
	[tilespmem:$0x1FE00] =	vst v63  }
0xa0: {  	_ =	swait.ge [sflag:s19], $0x4000  }
0xa1: {  	[sflag:s19] =	ssyncset.done $0x0  }
0xa2: {  	s23 =	simm.s32 $0x1080;
	[sflag:s19] =	ssyncadd.s32 $0xFFFFC000  }
0xa3: {  	[spmem:s2] =	stream.indirect.scatter.add.f32 [tilespmem:s16], [sflag:$0x3], $0x80, s23, s15, $0x2000b8;
	[tilespmem:$0x1FE00] =	vst v63  }
0xa4: {  	_ =	swait.ge [sflag:s14], $0x4000  }
0xa5: {  	[sflag:s14] =	ssyncset.done $0x0  }
0xa6: {  	[sflag:s14] =	ssyncadd.s32 $0xFFFFC000  }
0xa7: {  	[tilespmem:s16], [sflag:$0x1] =	stream.indirect.gather [hbm4b:s4+s15], $0x80, s3, s15, $0x2000b8;
	[tilespmem:$0x1FE00] =	vst v63  }
0xa8: {  	_ =	swait.ge [sflag:s21], $0x4000  }
0xa9: {  	[sflag:s21] =	ssyncset.done $0x0  }
0xaa: {  	s24 =	simm.s32 $0x1180;
	[sflag:s21] =	ssyncadd.s32 $0xFFFFC000  }
0xab: {  	[spmem:s2] =	stream.indirect.scatter.add.f32 [tilespmem:s18], [sflag:$0x3], $0x80, s24, s15, $0x2000b8;
	[tilespmem:$0x1FE00] =	vst v63  }
0xac: {  	_ =	swait.ge [sflag:s14], $0x4000  }
0xad: {  	[sflag:s14] =	ssyncset.done $0x0  }
0xae: {  	[sflag:s14] =	ssyncadd.s32 $0xFFFFC000  }
0xaf: {  	[tilespmem:s18], [sflag:$0x2] =	stream.indirect.gather [hbm4b:s4+s15], $0x80, s13, s15, $0x2000b8;
	[tilespmem:$0x1FE00] =	vst v63  }
0xb0: {  	_ =	swait.ge [sflag:s19], $0x4000  }
0xb1: {  	[sflag:s19] =	ssyncset.done $0x0  }
0xb2: {  	[sflag:s19] =	ssyncadd.s32 $0xFFFFC000  }
0xb3: {  	_ =	swait.ge [sflag:s21], $0x4000  }
0xb4: {  	[sflag:s21] =	ssyncset.done $0x0  }
0xb5: {  	s8 =	rddreg [dreg:$0x6];
	[sflag:s21] =	ssyncadd.s32 $0xFFFFC000  }
0xb6: {  	[tilespmem:s3], [sflag:$0x3] =	stream.linear.gather [hbm4b:s8+s3], $0x1200, $0x200038;
	[tilespmem:$0x1FE00] =	vst v63  }
0xb7: {  	_ =	swait.ge [sflag:s14], $0x1200  }
0xb8: {  	[sflag:s14] =	ssyncset.done $0x0  }
0xb9: {  	[sflag:s14] =	ssyncadd.s32 $0xFFFFEE00  }
0xba: {  	[tilespmem:s16], [sflag:$0x1] =	stream.indirect.gather [hbm4b:s4+s15], $0x80, s3, s15, $0x2000b8;
	[tilespmem:$0x1FE00] =	vst v63  }
0xbb: {  	_ = 	snop  }
0xbc: {  	[tilespmem:s18], [sflag:$0x2] =	stream.indirect.gather [hbm4b:s4+s15], $0x80, s13, s15, $0x2000b8;
	[tilespmem:$0x1FE00] =	vst v63  }
0xbd: {  	_ =	swait.ge [sflag:s19], $0x4000  }
0xbe: {  	[sflag:s19] =	ssyncset.done $0x0  }
0xbf: {  	[sflag:s19] =	ssyncadd.s32 $0xFFFFC000  }
0xc0: {  	[spmem:s2] =	stream.indirect.scatter.add.f32 [tilespmem:s16], [sflag:$0x3], $0x80, s15, s15, $0x2000b8;
	[tilespmem:$0x1FE00] =	vst v63  }
0xc1: {  	_ =	swait.ge [sflag:s14], $0x4000  }
0xc2: {  	[sflag:s14] =	ssyncset.done $0x0  }
0xc3: {  	[sflag:s14] =	ssyncadd.s32 $0xFFFFC000  }
0xc4: {  	[tilespmem:s16], [sflag:$0x1] =	stream.indirect.gather [hbm4b:s4+s15], $0x80, s25, s15, $0x2000b8;
	[tilespmem:$0x1FE00] =	vst v63  }
0xc5: {  	_ =	swait.ge [sflag:s21], $0x4000  }
0xc6: {  	[sflag:s21] =	ssyncset.done $0x0  }
0xc7: {  	[sflag:s21] =	ssyncadd.s32 $0xFFFFC000  }
0xc8: {  	[spmem:s2] =	stream.indirect.scatter.add.f32 [tilespmem:s18], [sflag:$0x3], $0x80, s9, s15, $0x2000b8;
	[tilespmem:$0x1FE00] =	vst v63  }
0xc9: {  	_ =	swait.ge [sflag:s14], $0x4000  }
0xca: {  	[sflag:s14] =	ssyncset.done $0x0  }
0xcb: {  	[sflag:s14] =	ssyncadd.s32 $0xFFFFC000  }
0xcc: {  	[tilespmem:s18], [sflag:$0x2] =	stream.indirect.gather [hbm4b:s4+s15], $0x80, s26, s15, $0x2000b8;
	[tilespmem:$0x1FE00] =	vst v63  }
0xcd: {  	_ =	swait.ge [sflag:s19], $0x4000  }
0xce: {  	[sflag:s19] =	ssyncset.done $0x0  }
0xcf: {  	[sflag:s19] =	ssyncadd.s32 $0xFFFFC000  }
0xd0: {  	[spmem:s2] =	stream.indirect.scatter.add.f32 [tilespmem:s16], [sflag:$0x3], $0x80, s28, s15, $0x2000b8;
	[tilespmem:$0x1FE00] =	vst v63  }
0xd1: {  	_ =	swait.ge [sflag:s14], $0x4000  }
0xd2: {  	[sflag:s14] =	ssyncset.done $0x0  }
0xd3: {  	[sflag:s14] =	ssyncadd.s32 $0xFFFFC000  }
0xd4: {  	[tilespmem:s16], [sflag:$0x1] =	stream.indirect.gather [hbm4b:s4+s15], $0x80, s29, s15, $0x2000b8;
	[tilespmem:$0x1FE00] =	vst v63  }
0xd5: {  	_ =	swait.ge [sflag:s21], $0x4000  }
0xd6: {  	[sflag:s21] =	ssyncset.done $0x0  }
0xd7: {  	[sflag:s21] =	ssyncadd.s32 $0xFFFFC000  }
0xd8: {  	[spmem:s2] =	stream.indirect.scatter.add.f32 [tilespmem:s18], [sflag:$0x3], $0x80, s30, s15, $0x2000b8;
	[tilespmem:$0x1FE00] =	vst v63  }
0xd9: {  	_ =	swait.ge [sflag:s14], $0x4000  }
0xda: {  	[sflag:s14] =	ssyncset.done $0x0  }
0xdb: {  	[sflag:s14] =	ssyncadd.s32 $0xFFFFC000  }
0xdc: {  	[tilespmem:s18], [sflag:$0x2] =	stream.indirect.gather [hbm4b:s4+s15], $0x80, s31, s15, $0x2000b8;
	[tilespmem:$0x1FE00] =	vst v63  }
0xdd: {  	_ =	swait.ge [sflag:s19], $0x4000  }
0xde: {  	[sflag:s19] =	ssyncset.done $0x0  }
0xdf: {  	[sflag:s19] =	ssyncadd.s32 $0xFFFFC000  }
0xe0: {  	[spmem:s2] =	stream.indirect.scatter.add.f32 [tilespmem:s16], [sflag:$0x3], $0x80, s11, s15, $0x2000b8;
	[tilespmem:$0x1FE00] =	vst v63  }
0xe1: {  	_ =	swait.ge [sflag:s14], $0x4000  }
0xe2: {  	[sflag:s14] =	ssyncset.done $0x0  }
0xe3: {  	[sflag:s14] =	ssyncadd.s32 $0xFFFFC000  }
0xe4: {  	[tilespmem:s16], [sflag:$0x1] =	stream.indirect.gather [hbm4b:s4+s15], $0x80, s17, s15, $0x2000b8;
	[tilespmem:$0x1FE00] =	vst v63  }
0xe5: {  	_ =	swait.ge [sflag:s21], $0x4000  }
0xe6: {  	[sflag:s21] =	ssyncset.done $0x0  }
0xe7: {  	[sflag:s21] =	ssyncadd.s32 $0xFFFFC000  }
0xe8: {  	[spmem:s2] =	stream.indirect.scatter.add.f32 [tilespmem:s18], [sflag:$0x3], $0x80, s20, s15, $0x2000b8;
	[tilespmem:$0x1FE00] =	vst v63  }
0xe9: {  	_ =	swait.ge [sflag:s14], $0x4000  }
0xea: {  	[sflag:s14] =	ssyncset.done $0x0  }
0xeb: {  	[sflag:s14] =	ssyncadd.s32 $0xFFFFC000  }
0xec: {  	[tilespmem:s18], [sflag:$0x2] =	stream.indirect.gather [hbm4b:s4+s15], $0x80, s12, s15, $0x2000b8;
	[tilespmem:$0x1FE00] =	vst v63  }
0xed: {  	_ =	swait.ge [sflag:s19], $0x4000  }
0xee: {  	[sflag:s19] =	ssyncset.done $0x0  }
0xef: {  	[sflag:s19] =	ssyncadd.s32 $0xFFFFC000  }
0xf0: {  	[spmem:s2] =	stream.indirect.scatter.add.f32 [tilespmem:s16], [sflag:$0x3], $0x80, s22, s15, $0x2000b8;
	[tilespmem:$0x1FE00] =	vst v63  }
0xf1: {  	_ =	swait.ge [sflag:s14], $0x4000  }
0xf2: {  	[sflag:s14] =	ssyncset.done $0x0  }
0xf3: {  	s8 =	simm.s32 $0x800;
	[sflag:s14] =	ssyncadd.s32 $0xFFFFC000  }
0xf4: {  	[tilespmem:s16], [sflag:$0x1] =	stream.indirect.gather [hbm4b:s4+s15], $0x80, s8, s15, $0x2000b8;
	[tilespmem:$0x1FE00] =	vst v63  }
0xf5: {  	_ =	swait.ge [sflag:s21], $0x4000  }
0xf6: {  	[sflag:s21] =	ssyncset.done $0x0  }
0xf7: {  	s8 =	simm.s32 $0x780;
	[sflag:s21] =	ssyncadd.s32 $0xFFFFC000  }
0xf8: {  	[spmem:s2] =	stream.indirect.scatter.add.f32 [tilespmem:s18], [sflag:$0x3], $0x80, s8, s15, $0x2000b8;
	[tilespmem:$0x1FE00] =	vst v63  }
0xf9: {  	_ =	swait.ge [sflag:s14], $0x4000  }
0xfa: {  	[sflag:s14] =	ssyncset.done $0x0  }
0xfb: {  	s8 =	simm.s32 $0x900;
	[sflag:s14] =	ssyncadd.s32 $0xFFFFC000  }
0xfc: {  	[tilespmem:s18], [sflag:$0x2] =	stream.indirect.gather [hbm4b:s4+s15], $0x80, s8, s15, $0x2000b8;
	[tilespmem:$0x1FE00] =	vst v63  }
0xfd: {  	_ =	swait.ge [sflag:s19], $0x4000  }
0xfe: {  	[sflag:s19] =	ssyncset.done $0x0  }
0xff: {  	s8 =	simm.s32 $0x880;
	[sflag:s19] =	ssyncadd.s32 $0xFFFFC000  }
0x100: {  	[spmem:s2] =	stream.indirect.scatter.add.f32 [tilespmem:s16], [sflag:$0x3], $0x80, s8, s15, $0x2000b8;
	[tilespmem:$0x1FE00] =	vst v63  }
0x101: {  	_ =	swait.ge [sflag:s14], $0x4000  }
0x102: {  	[sflag:s14] =	ssyncset.done $0x0  }
0x103: {  	s8 =	simm.s32 $0xA00;
	[sflag:s14] =	ssyncadd.s32 $0xFFFFC000  }
0x104: {  	[tilespmem:s16], [sflag:$0x1] =	stream.indirect.gather [hbm4b:s4+s15], $0x80, s8, s15, $0x2000b8;
	[tilespmem:$0x1FE00] =	vst v63  }
0x105: {  	_ =	swait.ge [sflag:s21], $0x4000  }
0x106: {  	[sflag:s21] =	ssyncset.done $0x0  }
0x107: {  	s8 =	simm.s32 $0x980;
	[sflag:s21] =	ssyncadd.s32 $0xFFFFC000  }
0x108: {  	[spmem:s2] =	stream.indirect.scatter.add.f32 [tilespmem:s18], [sflag:$0x3], $0x80, s8, s15, $0x2000b8;
	[tilespmem:$0x1FE00] =	vst v63  }
0x109: {  	_ =	swait.ge [sflag:s14], $0x4000  }
0x10a: {  	[sflag:s14] =	ssyncset.done $0x0  }
0x10b: {  	s8 =	simm.s32 $0xB00;
	[sflag:s14] =	ssyncadd.s32 $0xFFFFC000  }
0x10c: {  	[tilespmem:s18], [sflag:$0x2] =	stream.indirect.gather [hbm4b:s4+s15], $0x80, s8, s15, $0x2000b8;
	[tilespmem:$0x1FE00] =	vst v63  }
0x10d: {  	_ =	swait.ge [sflag:s19], $0x4000  }
0x10e: {  	[sflag:s19] =	ssyncset.done $0x0  }
0x10f: {  	s8 =	simm.s32 $0xA80;
	[sflag:s19] =	ssyncadd.s32 $0xFFFFC000  }
0x110: {  	[spmem:s2] =	stream.indirect.scatter.add.f32 [tilespmem:s16], [sflag:$0x3], $0x80, s8, s15, $0x2000b8;
	[tilespmem:$0x1FE00] =	vst v63  }
0x111: {  	_ =	swait.ge [sflag:s14], $0x4000  }
0x112: {  	[sflag:s14] =	ssyncset.done $0x0  }
0x113: {  	s8 =	simm.s32 $0xC00;
	[sflag:s14] =	ssyncadd.s32 $0xFFFFC000  }
0x114: {  	[tilespmem:s16], [sflag:$0x1] =	stream.indirect.gather [hbm4b:s4+s15], $0x80, s8, s15, $0x2000b8;
	[tilespmem:$0x1FE00] =	vst v63  }
0x115: {  	_ =	swait.ge [sflag:s21], $0x4000  }
0x116: {  	[sflag:s21] =	ssyncset.done $0x0  }
0x117: {  	s8 =	simm.s32 $0xB80;
	[sflag:s21] =	ssyncadd.s32 $0xFFFFC000  }
0x118: {  	[spmem:s2] =	stream.indirect.scatter.add.f32 [tilespmem:s18], [sflag:$0x3], $0x80, s8, s15, $0x2000b8;
	[tilespmem:$0x1FE00] =	vst v63  }
0x119: {  	_ =	swait.ge [sflag:s14], $0x4000  }
0x11a: {  	[sflag:s14] =	ssyncset.done $0x0  }
0x11b: {  	s8 =	simm.s32 $0xD00;
	[sflag:s14] =	ssyncadd.s32 $0xFFFFC000  }
0x11c: {  	[tilespmem:s18], [sflag:$0x2] =	stream.indirect.gather [hbm4b:s4+s15], $0x80, s8, s15, $0x2000b8;
	[tilespmem:$0x1FE00] =	vst v63  }
0x11d: {  	_ =	swait.ge [sflag:s19], $0x4000  }
0x11e: {  	[sflag:s19] =	ssyncset.done $0x0  }
0x11f: {  	s8 =	simm.s32 $0xC80;
	[sflag:s19] =	ssyncadd.s32 $0xFFFFC000  }
0x120: {  	[spmem:s2] =	stream.indirect.scatter.add.f32 [tilespmem:s16], [sflag:$0x3], $0x80, s8, s15, $0x2000b8;
	[tilespmem:$0x1FE00] =	vst v63  }
0x121: {  	_ =	swait.ge [sflag:s14], $0x4000  }
0x122: {  	[sflag:s14] =	ssyncset.done $0x0  }
0x123: {  	s8 =	simm.s32 $0xE00;
	[sflag:s14] =	ssyncadd.s32 $0xFFFFC000  }
0x124: {  	[tilespmem:s16], [sflag:$0x1] =	stream.indirect.gather [hbm4b:s4+s15], $0x80, s8, s15, $0x2000b8;
	[tilespmem:$0x1FE00] =	vst v63  }
0x125: {  	_ =	swait.ge [sflag:s21], $0x4000  }
0x126: {  	[sflag:s21] =	ssyncset.done $0x0  }
0x127: {  	s8 =	simm.s32 $0xD80;
	[sflag:s21] =	ssyncadd.s32 $0xFFFFC000  }
0x128: {  	[spmem:s2] =	stream.indirect.scatter.add.f32 [tilespmem:s18], [sflag:$0x3], $0x80, s8, s15, $0x2000b8;
	[tilespmem:$0x1FE00] =	vst v63  }
0x129: {  	_ =	swait.ge [sflag:s14], $0x4000  }
0x12a: {  	[sflag:s14] =	ssyncset.done $0x0  }
0x12b: {  	s8 =	simm.s32 $0xF00;
	[sflag:s14] =	ssyncadd.s32 $0xFFFFC000  }
0x12c: {  	[tilespmem:s18], [sflag:$0x2] =	stream.indirect.gather [hbm4b:s4+s15], $0x80, s8, s15, $0x2000b8;
	[tilespmem:$0x1FE00] =	vst v63  }
0x12d: {  	_ =	swait.ge [sflag:s19], $0x4000  }
0x12e: {  	[sflag:s19] =	ssyncset.done $0x0  }
0x12f: {  	s8 =	simm.s32 $0xE80;
	[sflag:s19] =	ssyncadd.s32 $0xFFFFC000  }
0x130: {  	[spmem:s2] =	stream.indirect.scatter.add.f32 [tilespmem:s16], [sflag:$0x3], $0x80, s8, s15, $0x2000b8;
	[tilespmem:$0x1FE00] =	vst v63  }
0x131: {  	_ =	swait.ge [sflag:s14], $0x4000  }
0x132: {  	[sflag:s14] =	ssyncset.done $0x0  }
0x133: {  	s8 =	simm.s32 $0x1000;
	[sflag:s14] =	ssyncadd.s32 $0xFFFFC000  }
0x134: {  	[tilespmem:s16], [sflag:$0x1] =	stream.indirect.gather [hbm4b:s4+s15], $0x80, s8, s15, $0x2000b8;
	[tilespmem:$0x1FE00] =	vst v63  }
0x135: {  	_ =	swait.ge [sflag:s21], $0x4000  }
0x136: {  	[sflag:s21] =	ssyncset.done $0x0  }
0x137: {  	s8 =	simm.s32 $0xF80;
	[sflag:s21] =	ssyncadd.s32 $0xFFFFC000  }
0x138: {  	[spmem:s2] =	stream.indirect.scatter.add.f32 [tilespmem:s18], [sflag:$0x3], $0x80, s8, s15, $0x2000b8;
	[tilespmem:$0x1FE00] =	vst v63  }
0x139: {  	_ =	swait.ge [sflag:s14], $0x4000  }
0x13a: {  	[sflag:s14] =	ssyncset.done $0x0  }
0x13b: {  	s9 =	simm.s32 $0x100;
	s8 =	simm.s32 $0x1100;
	[sflag:s14] =	ssyncadd.s32 $0xFFFFC000  }
0x13c: {  	[tilespmem:s18], [sflag:$0x2] =	stream.indirect.gather [hbm4b:s4+s15], $0x80, s8, s15, $0x2000b8;
	[tilespmem:$0x1FE00] =	vst v63  }
.LBB2_8:
0x13d: {  	_ =	swait.ge [sflag:s19], $0x4000  }
0x13e: {  	[sflag:s19] =	ssyncset.done $0x0  }
0x13f: {  	[sflag:s19] =	ssyncadd.s32 $0xFFFFC000  }
0x140: {  	[spmem:s2] =	stream.indirect.scatter.add.f32 [tilespmem:s16], [sflag:$0x3], $0x80, s23, s15, $0x2000b8;
	[tilespmem:$0x1FE00] =	vst v63  }
0x141: {  	_ =	swait.ge [sflag:s14], $0x4000  }
0x142: {  	[sflag:s14] =	ssyncset.done $0x0  }
0x143: {  	[sflag:s14] =	ssyncadd.s32 $0xFFFFC000  }
0x144: {  	[tilespmem:s16], [sflag:$0x1] =	stream.indirect.gather [hbm4b:s4+s15], $0x80, s3, s15, $0x2000b8;
	[tilespmem:$0x1FE00] =	vst v63  }
0x145: {  	_ =	swait.ge [sflag:s21], $0x4000  }
0x146: {  	[sflag:s21] =	ssyncset.done $0x0  }
0x147: {  	[sflag:s21] =	ssyncadd.s32 $0xFFFFC000  }
0x148: {  	[spmem:s2] =	stream.indirect.scatter.add.f32 [tilespmem:s18], [sflag:$0x3], $0x80, s24, s15, $0x2000b8;
	[tilespmem:$0x1FE00] =	vst v63  }
0x149: {  	_ =	swait.ge [sflag:s14], $0x4000  }
0x14a: {  	[sflag:s14] =	ssyncset.done $0x0  }
0x14b: {  	[sflag:s14] =	ssyncadd.s32 $0xFFFFC000  }
0x14c: {  	[tilespmem:s18], [sflag:$0x2] =	stream.indirect.gather [hbm4b:s4+s15], $0x80, s9, s15, $0x2000b8;
	[tilespmem:$0x1FE00] =	vst v63  }
0x14d: {  	_ =	swait.ge [sflag:s19], $0x4000  }
0x14e: {  	[sflag:s19] =	ssyncset.done $0x0  }
0x14f: {  	[sflag:s19] =	ssyncadd.s32 $0xFFFFC000  }
0x150: {  	_ =	swait.ge [sflag:s21], $0x4000  }
0x151: {  	[sflag:s21] =	ssyncset.done $0x0  }
0x152: {  	[sflag:s21] =	ssyncadd.s32 $0xFFFFC000  }
0x153: {  	[bflag:$0x0] =	sbarrier.arrive $0xFFFF  }
0x154: {  	s7 =	sadd.s32 $0x1, s7;
	_ =	strace $0x9000004F  }
0x155: {  	p1 =	sne.s32 s7, s6;
	_ =	strace $0x80000050  }
0x156: {  	[hbm:s0], [sflag:s1] =	dma.local [spmem:s10], $0x2800  }
.Ltmp1:
0x157: {  	_ = 	snop;
	(pc) =	sbr.rel @!p1 .LBB2_9-.Ltmp1, $4  }
0x158: {  	_ =	swait.ge [sflag:s14], $0x2800  }
0x159: {  	[sflag:s14] =	ssyncset.done $0x0  }
0x15a: {  	[sflag:s14] =	ssyncadd.s32 $0xFFFFD800  }
0x15b: {  	_ =	strace $0x90000050  }
.LBB2_1:
0x15c: {  	_ =	strace $0x8000004E  }
0x15d: {  	[spmem:s10], [sflag:s1] =	dma.local [hbm:s5], $0x2800  }
0x15e: {  	_ =	swait.ge [sflag:s14], $0x2800  }
.Ltmp2:
0x15f: {  	[sflag:s14] =	ssyncset.done $0x0;
	(pc) =	sbr.rel @p0 .LBB2_7-.Ltmp2, $4  }
0x160: {  	[sflag:s14] =	ssyncadd.s32 $0xFFFFD800  }
0x161: {  	[bflag:$0x0] =	sbarrier.arrive $0xFFFF  }
0x162: {  	_ =	strace $0x9000004E  }
0x163: {  	_ =	strace $0x8000004F  }
0x164: {  	s8 =	rddreg [dreg:$0x3]  }
0x165: {  	[tilespmem:s3], [sflag:$0x3] =	stream.linear.gather [hbm4b:s8+s3], $0x3E00, $0x200038;
	[tilespmem:$0x1FE00] =	vst v63  }
0x166: {  	_ =	swait.ge [sflag:s14], $0x3E00  }
0x167: {  	[sflag:s14] =	ssyncset.done $0x0  }
0x168: {  	[sflag:s14] =	ssyncadd.s32 $0xFFFFC200  }
0x169: {  	[tilespmem:s16], [sflag:$0x1] =	stream.indirect.gather [hbm4b:s4+s15], $0x80, s3, s15, $0x2000b8;
	[tilespmem:$0x1FE00] =	vst v63  }
0x16a: {  	_ = 	snop  }
0x16b: {  	[tilespmem:s18], [sflag:$0x2] =	stream.indirect.gather [hbm4b:s4+s15], $0x80, s9, s15, $0x2000b8;
	[tilespmem:$0x1FE00] =	vst v63  }
0x16c: {  	_ =	swait.ge [sflag:s19], $0x4000  }
0x16d: {  	[sflag:s19] =	ssyncset.done $0x0  }
0x16e: {  	s23 =	simm.s32 $0x80;
	[sflag:s19] =	ssyncadd.s32 $0xFFFFC000  }
0x16f: {  	[spmem:s2] =	stream.indirect.scatter.add.f32 [tilespmem:s16], [sflag:$0x3], $0x80, s23, s15, $0x2000b8;
	[tilespmem:$0x1FE00] =	vst v63  }
0x170: {  	_ =	swait.ge [sflag:s14], $0x4000  }
0x171: {  	[sflag:s14] =	ssyncset.done $0x0  }
0x172: {  	s8 =	simm.s32 $0x200;
	[sflag:s14] =	ssyncadd.s32 $0xFFFFC000  }
0x173: {  	[tilespmem:s16], [sflag:$0x1] =	stream.indirect.gather [hbm4b:s4+s15], $0x80, s8, s15, $0x2000b8;
	[tilespmem:$0x1FE00] =	vst v63  }
0x174: {  	_ =	swait.ge [sflag:s21], $0x4000  }
0x175: {  	[sflag:s21] =	ssyncset.done $0x0  }
0x176: {  	s24 =	simm.s32 $0x180;
	[sflag:s21] =	ssyncadd.s32 $0xFFFFC000  }
0x177: {  	[spmem:s2] =	stream.indirect.scatter.add.f32 [tilespmem:s18], [sflag:$0x3], $0x80, s24, s15, $0x2000b8;
	[tilespmem:$0x1FE00] =	vst v63  }
0x178: {  	_ =	swait.ge [sflag:s14], $0x4000  }
0x179: {  	[sflag:s14] =	ssyncset.done $0x0  }
0x17a: {  	s23 =	simm.s32 $0xFFFF1800;
	s24 =	simm.s32 $0x300;
	[sflag:s14] =	ssyncadd.s32 $0xFFFFC000  }
.LBB2_3:
0x17b: {  	[tilespmem:s18], [sflag:$0x2] =	stream.indirect.gather [hbm4b:s4+s15], $0x80, s24, s15, $0x2000b8;
	[tilespmem:$0x1FE00] =	vst v63  }
0x17c: {  	s24 =	smov.u32 s23  }
0x17d: {  	p1 =	sne.s32 s23, $0xFFFFF800;
	s23 =	sadd.s32 $0x800, s23;
	_ =	swait.ge [sflag:s19], $0x4000  }
0x17e: {  	s24 =	sshra.s32 s24, $0x2;
	[sflag:s19] =	ssyncset.done $0x0  }
0x17f: {  	s8 =	sadd.s32 $0x3C80, s24;
	[sflag:s19] =	ssyncadd.s32 $0xFFFFC000  }
0x180: {  	[spmem:s2] =	stream.indirect.scatter.add.f32 [tilespmem:s16], [sflag:$0x3], $0x80, s8, s15, $0x2000b8;
	[tilespmem:$0x1FE00] =	vst v63  }
0x181: {  	_ =	swait.ge [sflag:s14], $0x4000  }
0x182: {  	[sflag:s14] =	ssyncset.done $0x0  }
0x183: {  	s8 =	sadd.s32 $0x3E00, s24;
	[sflag:s14] =	ssyncadd.s32 $0xFFFFC000  }
0x184: {  	[tilespmem:s16], [sflag:$0x1] =	stream.indirect.gather [hbm4b:s4+s15], $0x80, s8, s15, $0x2000b8;
	[tilespmem:$0x1FE00] =	vst v63  }
0x185: {  	_ =	swait.ge [sflag:s21], $0x4000  }
0x186: {  	[sflag:s21] =	ssyncset.done $0x0  }
.Ltmp3:
0x187: {  	s8 =	sadd.s32 $0x3D80, s24;
	[sflag:s21] =	ssyncadd.s32 $0xFFFFC000;
	(pc) =	sbr.rel @p1 .LBB2_3-.Ltmp3, $4  }
0x188: {  	[spmem:s2] =	stream.indirect.scatter.add.f32 [tilespmem:s18], [sflag:$0x3], $0x80, s8, s15, $0x2000b8;
	[tilespmem:$0x1FE00] =	vst v63  }
0x189: {  	_ =	swait.ge [sflag:s14], $0x4000  }
0x18a: {  	[sflag:s14] =	ssyncset.done $0x0  }
0x18b: {  	s24 =	sadd.s32 $0x3F00, s24;
	[sflag:s14] =	ssyncadd.s32 $0xFFFFC000  }
0x18c: {  	[tilespmem:s18], [sflag:$0x2] =	stream.indirect.gather [hbm4b:s4+s15], $0x80, s24, s15, $0x2000b8;
	[tilespmem:$0x1FE00] =	vst v63  }
0x18d: {  	_ =	swait.ge [sflag:s19], $0x4000  }
0x18e: {  	[sflag:s19] =	ssyncset.done $0x0  }
0x18f: {  	s8 =	simm.s32 $0x3C80;
	[sflag:s19] =	ssyncadd.s32 $0xFFFFC000  }
0x190: {  	[spmem:s2] =	stream.indirect.scatter.add.f32 [tilespmem:s16], [sflag:$0x3], $0x80, s8, s15, $0x2000b8;
	[tilespmem:$0x1FE00] =	vst v63  }
0x191: {  	_ =	swait.ge [sflag:s14], $0x4000  }
0x192: {  	[sflag:s14] =	ssyncset.done $0x0  }
0x193: {  	[sflag:s14] =	ssyncadd.s32 $0xFFFFC000  }
0x194: {  	[tilespmem:s16], [sflag:$0x1] =	stream.indirect.gather [hbm4b:s4+s15], $0x80, s3, s15, $0x2000b8;
	[tilespmem:$0x1FE00] =	vst v63  }
0x195: {  	_ =	swait.ge [sflag:s21], $0x4000  }
0x196: {  	[sflag:s21] =	ssyncset.done $0x0  }
0x197: {  	s24 =	simm.s32 $0x3D80;
	[sflag:s21] =	ssyncadd.s32 $0xFFFFC000  }
0x198: {  	[spmem:s2] =	stream.indirect.scatter.add.f32 [tilespmem:s18], [sflag:$0x3], $0x80, s24, s15, $0x2000b8;
	[tilespmem:$0x1FE00] =	vst v63  }
0x199: {  	_ =	swait.ge [sflag:s14], $0x4000  }
0x19a: {  	[sflag:s14] =	ssyncset.done $0x0  }
0x19b: {  	[sflag:s14] =	ssyncadd.s32 $0xFFFFC000  }
0x19c: {  	[tilespmem:s18], [sflag:$0x2] =	stream.indirect.gather [hbm4b:s4+s15], $0x80, s9, s15, $0x2000b8;
	[tilespmem:$0x1FE00] =	vst v63  }
0x19d: {  	_ =	swait.ge [sflag:s19], $0x4000  }
0x19e: {  	[sflag:s19] =	ssyncset.done $0x0  }
0x19f: {  	[sflag:s19] =	ssyncadd.s32 $0xFFFFC000  }
0x1a0: {  	_ =	swait.ge [sflag:s21], $0x4000  }
0x1a1: {  	[sflag:s21] =	ssyncset.done $0x0  }
0x1a2: {  	s23 =	rddreg [dreg:$0x4];
	[sflag:s21] =	ssyncadd.s32 $0xFFFFC000  }
0x1a3: {  	[tilespmem:s3], [sflag:$0x3] =	stream.linear.gather [hbm4b:s23+s3], $0x3E00, $0x200038;
	[tilespmem:$0x1FE00] =	vst v63  }
0x1a4: {  	_ =	swait.ge [sflag:s14], $0x3E00  }
0x1a5: {  	[sflag:s14] =	ssyncset.done $0x0  }
0x1a6: {  	[sflag:s14] =	ssyncadd.s32 $0xFFFFC200  }
0x1a7: {  	[tilespmem:s16], [sflag:$0x1] =	stream.indirect.gather [hbm4b:s4+s15], $0x80, s3, s15, $0x2000b8;
	[tilespmem:$0x1FE00] =	vst v63  }
0x1a8: {  	_ = 	snop  }
0x1a9: {  	[tilespmem:s18], [sflag:$0x2] =	stream.indirect.gather [hbm4b:s4+s15], $0x80, s9, s15, $0x2000b8;
	[tilespmem:$0x1FE00] =	vst v63  }
0x1aa: {  	_ =	swait.ge [sflag:s19], $0x4000  }
0x1ab: {  	[sflag:s19] =	ssyncset.done $0x0  }
0x1ac: {  	s24 =	simm.s32 $0x80;
	[sflag:s19] =	ssyncadd.s32 $0xFFFFC000  }
0x1ad: {  	[spmem:s2] =	stream.indirect.scatter.add.f32 [tilespmem:s16], [sflag:$0x3], $0x80, s24, s15, $0x2000b8;
	[tilespmem:$0x1FE00] =	vst v63  }
0x1ae: {  	_ =	swait.ge [sflag:s14], $0x4000  }
0x1af: {  	[sflag:s14] =	ssyncset.done $0x0  }
0x1b0: {  	s23 =	simm.s32 $0x200;
	[sflag:s14] =	ssyncadd.s32 $0xFFFFC000  }
0x1b1: {  	[tilespmem:s16], [sflag:$0x1] =	stream.indirect.gather [hbm4b:s4+s15], $0x80, s23, s15, $0x2000b8;
	[tilespmem:$0x1FE00] =	vst v63  }
0x1b2: {  	_ =	swait.ge [sflag:s21], $0x4000  }
0x1b3: {  	p1 =	por $0x0, $0x0;
	[sflag:s21] =	ssyncset.done $0x0  }
.Ltmp4:
0x1b4: {  	s24 =	simm.s32 $0x180;
	[sflag:s21] =	ssyncadd.s32 $0xFFFFC000;
	(pc) =	sbr.rel @p1 .LBB2_6-.Ltmp4, $4  }
0x1b5: {  	[spmem:s2] =	stream.indirect.scatter.add.f32 [tilespmem:s18], [sflag:$0x3], $0x80, s24, s15, $0x2000b8;
	[tilespmem:$0x1FE00] =	vst v63  }
0x1b6: {  	_ =	swait.ge [sflag:s14], $0x4000  }
0x1b7: {  	[sflag:s14] =	ssyncset.done $0x0  }
0x1b8: {  	s23 =	simm.s32 $0xFFFF1800;
	s24 =	simm.s32 $0x300;
	[sflag:s14] =	ssyncadd.s32 $0xFFFFC000  }
.LBB2_5:
0x1b9: {  	[tilespmem:s18], [sflag:$0x2] =	stream.indirect.gather [hbm4b:s4+s15], $0x80, s24, s15, $0x2000b8;
	[tilespmem:$0x1FE00] =	vst v63  }
0x1ba: {  	s8 =	smov.u32 s23  }
0x1bb: {  	p1 =	seq.s32 s23, $0xFFFFF800;
	s23 =	sadd.s32 $0x800, s23;
	_ =	swait.ge [sflag:s19], $0x4000  }
0x1bc: {  	s8 =	sshra.s32 s8, $0x2;
	[sflag:s19] =	ssyncset.done $0x0  }
0x1bd: {  	s24 =	sadd.s32 $0x3C80, s8;
	[sflag:s19] =	ssyncadd.s32 $0xFFFFC000  }
0x1be: {  	[spmem:s2] =	stream.indirect.scatter.add.f32 [tilespmem:s16], [sflag:$0x3], $0x80, s24, s15, $0x2000b8;
	[tilespmem:$0x1FE00] =	vst v63  }
0x1bf: {  	_ =	swait.ge [sflag:s14], $0x4000  }
0x1c0: {  	[sflag:s14] =	ssyncset.done $0x0  }
0x1c1: {  	s24 =	sadd.s32 $0x3E00, s8;
	[sflag:s14] =	ssyncadd.s32 $0xFFFFC000  }
0x1c2: {  	[tilespmem:s16], [sflag:$0x1] =	stream.indirect.gather [hbm4b:s4+s15], $0x80, s24, s15, $0x2000b8;
	[tilespmem:$0x1FE00] =	vst v63  }
0x1c3: {  	_ =	swait.ge [sflag:s21], $0x4000  }
0x1c4: {  	[sflag:s21] =	ssyncset.done $0x0  }
.Ltmp5:
0x1c5: {  	s24 =	sadd.s32 $0x3D80, s8;
	[sflag:s21] =	ssyncadd.s32 $0xFFFFC000;
	(pc) =	sbr.rel @!p1 .LBB2_5-.Ltmp5, $4  }
0x1c6: {  	[spmem:s2] =	stream.indirect.scatter.add.f32 [tilespmem:s18], [sflag:$0x3], $0x80, s24, s15, $0x2000b8;
	[tilespmem:$0x1FE00] =	vst v63  }
0x1c7: {  	_ =	swait.ge [sflag:s14], $0x4000  }
0x1c8: {  	[sflag:s14] =	ssyncset.done $0x0  }
0x1c9: {  	s24 =	sadd.s32 $0x3F00, s8;
	[sflag:s14] =	ssyncadd.s32 $0xFFFFC000  }
.LBB2_6:
.Ltmp6:
0x1ca: {  	(pc) =	sbr.rel .LBB2_8-.Ltmp6, $3  }
0x1cb: {  	_ =	sdelay $0x1  }
0x1cc: {  	[tilespmem:s18], [sflag:$0x2] =	stream.indirect.gather [hbm4b:s4+s15], $0x80, s24, s15, $0x2000b8;
	[tilespmem:$0x1FE00] =	vst v63  }
0x1cd: {  	s24 =	simm.s32 $0x3D80;
	s23 =	simm.s32 $0x3C80  }
.LBB2_9:
0x1ce: {  	_ =	sfence.sel $0x180000  }
0x1cf: {  	[bflag:$0x0] =	sbarrier.arrive $0xFFFF  }
0x1d0: {  	_ =	strace $0x9000004D  }
0x1d1: {  	s0 =	stileid.u32;
	[bflag:$0x2] =	sbarrier.arrive $0xFFFF  }
0x1d2: {  	p0 =	sne.s32 s0, $0x0;
	s0 =	rddreg [dreg:$0x2]  }
0x1d3: {  	s0 =	sadd.s32 @!p0 $0x100000, s0  }
0x1d4: {  	[sflag:s0] =	ssyncadd.tile.s32 @!p0 $0x1;
	_ =	shalt  }
.Lfunc_end2:
_tile_overlayer_lowered:
.L_overlay_start_2:
0x1d5: {  	(tag) =	ssettag $0x2  }
0x1d6: {  	s0 =	rddreg [dreg:$0x0];
	s2 =	stileid.u32  }
0x1d7: {  	s1 =	rddreg [dreg:$0x1];
	p0 =	sne.s32 s2, $0x0  }
0x1d8: {  	s3 =	rddreg [dreg:$0x2];
	[bflag:$0x3] =	sbarrier.arrive $0xFFFF;
	s2 =	simm.s32 @!p0 $0x1C03  }
0x1d9: {  	[timem:s3], [sflag:s2] =	dma.local @!p0 [hbm:s0], s1  }
0x1da: {  	s0 =	simm.s32 @!p0 $0x3  }
0x1db: {  	_ =	swait.ge @!p0 [sflag:s0], s1  }
0x1dc: {  	s1 =	ssub.s32 @!p0 $0x0, s1;
	[sflag:s0] =	ssyncset.done @!p0 $0x0  }
0x1dd: {  	[sflag:s0] =	ssyncadd.s32 @!p0 s1  }
0x1de: {  	[bflag:$0x3] =	sbarrier.arrive $0xFFFF  }
0x1df: {  	_ =	shalt  }

// kernel: kernel.15.cloned.1.call-start
scs
__scs_entry_jumppad:
0x0: {  	(pc) =	sbr.rel $0x88, $3  }
0x1: {  	(tag) =	ssettag $0x0;
	lr =	simm.s32 $0x1  }
0x2: {  	[smem:$0x3F80] =	sst lr;
	_ =	strace $0xD0000000  }
0x3: {  	_ = 	snop  }
0x4: {  	_ = 	snop  }
0x5: {  	_ = 	snop  }
0x6: {  	_ = 	snop  }
0x7: {  	_ = 	snop  }
__scs_overlays_trampoline_lowered:
0x8: {  	[smem:$0x3F8F] =	sst s0  }
0x9: {  	[smem:$0x3F90] =	sst s1  }
0xa: {  	[smem:$0x3F91] =	sst s2  }
0xb: {  	[smem:$0x3F92] =	sst s3  }
0xc: {  	[smem:$0x3F93] =	sst s4  }
0xd: {  	[smem:$0x3F94] =	sst s5  }
0xe: {  	[smem:$0x3F95] =	sst s6  }
0xf: {  	[smem:$0x3F96] =	sst s7  }
0x10: {  	[smem:$0x3F97] =	sst s8  }
0x11: {  	[smem:$0x3F98] =	sst s9;
	s0 =	simm.s32 @!p0 $0x0  }
0x12: {  	s1 =	sld [smem:$0x3F7E];
	s0 =	simm.s32 @p0 $0x1  }
0x13: {  	[smem:$0x3F99] =	sst s0;
	s0 =	simm.s32 @!p1 $0x0  }
0x14: {  	s2 =	sld [smem:$0x3F7D];
	s0 =	simm.s32 @p1 $0x1  }
0x15: {  	[smem:$0x3F9A] =	sst s0;
	s0 =	simm.s32 @!p2 $0x0  }
0x16: {  	s3 =	sld [smem:$0x3FDB];
	s0 =	simm.s32 @p2 $0x1  }
0x17: {  	s4 =	simm.s32 $0x1BF5;
	[smem:$0x3F9C] =	sst s0  }
0x18: {  	s0 =	sld [smem:$0x3F7F];
	_ =	swait.ge [sflag:s4], $0x0  }
0x19: {  	s7 =	sld [smem:$0x3F80]  }
0x1a: {  	s8 =	sadd.s32 $0xFFFFE003, lr  }
0x1b: {  	s9 =	sadd.s32 $0xFFFFFEF7, lr;
	s5 =	simm.s32 $0xFFFFFFFF;
	p2 =	slt.u32 s8, $0xFFFFF086  }
0x1c: {  	p1 =	slt.u32 s9, $0xF7A;
	s5 =	simm.s32 @!p2 $0x0  }
0x1d: {  	s5 =	simm.s32 @p1 $0x1;
	p0 =	seq.s32 s7, s2  }
0x1e: {  	s7 =	smul.u32 @!p0 $0xF7A, s2;
	p2 =	seq.s32 @!p0 s5, $0x0  }
0x1f: {  	s9 =	smul.u32 $0xF7A, s1;
	s8 =	simm.s32 @!p0 $0x1BF5;
	p2 =	por !p2, p0  }
0x20: {  	[sflag:s8] =	ssyncset.s32 @!p0 $0xFFFFF086;
	s6 =	sadd.s32 @!p0 s3, s7;
	s7 =	simm.s32 @!p0 $0x108  }
0x21: {  	s3 =	sadd.s32 s3, s9;
	s6 =	sadd.s32 @!p0 $0x88, s6;
	s7 =	simm.s32 @p2 $0x1082  }
0x22: {  	[simem:s7], [sflag:s8] =	dma.local @!p0 [hbm:s6], $0xF7A  }
0x23: {  	s9 =	sor.u32 $0xD0000000, s2;
	s6 =	simm.s32 $0x108;
	_ =	swait.ge @!p0 [sflag:s8], $0x0  }
0x24: {  	s3 =	sadd.s32 $0x88, s3;
	s6 =	simm.s32 @!p1 $0x1082;
	[sflag:s4] =	ssyncset.s32 $0xFFFFF086  }
0x25: {  	[simem:s6], [sflag:s4] =	dma.local [hbm:s3], $0xF7A  }
0x26: {  	[smem:$0x3F80] =	sst s1;
	(tag) =	ssettag s2;
	_ =	strace s9  }
0x27: {  	s1 =	sld [smem:$0x3F90]  }
0x28: {  	s2 =	sld [smem:$0x3F91]  }
0x29: {  	s4 =	sld [smem:$0x3F93]  }
0x2a: {  	p0 =	seq.s32 s5, $0x0;
	s5 =	sld [smem:$0x3F94]  }
0x2b: {  	s6 =	sld [smem:$0x3F95]  }
0x2c: {  	s7 =	sld [smem:$0x3F96]  }
0x2d: {  	s3 =	simm.s32 $0x108;
	s8 =	sld [smem:$0x3F97]  }
0x2e: {  	s3 =	simm.s32 @!p0 $0x1082;
	s9 =	sld [smem:$0x3F98]  }
0x2f: {  	lr =	sadd.s32 s0, s3;
	s0 =	sld [smem:$0x3F8F]  }
0x30: {  	s3 =	sld [smem:$0x3F92]  }
0x31: {  	[smem:$0x3F9B] =	sst s10  }
0x32: {  	s10 =	sld [smem:$0x3F99];
	_ =	sdelay $0x3  }
0x33: {  	p0 =	seq.s32 s10, $0x1;
	s10 =	sld [smem:$0x3F9B];
	_ =	sdelay $0x3  }
0x34: {  	[smem:$0x3F9B] =	sst s10  }
0x35: {  	s10 =	sld [smem:$0x3F9A];
	_ =	sdelay $0x3  }
0x36: {  	p1 =	seq.s32 s10, $0x1;
	s10 =	sld [smem:$0x3F9B];
	_ =	sdelay $0x3  }
0x37: {  	[smem:$0x3F9B] =	sst s10  }
0x38: {  	s10 =	sld [smem:$0x3F9C]  }
0x39: {  	_ = 	snop;
	(pc) =	sbr.ind lr, $3  }
0x3a: {  	_ = 	snop  }
0x3b: {  	_ = 	snop  }
0x3c: {  	p2 =	seq.s32 s10, $0x1;
	s10 =	sld [smem:$0x3F9B]  }
0x3d: {  	_ =	shalt  }
0x3e: {  	_ =	shalt  }
0x3f: {  	_ =	shalt  }
0x40: {  	_ =	shalt  }
0x41: {  	_ =	shalt  }
0x42: {  	_ =	shalt  }
0x43: {  	_ =	shalt  }
0x44: {  	_ =	shalt  }
0x45: {  	_ =	shalt  }
0x46: {  	_ =	shalt  }
0x47: {  	_ =	shalt  }
0x48: {  	_ =	shalt  }
0x49: {  	_ =	shalt  }
0x4a: {  	_ =	shalt  }
0x4b: {  	_ =	shalt  }
0x4c: {  	_ =	shalt  }
0x4d: {  	_ =	shalt  }
0x4e: {  	_ =	shalt  }
0x4f: {  	_ =	shalt  }
0x50: {  	_ =	shalt  }
0x51: {  	_ =	shalt  }
0x52: {  	_ =	shalt  }
0x53: {  	_ =	shalt  }
0x54: {  	_ =	shalt  }
0x55: {  	_ =	shalt  }
0x56: {  	_ =	shalt  }
0x57: {  	_ =	shalt  }
0x58: {  	_ =	shalt  }
0x59: {  	_ =	shalt  }
0x5a: {  	_ =	shalt  }
0x5b: {  	_ =	shalt  }
0x5c: {  	_ =	shalt  }
0x5d: {  	_ =	shalt  }
0x5e: {  	_ =	shalt  }
0x5f: {  	_ =	shalt  }
0x60: {  	_ =	shalt  }
0x61: {  	_ =	shalt  }
0x62: {  	_ =	shalt  }
0x63: {  	_ =	shalt  }
0x64: {  	_ =	shalt  }
0x65: {  	_ =	shalt  }
0x66: {  	_ =	shalt  }
0x67: {  	_ =	shalt  }
0x68: {  	_ =	shalt  }
0x69: {  	_ =	shalt  }
0x6a: {  	_ =	shalt  }
0x6b: {  	_ =	shalt  }
0x6c: {  	_ =	shalt  }
0x6d: {  	_ =	shalt  }
0x6e: {  	_ =	shalt  }
0x6f: {  	_ =	shalt  }
0x70: {  	_ =	shalt  }
0x71: {  	_ =	shalt  }
0x72: {  	_ =	shalt  }
0x73: {  	_ =	shalt  }
0x74: {  	_ =	shalt  }
0x75: {  	_ =	shalt  }
0x76: {  	_ =	shalt  }
0x77: {  	_ =	shalt  }
0x78: {  	_ =	shalt  }
0x79: {  	_ =	shalt  }
0x7a: {  	_ =	shalt  }
0x7b: {  	_ =	shalt  }
0x7c: {  	_ =	shalt  }
0x7d: {  	_ =	shalt  }
0x7e: {  	_ =	shalt  }
0x7f: {  	_ =	shalt  }
0x80: {  	_ =	shalt  }
0x81: {  	_ =	shalt  }
0x82: {  	_ =	shalt  }
0x83: {  	_ =	shalt  }
0x84: {  	_ =	shalt  }
0x85: {  	_ =	shalt  }
0x86: {  	_ =	shalt  }
0x87: {  	_ =	shalt  }
.Lfunc_end0:
.L_simem_size_0:
called_computation.2_lowered:
.L_overlay_start_0:
0x88: {  	s2 =	sld [smem:$0x3FD9]  }
0x89: {  	s3 =	sld [smem:$0x3FFE];
	_ =	sdelay $0x1  }
0x8a: {  	s1 =	srdreg.scid  }
0x8b: {  	s0 =	sand.u32 $0x1, s1  }
0x8c: {  	s16 =	sshll.u32 s0, $0xA;
	s2 =	sadd.s32 s3, s2  }
0x8d: {  	s2 =	sadd.s32 s2, s16  }
0x8e: {  	[smem:$0x3FA7] =	sst s2  }
0x8f: {  	_ = 	snop  }
0x90: {  	(tm) =	ssettm $0x1  }
0x91: {  	s17 =	sld [smem:$0x3FFB];
	_ =	sdelay $0x3  }
0x92: {  	_ =	strace s17  }
0x93: {  	s2 =	sld [smem:$0x3FFC];
	_ =	sdelay $0x3  }
0x94: {  	_ =	strace s2  }
0x95: {  	s2 =	sld [smem:$0x3FFD];
	_ =	sdelay $0x3  }
0x96: {  	_ =	strace s2  }
0x97: {  	_ =	strace $0x8FFFFFFF  }
0x98: {  	s18 =	sld [smem:$0x3FDB];
	_ =	sdelay $0x1  }
0x99: {  	s19 =	simm.s32 $_scs_section_size  }
0x9a: {  	s4 =	simm.s32 $_size__tile_overlayer_lowered;
	s5 =	simm.s32 $_tile_overlayer_lowered  }
0x9b: {  	s22 =	simm.s32 $0x1BFF;
	s21 =	sshll.u32 s5, $0x1;
	s2 =	sadd.s32 s19, s18  }
0x9c: {  	s6 =	simm.s32 $0x0;
	s20 =	sshll.u32 s4, $0x1;
	s4 =	sadd.s32 s21, s2  }
0x9d: {  	[timem:s6], [sflag:s22] =	dma.local [hbm:s4], s20  }
0x9e: {  	_ =	swait.ge [sflag:s22], s20  }
0x9f: {  	s3 =	ssub.s32 $0x0, s20;
	[sflag:s22] =	ssyncset.done $0x0  }
0xa0: {  	[sflag:s22] =	ssyncadd.s32 s3;
	_ =	sdelay $0x1  }
0xa1: {  	s23 =	simm.s32 $0x1B8B  }
0xa2: {  	_ =	swait.ge [sflag:s23], $0x1  }
0xa3: {  	[sflag:s23] =	ssyncset.done $0x0  }
0xa4: {  	s25 =	simm.s32 $0x1B8E;
	s24 =	sld [smem:$0x3FFE];
	[sflag:s23] =	ssyncadd.s32 $0xFFFFFFFF  }
0xa5: {  	s26 =	simm.s32 $execute0_lowered;
	[smem:$0x3FD2] =	sst s25  }
0xa6: {  	s4 =	sshll.u32 s26, $0x1;
	_ =	strace $0x80000052;
	[dreg:$0x1] =	wrdreg $0xFFFFFFFF  }
0xa7: {  	s28 =	simm.s32 $_size_execute0_lowered;
	s2 =	sadd.s32 s2, s4;
	[dreg:$0x0] =	wrdreg $0x0  }
0xa8: {  	s4 =	sshll.u32 s28, $0x1;
	[dreg:$0x2] =	wrdreg s2  }
0xa9: {  	[dreg:$0x3] =	wrdreg s4  }
0xaa: {  	[dreg:$0x4] =	wrdreg $0xC0  }
0xab: {  	_ =	task [dreg:s6], $0x5FFFF  }
0xac: {  	[dreg:$0x1] =	wrdreg $0xFFFFFFFF  }
0xad: {  	[dreg:$0x0] =	wrdreg $0x60  }
0xae: {  	[dreg:$0x2] =	wrdreg s24  }
0xaf: {  	[dreg:$0x3] =	wrdreg $0xBE000  }
0xb0: {  	[dreg:$0x4] =	wrdreg $0x9  }
0xb1: {  	_ =	task.clear_ibuf [dreg:s6], $0x5FFFF;
	_ =	strace $0x90000052  }
0xb2: {  	s29 =	simm.s32 $0x9;
	_ =	strace $0x80000057  }
0xb3: {  	_ =	swait.ge [sflag:s29], $0x1  }
0xb4: {  	[sflag:s29] =	ssyncadd.s32 $0xFFFFFFFF  }
0xb5: {  	_ =	strace $0x90000057  }
0xb6: {  	_ =	sfence  }
0xb7: {  	s30 =	sld [smem:$0x0];
	_ =	sdelay $0x2  }
0xb8: {  	s31 =	sshll.u32 s1, $0xD;
	s1 =	sshrl.u32 s1, $0x2  }
0xb9: {  	s3 =	sand.u32 $0x4000, s31;
	s1 =	sadd.s32 s1, s30  }
0xba: {  	s0 =	sor.u32 s3, s0;
	s1 =	sshll.u32 s1, $0x11  }
0xbb: {  	s0 =	sor.u32 s1, s0  }
0xbc: {  	s0 =	sadd.s32 $0x8F2B, s0  }
0xbd: {  	[sflag:s0] =	ssyncadd.remote.s32 $0x1  }
0xbe: {  	_ =	sfence.sel $0xFFFF  }
0xbf: {  	[dreg:$0x0] =	wrdreg $0xFFFFFFFF;
	(pc) =	sbr.abs _section_cstart, $3  }
0xc0: {  	[dreg:$0x1] =	wrdreg $0xFFFFFFFF  }
0xc1: {  	_ =	task.clear_ibuf [dreg:s6], $0x2FFFF;
	_ =	strace $0x9FFFFFFF  }
0xc2: {  	(tm) =	ssettm $0x7FFFFFFF  }
0xc3: {  	_ =	shalt  }
tec
execute0_lowered:
.L_overlay_start_1:
0x0: {  	(tag) =	ssettag $0x1  }
0x1: {  	s0 =	rddreg [dreg:$0x0]  }
0x2: {  	s2 =	rddreg [dreg:$0x1];
	s12 =	stileid.u32  }
0x3: {  	s1 =	srdreg.scid;
	s3 =	simm.s32 $0x0;
	s14 =	simm.s32 $0x3  }
0x4: {  	s15 =	simm.s32 $0x80;
	s16 =	simm.s32 $0x3E00;
	s18 =	simm.s32 $0x7E00  }
0x5: {  	s19 =	simm.s32 $0x1;
	s13 =	simm.s32 $0x100;
	s28 =	simm.s32 $0x280  }
0x6: {  	s29 =	simm.s32 $0x400;
	s30 =	simm.s32 $0x380;
	s5 =	smul.u32 $0x14000, s12  }
0x7: {  	s31 =	simm.s32 $0x500;
	s17 =	simm.s32 $0x600;
	s8 =	smul.u32 $0x50000, s12  }
0x8: {  	s20 =	simm.s32 $0x580;
	s1 =	sand.u32 $0x1, s1;
	s10 =	smul.u32 $0x7C00, s12  }
0x9: {  	[smem:$0x7FF] =	sst s3;
	s4 =	sadd.s32 $0x19A00, s0;
	s22 =	smul.u32 $0x2400, s12  }
0xa: {  	s7 =	sadd.s32 $0x5A00, s0;
	s11 =	smul.u32 $0xF80, s12;
	s26 =	sshll.u32 s12, $0x6  }
0xb: {  	s12 =	simm.s32 $0x700;
	s6 =	smul.u32 $0x140000, s1;
	s21 =	ssub.s32 $0x2, s1  }
0xc: {  	_ =	strace $0x80000053;
	p0 =	seq.s32 s1, $0x1;
	s9 =	sshrl.u32 s21, $0x1  }
0xd: {  	s8 =	sshrl.u32 s8, $0x2;
	s10 =	sshrl.u32 s10, $0x3;
	s24 =	sadd.s32 s7, s11  }
0xe: {  	s11 =	simm.s32 $0x480;
	s6 =	sadd.s32 s5, s6;
	s5 =	sshrl.u32 s5, $0x3  }
0xf: {  	s8 =	sadd.s32 s8, s2;
	s23 =	sadd.s32 s7, s10;
	[dreg:$0x3] =	wrdreg s24  }
0x10: {  	s6 =	sshrl.u32 s6, $0x3;
	s5 =	sadd.s32 s5, s0;
	s1 =	sadd.s32 $0x7C0, s23  }
0x11: {  	s10 =	sshrl.u32 s8, $0x3;
	s0 =	sadd.s32 s6, s0;
	s6 =	ssub.s32 s21, s9  }
0x12: {  	s5 =	sadd.s32 $0x41A00, s5;
	s9 =	sshrl.u32 s22, $0x3;
	[dreg:$0x4] =	wrdreg s1  }
.Ltmp0:
0x13: {  	s21 =	simm.s32 $0x2;
	s25 =	sadd.s32 s7, s9;
	(pc) =	sbr.rel .LBB2_1-.Ltmp0, $4  }
0x14: {  	s22 =	simm.s32 $0x680;
	s0 =	sadd.s32 $0x69A00, s0;
	s7 =	sadd.s32 $0xF800, s25  }
0x15: {  	s6 =	smax.u32 s6, $0x1;
	s1 =	sadd.s32 $0xFA40, s25;
	[dreg:$0x5] =	wrdreg s7  }
0x16: {  	s9 =	simm.s32 $0x100;
	s25 =	simm.s32 $0x200;
	[dreg:$0x6] =	wrdreg s1  }
0x17: {  	s1 =	sor.u32 $0x1C03, s26;
	s7 =	simm.s32 $0x0;
	s26 =	simm.s32 $0x300  }
.LBB2_7:
0x18: {  	s8 =	rddreg [dreg:$0x5]  }
0x19: {  	[tilespmem:s3], [sflag:$0x3] =	stream.linear.gather [hbm4b:s8+s3], $0x1200, $0x200038;
	[tilespmem:$0x1FE00] =	vst v63  }
0x1a: {  	_ =	swait.ge [sflag:s14], $0x1200  }
0x1b: {  	[sflag:s14] =	ssyncset.done $0x0  }
0x1c: {  	[sflag:s14] =	ssyncadd.s32 $0xFFFFEE00  }
0x1d: {  	[tilespmem:s16], [sflag:$0x1] =	stream.indirect.gather [hbm4b:s4+s15], $0x80, s3, s15, $0x2000b8;
	[tilespmem:$0x1FE00] =	vst v63  }
0x1e: {  	_ = 	snop  }
0x1f: {  	[tilespmem:s18], [sflag:$0x2] =	stream.indirect.gather [hbm4b:s4+s15], $0x80, s9, s15, $0x2000b8;
	[tilespmem:$0x1FE00] =	vst v63  }
0x20: {  	_ =	swait.ge [sflag:s19], $0x4000  }
0x21: {  	[sflag:s19] =	ssyncset.done $0x0  }
0x22: {  	[sflag:s19] =	ssyncadd.s32 $0xFFFFC000  }
0x23: {  	[spmem:s2] =	stream.indirect.scatter.add.f32 [tilespmem:s16], [sflag:$0x3], $0x80, s15, s15, $0x2000b8;
	[tilespmem:$0x1FE00] =	vst v63  }
0x24: {  	_ =	swait.ge [sflag:s14], $0x4000  }
0x25: {  	[sflag:s14] =	ssyncset.done $0x0  }
0x26: {  	[sflag:s14] =	ssyncadd.s32 $0xFFFFC000  }
0x27: {  	[tilespmem:s16], [sflag:$0x1] =	stream.indirect.gather [hbm4b:s4+s15], $0x80, s25, s15, $0x2000b8;
	[tilespmem:$0x1FE00] =	vst v63  }
0x28: {  	_ =	swait.ge [sflag:s21], $0x4000  }
0x29: {  	[sflag:s21] =	ssyncset.done $0x0  }
0x2a: {  	s9 =	simm.s32 $0x180;
	[sflag:s21] =	ssyncadd.s32 $0xFFFFC000  }
0x2b: {  	[spmem:s2] =	stream.indirect.scatter.add.f32 [tilespmem:s18], [sflag:$0x3], $0x80, s9, s15, $0x2000b8;
	[tilespmem:$0x1FE00] =	vst v63  }
0x2c: {  	_ =	swait.ge [sflag:s14], $0x4000  }
0x2d: {  	[sflag:s14] =	ssyncset.done $0x0  }
0x2e: {  	[sflag:s14] =	ssyncadd.s32 $0xFFFFC000  }
0x2f: {  	[tilespmem:s18], [sflag:$0x2] =	stream.indirect.gather [hbm4b:s4+s15], $0x80, s26, s15, $0x2000b8;
	[tilespmem:$0x1FE00] =	vst v63  }
0x30: {  	_ =	swait.ge [sflag:s19], $0x4000  }
0x31: {  	[sflag:s19] =	ssyncset.done $0x0  }
0x32: {  	[sflag:s19] =	ssyncadd.s32 $0xFFFFC000  }
0x33: {  	[spmem:s2] =	stream.indirect.scatter.add.f32 [tilespmem:s16], [sflag:$0x3], $0x80, s28, s15, $0x2000b8;
	[tilespmem:$0x1FE00] =	vst v63  }
0x34: {  	_ =	swait.ge [sflag:s14], $0x4000  }
0x35: {  	[sflag:s14] =	ssyncset.done $0x0  }
0x36: {  	[sflag:s14] =	ssyncadd.s32 $0xFFFFC000  }
0x37: {  	[tilespmem:s16], [sflag:$0x1] =	stream.indirect.gather [hbm4b:s4+s15], $0x80, s29, s15, $0x2000b8;
	[tilespmem:$0x1FE00] =	vst v63  }
0x38: {  	_ =	swait.ge [sflag:s21], $0x4000  }
0x39: {  	[sflag:s21] =	ssyncset.done $0x0  }
0x3a: {  	[sflag:s21] =	ssyncadd.s32 $0xFFFFC000  }
0x3b: {  	[spmem:s2] =	stream.indirect.scatter.add.f32 [tilespmem:s18], [sflag:$0x3], $0x80, s30, s15, $0x2000b8;
	[tilespmem:$0x1FE00] =	vst v63  }
0x3c: {  	_ =	swait.ge [sflag:s14], $0x4000  }
0x3d: {  	[sflag:s14] =	ssyncset.done $0x0  }
0x3e: {  	[sflag:s14] =	ssyncadd.s32 $0xFFFFC000  }
0x3f: {  	[tilespmem:s18], [sflag:$0x2] =	stream.indirect.gather [hbm4b:s4+s15], $0x80, s31, s15, $0x2000b8;
	[tilespmem:$0x1FE00] =	vst v63  }
0x40: {  	_ =	swait.ge [sflag:s19], $0x4000  }
0x41: {  	[sflag:s19] =	ssyncset.done $0x0  }
0x42: {  	[sflag:s19] =	ssyncadd.s32 $0xFFFFC000  }
0x43: {  	[spmem:s2] =	stream.indirect.scatter.add.f32 [tilespmem:s16], [sflag:$0x3], $0x80, s11, s15, $0x2000b8;
	[tilespmem:$0x1FE00] =	vst v63  }
0x44: {  	_ =	swait.ge [sflag:s14], $0x4000  }
0x45: {  	[sflag:s14] =	ssyncset.done $0x0  }
0x46: {  	[sflag:s14] =	ssyncadd.s32 $0xFFFFC000  }
0x47: {  	[tilespmem:s16], [sflag:$0x1] =	stream.indirect.gather [hbm4b:s4+s15], $0x80, s17, s15, $0x2000b8;
	[tilespmem:$0x1FE00] =	vst v63  }
0x48: {  	_ =	swait.ge [sflag:s21], $0x4000  }
0x49: {  	[sflag:s21] =	ssyncset.done $0x0  }
0x4a: {  	[sflag:s21] =	ssyncadd.s32 $0xFFFFC000  }
0x4b: {  	[spmem:s2] =	stream.indirect.scatter.add.f32 [tilespmem:s18], [sflag:$0x3], $0x80, s20, s15, $0x2000b8;
	[tilespmem:$0x1FE00] =	vst v63  }
0x4c: {  	_ =	swait.ge [sflag:s14], $0x4000  }
0x4d: {  	[sflag:s14] =	ssyncset.done $0x0  }
0x4e: {  	[sflag:s14] =	ssyncadd.s32 $0xFFFFC000  }
0x4f: {  	[tilespmem:s18], [sflag:$0x2] =	stream.indirect.gather [hbm4b:s4+s15], $0x80, s12, s15, $0x2000b8;
	[tilespmem:$0x1FE00] =	vst v63  }
0x50: {  	_ =	swait.ge [sflag:s19], $0x4000  }
0x51: {  	[sflag:s19] =	ssyncset.done $0x0  }
0x52: {  	[sflag:s19] =	ssyncadd.s32 $0xFFFFC000  }
0x53: {  	[spmem:s2] =	stream.indirect.scatter.add.f32 [tilespmem:s16], [sflag:$0x3], $0x80, s22, s15, $0x2000b8;
	[tilespmem:$0x1FE00] =	vst v63  }
0x54: {  	_ =	swait.ge [sflag:s14], $0x4000  }
0x55: {  	[sflag:s14] =	ssyncset.done $0x0  }
0x56: {  	s24 =	simm.s32 $0x800;
	[sflag:s14] =	ssyncadd.s32 $0xFFFFC000  }
0x57: {  	[tilespmem:s16], [sflag:$0x1] =	stream.indirect.gather [hbm4b:s4+s15], $0x80, s24, s15, $0x2000b8;
	[tilespmem:$0x1FE00] =	vst v63  }
0x58: {  	_ =	swait.ge [sflag:s21], $0x4000  }
0x59: {  	[sflag:s21] =	ssyncset.done $0x0  }
0x5a: {  	s23 =	simm.s32 $0x780;
	[sflag:s21] =	ssyncadd.s32 $0xFFFFC000  }
0x5b: {  	[spmem:s2] =	stream.indirect.scatter.add.f32 [tilespmem:s18], [sflag:$0x3], $0x80, s23, s15, $0x2000b8;
	[tilespmem:$0x1FE00] =	vst v63  }
0x5c: {  	_ =	swait.ge [sflag:s14], $0x4000  }
0x5d: {  	[sflag:s14] =	ssyncset.done $0x0  }
0x5e: {  	s24 =	simm.s32 $0x900;
	[sflag:s14] =	ssyncadd.s32 $0xFFFFC000  }
0x5f: {  	[tilespmem:s18], [sflag:$0x2] =	stream.indirect.gather [hbm4b:s4+s15], $0x80, s24, s15, $0x2000b8;
	[tilespmem:$0x1FE00] =	vst v63  }
0x60: {  	_ =	swait.ge [sflag:s19], $0x4000  }
0x61: {  	[sflag:s19] =	ssyncset.done $0x0  }
0x62: {  	s23 =	simm.s32 $0x880;
	[sflag:s19] =	ssyncadd.s32 $0xFFFFC000  }
0x63: {  	[spmem:s2] =	stream.indirect.scatter.add.f32 [tilespmem:s16], [sflag:$0x3], $0x80, s23, s15, $0x2000b8;
	[tilespmem:$0x1FE00] =	vst v63  }
0x64: {  	_ =	swait.ge [sflag:s14], $0x4000  }
0x65: {  	[sflag:s14] =	ssyncset.done $0x0  }
0x66: {  	s24 =	simm.s32 $0xA00;
	[sflag:s14] =	ssyncadd.s32 $0xFFFFC000  }
0x67: {  	[tilespmem:s16], [sflag:$0x1] =	stream.indirect.gather [hbm4b:s4+s15], $0x80, s24, s15, $0x2000b8;
	[tilespmem:$0x1FE00] =	vst v63  }
0x68: {  	_ =	swait.ge [sflag:s21], $0x4000  }
0x69: {  	[sflag:s21] =	ssyncset.done $0x0  }
0x6a: {  	s23 =	simm.s32 $0x980;
	[sflag:s21] =	ssyncadd.s32 $0xFFFFC000  }
0x6b: {  	[spmem:s2] =	stream.indirect.scatter.add.f32 [tilespmem:s18], [sflag:$0x3], $0x80, s23, s15, $0x2000b8;
	[tilespmem:$0x1FE00] =	vst v63  }
0x6c: {  	_ =	swait.ge [sflag:s14], $0x4000  }
0x6d: {  	[sflag:s14] =	ssyncset.done $0x0  }
0x6e: {  	s24 =	simm.s32 $0xB00;
	[sflag:s14] =	ssyncadd.s32 $0xFFFFC000  }
0x6f: {  	[tilespmem:s18], [sflag:$0x2] =	stream.indirect.gather [hbm4b:s4+s15], $0x80, s24, s15, $0x2000b8;
	[tilespmem:$0x1FE00] =	vst v63  }
0x70: {  	_ =	swait.ge [sflag:s19], $0x4000  }
0x71: {  	[sflag:s19] =	ssyncset.done $0x0  }
0x72: {  	s23 =	simm.s32 $0xA80;
	[sflag:s19] =	ssyncadd.s32 $0xFFFFC000  }
0x73: {  	[spmem:s2] =	stream.indirect.scatter.add.f32 [tilespmem:s16], [sflag:$0x3], $0x80, s23, s15, $0x2000b8;
	[tilespmem:$0x1FE00] =	vst v63  }
0x74: {  	_ =	swait.ge [sflag:s14], $0x4000  }
0x75: {  	[sflag:s14] =	ssyncset.done $0x0  }
0x76: {  	s24 =	simm.s32 $0xC00;
	[sflag:s14] =	ssyncadd.s32 $0xFFFFC000  }
0x77: {  	[tilespmem:s16], [sflag:$0x1] =	stream.indirect.gather [hbm4b:s4+s15], $0x80, s24, s15, $0x2000b8;
	[tilespmem:$0x1FE00] =	vst v63  }
0x78: {  	_ =	swait.ge [sflag:s21], $0x4000  }
0x79: {  	[sflag:s21] =	ssyncset.done $0x0  }
0x7a: {  	s23 =	simm.s32 $0xB80;
	[sflag:s21] =	ssyncadd.s32 $0xFFFFC000  }
0x7b: {  	[spmem:s2] =	stream.indirect.scatter.add.f32 [tilespmem:s18], [sflag:$0x3], $0x80, s23, s15, $0x2000b8;
	[tilespmem:$0x1FE00] =	vst v63  }
0x7c: {  	_ =	swait.ge [sflag:s14], $0x4000  }
0x7d: {  	[sflag:s14] =	ssyncset.done $0x0  }
0x7e: {  	s24 =	simm.s32 $0xD00;
	[sflag:s14] =	ssyncadd.s32 $0xFFFFC000  }
0x7f: {  	[tilespmem:s18], [sflag:$0x2] =	stream.indirect.gather [hbm4b:s4+s15], $0x80, s24, s15, $0x2000b8;
	[tilespmem:$0x1FE00] =	vst v63  }
0x80: {  	_ =	swait.ge [sflag:s19], $0x4000  }
0x81: {  	[sflag:s19] =	ssyncset.done $0x0  }
0x82: {  	s23 =	simm.s32 $0xC80;
	[sflag:s19] =	ssyncadd.s32 $0xFFFFC000  }
0x83: {  	[spmem:s2] =	stream.indirect.scatter.add.f32 [tilespmem:s16], [sflag:$0x3], $0x80, s23, s15, $0x2000b8;
	[tilespmem:$0x1FE00] =	vst v63  }
0x84: {  	_ =	swait.ge [sflag:s14], $0x4000  }
0x85: {  	[sflag:s14] =	ssyncset.done $0x0  }
0x86: {  	s24 =	simm.s32 $0xE00;
	[sflag:s14] =	ssyncadd.s32 $0xFFFFC000  }
0x87: {  	[tilespmem:s16], [sflag:$0x1] =	stream.indirect.gather [hbm4b:s4+s15], $0x80, s24, s15, $0x2000b8;
	[tilespmem:$0x1FE00] =	vst v63  }
0x88: {  	_ =	swait.ge [sflag:s21], $0x4000  }
0x89: {  	[sflag:s21] =	ssyncset.done $0x0  }
0x8a: {  	s23 =	simm.s32 $0xD80;
	[sflag:s21] =	ssyncadd.s32 $0xFFFFC000  }
0x8b: {  	[spmem:s2] =	stream.indirect.scatter.add.f32 [tilespmem:s18], [sflag:$0x3], $0x80, s23, s15, $0x2000b8;
	[tilespmem:$0x1FE00] =	vst v63  }
0x8c: {  	_ =	swait.ge [sflag:s14], $0x4000  }
0x8d: {  	[sflag:s14] =	ssyncset.done $0x0  }
0x8e: {  	s24 =	simm.s32 $0xF00;
	[sflag:s14] =	ssyncadd.s32 $0xFFFFC000  }
0x8f: {  	[tilespmem:s18], [sflag:$0x2] =	stream.indirect.gather [hbm4b:s4+s15], $0x80, s24, s15, $0x2000b8;
	[tilespmem:$0x1FE00] =	vst v63  }
0x90: {  	_ =	swait.ge [sflag:s19], $0x4000  }
0x91: {  	[sflag:s19] =	ssyncset.done $0x0  }
0x92: {  	s23 =	simm.s32 $0xE80;
	[sflag:s19] =	ssyncadd.s32 $0xFFFFC000  }
0x93: {  	[spmem:s2] =	stream.indirect.scatter.add.f32 [tilespmem:s16], [sflag:$0x3], $0x80, s23, s15, $0x2000b8;
	[tilespmem:$0x1FE00] =	vst v63  }
0x94: {  	_ =	swait.ge [sflag:s14], $0x4000  }
0x95: {  	[sflag:s14] =	ssyncset.done $0x0  }
0x96: {  	s24 =	simm.s32 $0x1000;
	[sflag:s14] =	ssyncadd.s32 $0xFFFFC000  }
0x97: {  	[tilespmem:s16], [sflag:$0x1] =	stream.indirect.gather [hbm4b:s4+s15], $0x80, s24, s15, $0x2000b8;
	[tilespmem:$0x1FE00] =	vst v63  }
0x98: {  	_ =	swait.ge [sflag:s21], $0x4000  }
0x99: {  	[sflag:s21] =	ssyncset.done $0x0  }
0x9a: {  	s23 =	simm.s32 $0xF80;
	[sflag:s21] =	ssyncadd.s32 $0xFFFFC000  }
0x9b: {  	[spmem:s2] =	stream.indirect.scatter.add.f32 [tilespmem:s18], [sflag:$0x3], $0x80, s23, s15, $0x2000b8;
	[tilespmem:$0x1FE00] =	vst v63  }
0x9c: {  	_ =	swait.ge [sflag:s14], $0x4000  }
0x9d: {  	[sflag:s14] =	ssyncset.done $0x0  }
0x9e: {  	s24 =	simm.s32 $0x1100;
	[sflag:s14] =	ssyncadd.s32 $0xFFFFC000  }
0x9f: {  	[tilespmem:s18], [sflag:$0x2] =	stream.indirect.gather [hbm4b:s4+s15], $0x80, s24, s15, $0x2000b8;
	[tilespmem:$0x1FE00] =	vst v63  }
0xa0: {  	_ =	swait.ge [sflag:s19], $0x4000  }
0xa1: {  	[sflag:s19] =	ssyncset.done $0x0  }
0xa2: {  	s23 =	simm.s32 $0x1080;
	[sflag:s19] =	ssyncadd.s32 $0xFFFFC000  }
0xa3: {  	[spmem:s2] =	stream.indirect.scatter.add.f32 [tilespmem:s16], [sflag:$0x3], $0x80, s23, s15, $0x2000b8;
	[tilespmem:$0x1FE00] =	vst v63  }
0xa4: {  	_ =	swait.ge [sflag:s14], $0x4000  }
0xa5: {  	[sflag:s14] =	ssyncset.done $0x0  }
0xa6: {  	[sflag:s14] =	ssyncadd.s32 $0xFFFFC000  }
0xa7: {  	[tilespmem:s16], [sflag:$0x1] =	stream.indirect.gather [hbm4b:s4+s15], $0x80, s3, s15, $0x2000b8;
	[tilespmem:$0x1FE00] =	vst v63  }
0xa8: {  	_ =	swait.ge [sflag:s21], $0x4000  }
0xa9: {  	[sflag:s21] =	ssyncset.done $0x0  }
0xaa: {  	s24 =	simm.s32 $0x1180;
	[sflag:s21] =	ssyncadd.s32 $0xFFFFC000  }
0xab: {  	[spmem:s2] =	stream.indirect.scatter.add.f32 [tilespmem:s18], [sflag:$0x3], $0x80, s24, s15, $0x2000b8;
	[tilespmem:$0x1FE00] =	vst v63  }
0xac: {  	_ =	swait.ge [sflag:s14], $0x4000  }
0xad: {  	[sflag:s14] =	ssyncset.done $0x0  }
0xae: {  	[sflag:s14] =	ssyncadd.s32 $0xFFFFC000  }
0xaf: {  	[tilespmem:s18], [sflag:$0x2] =	stream.indirect.gather [hbm4b:s4+s15], $0x80, s13, s15, $0x2000b8;
	[tilespmem:$0x1FE00] =	vst v63  }
0xb0: {  	_ =	swait.ge [sflag:s19], $0x4000  }
0xb1: {  	[sflag:s19] =	ssyncset.done $0x0  }
0xb2: {  	[sflag:s19] =	ssyncadd.s32 $0xFFFFC000  }
0xb3: {  	_ =	swait.ge [sflag:s21], $0x4000  }
0xb4: {  	[sflag:s21] =	ssyncset.done $0x0  }
0xb5: {  	s8 =	rddreg [dreg:$0x6];
	[sflag:s21] =	ssyncadd.s32 $0xFFFFC000  }
0xb6: {  	[tilespmem:s3], [sflag:$0x3] =	stream.linear.gather [hbm4b:s8+s3], $0x1200, $0x200038;
	[tilespmem:$0x1FE00] =	vst v63  }
0xb7: {  	_ =	swait.ge [sflag:s14], $0x1200  }
0xb8: {  	[sflag:s14] =	ssyncset.done $0x0  }
0xb9: {  	[sflag:s14] =	ssyncadd.s32 $0xFFFFEE00  }
0xba: {  	[tilespmem:s16], [sflag:$0x1] =	stream.indirect.gather [hbm4b:s4+s15], $0x80, s3, s15, $0x2000b8;
	[tilespmem:$0x1FE00] =	vst v63  }
0xbb: {  	_ = 	snop  }
0xbc: {  	[tilespmem:s18], [sflag:$0x2] =	stream.indirect.gather [hbm4b:s4+s15], $0x80, s13, s15, $0x2000b8;
	[tilespmem:$0x1FE00] =	vst v63  }
0xbd: {  	_ =	swait.ge [sflag:s19], $0x4000  }
0xbe: {  	[sflag:s19] =	ssyncset.done $0x0  }
0xbf: {  	[sflag:s19] =	ssyncadd.s32 $0xFFFFC000  }
0xc0: {  	[spmem:s2] =	stream.indirect.scatter.add.f32 [tilespmem:s16], [sflag:$0x3], $0x80, s15, s15, $0x2000b8;
	[tilespmem:$0x1FE00] =	vst v63  }
0xc1: {  	_ =	swait.ge [sflag:s14], $0x4000  }
0xc2: {  	[sflag:s14] =	ssyncset.done $0x0  }
0xc3: {  	[sflag:s14] =	ssyncadd.s32 $0xFFFFC000  }
0xc4: {  	[tilespmem:s16], [sflag:$0x1] =	stream.indirect.gather [hbm4b:s4+s15], $0x80, s25, s15, $0x2000b8;
	[tilespmem:$0x1FE00] =	vst v63  }
0xc5: {  	_ =	swait.ge [sflag:s21], $0x4000  }
0xc6: {  	[sflag:s21] =	ssyncset.done $0x0  }
0xc7: {  	[sflag:s21] =	ssyncadd.s32 $0xFFFFC000  }
0xc8: {  	[spmem:s2] =	stream.indirect.scatter.add.f32 [tilespmem:s18], [sflag:$0x3], $0x80, s9, s15, $0x2000b8;
	[tilespmem:$0x1FE00] =	vst v63  }
0xc9: {  	_ =	swait.ge [sflag:s14], $0x4000  }
0xca: {  	[sflag:s14] =	ssyncset.done $0x0  }
0xcb: {  	[sflag:s14] =	ssyncadd.s32 $0xFFFFC000  }
0xcc: {  	[tilespmem:s18], [sflag:$0x2] =	stream.indirect.gather [hbm4b:s4+s15], $0x80, s26, s15, $0x2000b8;
	[tilespmem:$0x1FE00] =	vst v63  }
0xcd: {  	_ =	swait.ge [sflag:s19], $0x4000  }
0xce: {  	[sflag:s19] =	ssyncset.done $0x0  }
0xcf: {  	[sflag:s19] =	ssyncadd.s32 $0xFFFFC000  }
0xd0: {  	[spmem:s2] =	stream.indirect.scatter.add.f32 [tilespmem:s16], [sflag:$0x3], $0x80, s28, s15, $0x2000b8;
	[tilespmem:$0x1FE00] =	vst v63  }
0xd1: {  	_ =	swait.ge [sflag:s14], $0x4000  }
0xd2: {  	[sflag:s14] =	ssyncset.done $0x0  }
0xd3: {  	[sflag:s14] =	ssyncadd.s32 $0xFFFFC000  }
0xd4: {  	[tilespmem:s16], [sflag:$0x1] =	stream.indirect.gather [hbm4b:s4+s15], $0x80, s29, s15, $0x2000b8;
	[tilespmem:$0x1FE00] =	vst v63  }
0xd5: {  	_ =	swait.ge [sflag:s21], $0x4000  }
0xd6: {  	[sflag:s21] =	ssyncset.done $0x0  }
0xd7: {  	[sflag:s21] =	ssyncadd.s32 $0xFFFFC000  }
0xd8: {  	[spmem:s2] =	stream.indirect.scatter.add.f32 [tilespmem:s18], [sflag:$0x3], $0x80, s30, s15, $0x2000b8;
	[tilespmem:$0x1FE00] =	vst v63  }
0xd9: {  	_ =	swait.ge [sflag:s14], $0x4000  }
0xda: {  	[sflag:s14] =	ssyncset.done $0x0  }
0xdb: {  	[sflag:s14] =	ssyncadd.s32 $0xFFFFC000  }
0xdc: {  	[tilespmem:s18], [sflag:$0x2] =	stream.indirect.gather [hbm4b:s4+s15], $0x80, s31, s15, $0x2000b8;
	[tilespmem:$0x1FE00] =	vst v63  }
0xdd: {  	_ =	swait.ge [sflag:s19], $0x4000  }
0xde: {  	[sflag:s19] =	ssyncset.done $0x0  }
0xdf: {  	[sflag:s19] =	ssyncadd.s32 $0xFFFFC000  }
0xe0: {  	[spmem:s2] =	stream.indirect.scatter.add.f32 [tilespmem:s16], [sflag:$0x3], $0x80, s11, s15, $0x2000b8;
	[tilespmem:$0x1FE00] =	vst v63  }
0xe1: {  	_ =	swait.ge [sflag:s14], $0x4000  }
0xe2: {  	[sflag:s14] =	ssyncset.done $0x0  }
0xe3: {  	[sflag:s14] =	ssyncadd.s32 $0xFFFFC000  }
0xe4: {  	[tilespmem:s16], [sflag:$0x1] =	stream.indirect.gather [hbm4b:s4+s15], $0x80, s17, s15, $0x2000b8;
	[tilespmem:$0x1FE00] =	vst v63  }
0xe5: {  	_ =	swait.ge [sflag:s21], $0x4000  }
0xe6: {  	[sflag:s21] =	ssyncset.done $0x0  }
0xe7: {  	[sflag:s21] =	ssyncadd.s32 $0xFFFFC000  }
0xe8: {  	[spmem:s2] =	stream.indirect.scatter.add.f32 [tilespmem:s18], [sflag:$0x3], $0x80, s20, s15, $0x2000b8;
	[tilespmem:$0x1FE00] =	vst v63  }
0xe9: {  	_ =	swait.ge [sflag:s14], $0x4000  }
0xea: {  	[sflag:s14] =	ssyncset.done $0x0  }
0xeb: {  	[sflag:s14] =	ssyncadd.s32 $0xFFFFC000  }
0xec: {  	[tilespmem:s18], [sflag:$0x2] =	stream.indirect.gather [hbm4b:s4+s15], $0x80, s12, s15, $0x2000b8;
	[tilespmem:$0x1FE00] =	vst v63  }
0xed: {  	_ =	swait.ge [sflag:s19], $0x4000  }
0xee: {  	[sflag:s19] =	ssyncset.done $0x0  }
0xef: {  	[sflag:s19] =	ssyncadd.s32 $0xFFFFC000  }
0xf0: {  	[spmem:s2] =	stream.indirect.scatter.add.f32 [tilespmem:s16], [sflag:$0x3], $0x80, s22, s15, $0x2000b8;
	[tilespmem:$0x1FE00] =	vst v63  }
0xf1: {  	_ =	swait.ge [sflag:s14], $0x4000  }
0xf2: {  	[sflag:s14] =	ssyncset.done $0x0  }
0xf3: {  	s8 =	simm.s32 $0x800;
	[sflag:s14] =	ssyncadd.s32 $0xFFFFC000  }
0xf4: {  	[tilespmem:s16], [sflag:$0x1] =	stream.indirect.gather [hbm4b:s4+s15], $0x80, s8, s15, $0x2000b8;
	[tilespmem:$0x1FE00] =	vst v63  }
0xf5: {  	_ =	swait.ge [sflag:s21], $0x4000  }
0xf6: {  	[sflag:s21] =	ssyncset.done $0x0  }
0xf7: {  	s8 =	simm.s32 $0x780;
	[sflag:s21] =	ssyncadd.s32 $0xFFFFC000  }
0xf8: {  	[spmem:s2] =	stream.indirect.scatter.add.f32 [tilespmem:s18], [sflag:$0x3], $0x80, s8, s15, $0x2000b8;
	[tilespmem:$0x1FE00] =	vst v63  }
0xf9: {  	_ =	swait.ge [sflag:s14], $0x4000  }
0xfa: {  	[sflag:s14] =	ssyncset.done $0x0  }
0xfb: {  	s8 =	simm.s32 $0x900;
	[sflag:s14] =	ssyncadd.s32 $0xFFFFC000  }
0xfc: {  	[tilespmem:s18], [sflag:$0x2] =	stream.indirect.gather [hbm4b:s4+s15], $0x80, s8, s15, $0x2000b8;
	[tilespmem:$0x1FE00] =	vst v63  }
0xfd: {  	_ =	swait.ge [sflag:s19], $0x4000  }
0xfe: {  	[sflag:s19] =	ssyncset.done $0x0  }
0xff: {  	s8 =	simm.s32 $0x880;
	[sflag:s19] =	ssyncadd.s32 $0xFFFFC000  }
0x100: {  	[spmem:s2] =	stream.indirect.scatter.add.f32 [tilespmem:s16], [sflag:$0x3], $0x80, s8, s15, $0x2000b8;
	[tilespmem:$0x1FE00] =	vst v63  }
0x101: {  	_ =	swait.ge [sflag:s14], $0x4000  }
0x102: {  	[sflag:s14] =	ssyncset.done $0x0  }
0x103: {  	s8 =	simm.s32 $0xA00;
	[sflag:s14] =	ssyncadd.s32 $0xFFFFC000  }
0x104: {  	[tilespmem:s16], [sflag:$0x1] =	stream.indirect.gather [hbm4b:s4+s15], $0x80, s8, s15, $0x2000b8;
	[tilespmem:$0x1FE00] =	vst v63  }
0x105: {  	_ =	swait.ge [sflag:s21], $0x4000  }
0x106: {  	[sflag:s21] =	ssyncset.done $0x0  }
0x107: {  	s8 =	simm.s32 $0x980;
	[sflag:s21] =	ssyncadd.s32 $0xFFFFC000  }
0x108: {  	[spmem:s2] =	stream.indirect.scatter.add.f32 [tilespmem:s18], [sflag:$0x3], $0x80, s8, s15, $0x2000b8;
	[tilespmem:$0x1FE00] =	vst v63  }
0x109: {  	_ =	swait.ge [sflag:s14], $0x4000  }
0x10a: {  	[sflag:s14] =	ssyncset.done $0x0  }
0x10b: {  	s8 =	simm.s32 $0xB00;
	[sflag:s14] =	ssyncadd.s32 $0xFFFFC000  }
0x10c: {  	[tilespmem:s18], [sflag:$0x2] =	stream.indirect.gather [hbm4b:s4+s15], $0x80, s8, s15, $0x2000b8;
	[tilespmem:$0x1FE00] =	vst v63  }
0x10d: {  	_ =	swait.ge [sflag:s19], $0x4000  }
0x10e: {  	[sflag:s19] =	ssyncset.done $0x0  }
0x10f: {  	s8 =	simm.s32 $0xA80;
	[sflag:s19] =	ssyncadd.s32 $0xFFFFC000  }
0x110: {  	[spmem:s2] =	stream.indirect.scatter.add.f32 [tilespmem:s16], [sflag:$0x3], $0x80, s8, s15, $0x2000b8;
	[tilespmem:$0x1FE00] =	vst v63  }
0x111: {  	_ =	swait.ge [sflag:s14], $0x4000  }
0x112: {  	[sflag:s14] =	ssyncset.done $0x0  }
0x113: {  	s8 =	simm.s32 $0xC00;
	[sflag:s14] =	ssyncadd.s32 $0xFFFFC000  }
0x114: {  	[tilespmem:s16], [sflag:$0x1] =	stream.indirect.gather [hbm4b:s4+s15], $0x80, s8, s15, $0x2000b8;
	[tilespmem:$0x1FE00] =	vst v63  }
0x115: {  	_ =	swait.ge [sflag:s21], $0x4000  }
0x116: {  	[sflag:s21] =	ssyncset.done $0x0  }
0x117: {  	s8 =	simm.s32 $0xB80;
	[sflag:s21] =	ssyncadd.s32 $0xFFFFC000  }
0x118: {  	[spmem:s2] =	stream.indirect.scatter.add.f32 [tilespmem:s18], [sflag:$0x3], $0x80, s8, s15, $0x2000b8;
	[tilespmem:$0x1FE00] =	vst v63  }
0x119: {  	_ =	swait.ge [sflag:s14], $0x4000  }
0x11a: {  	[sflag:s14] =	ssyncset.done $0x0  }
0x11b: {  	s8 =	simm.s32 $0xD00;
	[sflag:s14] =	ssyncadd.s32 $0xFFFFC000  }
0x11c: {  	[tilespmem:s18], [sflag:$0x2] =	stream.indirect.gather [hbm4b:s4+s15], $0x80, s8, s15, $0x2000b8;
	[tilespmem:$0x1FE00] =	vst v63  }
0x11d: {  	_ =	swait.ge [sflag:s19], $0x4000  }
0x11e: {  	[sflag:s19] =	ssyncset.done $0x0  }
0x11f: {  	s8 =	simm.s32 $0xC80;
	[sflag:s19] =	ssyncadd.s32 $0xFFFFC000  }
0x120: {  	[spmem:s2] =	stream.indirect.scatter.add.f32 [tilespmem:s16], [sflag:$0x3], $0x80, s8, s15, $0x2000b8;
	[tilespmem:$0x1FE00] =	vst v63  }
0x121: {  	_ =	swait.ge [sflag:s14], $0x4000  }
0x122: {  	[sflag:s14] =	ssyncset.done $0x0  }
0x123: {  	s8 =	simm.s32 $0xE00;
	[sflag:s14] =	ssyncadd.s32 $0xFFFFC000  }
0x124: {  	[tilespmem:s16], [sflag:$0x1] =	stream.indirect.gather [hbm4b:s4+s15], $0x80, s8, s15, $0x2000b8;
	[tilespmem:$0x1FE00] =	vst v63  }
0x125: {  	_ =	swait.ge [sflag:s21], $0x4000  }
0x126: {  	[sflag:s21] =	ssyncset.done $0x0  }
0x127: {  	s8 =	simm.s32 $0xD80;
	[sflag:s21] =	ssyncadd.s32 $0xFFFFC000  }
0x128: {  	[spmem:s2] =	stream.indirect.scatter.add.f32 [tilespmem:s18], [sflag:$0x3], $0x80, s8, s15, $0x2000b8;
	[tilespmem:$0x1FE00] =	vst v63  }
0x129: {  	_ =	swait.ge [sflag:s14], $0x4000  }
0x12a: {  	[sflag:s14] =	ssyncset.done $0x0  }
0x12b: {  	s8 =	simm.s32 $0xF00;
	[sflag:s14] =	ssyncadd.s32 $0xFFFFC000  }
0x12c: {  	[tilespmem:s18], [sflag:$0x2] =	stream.indirect.gather [hbm4b:s4+s15], $0x80, s8, s15, $0x2000b8;
	[tilespmem:$0x1FE00] =	vst v63  }
0x12d: {  	_ =	swait.ge [sflag:s19], $0x4000  }
0x12e: {  	[sflag:s19] =	ssyncset.done $0x0  }
0x12f: {  	s8 =	simm.s32 $0xE80;
	[sflag:s19] =	ssyncadd.s32 $0xFFFFC000  }
0x130: {  	[spmem:s2] =	stream.indirect.scatter.add.f32 [tilespmem:s16], [sflag:$0x3], $0x80, s8, s15, $0x2000b8;
	[tilespmem:$0x1FE00] =	vst v63  }
0x131: {  	_ =	swait.ge [sflag:s14], $0x4000  }
0x132: {  	[sflag:s14] =	ssyncset.done $0x0  }
0x133: {  	s8 =	simm.s32 $0x1000;
	[sflag:s14] =	ssyncadd.s32 $0xFFFFC000  }
0x134: {  	[tilespmem:s16], [sflag:$0x1] =	stream.indirect.gather [hbm4b:s4+s15], $0x80, s8, s15, $0x2000b8;
	[tilespmem:$0x1FE00] =	vst v63  }
0x135: {  	_ =	swait.ge [sflag:s21], $0x4000  }
0x136: {  	[sflag:s21] =	ssyncset.done $0x0  }
0x137: {  	s8 =	simm.s32 $0xF80;
	[sflag:s21] =	ssyncadd.s32 $0xFFFFC000  }
0x138: {  	[spmem:s2] =	stream.indirect.scatter.add.f32 [tilespmem:s18], [sflag:$0x3], $0x80, s8, s15, $0x2000b8;
	[tilespmem:$0x1FE00] =	vst v63  }
0x139: {  	_ =	swait.ge [sflag:s14], $0x4000  }
0x13a: {  	[sflag:s14] =	ssyncset.done $0x0  }
0x13b: {  	s9 =	simm.s32 $0x100;
	s8 =	simm.s32 $0x1100;
	[sflag:s14] =	ssyncadd.s32 $0xFFFFC000  }
0x13c: {  	[tilespmem:s18], [sflag:$0x2] =	stream.indirect.gather [hbm4b:s4+s15], $0x80, s8, s15, $0x2000b8;
	[tilespmem:$0x1FE00] =	vst v63  }
.LBB2_8:
0x13d: {  	_ =	swait.ge [sflag:s19], $0x4000  }
0x13e: {  	[sflag:s19] =	ssyncset.done $0x0  }
0x13f: {  	[sflag:s19] =	ssyncadd.s32 $0xFFFFC000  }
0x140: {  	[spmem:s2] =	stream.indirect.scatter.add.f32 [tilespmem:s16], [sflag:$0x3], $0x80, s23, s15, $0x2000b8;
	[tilespmem:$0x1FE00] =	vst v63  }
0x141: {  	_ =	swait.ge [sflag:s14], $0x4000  }
0x142: {  	[sflag:s14] =	ssyncset.done $0x0  }
0x143: {  	[sflag:s14] =	ssyncadd.s32 $0xFFFFC000  }
0x144: {  	[tilespmem:s16], [sflag:$0x1] =	stream.indirect.gather [hbm4b:s4+s15], $0x80, s3, s15, $0x2000b8;
	[tilespmem:$0x1FE00] =	vst v63  }
0x145: {  	_ =	swait.ge [sflag:s21], $0x4000  }
0x146: {  	[sflag:s21] =	ssyncset.done $0x0  }
0x147: {  	[sflag:s21] =	ssyncadd.s32 $0xFFFFC000  }
0x148: {  	[spmem:s2] =	stream.indirect.scatter.add.f32 [tilespmem:s18], [sflag:$0x3], $0x80, s24, s15, $0x2000b8;
	[tilespmem:$0x1FE00] =	vst v63  }
0x149: {  	_ =	swait.ge [sflag:s14], $0x4000  }
0x14a: {  	[sflag:s14] =	ssyncset.done $0x0  }
0x14b: {  	[sflag:s14] =	ssyncadd.s32 $0xFFFFC000  }
0x14c: {  	[tilespmem:s18], [sflag:$0x2] =	stream.indirect.gather [hbm4b:s4+s15], $0x80, s9, s15, $0x2000b8;
	[tilespmem:$0x1FE00] =	vst v63  }
0x14d: {  	_ =	swait.ge [sflag:s19], $0x4000  }
0x14e: {  	[sflag:s19] =	ssyncset.done $0x0  }
0x14f: {  	[sflag:s19] =	ssyncadd.s32 $0xFFFFC000  }
0x150: {  	_ =	swait.ge [sflag:s21], $0x4000  }
0x151: {  	[sflag:s21] =	ssyncset.done $0x0  }
0x152: {  	[sflag:s21] =	ssyncadd.s32 $0xFFFFC000  }
0x153: {  	[bflag:$0x0] =	sbarrier.arrive $0xFFFF  }
0x154: {  	s7 =	sadd.s32 $0x1, s7;
	_ =	strace $0x90000055  }
0x155: {  	p1 =	sne.s32 s7, s6;
	_ =	strace $0x80000056  }
0x156: {  	[hbm:s0], [sflag:s1] =	dma.local [spmem:s10], $0x2800  }
.Ltmp1:
0x157: {  	_ = 	snop;
	(pc) =	sbr.rel @!p1 .LBB2_9-.Ltmp1, $4  }
0x158: {  	_ =	swait.ge [sflag:s14], $0x2800  }
0x159: {  	[sflag:s14] =	ssyncset.done $0x0  }
0x15a: {  	[sflag:s14] =	ssyncadd.s32 $0xFFFFD800  }
0x15b: {  	_ =	strace $0x90000056  }
.LBB2_1:
0x15c: {  	_ =	strace $0x80000054  }
0x15d: {  	[spmem:s10], [sflag:s1] =	dma.local [hbm:s5], $0x2800  }
0x15e: {  	_ =	swait.ge [sflag:s14], $0x2800  }
.Ltmp2:
0x15f: {  	[sflag:s14] =	ssyncset.done $0x0;
	(pc) =	sbr.rel @p0 .LBB2_7-.Ltmp2, $4  }
0x160: {  	[sflag:s14] =	ssyncadd.s32 $0xFFFFD800  }
0x161: {  	[bflag:$0x0] =	sbarrier.arrive $0xFFFF  }
0x162: {  	_ =	strace $0x90000054  }
0x163: {  	_ =	strace $0x80000055  }
0x164: {  	s8 =	rddreg [dreg:$0x3]  }
0x165: {  	[tilespmem:s3], [sflag:$0x3] =	stream.linear.gather [hbm4b:s8+s3], $0x3E00, $0x200038;
	[tilespmem:$0x1FE00] =	vst v63  }
0x166: {  	_ =	swait.ge [sflag:s14], $0x3E00  }
0x167: {  	[sflag:s14] =	ssyncset.done $0x0  }
0x168: {  	[sflag:s14] =	ssyncadd.s32 $0xFFFFC200  }
0x169: {  	[tilespmem:s16], [sflag:$0x1] =	stream.indirect.gather [hbm4b:s4+s15], $0x80, s3, s15, $0x2000b8;
	[tilespmem:$0x1FE00] =	vst v63  }
0x16a: {  	_ = 	snop  }
0x16b: {  	[tilespmem:s18], [sflag:$0x2] =	stream.indirect.gather [hbm4b:s4+s15], $0x80, s9, s15, $0x2000b8;
	[tilespmem:$0x1FE00] =	vst v63  }
0x16c: {  	_ =	swait.ge [sflag:s19], $0x4000  }
0x16d: {  	[sflag:s19] =	ssyncset.done $0x0  }
0x16e: {  	s23 =	simm.s32 $0x80;
	[sflag:s19] =	ssyncadd.s32 $0xFFFFC000  }
0x16f: {  	[spmem:s2] =	stream.indirect.scatter.add.f32 [tilespmem:s16], [sflag:$0x3], $0x80, s23, s15, $0x2000b8;
	[tilespmem:$0x1FE00] =	vst v63  }
0x170: {  	_ =	swait.ge [sflag:s14], $0x4000  }
0x171: {  	[sflag:s14] =	ssyncset.done $0x0  }
0x172: {  	s8 =	simm.s32 $0x200;
	[sflag:s14] =	ssyncadd.s32 $0xFFFFC000  }
0x173: {  	[tilespmem:s16], [sflag:$0x1] =	stream.indirect.gather [hbm4b:s4+s15], $0x80, s8, s15, $0x2000b8;
	[tilespmem:$0x1FE00] =	vst v63  }
0x174: {  	_ =	swait.ge [sflag:s21], $0x4000  }
0x175: {  	[sflag:s21] =	ssyncset.done $0x0  }
0x176: {  	s24 =	simm.s32 $0x180;
	[sflag:s21] =	ssyncadd.s32 $0xFFFFC000  }
0x177: {  	[spmem:s2] =	stream.indirect.scatter.add.f32 [tilespmem:s18], [sflag:$0x3], $0x80, s24, s15, $0x2000b8;
	[tilespmem:$0x1FE00] =	vst v63  }
0x178: {  	_ =	swait.ge [sflag:s14], $0x4000  }
0x179: {  	[sflag:s14] =	ssyncset.done $0x0  }
0x17a: {  	s23 =	simm.s32 $0xFFFF1800;
	s24 =	simm.s32 $0x300;
	[sflag:s14] =	ssyncadd.s32 $0xFFFFC000  }
.LBB2_3:
0x17b: {  	[tilespmem:s18], [sflag:$0x2] =	stream.indirect.gather [hbm4b:s4+s15], $0x80, s24, s15, $0x2000b8;
	[tilespmem:$0x1FE00] =	vst v63  }
0x17c: {  	s24 =	smov.u32 s23  }
0x17d: {  	p1 =	sne.s32 s23, $0xFFFFF800;
	s23 =	sadd.s32 $0x800, s23;
	_ =	swait.ge [sflag:s19], $0x4000  }
0x17e: {  	s24 =	sshra.s32 s24, $0x2;
	[sflag:s19] =	ssyncset.done $0x0  }
0x17f: {  	s8 =	sadd.s32 $0x3C80, s24;
	[sflag:s19] =	ssyncadd.s32 $0xFFFFC000  }
0x180: {  	[spmem:s2] =	stream.indirect.scatter.add.f32 [tilespmem:s16], [sflag:$0x3], $0x80, s8, s15, $0x2000b8;
	[tilespmem:$0x1FE00] =	vst v63  }
0x181: {  	_ =	swait.ge [sflag:s14], $0x4000  }
0x182: {  	[sflag:s14] =	ssyncset.done $0x0  }
0x183: {  	s8 =	sadd.s32 $0x3E00, s24;
	[sflag:s14] =	ssyncadd.s32 $0xFFFFC000  }
0x184: {  	[tilespmem:s16], [sflag:$0x1] =	stream.indirect.gather [hbm4b:s4+s15], $0x80, s8, s15, $0x2000b8;
	[tilespmem:$0x1FE00] =	vst v63  }
0x185: {  	_ =	swait.ge [sflag:s21], $0x4000  }
0x186: {  	[sflag:s21] =	ssyncset.done $0x0  }
.Ltmp3:
0x187: {  	s8 =	sadd.s32 $0x3D80, s24;
	[sflag:s21] =	ssyncadd.s32 $0xFFFFC000;
	(pc) =	sbr.rel @p1 .LBB2_3-.Ltmp3, $4  }
0x188: {  	[spmem:s2] =	stream.indirect.scatter.add.f32 [tilespmem:s18], [sflag:$0x3], $0x80, s8, s15, $0x2000b8;
	[tilespmem:$0x1FE00] =	vst v63  }
0x189: {  	_ =	swait.ge [sflag:s14], $0x4000  }
0x18a: {  	[sflag:s14] =	ssyncset.done $0x0  }
0x18b: {  	s24 =	sadd.s32 $0x3F00, s24;
	[sflag:s14] =	ssyncadd.s32 $0xFFFFC000  }
0x18c: {  	[tilespmem:s18], [sflag:$0x2] =	stream.indirect.gather [hbm4b:s4+s15], $0x80, s24, s15, $0x2000b8;
	[tilespmem:$0x1FE00] =	vst v63  }
0x18d: {  	_ =	swait.ge [sflag:s19], $0x4000  }
0x18e: {  	[sflag:s19] =	ssyncset.done $0x0  }
0x18f: {  	s8 =	simm.s32 $0x3C80;
	[sflag:s19] =	ssyncadd.s32 $0xFFFFC000  }
0x190: {  	[spmem:s2] =	stream.indirect.scatter.add.f32 [tilespmem:s16], [sflag:$0x3], $0x80, s8, s15, $0x2000b8;
	[tilespmem:$0x1FE00] =	vst v63  }
0x191: {  	_ =	swait.ge [sflag:s14], $0x4000  }
0x192: {  	[sflag:s14] =	ssyncset.done $0x0  }
0x193: {  	[sflag:s14] =	ssyncadd.s32 $0xFFFFC000  }
0x194: {  	[tilespmem:s16], [sflag:$0x1] =	stream.indirect.gather [hbm4b:s4+s15], $0x80, s3, s15, $0x2000b8;
	[tilespmem:$0x1FE00] =	vst v63  }
0x195: {  	_ =	swait.ge [sflag:s21], $0x4000  }
0x196: {  	[sflag:s21] =	ssyncset.done $0x0  }
0x197: {  	s24 =	simm.s32 $0x3D80;
	[sflag:s21] =	ssyncadd.s32 $0xFFFFC000  }
0x198: {  	[spmem:s2] =	stream.indirect.scatter.add.f32 [tilespmem:s18], [sflag:$0x3], $0x80, s24, s15, $0x2000b8;
	[tilespmem:$0x1FE00] =	vst v63  }
0x199: {  	_ =	swait.ge [sflag:s14], $0x4000  }
0x19a: {  	[sflag:s14] =	ssyncset.done $0x0  }
0x19b: {  	[sflag:s14] =	ssyncadd.s32 $0xFFFFC000  }
0x19c: {  	[tilespmem:s18], [sflag:$0x2] =	stream.indirect.gather [hbm4b:s4+s15], $0x80, s9, s15, $0x2000b8;
	[tilespmem:$0x1FE00] =	vst v63  }
0x19d: {  	_ =	swait.ge [sflag:s19], $0x4000  }
0x19e: {  	[sflag:s19] =	ssyncset.done $0x0  }
0x19f: {  	[sflag:s19] =	ssyncadd.s32 $0xFFFFC000  }
0x1a0: {  	_ =	swait.ge [sflag:s21], $0x4000  }
0x1a1: {  	[sflag:s21] =	ssyncset.done $0x0  }
0x1a2: {  	s23 =	rddreg [dreg:$0x4];
	[sflag:s21] =	ssyncadd.s32 $0xFFFFC000  }
0x1a3: {  	[tilespmem:s3], [sflag:$0x3] =	stream.linear.gather [hbm4b:s23+s3], $0x3E00, $0x200038;
	[tilespmem:$0x1FE00] =	vst v63  }
0x1a4: {  	_ =	swait.ge [sflag:s14], $0x3E00  }
0x1a5: {  	[sflag:s14] =	ssyncset.done $0x0  }
0x1a6: {  	[sflag:s14] =	ssyncadd.s32 $0xFFFFC200  }
0x1a7: {  	[tilespmem:s16], [sflag:$0x1] =	stream.indirect.gather [hbm4b:s4+s15], $0x80, s3, s15, $0x2000b8;
	[tilespmem:$0x1FE00] =	vst v63  }
0x1a8: {  	_ = 	snop  }
0x1a9: {  	[tilespmem:s18], [sflag:$0x2] =	stream.indirect.gather [hbm4b:s4+s15], $0x80, s9, s15, $0x2000b8;
	[tilespmem:$0x1FE00] =	vst v63  }
0x1aa: {  	_ =	swait.ge [sflag:s19], $0x4000  }
0x1ab: {  	[sflag:s19] =	ssyncset.done $0x0  }
0x1ac: {  	s24 =	simm.s32 $0x80;
	[sflag:s19] =	ssyncadd.s32 $0xFFFFC000  }
0x1ad: {  	[spmem:s2] =	stream.indirect.scatter.add.f32 [tilespmem:s16], [sflag:$0x3], $0x80, s24, s15, $0x2000b8;
	[tilespmem:$0x1FE00] =	vst v63  }
0x1ae: {  	_ =	swait.ge [sflag:s14], $0x4000  }
0x1af: {  	[sflag:s14] =	ssyncset.done $0x0  }
0x1b0: {  	s23 =	simm.s32 $0x200;
	[sflag:s14] =	ssyncadd.s32 $0xFFFFC000  }
0x1b1: {  	[tilespmem:s16], [sflag:$0x1] =	stream.indirect.gather [hbm4b:s4+s15], $0x80, s23, s15, $0x2000b8;
	[tilespmem:$0x1FE00] =	vst v63  }
0x1b2: {  	_ =	swait.ge [sflag:s21], $0x4000  }
0x1b3: {  	p1 =	por $0x0, $0x0;
	[sflag:s21] =	ssyncset.done $0x0  }
.Ltmp4:
0x1b4: {  	s24 =	simm.s32 $0x180;
	[sflag:s21] =	ssyncadd.s32 $0xFFFFC000;
	(pc) =	sbr.rel @p1 .LBB2_6-.Ltmp4, $4  }
0x1b5: {  	[spmem:s2] =	stream.indirect.scatter.add.f32 [tilespmem:s18], [sflag:$0x3], $0x80, s24, s15, $0x2000b8;
	[tilespmem:$0x1FE00] =	vst v63  }
0x1b6: {  	_ =	swait.ge [sflag:s14], $0x4000  }
0x1b7: {  	[sflag:s14] =	ssyncset.done $0x0  }
0x1b8: {  	s23 =	simm.s32 $0xFFFF1800;
	s24 =	simm.s32 $0x300;
	[sflag:s14] =	ssyncadd.s32 $0xFFFFC000  }
.LBB2_5:
0x1b9: {  	[tilespmem:s18], [sflag:$0x2] =	stream.indirect.gather [hbm4b:s4+s15], $0x80, s24, s15, $0x2000b8;
	[tilespmem:$0x1FE00] =	vst v63  }
0x1ba: {  	s8 =	smov.u32 s23  }
0x1bb: {  	p1 =	seq.s32 s23, $0xFFFFF800;
	s23 =	sadd.s32 $0x800, s23;
	_ =	swait.ge [sflag:s19], $0x4000  }
0x1bc: {  	s8 =	sshra.s32 s8, $0x2;
	[sflag:s19] =	ssyncset.done $0x0  }
0x1bd: {  	s24 =	sadd.s32 $0x3C80, s8;
	[sflag:s19] =	ssyncadd.s32 $0xFFFFC000  }
0x1be: {  	[spmem:s2] =	stream.indirect.scatter.add.f32 [tilespmem:s16], [sflag:$0x3], $0x80, s24, s15, $0x2000b8;
	[tilespmem:$0x1FE00] =	vst v63  }
0x1bf: {  	_ =	swait.ge [sflag:s14], $0x4000  }
0x1c0: {  	[sflag:s14] =	ssyncset.done $0x0  }
0x1c1: {  	s24 =	sadd.s32 $0x3E00, s8;
	[sflag:s14] =	ssyncadd.s32 $0xFFFFC000  }
0x1c2: {  	[tilespmem:s16], [sflag:$0x1] =	stream.indirect.gather [hbm4b:s4+s15], $0x80, s24, s15, $0x2000b8;
	[tilespmem:$0x1FE00] =	vst v63  }
0x1c3: {  	_ =	swait.ge [sflag:s21], $0x4000  }
0x1c4: {  	[sflag:s21] =	ssyncset.done $0x0  }
.Ltmp5:
0x1c5: {  	s24 =	sadd.s32 $0x3D80, s8;
	[sflag:s21] =	ssyncadd.s32 $0xFFFFC000;
	(pc) =	sbr.rel @!p1 .LBB2_5-.Ltmp5, $4  }
0x1c6: {  	[spmem:s2] =	stream.indirect.scatter.add.f32 [tilespmem:s18], [sflag:$0x3], $0x80, s24, s15, $0x2000b8;
	[tilespmem:$0x1FE00] =	vst v63  }
0x1c7: {  	_ =	swait.ge [sflag:s14], $0x4000  }
0x1c8: {  	[sflag:s14] =	ssyncset.done $0x0  }
0x1c9: {  	s24 =	sadd.s32 $0x3F00, s8;
	[sflag:s14] =	ssyncadd.s32 $0xFFFFC000  }
.LBB2_6:
.Ltmp6:
0x1ca: {  	(pc) =	sbr.rel .LBB2_8-.Ltmp6, $3  }
0x1cb: {  	_ =	sdelay $0x1  }
0x1cc: {  	[tilespmem:s18], [sflag:$0x2] =	stream.indirect.gather [hbm4b:s4+s15], $0x80, s24, s15, $0x2000b8;
	[tilespmem:$0x1FE00] =	vst v63  }
0x1cd: {  	s24 =	simm.s32 $0x3D80;
	s23 =	simm.s32 $0x3C80  }
.LBB2_9:
0x1ce: {  	_ =	sfence.sel $0x180000  }
0x1cf: {  	[bflag:$0x0] =	sbarrier.arrive $0xFFFF  }
0x1d0: {  	_ =	strace $0x90000053  }
0x1d1: {  	s0 =	stileid.u32;
	[bflag:$0x2] =	sbarrier.arrive $0xFFFF  }
0x1d2: {  	p0 =	sne.s32 s0, $0x0;
	s0 =	rddreg [dreg:$0x2]  }
0x1d3: {  	s0 =	sadd.s32 @!p0 $0x100000, s0  }
0x1d4: {  	[sflag:s0] =	ssyncadd.tile.s32 @!p0 $0x1;
	_ =	shalt  }
.Lfunc_end2:
_tile_overlayer_lowered:
.L_overlay_start_2:
0x1d5: {  	(tag) =	ssettag $0x2  }
0x1d6: {  	s0 =	rddreg [dreg:$0x0];
	s2 =	stileid.u32  }
0x1d7: {  	s1 =	rddreg [dreg:$0x1];
	p0 =	sne.s32 s2, $0x0  }
0x1d8: {  	s3 =	rddreg [dreg:$0x2];
	[bflag:$0x3] =	sbarrier.arrive $0xFFFF;
	s2 =	simm.s32 @!p0 $0x1C03  }
0x1d9: {  	[timem:s3], [sflag:s2] =	dma.local @!p0 [hbm:s0], s1  }
0x1da: {  	s0 =	simm.s32 @!p0 $0x3  }
0x1db: {  	_ =	swait.ge @!p0 [sflag:s0], s1  }
0x1dc: {  	s1 =	ssub.s32 @!p0 $0x0, s1;
	[sflag:s0] =	ssyncset.done @!p0 $0x0  }
0x1dd: {  	[sflag:s0] =	ssyncadd.s32 @!p0 s1  }
0x1de: {  	[bflag:$0x3] =	sbarrier.arrive $0xFFFF  }
0x1df: {  	_ =	shalt  }

// kernel: kernel.9.cloned.1.call-start
scs
__scs_entry_jumppad:
0x0: {  	(pc) =	sbr.rel $0x88, $3  }
0x1: {  	(tag) =	ssettag $0x0;
	lr =	simm.s32 $0x1  }
0x2: {  	[smem:$0x3F80] =	sst lr;
	_ =	strace $0xD0000000  }
0x3: {  	_ = 	snop  }
0x4: {  	_ = 	snop  }
0x5: {  	_ = 	snop  }
0x6: {  	_ = 	snop  }
0x7: {  	_ = 	snop  }
__scs_overlays_trampoline_lowered:
0x8: {  	[smem:$0x3F8F] =	sst s0  }
0x9: {  	[smem:$0x3F90] =	sst s1  }
0xa: {  	[smem:$0x3F91] =	sst s2  }
0xb: {  	[smem:$0x3F92] =	sst s3  }
0xc: {  	[smem:$0x3F93] =	sst s4  }
0xd: {  	[smem:$0x3F94] =	sst s5  }
0xe: {  	[smem:$0x3F95] =	sst s6  }
0xf: {  	[smem:$0x3F96] =	sst s7  }
0x10: {  	[smem:$0x3F97] =	sst s8  }
0x11: {  	[smem:$0x3F98] =	sst s9;
	s0 =	simm.s32 @!p0 $0x0  }
0x12: {  	s1 =	sld [smem:$0x3F7E];
	s0 =	simm.s32 @p0 $0x1  }
0x13: {  	[smem:$0x3F99] =	sst s0;
	s0 =	simm.s32 @!p1 $0x0  }
0x14: {  	s2 =	sld [smem:$0x3F7D];
	s0 =	simm.s32 @p1 $0x1  }
0x15: {  	[smem:$0x3F9A] =	sst s0;
	s0 =	simm.s32 @!p2 $0x0  }
0x16: {  	s3 =	sld [smem:$0x3FDB];
	s0 =	simm.s32 @p2 $0x1  }
0x17: {  	s4 =	simm.s32 $0x1BF5;
	[smem:$0x3F9C] =	sst s0  }
0x18: {  	s0 =	sld [smem:$0x3F7F];
	_ =	swait.ge [sflag:s4], $0x0  }
0x19: {  	s7 =	sld [smem:$0x3F80]  }
0x1a: {  	s8 =	sadd.s32 $0xFFFFE003, lr  }
0x1b: {  	s9 =	sadd.s32 $0xFFFFFEF7, lr;
	s5 =	simm.s32 $0xFFFFFFFF;
	p2 =	slt.u32 s8, $0xFFFFF086  }
0x1c: {  	p1 =	slt.u32 s9, $0xF7A;
	s5 =	simm.s32 @!p2 $0x0  }
0x1d: {  	s5 =	simm.s32 @p1 $0x1;
	p0 =	seq.s32 s7, s2  }
0x1e: {  	s7 =	smul.u32 @!p0 $0xF7A, s2;
	p2 =	seq.s32 @!p0 s5, $0x0  }
0x1f: {  	s9 =	smul.u32 $0xF7A, s1;
	s8 =	simm.s32 @!p0 $0x1BF5;
	p2 =	por !p2, p0  }
0x20: {  	[sflag:s8] =	ssyncset.s32 @!p0 $0xFFFFF086;
	s6 =	sadd.s32 @!p0 s3, s7;
	s7 =	simm.s32 @!p0 $0x108  }
0x21: {  	s3 =	sadd.s32 s3, s9;
	s6 =	sadd.s32 @!p0 $0x88, s6;
	s7 =	simm.s32 @p2 $0x1082  }
0x22: {  	[simem:s7], [sflag:s8] =	dma.local @!p0 [hbm:s6], $0xF7A  }
0x23: {  	s9 =	sor.u32 $0xD0000000, s2;
	s6 =	simm.s32 $0x108;
	_ =	swait.ge @!p0 [sflag:s8], $0x0  }
0x24: {  	s3 =	sadd.s32 $0x88, s3;
	s6 =	simm.s32 @!p1 $0x1082;
	[sflag:s4] =	ssyncset.s32 $0xFFFFF086  }
0x25: {  	[simem:s6], [sflag:s4] =	dma.local [hbm:s3], $0xF7A  }
0x26: {  	[smem:$0x3F80] =	sst s1;
	(tag) =	ssettag s2;
	_ =	strace s9  }
0x27: {  	s1 =	sld [smem:$0x3F90]  }
0x28: {  	s2 =	sld [smem:$0x3F91]  }
0x29: {  	s4 =	sld [smem:$0x3F93]  }
0x2a: {  	p0 =	seq.s32 s5, $0x0;
	s5 =	sld [smem:$0x3F94]  }
0x2b: {  	s6 =	sld [smem:$0x3F95]  }
0x2c: {  	s7 =	sld [smem:$0x3F96]  }
0x2d: {  	s3 =	simm.s32 $0x108;
	s8 =	sld [smem:$0x3F97]  }
0x2e: {  	s3 =	simm.s32 @!p0 $0x1082;
	s9 =	sld [smem:$0x3F98]  }
0x2f: {  	lr =	sadd.s32 s0, s3;
	s0 =	sld [smem:$0x3F8F]  }
0x30: {  	s3 =	sld [smem:$0x3F92]  }
0x31: {  	[smem:$0x3F9B] =	sst s10  }
0x32: {  	s10 =	sld [smem:$0x3F99];
	_ =	sdelay $0x3  }
0x33: {  	p0 =	seq.s32 s10, $0x1;
	s10 =	sld [smem:$0x3F9B];
	_ =	sdelay $0x3  }
0x34: {  	[smem:$0x3F9B] =	sst s10  }
0x35: {  	s10 =	sld [smem:$0x3F9A];
	_ =	sdelay $0x3  }
0x36: {  	p1 =	seq.s32 s10, $0x1;
	s10 =	sld [smem:$0x3F9B];
	_ =	sdelay $0x3  }
0x37: {  	[smem:$0x3F9B] =	sst s10  }
0x38: {  	s10 =	sld [smem:$0x3F9C]  }
0x39: {  	_ = 	snop;
	(pc) =	sbr.ind lr, $3  }
0x3a: {  	_ = 	snop  }
0x3b: {  	_ = 	snop  }
0x3c: {  	p2 =	seq.s32 s10, $0x1;
	s10 =	sld [smem:$0x3F9B]  }
0x3d: {  	_ =	shalt  }
0x3e: {  	_ =	shalt  }
0x3f: {  	_ =	shalt  }
0x40: {  	_ =	shalt  }
0x41: {  	_ =	shalt  }
0x42: {  	_ =	shalt  }
0x43: {  	_ =	shalt  }
0x44: {  	_ =	shalt  }
0x45: {  	_ =	shalt  }
0x46: {  	_ =	shalt  }
0x47: {  	_ =	shalt  }
0x48: {  	_ =	shalt  }
0x49: {  	_ =	shalt  }
0x4a: {  	_ =	shalt  }
0x4b: {  	_ =	shalt  }
0x4c: {  	_ =	shalt  }
0x4d: {  	_ =	shalt  }
0x4e: {  	_ =	shalt  }
0x4f: {  	_ =	shalt  }
0x50: {  	_ =	shalt  }
0x51: {  	_ =	shalt  }
0x52: {  	_ =	shalt  }
0x53: {  	_ =	shalt  }
0x54: {  	_ =	shalt  }
0x55: {  	_ =	shalt  }
0x56: {  	_ =	shalt  }
0x57: {  	_ =	shalt  }
0x58: {  	_ =	shalt  }
0x59: {  	_ =	shalt  }
0x5a: {  	_ =	shalt  }
0x5b: {  	_ =	shalt  }
0x5c: {  	_ =	shalt  }
0x5d: {  	_ =	shalt  }
0x5e: {  	_ =	shalt  }
0x5f: {  	_ =	shalt  }
0x60: {  	_ =	shalt  }
0x61: {  	_ =	shalt  }
0x62: {  	_ =	shalt  }
0x63: {  	_ =	shalt  }
0x64: {  	_ =	shalt  }
0x65: {  	_ =	shalt  }
0x66: {  	_ =	shalt  }
0x67: {  	_ =	shalt  }
0x68: {  	_ =	shalt  }
0x69: {  	_ =	shalt  }
0x6a: {  	_ =	shalt  }
0x6b: {  	_ =	shalt  }
0x6c: {  	_ =	shalt  }
0x6d: {  	_ =	shalt  }
0x6e: {  	_ =	shalt  }
0x6f: {  	_ =	shalt  }
0x70: {  	_ =	shalt  }
0x71: {  	_ =	shalt  }
0x72: {  	_ =	shalt  }
0x73: {  	_ =	shalt  }
0x74: {  	_ =	shalt  }
0x75: {  	_ =	shalt  }
0x76: {  	_ =	shalt  }
0x77: {  	_ =	shalt  }
0x78: {  	_ =	shalt  }
0x79: {  	_ =	shalt  }
0x7a: {  	_ =	shalt  }
0x7b: {  	_ =	shalt  }
0x7c: {  	_ =	shalt  }
0x7d: {  	_ =	shalt  }
0x7e: {  	_ =	shalt  }
0x7f: {  	_ =	shalt  }
0x80: {  	_ =	shalt  }
0x81: {  	_ =	shalt  }
0x82: {  	_ =	shalt  }
0x83: {  	_ =	shalt  }
0x84: {  	_ =	shalt  }
0x85: {  	_ =	shalt  }
0x86: {  	_ =	shalt  }
0x87: {  	_ =	shalt  }
.Lfunc_end0:
.L_simem_size_0:
called_computation_lowered:
.L_overlay_start_0:
0x88: {  	s2 =	sld [smem:$0x3FD9]  }
0x89: {  	s3 =	sld [smem:$0x3FFE];
	_ =	sdelay $0x1  }
0x8a: {  	s1 =	srdreg.scid  }
0x8b: {  	s0 =	sand.u32 $0x1, s1  }
0x8c: {  	s16 =	sshll.u32 s0, $0xA;
	s2 =	sadd.s32 s3, s2  }
0x8d: {  	s2 =	sadd.s32 s2, s16  }
0x8e: {  	[smem:$0x3FA7] =	sst s2  }
0x8f: {  	_ = 	snop  }
0x90: {  	(tm) =	ssettm $0x1  }
0x91: {  	s17 =	sld [smem:$0x3FFB];
	_ =	sdelay $0x3  }
0x92: {  	_ =	strace s17  }
0x93: {  	s2 =	sld [smem:$0x3FFC];
	_ =	sdelay $0x3  }
0x94: {  	_ =	strace s2  }
0x95: {  	s2 =	sld [smem:$0x3FFD];
	_ =	sdelay $0x3  }
0x96: {  	_ =	strace s2  }
0x97: {  	_ =	strace $0x8FFFFFFF  }
0x98: {  	s18 =	sld [smem:$0x3FDB];
	_ =	sdelay $0x1  }
0x99: {  	s19 =	simm.s32 $_scs_section_size  }
0x9a: {  	s4 =	simm.s32 $_size__tile_overlayer_lowered;
	s5 =	simm.s32 $_tile_overlayer_lowered  }
0x9b: {  	s22 =	simm.s32 $0x1BFF;
	s21 =	sshll.u32 s5, $0x1;
	s2 =	sadd.s32 s19, s18  }
0x9c: {  	s6 =	simm.s32 $0x0;
	s20 =	sshll.u32 s4, $0x1;
	s4 =	sadd.s32 s21, s2  }
0x9d: {  	[timem:s6], [sflag:s22] =	dma.local [hbm:s4], s20  }
0x9e: {  	_ =	swait.ge [sflag:s22], s20  }
0x9f: {  	s3 =	ssub.s32 $0x0, s20;
	[sflag:s22] =	ssyncset.done $0x0  }
0xa0: {  	[sflag:s22] =	ssyncadd.s32 s3;
	_ =	sdelay $0x1  }
0xa1: {  	s23 =	simm.s32 $0x1B8B  }
0xa2: {  	_ =	swait.ge [sflag:s23], $0x1  }
0xa3: {  	[sflag:s23] =	ssyncset.done $0x0  }
0xa4: {  	s25 =	simm.s32 $0x1B8E;
	s24 =	sld [smem:$0x3FFE];
	[sflag:s23] =	ssyncadd.s32 $0xFFFFFFFF  }
0xa5: {  	s26 =	simm.s32 $execute0_lowered;
	[smem:$0x3FD2] =	sst s25  }
0xa6: {  	s4 =	sshll.u32 s26, $0x1;
	_ =	strace $0x80000046;
	[dreg:$0x1] =	wrdreg $0xFFFFFFFF  }
0xa7: {  	s28 =	simm.s32 $_size_execute0_lowered;
	s2 =	sadd.s32 s2, s4;
	[dreg:$0x0] =	wrdreg $0x0  }
0xa8: {  	s4 =	sshll.u32 s28, $0x1;
	[dreg:$0x2] =	wrdreg s2  }
0xa9: {  	[dreg:$0x3] =	wrdreg s4  }
0xaa: {  	[dreg:$0x4] =	wrdreg $0xC0  }
0xab: {  	_ =	task [dreg:s6], $0x5FFFF  }
0xac: {  	[dreg:$0x1] =	wrdreg $0xFFFFFFFF  }
0xad: {  	[dreg:$0x0] =	wrdreg $0x60  }
0xae: {  	[dreg:$0x2] =	wrdreg s24  }
0xaf: {  	[dreg:$0x3] =	wrdreg $0xBE000  }
0xb0: {  	[dreg:$0x4] =	wrdreg $0x9  }
0xb1: {  	_ =	task.clear_ibuf [dreg:s6], $0x5FFFF;
	_ =	strace $0x90000046  }
0xb2: {  	s29 =	simm.s32 $0x9;
	_ =	strace $0x8000004B  }
0xb3: {  	_ =	swait.ge [sflag:s29], $0x1  }
0xb4: {  	[sflag:s29] =	ssyncadd.s32 $0xFFFFFFFF  }
0xb5: {  	_ =	strace $0x9000004B  }
0xb6: {  	_ =	sfence  }
0xb7: {  	s30 =	sld [smem:$0x0];
	_ =	sdelay $0x2  }
0xb8: {  	s31 =	sshll.u32 s1, $0xD;
	s1 =	sshrl.u32 s1, $0x2  }
0xb9: {  	s3 =	sand.u32 $0x4000, s31;
	s1 =	sadd.s32 s1, s30  }
0xba: {  	s0 =	sor.u32 s3, s0;
	s1 =	sshll.u32 s1, $0x11  }
0xbb: {  	s0 =	sor.u32 s1, s0  }
0xbc: {  	s0 =	sadd.s32 $0x8F2B, s0  }
0xbd: {  	[sflag:s0] =	ssyncadd.remote.s32 $0x1  }
0xbe: {  	_ =	sfence.sel $0xFFFF  }
0xbf: {  	[dreg:$0x0] =	wrdreg $0xFFFFFFFF;
	(pc) =	sbr.abs _section_cstart, $3  }
0xc0: {  	[dreg:$0x1] =	wrdreg $0xFFFFFFFF  }
0xc1: {  	_ =	task.clear_ibuf [dreg:s6], $0x2FFFF;
	_ =	strace $0x9FFFFFFF  }
0xc2: {  	(tm) =	ssettm $0x7FFFFFFF  }
0xc3: {  	_ =	shalt  }
tec
execute0_lowered:
.L_overlay_start_1:
0x0: {  	(tag) =	ssettag $0x1  }
0x1: {  	s0 =	rddreg [dreg:$0x0]  }
0x2: {  	s2 =	rddreg [dreg:$0x1];
	s12 =	stileid.u32  }
0x3: {  	s1 =	srdreg.scid;
	s3 =	simm.s32 $0x0;
	s14 =	simm.s32 $0x3  }
0x4: {  	s15 =	simm.s32 $0x80;
	s16 =	simm.s32 $0x3E00;
	s18 =	simm.s32 $0x7E00  }
0x5: {  	s19 =	simm.s32 $0x1;
	s13 =	simm.s32 $0x100;
	s28 =	simm.s32 $0x280  }
0x6: {  	s29 =	simm.s32 $0x400;
	s30 =	simm.s32 $0x380;
	s5 =	smul.u32 $0x14000, s12  }
0x7: {  	s31 =	simm.s32 $0x500;
	s17 =	simm.s32 $0x600;
	s8 =	smul.u32 $0x50000, s12  }
0x8: {  	s20 =	simm.s32 $0x580;
	s1 =	sand.u32 $0x1, s1;
	s10 =	smul.u32 $0x7C00, s12  }
0x9: {  	[smem:$0x7FF] =	sst s3;
	s4 =	sadd.s32 $0x19A00, s0;
	s22 =	smul.u32 $0x2400, s12  }
0xa: {  	s7 =	sadd.s32 $0x5A00, s0;
	s11 =	smul.u32 $0xF80, s12;
	s26 =	sshll.u32 s12, $0x6  }
0xb: {  	s12 =	simm.s32 $0x700;
	s6 =	smul.u32 $0x140000, s1;
	s21 =	ssub.s32 $0x2, s1  }
0xc: {  	_ =	strace $0x80000047;
	p0 =	seq.s32 s1, $0x1;
	s9 =	sshrl.u32 s21, $0x1  }
0xd: {  	s8 =	sshrl.u32 s8, $0x2;
	s10 =	sshrl.u32 s10, $0x3;
	s24 =	sadd.s32 s7, s11  }
0xe: {  	s11 =	simm.s32 $0x480;
	s6 =	sadd.s32 s5, s6;
	s5 =	sshrl.u32 s5, $0x3  }
0xf: {  	s8 =	sadd.s32 s8, s2;
	s23 =	sadd.s32 s7, s10;
	[dreg:$0x3] =	wrdreg s24  }
0x10: {  	s6 =	sshrl.u32 s6, $0x3;
	s5 =	sadd.s32 s5, s0;
	s1 =	sadd.s32 $0x7C0, s23  }
0x11: {  	s10 =	sshrl.u32 s8, $0x3;
	s0 =	sadd.s32 s6, s0;
	s6 =	ssub.s32 s21, s9  }
0x12: {  	s5 =	sadd.s32 $0x41A00, s5;
	s9 =	sshrl.u32 s22, $0x3;
	[dreg:$0x4] =	wrdreg s1  }
.Ltmp0:
0x13: {  	s21 =	simm.s32 $0x2;
	s25 =	sadd.s32 s7, s9;
	(pc) =	sbr.rel .LBB2_1-.Ltmp0, $4  }
0x14: {  	s22 =	simm.s32 $0x680;
	s0 =	sadd.s32 $0x69A00, s0;
	s7 =	sadd.s32 $0xF800, s25  }
0x15: {  	s6 =	smax.u32 s6, $0x1;
	s1 =	sadd.s32 $0xFA40, s25;
	[dreg:$0x5] =	wrdreg s7  }
0x16: {  	s9 =	simm.s32 $0x100;
	s25 =	simm.s32 $0x200;
	[dreg:$0x6] =	wrdreg s1  }
0x17: {  	s1 =	sor.u32 $0x1C03, s26;
	s7 =	simm.s32 $0x0;
	s26 =	simm.s32 $0x300  }
.LBB2_7:
0x18: {  	s8 =	rddreg [dreg:$0x5]  }
0x19: {  	[tilespmem:s3], [sflag:$0x3] =	stream.linear.gather [hbm4b:s8+s3], $0x1200, $0x200038;
	[tilespmem:$0x1FE00] =	vst v63  }
0x1a: {  	_ =	swait.ge [sflag:s14], $0x1200  }
0x1b: {  	[sflag:s14] =	ssyncset.done $0x0  }
0x1c: {  	[sflag:s14] =	ssyncadd.s32 $0xFFFFEE00  }
0x1d: {  	[tilespmem:s16], [sflag:$0x1] =	stream.indirect.gather [hbm4b:s4+s15], $0x80, s3, s15, $0x2000b8;
	[tilespmem:$0x1FE00] =	vst v63  }
0x1e: {  	_ = 	snop  }
0x1f: {  	[tilespmem:s18], [sflag:$0x2] =	stream.indirect.gather [hbm4b:s4+s15], $0x80, s9, s15, $0x2000b8;
	[tilespmem:$0x1FE00] =	vst v63  }
0x20: {  	_ =	swait.ge [sflag:s19], $0x4000  }
0x21: {  	[sflag:s19] =	ssyncset.done $0x0  }
0x22: {  	[sflag:s19] =	ssyncadd.s32 $0xFFFFC000  }
0x23: {  	[spmem:s2] =	stream.indirect.scatter.add.f32 [tilespmem:s16], [sflag:$0x3], $0x80, s15, s15, $0x2000b8;
	[tilespmem:$0x1FE00] =	vst v63  }
0x24: {  	_ =	swait.ge [sflag:s14], $0x4000  }
0x25: {  	[sflag:s14] =	ssyncset.done $0x0  }
0x26: {  	[sflag:s14] =	ssyncadd.s32 $0xFFFFC000  }
0x27: {  	[tilespmem:s16], [sflag:$0x1] =	stream.indirect.gather [hbm4b:s4+s15], $0x80, s25, s15, $0x2000b8;
	[tilespmem:$0x1FE00] =	vst v63  }
0x28: {  	_ =	swait.ge [sflag:s21], $0x4000  }
0x29: {  	[sflag:s21] =	ssyncset.done $0x0  }
0x2a: {  	s9 =	simm.s32 $0x180;
	[sflag:s21] =	ssyncadd.s32 $0xFFFFC000  }
0x2b: {  	[spmem:s2] =	stream.indirect.scatter.add.f32 [tilespmem:s18], [sflag:$0x3], $0x80, s9, s15, $0x2000b8;
	[tilespmem:$0x1FE00] =	vst v63  }
0x2c: {  	_ =	swait.ge [sflag:s14], $0x4000  }
0x2d: {  	[sflag:s14] =	ssyncset.done $0x0  }
0x2e: {  	[sflag:s14] =	ssyncadd.s32 $0xFFFFC000  }
0x2f: {  	[tilespmem:s18], [sflag:$0x2] =	stream.indirect.gather [hbm4b:s4+s15], $0x80, s26, s15, $0x2000b8;
	[tilespmem:$0x1FE00] =	vst v63  }
0x30: {  	_ =	swait.ge [sflag:s19], $0x4000  }
0x31: {  	[sflag:s19] =	ssyncset.done $0x0  }
0x32: {  	[sflag:s19] =	ssyncadd.s32 $0xFFFFC000  }
0x33: {  	[spmem:s2] =	stream.indirect.scatter.add.f32 [tilespmem:s16], [sflag:$0x3], $0x80, s28, s15, $0x2000b8;
	[tilespmem:$0x1FE00] =	vst v63  }
0x34: {  	_ =	swait.ge [sflag:s14], $0x4000  }
0x35: {  	[sflag:s14] =	ssyncset.done $0x0  }
0x36: {  	[sflag:s14] =	ssyncadd.s32 $0xFFFFC000  }
0x37: {  	[tilespmem:s16], [sflag:$0x1] =	stream.indirect.gather [hbm4b:s4+s15], $0x80, s29, s15, $0x2000b8;
	[tilespmem:$0x1FE00] =	vst v63  }
0x38: {  	_ =	swait.ge [sflag:s21], $0x4000  }
0x39: {  	[sflag:s21] =	ssyncset.done $0x0  }
0x3a: {  	[sflag:s21] =	ssyncadd.s32 $0xFFFFC000  }
0x3b: {  	[spmem:s2] =	stream.indirect.scatter.add.f32 [tilespmem:s18], [sflag:$0x3], $0x80, s30, s15, $0x2000b8;
	[tilespmem:$0x1FE00] =	vst v63  }
0x3c: {  	_ =	swait.ge [sflag:s14], $0x4000  }
0x3d: {  	[sflag:s14] =	ssyncset.done $0x0  }
0x3e: {  	[sflag:s14] =	ssyncadd.s32 $0xFFFFC000  }
0x3f: {  	[tilespmem:s18], [sflag:$0x2] =	stream.indirect.gather [hbm4b:s4+s15], $0x80, s31, s15, $0x2000b8;
	[tilespmem:$0x1FE00] =	vst v63  }
0x40: {  	_ =	swait.ge [sflag:s19], $0x4000  }
0x41: {  	[sflag:s19] =	ssyncset.done $0x0  }
0x42: {  	[sflag:s19] =	ssyncadd.s32 $0xFFFFC000  }
0x43: {  	[spmem:s2] =	stream.indirect.scatter.add.f32 [tilespmem:s16], [sflag:$0x3], $0x80, s11, s15, $0x2000b8;
	[tilespmem:$0x1FE00] =	vst v63  }
0x44: {  	_ =	swait.ge [sflag:s14], $0x4000  }
0x45: {  	[sflag:s14] =	ssyncset.done $0x0  }
0x46: {  	[sflag:s14] =	ssyncadd.s32 $0xFFFFC000  }
0x47: {  	[tilespmem:s16], [sflag:$0x1] =	stream.indirect.gather [hbm4b:s4+s15], $0x80, s17, s15, $0x2000b8;
	[tilespmem:$0x1FE00] =	vst v63  }
0x48: {  	_ =	swait.ge [sflag:s21], $0x4000  }
0x49: {  	[sflag:s21] =	ssyncset.done $0x0  }
0x4a: {  	[sflag:s21] =	ssyncadd.s32 $0xFFFFC000  }
0x4b: {  	[spmem:s2] =	stream.indirect.scatter.add.f32 [tilespmem:s18], [sflag:$0x3], $0x80, s20, s15, $0x2000b8;
	[tilespmem:$0x1FE00] =	vst v63  }
0x4c: {  	_ =	swait.ge [sflag:s14], $0x4000  }
0x4d: {  	[sflag:s14] =	ssyncset.done $0x0  }
0x4e: {  	[sflag:s14] =	ssyncadd.s32 $0xFFFFC000  }
0x4f: {  	[tilespmem:s18], [sflag:$0x2] =	stream.indirect.gather [hbm4b:s4+s15], $0x80, s12, s15, $0x2000b8;
	[tilespmem:$0x1FE00] =	vst v63  }
0x50: {  	_ =	swait.ge [sflag:s19], $0x4000  }
0x51: {  	[sflag:s19] =	ssyncset.done $0x0  }
0x52: {  	[sflag:s19] =	ssyncadd.s32 $0xFFFFC000  }
0x53: {  	[spmem:s2] =	stream.indirect.scatter.add.f32 [tilespmem:s16], [sflag:$0x3], $0x80, s22, s15, $0x2000b8;
	[tilespmem:$0x1FE00] =	vst v63  }
0x54: {  	_ =	swait.ge [sflag:s14], $0x4000  }
0x55: {  	[sflag:s14] =	ssyncset.done $0x0  }
0x56: {  	s24 =	simm.s32 $0x800;
	[sflag:s14] =	ssyncadd.s32 $0xFFFFC000  }
0x57: {  	[tilespmem:s16], [sflag:$0x1] =	stream.indirect.gather [hbm4b:s4+s15], $0x80, s24, s15, $0x2000b8;
	[tilespmem:$0x1FE00] =	vst v63  }
0x58: {  	_ =	swait.ge [sflag:s21], $0x4000  }
0x59: {  	[sflag:s21] =	ssyncset.done $0x0  }
0x5a: {  	s23 =	simm.s32 $0x780;
	[sflag:s21] =	ssyncadd.s32 $0xFFFFC000  }
0x5b: {  	[spmem:s2] =	stream.indirect.scatter.add.f32 [tilespmem:s18], [sflag:$0x3], $0x80, s23, s15, $0x2000b8;
	[tilespmem:$0x1FE00] =	vst v63  }
0x5c: {  	_ =	swait.ge [sflag:s14], $0x4000  }
0x5d: {  	[sflag:s14] =	ssyncset.done $0x0  }
0x5e: {  	s24 =	simm.s32 $0x900;
	[sflag:s14] =	ssyncadd.s32 $0xFFFFC000  }
0x5f: {  	[tilespmem:s18], [sflag:$0x2] =	stream.indirect.gather [hbm4b:s4+s15], $0x80, s24, s15, $0x2000b8;
	[tilespmem:$0x1FE00] =	vst v63  }
0x60: {  	_ =	swait.ge [sflag:s19], $0x4000  }
0x61: {  	[sflag:s19] =	ssyncset.done $0x0  }
0x62: {  	s23 =	simm.s32 $0x880;
	[sflag:s19] =	ssyncadd.s32 $0xFFFFC000  }
0x63: {  	[spmem:s2] =	stream.indirect.scatter.add.f32 [tilespmem:s16], [sflag:$0x3], $0x80, s23, s15, $0x2000b8;
	[tilespmem:$0x1FE00] =	vst v63  }
0x64: {  	_ =	swait.ge [sflag:s14], $0x4000  }
0x65: {  	[sflag:s14] =	ssyncset.done $0x0  }
0x66: {  	s24 =	simm.s32 $0xA00;
	[sflag:s14] =	ssyncadd.s32 $0xFFFFC000  }
0x67: {  	[tilespmem:s16], [sflag:$0x1] =	stream.indirect.gather [hbm4b:s4+s15], $0x80, s24, s15, $0x2000b8;
	[tilespmem:$0x1FE00] =	vst v63  }
0x68: {  	_ =	swait.ge [sflag:s21], $0x4000  }
0x69: {  	[sflag:s21] =	ssyncset.done $0x0  }
0x6a: {  	s23 =	simm.s32 $0x980;
	[sflag:s21] =	ssyncadd.s32 $0xFFFFC000  }
0x6b: {  	[spmem:s2] =	stream.indirect.scatter.add.f32 [tilespmem:s18], [sflag:$0x3], $0x80, s23, s15, $0x2000b8;
	[tilespmem:$0x1FE00] =	vst v63  }
0x6c: {  	_ =	swait.ge [sflag:s14], $0x4000  }
0x6d: {  	[sflag:s14] =	ssyncset.done $0x0  }
0x6e: {  	s24 =	simm.s32 $0xB00;
	[sflag:s14] =	ssyncadd.s32 $0xFFFFC000  }
0x6f: {  	[tilespmem:s18], [sflag:$0x2] =	stream.indirect.gather [hbm4b:s4+s15], $0x80, s24, s15, $0x2000b8;
	[tilespmem:$0x1FE00] =	vst v63  }
0x70: {  	_ =	swait.ge [sflag:s19], $0x4000  }
0x71: {  	[sflag:s19] =	ssyncset.done $0x0  }
0x72: {  	s23 =	simm.s32 $0xA80;
	[sflag:s19] =	ssyncadd.s32 $0xFFFFC000  }
0x73: {  	[spmem:s2] =	stream.indirect.scatter.add.f32 [tilespmem:s16], [sflag:$0x3], $0x80, s23, s15, $0x2000b8;
	[tilespmem:$0x1FE00] =	vst v63  }
0x74: {  	_ =	swait.ge [sflag:s14], $0x4000  }
0x75: {  	[sflag:s14] =	ssyncset.done $0x0  }
0x76: {  	s24 =	simm.s32 $0xC00;
	[sflag:s14] =	ssyncadd.s32 $0xFFFFC000  }
0x77: {  	[tilespmem:s16], [sflag:$0x1] =	stream.indirect.gather [hbm4b:s4+s15], $0x80, s24, s15, $0x2000b8;
	[tilespmem:$0x1FE00] =	vst v63  }
0x78: {  	_ =	swait.ge [sflag:s21], $0x4000  }
0x79: {  	[sflag:s21] =	ssyncset.done $0x0  }
0x7a: {  	s23 =	simm.s32 $0xB80;
	[sflag:s21] =	ssyncadd.s32 $0xFFFFC000  }
0x7b: {  	[spmem:s2] =	stream.indirect.scatter.add.f32 [tilespmem:s18], [sflag:$0x3], $0x80, s23, s15, $0x2000b8;
	[tilespmem:$0x1FE00] =	vst v63  }
0x7c: {  	_ =	swait.ge [sflag:s14], $0x4000  }
0x7d: {  	[sflag:s14] =	ssyncset.done $0x0  }
0x7e: {  	s24 =	simm.s32 $0xD00;
	[sflag:s14] =	ssyncadd.s32 $0xFFFFC000  }
0x7f: {  	[tilespmem:s18], [sflag:$0x2] =	stream.indirect.gather [hbm4b:s4+s15], $0x80, s24, s15, $0x2000b8;
	[tilespmem:$0x1FE00] =	vst v63  }
0x80: {  	_ =	swait.ge [sflag:s19], $0x4000  }
0x81: {  	[sflag:s19] =	ssyncset.done $0x0  }
0x82: {  	s23 =	simm.s32 $0xC80;
	[sflag:s19] =	ssyncadd.s32 $0xFFFFC000  }
0x83: {  	[spmem:s2] =	stream.indirect.scatter.add.f32 [tilespmem:s16], [sflag:$0x3], $0x80, s23, s15, $0x2000b8;
	[tilespmem:$0x1FE00] =	vst v63  }
0x84: {  	_ =	swait.ge [sflag:s14], $0x4000  }
0x85: {  	[sflag:s14] =	ssyncset.done $0x0  }
0x86: {  	s24 =	simm.s32 $0xE00;
	[sflag:s14] =	ssyncadd.s32 $0xFFFFC000  }
0x87: {  	[tilespmem:s16], [sflag:$0x1] =	stream.indirect.gather [hbm4b:s4+s15], $0x80, s24, s15, $0x2000b8;
	[tilespmem:$0x1FE00] =	vst v63  }
0x88: {  	_ =	swait.ge [sflag:s21], $0x4000  }
0x89: {  	[sflag:s21] =	ssyncset.done $0x0  }
0x8a: {  	s23 =	simm.s32 $0xD80;
	[sflag:s21] =	ssyncadd.s32 $0xFFFFC000  }
0x8b: {  	[spmem:s2] =	stream.indirect.scatter.add.f32 [tilespmem:s18], [sflag:$0x3], $0x80, s23, s15, $0x2000b8;
	[tilespmem:$0x1FE00] =	vst v63  }
0x8c: {  	_ =	swait.ge [sflag:s14], $0x4000  }
0x8d: {  	[sflag:s14] =	ssyncset.done $0x0  }
0x8e: {  	s24 =	simm.s32 $0xF00;
	[sflag:s14] =	ssyncadd.s32 $0xFFFFC000  }
0x8f: {  	[tilespmem:s18], [sflag:$0x2] =	stream.indirect.gather [hbm4b:s4+s15], $0x80, s24, s15, $0x2000b8;
	[tilespmem:$0x1FE00] =	vst v63  }
0x90: {  	_ =	swait.ge [sflag:s19], $0x4000  }
0x91: {  	[sflag:s19] =	ssyncset.done $0x0  }
0x92: {  	s23 =	simm.s32 $0xE80;
	[sflag:s19] =	ssyncadd.s32 $0xFFFFC000  }
0x93: {  	[spmem:s2] =	stream.indirect.scatter.add.f32 [tilespmem:s16], [sflag:$0x3], $0x80, s23, s15, $0x2000b8;
	[tilespmem:$0x1FE00] =	vst v63  }
0x94: {  	_ =	swait.ge [sflag:s14], $0x4000  }
0x95: {  	[sflag:s14] =	ssyncset.done $0x0  }
0x96: {  	s24 =	simm.s32 $0x1000;
	[sflag:s14] =	ssyncadd.s32 $0xFFFFC000  }
0x97: {  	[tilespmem:s16], [sflag:$0x1] =	stream.indirect.gather [hbm4b:s4+s15], $0x80, s24, s15, $0x2000b8;
	[tilespmem:$0x1FE00] =	vst v63  }
0x98: {  	_ =	swait.ge [sflag:s21], $0x4000  }
0x99: {  	[sflag:s21] =	ssyncset.done $0x0  }
0x9a: {  	s23 =	simm.s32 $0xF80;
	[sflag:s21] =	ssyncadd.s32 $0xFFFFC000  }
0x9b: {  	[spmem:s2] =	stream.indirect.scatter.add.f32 [tilespmem:s18], [sflag:$0x3], $0x80, s23, s15, $0x2000b8;
	[tilespmem:$0x1FE00] =	vst v63  }
0x9c: {  	_ =	swait.ge [sflag:s14], $0x4000  }
0x9d: {  	[sflag:s14] =	ssyncset.done $0x0  }
0x9e: {  	s24 =	simm.s32 $0x1100;
	[sflag:s14] =	ssyncadd.s32 $0xFFFFC000  }
0x9f: {  	[tilespmem:s18], [sflag:$0x2] =	stream.indirect.gather [hbm4b:s4+s15], $0x80, s24, s15, $0x2000b8;
	[tilespmem:$0x1FE00] =	vst v63  }
0xa0: {  	_ =	swait.ge [sflag:s19], $0x4000  }
0xa1: {  	[sflag:s19] =	ssyncset.done $0x0  }
0xa2: {  	s23 =	simm.s32 $0x1080;
	[sflag:s19] =	ssyncadd.s32 $0xFFFFC000  }
0xa3: {  	[spmem:s2] =	stream.indirect.scatter.add.f32 [tilespmem:s16], [sflag:$0x3], $0x80, s23, s15, $0x2000b8;
	[tilespmem:$0x1FE00] =	vst v63  }
0xa4: {  	_ =	swait.ge [sflag:s14], $0x4000  }
0xa5: {  	[sflag:s14] =	ssyncset.done $0x0  }
0xa6: {  	[sflag:s14] =	ssyncadd.s32 $0xFFFFC000  }
0xa7: {  	[tilespmem:s16], [sflag:$0x1] =	stream.indirect.gather [hbm4b:s4+s15], $0x80, s3, s15, $0x2000b8;
	[tilespmem:$0x1FE00] =	vst v63  }
0xa8: {  	_ =	swait.ge [sflag:s21], $0x4000  }
0xa9: {  	[sflag:s21] =	ssyncset.done $0x0  }
0xaa: {  	s24 =	simm.s32 $0x1180;
	[sflag:s21] =	ssyncadd.s32 $0xFFFFC000  }
0xab: {  	[spmem:s2] =	stream.indirect.scatter.add.f32 [tilespmem:s18], [sflag:$0x3], $0x80, s24, s15, $0x2000b8;
	[tilespmem:$0x1FE00] =	vst v63  }
0xac: {  	_ =	swait.ge [sflag:s14], $0x4000  }
0xad: {  	[sflag:s14] =	ssyncset.done $0x0  }
0xae: {  	[sflag:s14] =	ssyncadd.s32 $0xFFFFC000  }
0xaf: {  	[tilespmem:s18], [sflag:$0x2] =	stream.indirect.gather [hbm4b:s4+s15], $0x80, s13, s15, $0x2000b8;
	[tilespmem:$0x1FE00] =	vst v63  }
0xb0: {  	_ =	swait.ge [sflag:s19], $0x4000  }
0xb1: {  	[sflag:s19] =	ssyncset.done $0x0  }
0xb2: {  	[sflag:s19] =	ssyncadd.s32 $0xFFFFC000  }
0xb3: {  	_ =	swait.ge [sflag:s21], $0x4000  }
0xb4: {  	[sflag:s21] =	ssyncset.done $0x0  }
0xb5: {  	s8 =	rddreg [dreg:$0x6];
	[sflag:s21] =	ssyncadd.s32 $0xFFFFC000  }
0xb6: {  	[tilespmem:s3], [sflag:$0x3] =	stream.linear.gather [hbm4b:s8+s3], $0x1200, $0x200038;
	[tilespmem:$0x1FE00] =	vst v63  }
0xb7: {  	_ =	swait.ge [sflag:s14], $0x1200  }
0xb8: {  	[sflag:s14] =	ssyncset.done $0x0  }
0xb9: {  	[sflag:s14] =	ssyncadd.s32 $0xFFFFEE00  }
0xba: {  	[tilespmem:s16], [sflag:$0x1] =	stream.indirect.gather [hbm4b:s4+s15], $0x80, s3, s15, $0x2000b8;
	[tilespmem:$0x1FE00] =	vst v63  }
0xbb: {  	_ = 	snop  }
0xbc: {  	[tilespmem:s18], [sflag:$0x2] =	stream.indirect.gather [hbm4b:s4+s15], $0x80, s13, s15, $0x2000b8;
	[tilespmem:$0x1FE00] =	vst v63  }
0xbd: {  	_ =	swait.ge [sflag:s19], $0x4000  }
0xbe: {  	[sflag:s19] =	ssyncset.done $0x0  }
0xbf: {  	[sflag:s19] =	ssyncadd.s32 $0xFFFFC000  }
0xc0: {  	[spmem:s2] =	stream.indirect.scatter.add.f32 [tilespmem:s16], [sflag:$0x3], $0x80, s15, s15, $0x2000b8;
	[tilespmem:$0x1FE00] =	vst v63  }
0xc1: {  	_ =	swait.ge [sflag:s14], $0x4000  }
0xc2: {  	[sflag:s14] =	ssyncset.done $0x0  }
0xc3: {  	[sflag:s14] =	ssyncadd.s32 $0xFFFFC000  }
0xc4: {  	[tilespmem:s16], [sflag:$0x1] =	stream.indirect.gather [hbm4b:s4+s15], $0x80, s25, s15, $0x2000b8;
	[tilespmem:$0x1FE00] =	vst v63  }
0xc5: {  	_ =	swait.ge [sflag:s21], $0x4000  }
0xc6: {  	[sflag:s21] =	ssyncset.done $0x0  }
0xc7: {  	[sflag:s21] =	ssyncadd.s32 $0xFFFFC000  }
0xc8: {  	[spmem:s2] =	stream.indirect.scatter.add.f32 [tilespmem:s18], [sflag:$0x3], $0x80, s9, s15, $0x2000b8;
	[tilespmem:$0x1FE00] =	vst v63  }
0xc9: {  	_ =	swait.ge [sflag:s14], $0x4000  }
0xca: {  	[sflag:s14] =	ssyncset.done $0x0  }
0xcb: {  	[sflag:s14] =	ssyncadd.s32 $0xFFFFC000  }
0xcc: {  	[tilespmem:s18], [sflag:$0x2] =	stream.indirect.gather [hbm4b:s4+s15], $0x80, s26, s15, $0x2000b8;
	[tilespmem:$0x1FE00] =	vst v63  }
0xcd: {  	_ =	swait.ge [sflag:s19], $0x4000  }
0xce: {  	[sflag:s19] =	ssyncset.done $0x0  }
0xcf: {  	[sflag:s19] =	ssyncadd.s32 $0xFFFFC000  }
0xd0: {  	[spmem:s2] =	stream.indirect.scatter.add.f32 [tilespmem:s16], [sflag:$0x3], $0x80, s28, s15, $0x2000b8;
	[tilespmem:$0x1FE00] =	vst v63  }
0xd1: {  	_ =	swait.ge [sflag:s14], $0x4000  }
0xd2: {  	[sflag:s14] =	ssyncset.done $0x0  }
0xd3: {  	[sflag:s14] =	ssyncadd.s32 $0xFFFFC000  }
0xd4: {  	[tilespmem:s16], [sflag:$0x1] =	stream.indirect.gather [hbm4b:s4+s15], $0x80, s29, s15, $0x2000b8;
	[tilespmem:$0x1FE00] =	vst v63  }
0xd5: {  	_ =	swait.ge [sflag:s21], $0x4000  }
0xd6: {  	[sflag:s21] =	ssyncset.done $0x0  }
0xd7: {  	[sflag:s21] =	ssyncadd.s32 $0xFFFFC000  }
0xd8: {  	[spmem:s2] =	stream.indirect.scatter.add.f32 [tilespmem:s18], [sflag:$0x3], $0x80, s30, s15, $0x2000b8;
	[tilespmem:$0x1FE00] =	vst v63  }
0xd9: {  	_ =	swait.ge [sflag:s14], $0x4000  }
0xda: {  	[sflag:s14] =	ssyncset.done $0x0  }
0xdb: {  	[sflag:s14] =	ssyncadd.s32 $0xFFFFC000  }
0xdc: {  	[tilespmem:s18], [sflag:$0x2] =	stream.indirect.gather [hbm4b:s4+s15], $0x80, s31, s15, $0x2000b8;
	[tilespmem:$0x1FE00] =	vst v63  }
0xdd: {  	_ =	swait.ge [sflag:s19], $0x4000  }
0xde: {  	[sflag:s19] =	ssyncset.done $0x0  }
0xdf: {  	[sflag:s19] =	ssyncadd.s32 $0xFFFFC000  }
0xe0: {  	[spmem:s2] =	stream.indirect.scatter.add.f32 [tilespmem:s16], [sflag:$0x3], $0x80, s11, s15, $0x2000b8;
	[tilespmem:$0x1FE00] =	vst v63  }
0xe1: {  	_ =	swait.ge [sflag:s14], $0x4000  }
0xe2: {  	[sflag:s14] =	ssyncset.done $0x0  }
0xe3: {  	[sflag:s14] =	ssyncadd.s32 $0xFFFFC000  }
0xe4: {  	[tilespmem:s16], [sflag:$0x1] =	stream.indirect.gather [hbm4b:s4+s15], $0x80, s17, s15, $0x2000b8;
	[tilespmem:$0x1FE00] =	vst v63  }
0xe5: {  	_ =	swait.ge [sflag:s21], $0x4000  }
0xe6: {  	[sflag:s21] =	ssyncset.done $0x0  }
0xe7: {  	[sflag:s21] =	ssyncadd.s32 $0xFFFFC000  }
0xe8: {  	[spmem:s2] =	stream.indirect.scatter.add.f32 [tilespmem:s18], [sflag:$0x3], $0x80, s20, s15, $0x2000b8;
	[tilespmem:$0x1FE00] =	vst v63  }
0xe9: {  	_ =	swait.ge [sflag:s14], $0x4000  }
0xea: {  	[sflag:s14] =	ssyncset.done $0x0  }
0xeb: {  	[sflag:s14] =	ssyncadd.s32 $0xFFFFC000  }
0xec: {  	[tilespmem:s18], [sflag:$0x2] =	stream.indirect.gather [hbm4b:s4+s15], $0x80, s12, s15, $0x2000b8;
	[tilespmem:$0x1FE00] =	vst v63  }
0xed: {  	_ =	swait.ge [sflag:s19], $0x4000  }
0xee: {  	[sflag:s19] =	ssyncset.done $0x0  }
0xef: {  	[sflag:s19] =	ssyncadd.s32 $0xFFFFC000  }
0xf0: {  	[spmem:s2] =	stream.indirect.scatter.add.f32 [tilespmem:s16], [sflag:$0x3], $0x80, s22, s15, $0x2000b8;
	[tilespmem:$0x1FE00] =	vst v63  }
0xf1: {  	_ =	swait.ge [sflag:s14], $0x4000  }
0xf2: {  	[sflag:s14] =	ssyncset.done $0x0  }
0xf3: {  	s8 =	simm.s32 $0x800;
	[sflag:s14] =	ssyncadd.s32 $0xFFFFC000  }
0xf4: {  	[tilespmem:s16], [sflag:$0x1] =	stream.indirect.gather [hbm4b:s4+s15], $0x80, s8, s15, $0x2000b8;
	[tilespmem:$0x1FE00] =	vst v63  }
0xf5: {  	_ =	swait.ge [sflag:s21], $0x4000  }
0xf6: {  	[sflag:s21] =	ssyncset.done $0x0  }
0xf7: {  	s8 =	simm.s32 $0x780;
	[sflag:s21] =	ssyncadd.s32 $0xFFFFC000  }
0xf8: {  	[spmem:s2] =	stream.indirect.scatter.add.f32 [tilespmem:s18], [sflag:$0x3], $0x80, s8, s15, $0x2000b8;
	[tilespmem:$0x1FE00] =	vst v63  }
0xf9: {  	_ =	swait.ge [sflag:s14], $0x4000  }
0xfa: {  	[sflag:s14] =	ssyncset.done $0x0  }
0xfb: {  	s8 =	simm.s32 $0x900;
	[sflag:s14] =	ssyncadd.s32 $0xFFFFC000  }
0xfc: {  	[tilespmem:s18], [sflag:$0x2] =	stream.indirect.gather [hbm4b:s4+s15], $0x80, s8, s15, $0x2000b8;
	[tilespmem:$0x1FE00] =	vst v63  }
0xfd: {  	_ =	swait.ge [sflag:s19], $0x4000  }
0xfe: {  	[sflag:s19] =	ssyncset.done $0x0  }
0xff: {  	s8 =	simm.s32 $0x880;
	[sflag:s19] =	ssyncadd.s32 $0xFFFFC000  }
0x100: {  	[spmem:s2] =	stream.indirect.scatter.add.f32 [tilespmem:s16], [sflag:$0x3], $0x80, s8, s15, $0x2000b8;
	[tilespmem:$0x1FE00] =	vst v63  }
0x101: {  	_ =	swait.ge [sflag:s14], $0x4000  }
0x102: {  	[sflag:s14] =	ssyncset.done $0x0  }
0x103: {  	s8 =	simm.s32 $0xA00;
	[sflag:s14] =	ssyncadd.s32 $0xFFFFC000  }
0x104: {  	[tilespmem:s16], [sflag:$0x1] =	stream.indirect.gather [hbm4b:s4+s15], $0x80, s8, s15, $0x2000b8;
	[tilespmem:$0x1FE00] =	vst v63  }
0x105: {  	_ =	swait.ge [sflag:s21], $0x4000  }
0x106: {  	[sflag:s21] =	ssyncset.done $0x0  }
0x107: {  	s8 =	simm.s32 $0x980;
	[sflag:s21] =	ssyncadd.s32 $0xFFFFC000  }
0x108: {  	[spmem:s2] =	stream.indirect.scatter.add.f32 [tilespmem:s18], [sflag:$0x3], $0x80, s8, s15, $0x2000b8;
	[tilespmem:$0x1FE00] =	vst v63  }
0x109: {  	_ =	swait.ge [sflag:s14], $0x4000  }
0x10a: {  	[sflag:s14] =	ssyncset.done $0x0  }
0x10b: {  	s8 =	simm.s32 $0xB00;
	[sflag:s14] =	ssyncadd.s32 $0xFFFFC000  }
0x10c: {  	[tilespmem:s18], [sflag:$0x2] =	stream.indirect.gather [hbm4b:s4+s15], $0x80, s8, s15, $0x2000b8;
	[tilespmem:$0x1FE00] =	vst v63  }
0x10d: {  	_ =	swait.ge [sflag:s19], $0x4000  }
0x10e: {  	[sflag:s19] =	ssyncset.done $0x0  }
0x10f: {  	s8 =	simm.s32 $0xA80;
	[sflag:s19] =	ssyncadd.s32 $0xFFFFC000  }
0x110: {  	[spmem:s2] =	stream.indirect.scatter.add.f32 [tilespmem:s16], [sflag:$0x3], $0x80, s8, s15, $0x2000b8;
	[tilespmem:$0x1FE00] =	vst v63  }
0x111: {  	_ =	swait.ge [sflag:s14], $0x4000  }
0x112: {  	[sflag:s14] =	ssyncset.done $0x0  }
0x113: {  	s8 =	simm.s32 $0xC00;
	[sflag:s14] =	ssyncadd.s32 $0xFFFFC000  }
0x114: {  	[tilespmem:s16], [sflag:$0x1] =	stream.indirect.gather [hbm4b:s4+s15], $0x80, s8, s15, $0x2000b8;
	[tilespmem:$0x1FE00] =	vst v63  }
0x115: {  	_ =	swait.ge [sflag:s21], $0x4000  }
0x116: {  	[sflag:s21] =	ssyncset.done $0x0  }
0x117: {  	s8 =	simm.s32 $0xB80;
	[sflag:s21] =	ssyncadd.s32 $0xFFFFC000  }
0x118: {  	[spmem:s2] =	stream.indirect.scatter.add.f32 [tilespmem:s18], [sflag:$0x3], $0x80, s8, s15, $0x2000b8;
	[tilespmem:$0x1FE00] =	vst v63  }
0x119: {  	_ =	swait.ge [sflag:s14], $0x4000  }
0x11a: {  	[sflag:s14] =	ssyncset.done $0x0  }
0x11b: {  	s8 =	simm.s32 $0xD00;
	[sflag:s14] =	ssyncadd.s32 $0xFFFFC000  }
0x11c: {  	[tilespmem:s18], [sflag:$0x2] =	stream.indirect.gather [hbm4b:s4+s15], $0x80, s8, s15, $0x2000b8;
	[tilespmem:$0x1FE00] =	vst v63  }
0x11d: {  	_ =	swait.ge [sflag:s19], $0x4000  }
0x11e: {  	[sflag:s19] =	ssyncset.done $0x0  }
0x11f: {  	s8 =	simm.s32 $0xC80;
	[sflag:s19] =	ssyncadd.s32 $0xFFFFC000  }
0x120: {  	[spmem:s2] =	stream.indirect.scatter.add.f32 [tilespmem:s16], [sflag:$0x3], $0x80, s8, s15, $0x2000b8;
	[tilespmem:$0x1FE00] =	vst v63  }
0x121: {  	_ =	swait.ge [sflag:s14], $0x4000  }
0x122: {  	[sflag:s14] =	ssyncset.done $0x0  }
0x123: {  	s8 =	simm.s32 $0xE00;
	[sflag:s14] =	ssyncadd.s32 $0xFFFFC000  }
0x124: {  	[tilespmem:s16], [sflag:$0x1] =	stream.indirect.gather [hbm4b:s4+s15], $0x80, s8, s15, $0x2000b8;
	[tilespmem:$0x1FE00] =	vst v63  }
0x125: {  	_ =	swait.ge [sflag:s21], $0x4000  }
0x126: {  	[sflag:s21] =	ssyncset.done $0x0  }
0x127: {  	s8 =	simm.s32 $0xD80;
	[sflag:s21] =	ssyncadd.s32 $0xFFFFC000  }
0x128: {  	[spmem:s2] =	stream.indirect.scatter.add.f32 [tilespmem:s18], [sflag:$0x3], $0x80, s8, s15, $0x2000b8;
	[tilespmem:$0x1FE00] =	vst v63  }
0x129: {  	_ =	swait.ge [sflag:s14], $0x4000  }
0x12a: {  	[sflag:s14] =	ssyncset.done $0x0  }
0x12b: {  	s8 =	simm.s32 $0xF00;
	[sflag:s14] =	ssyncadd.s32 $0xFFFFC000  }
0x12c: {  	[tilespmem:s18], [sflag:$0x2] =	stream.indirect.gather [hbm4b:s4+s15], $0x80, s8, s15, $0x2000b8;
	[tilespmem:$0x1FE00] =	vst v63  }
0x12d: {  	_ =	swait.ge [sflag:s19], $0x4000  }
0x12e: {  	[sflag:s19] =	ssyncset.done $0x0  }
0x12f: {  	s8 =	simm.s32 $0xE80;
	[sflag:s19] =	ssyncadd.s32 $0xFFFFC000  }
0x130: {  	[spmem:s2] =	stream.indirect.scatter.add.f32 [tilespmem:s16], [sflag:$0x3], $0x80, s8, s15, $0x2000b8;
	[tilespmem:$0x1FE00] =	vst v63  }
0x131: {  	_ =	swait.ge [sflag:s14], $0x4000  }
0x132: {  	[sflag:s14] =	ssyncset.done $0x0  }
0x133: {  	s8 =	simm.s32 $0x1000;
	[sflag:s14] =	ssyncadd.s32 $0xFFFFC000  }
0x134: {  	[tilespmem:s16], [sflag:$0x1] =	stream.indirect.gather [hbm4b:s4+s15], $0x80, s8, s15, $0x2000b8;
	[tilespmem:$0x1FE00] =	vst v63  }
0x135: {  	_ =	swait.ge [sflag:s21], $0x4000  }
0x136: {  	[sflag:s21] =	ssyncset.done $0x0  }
0x137: {  	s8 =	simm.s32 $0xF80;
	[sflag:s21] =	ssyncadd.s32 $0xFFFFC000  }
0x138: {  	[spmem:s2] =	stream.indirect.scatter.add.f32 [tilespmem:s18], [sflag:$0x3], $0x80, s8, s15, $0x2000b8;
	[tilespmem:$0x1FE00] =	vst v63  }
0x139: {  	_ =	swait.ge [sflag:s14], $0x4000  }
0x13a: {  	[sflag:s14] =	ssyncset.done $0x0  }
0x13b: {  	s9 =	simm.s32 $0x100;
	s8 =	simm.s32 $0x1100;
	[sflag:s14] =	ssyncadd.s32 $0xFFFFC000  }
0x13c: {  	[tilespmem:s18], [sflag:$0x2] =	stream.indirect.gather [hbm4b:s4+s15], $0x80, s8, s15, $0x2000b8;
	[tilespmem:$0x1FE00] =	vst v63  }
.LBB2_8:
0x13d: {  	_ =	swait.ge [sflag:s19], $0x4000  }
0x13e: {  	[sflag:s19] =	ssyncset.done $0x0  }
0x13f: {  	[sflag:s19] =	ssyncadd.s32 $0xFFFFC000  }
0x140: {  	[spmem:s2] =	stream.indirect.scatter.add.f32 [tilespmem:s16], [sflag:$0x3], $0x80, s23, s15, $0x2000b8;
	[tilespmem:$0x1FE00] =	vst v63  }
0x141: {  	_ =	swait.ge [sflag:s14], $0x4000  }
0x142: {  	[sflag:s14] =	ssyncset.done $0x0  }
0x143: {  	[sflag:s14] =	ssyncadd.s32 $0xFFFFC000  }
0x144: {  	[tilespmem:s16], [sflag:$0x1] =	stream.indirect.gather [hbm4b:s4+s15], $0x80, s3, s15, $0x2000b8;
	[tilespmem:$0x1FE00] =	vst v63  }
0x145: {  	_ =	swait.ge [sflag:s21], $0x4000  }
0x146: {  	[sflag:s21] =	ssyncset.done $0x0  }
0x147: {  	[sflag:s21] =	ssyncadd.s32 $0xFFFFC000  }
0x148: {  	[spmem:s2] =	stream.indirect.scatter.add.f32 [tilespmem:s18], [sflag:$0x3], $0x80, s24, s15, $0x2000b8;
	[tilespmem:$0x1FE00] =	vst v63  }
0x149: {  	_ =	swait.ge [sflag:s14], $0x4000  }
0x14a: {  	[sflag:s14] =	ssyncset.done $0x0  }
0x14b: {  	[sflag:s14] =	ssyncadd.s32 $0xFFFFC000  }
0x14c: {  	[tilespmem:s18], [sflag:$0x2] =	stream.indirect.gather [hbm4b:s4+s15], $0x80, s9, s15, $0x2000b8;
	[tilespmem:$0x1FE00] =	vst v63  }
0x14d: {  	_ =	swait.ge [sflag:s19], $0x4000  }
0x14e: {  	[sflag:s19] =	ssyncset.done $0x0  }
0x14f: {  	[sflag:s19] =	ssyncadd.s32 $0xFFFFC000  }
0x150: {  	_ =	swait.ge [sflag:s21], $0x4000  }
0x151: {  	[sflag:s21] =	ssyncset.done $0x0  }
0x152: {  	[sflag:s21] =	ssyncadd.s32 $0xFFFFC000  }
0x153: {  	[bflag:$0x0] =	sbarrier.arrive $0xFFFF  }
0x154: {  	s7 =	sadd.s32 $0x1, s7;
	_ =	strace $0x90000049  }
0x155: {  	p1 =	sne.s32 s7, s6;
	_ =	strace $0x8000004A  }
0x156: {  	[hbm:s0], [sflag:s1] =	dma.local [spmem:s10], $0x2800  }
.Ltmp1:
0x157: {  	_ = 	snop;
	(pc) =	sbr.rel @!p1 .LBB2_9-.Ltmp1, $4  }
0x158: {  	_ =	swait.ge [sflag:s14], $0x2800  }
0x159: {  	[sflag:s14] =	ssyncset.done $0x0  }
0x15a: {  	[sflag:s14] =	ssyncadd.s32 $0xFFFFD800  }
0x15b: {  	_ =	strace $0x9000004A  }
.LBB2_1:
0x15c: {  	_ =	strace $0x80000048  }
0x15d: {  	[spmem:s10], [sflag:s1] =	dma.local [hbm:s5], $0x2800  }
0x15e: {  	_ =	swait.ge [sflag:s14], $0x2800  }
.Ltmp2:
0x15f: {  	[sflag:s14] =	ssyncset.done $0x0;
	(pc) =	sbr.rel @p0 .LBB2_7-.Ltmp2, $4  }
0x160: {  	[sflag:s14] =	ssyncadd.s32 $0xFFFFD800  }
0x161: {  	[bflag:$0x0] =	sbarrier.arrive $0xFFFF  }
0x162: {  	_ =	strace $0x90000048  }
0x163: {  	_ =	strace $0x80000049  }
0x164: {  	s8 =	rddreg [dreg:$0x3]  }
0x165: {  	[tilespmem:s3], [sflag:$0x3] =	stream.linear.gather [hbm4b:s8+s3], $0x3E00, $0x200038;
	[tilespmem:$0x1FE00] =	vst v63  }
0x166: {  	_ =	swait.ge [sflag:s14], $0x3E00  }
0x167: {  	[sflag:s14] =	ssyncset.done $0x0  }
0x168: {  	[sflag:s14] =	ssyncadd.s32 $0xFFFFC200  }
0x169: {  	[tilespmem:s16], [sflag:$0x1] =	stream.indirect.gather [hbm4b:s4+s15], $0x80, s3, s15, $0x2000b8;
	[tilespmem:$0x1FE00] =	vst v63  }
0x16a: {  	_ = 	snop  }
0x16b: {  	[tilespmem:s18], [sflag:$0x2] =	stream.indirect.gather [hbm4b:s4+s15], $0x80, s9, s15, $0x2000b8;
	[tilespmem:$0x1FE00] =	vst v63  }
0x16c: {  	_ =	swait.ge [sflag:s19], $0x4000  }
0x16d: {  	[sflag:s19] =	ssyncset.done $0x0  }
0x16e: {  	s23 =	simm.s32 $0x80;
	[sflag:s19] =	ssyncadd.s32 $0xFFFFC000  }
0x16f: {  	[spmem:s2] =	stream.indirect.scatter.add.f32 [tilespmem:s16], [sflag:$0x3], $0x80, s23, s15, $0x2000b8;
	[tilespmem:$0x1FE00] =	vst v63  }
0x170: {  	_ =	swait.ge [sflag:s14], $0x4000  }
0x171: {  	[sflag:s14] =	ssyncset.done $0x0  }
0x172: {  	s8 =	simm.s32 $0x200;
	[sflag:s14] =	ssyncadd.s32 $0xFFFFC000  }
0x173: {  	[tilespmem:s16], [sflag:$0x1] =	stream.indirect.gather [hbm4b:s4+s15], $0x80, s8, s15, $0x2000b8;
	[tilespmem:$0x1FE00] =	vst v63  }
0x174: {  	_ =	swait.ge [sflag:s21], $0x4000  }
0x175: {  	[sflag:s21] =	ssyncset.done $0x0  }
0x176: {  	s24 =	simm.s32 $0x180;
	[sflag:s21] =	ssyncadd.s32 $0xFFFFC000  }
0x177: {  	[spmem:s2] =	stream.indirect.scatter.add.f32 [tilespmem:s18], [sflag:$0x3], $0x80, s24, s15, $0x2000b8;
	[tilespmem:$0x1FE00] =	vst v63  }
0x178: {  	_ =	swait.ge [sflag:s14], $0x4000  }
0x179: {  	[sflag:s14] =	ssyncset.done $0x0  }
0x17a: {  	s23 =	simm.s32 $0xFFFF1800;
	s24 =	simm.s32 $0x300;
	[sflag:s14] =	ssyncadd.s32 $0xFFFFC000  }
.LBB2_3:
0x17b: {  	[tilespmem:s18], [sflag:$0x2] =	stream.indirect.gather [hbm4b:s4+s15], $0x80, s24, s15, $0x2000b8;
	[tilespmem:$0x1FE00] =	vst v63  }
0x17c: {  	s24 =	smov.u32 s23  }
0x17d: {  	p1 =	sne.s32 s23, $0xFFFFF800;
	s23 =	sadd.s32 $0x800, s23;
	_ =	swait.ge [sflag:s19], $0x4000  }
0x17e: {  	s24 =	sshra.s32 s24, $0x2;
	[sflag:s19] =	ssyncset.done $0x0  }
0x17f: {  	s8 =	sadd.s32 $0x3C80, s24;
	[sflag:s19] =	ssyncadd.s32 $0xFFFFC000  }
0x180: {  	[spmem:s2] =	stream.indirect.scatter.add.f32 [tilespmem:s16], [sflag:$0x3], $0x80, s8, s15, $0x2000b8;
	[tilespmem:$0x1FE00] =	vst v63  }
0x181: {  	_ =	swait.ge [sflag:s14], $0x4000  }
0x182: {  	[sflag:s14] =	ssyncset.done $0x0  }
0x183: {  	s8 =	sadd.s32 $0x3E00, s24;
	[sflag:s14] =	ssyncadd.s32 $0xFFFFC000  }
0x184: {  	[tilespmem:s16], [sflag:$0x1] =	stream.indirect.gather [hbm4b:s4+s15], $0x80, s8, s15, $0x2000b8;
	[tilespmem:$0x1FE00] =	vst v63  }
0x185: {  	_ =	swait.ge [sflag:s21], $0x4000  }
0x186: {  	[sflag:s21] =	ssyncset.done $0x0  }
.Ltmp3:
0x187: {  	s8 =	sadd.s32 $0x3D80, s24;
	[sflag:s21] =	ssyncadd.s32 $0xFFFFC000;
	(pc) =	sbr.rel @p1 .LBB2_3-.Ltmp3, $4  }
0x188: {  	[spmem:s2] =	stream.indirect.scatter.add.f32 [tilespmem:s18], [sflag:$0x3], $0x80, s8, s15, $0x2000b8;
	[tilespmem:$0x1FE00] =	vst v63  }
0x189: {  	_ =	swait.ge [sflag:s14], $0x4000  }
0x18a: {  	[sflag:s14] =	ssyncset.done $0x0  }
0x18b: {  	s24 =	sadd.s32 $0x3F00, s24;
	[sflag:s14] =	ssyncadd.s32 $0xFFFFC000  }
0x18c: {  	[tilespmem:s18], [sflag:$0x2] =	stream.indirect.gather [hbm4b:s4+s15], $0x80, s24, s15, $0x2000b8;
	[tilespmem:$0x1FE00] =	vst v63  }
0x18d: {  	_ =	swait.ge [sflag:s19], $0x4000  }
0x18e: {  	[sflag:s19] =	ssyncset.done $0x0  }
0x18f: {  	s8 =	simm.s32 $0x3C80;
	[sflag:s19] =	ssyncadd.s32 $0xFFFFC000  }
0x190: {  	[spmem:s2] =	stream.indirect.scatter.add.f32 [tilespmem:s16], [sflag:$0x3], $0x80, s8, s15, $0x2000b8;
	[tilespmem:$0x1FE00] =	vst v63  }
0x191: {  	_ =	swait.ge [sflag:s14], $0x4000  }
0x192: {  	[sflag:s14] =	ssyncset.done $0x0  }
0x193: {  	[sflag:s14] =	ssyncadd.s32 $0xFFFFC000  }
0x194: {  	[tilespmem:s16], [sflag:$0x1] =	stream.indirect.gather [hbm4b:s4+s15], $0x80, s3, s15, $0x2000b8;
	[tilespmem:$0x1FE00] =	vst v63  }
0x195: {  	_ =	swait.ge [sflag:s21], $0x4000  }
0x196: {  	[sflag:s21] =	ssyncset.done $0x0  }
0x197: {  	s24 =	simm.s32 $0x3D80;
	[sflag:s21] =	ssyncadd.s32 $0xFFFFC000  }
0x198: {  	[spmem:s2] =	stream.indirect.scatter.add.f32 [tilespmem:s18], [sflag:$0x3], $0x80, s24, s15, $0x2000b8;
	[tilespmem:$0x1FE00] =	vst v63  }
0x199: {  	_ =	swait.ge [sflag:s14], $0x4000  }
0x19a: {  	[sflag:s14] =	ssyncset.done $0x0  }
0x19b: {  	[sflag:s14] =	ssyncadd.s32 $0xFFFFC000  }
0x19c: {  	[tilespmem:s18], [sflag:$0x2] =	stream.indirect.gather [hbm4b:s4+s15], $0x80, s9, s15, $0x2000b8;
	[tilespmem:$0x1FE00] =	vst v63  }
0x19d: {  	_ =	swait.ge [sflag:s19], $0x4000  }
0x19e: {  	[sflag:s19] =	ssyncset.done $0x0  }
0x19f: {  	[sflag:s19] =	ssyncadd.s32 $0xFFFFC000  }
0x1a0: {  	_ =	swait.ge [sflag:s21], $0x4000  }
0x1a1: {  	[sflag:s21] =	ssyncset.done $0x0  }
0x1a2: {  	s23 =	rddreg [dreg:$0x4];
	[sflag:s21] =	ssyncadd.s32 $0xFFFFC000  }
0x1a3: {  	[tilespmem:s3], [sflag:$0x3] =	stream.linear.gather [hbm4b:s23+s3], $0x3E00, $0x200038;
	[tilespmem:$0x1FE00] =	vst v63  }
0x1a4: {  	_ =	swait.ge [sflag:s14], $0x3E00  }
0x1a5: {  	[sflag:s14] =	ssyncset.done $0x0  }
0x1a6: {  	[sflag:s14] =	ssyncadd.s32 $0xFFFFC200  }
0x1a7: {  	[tilespmem:s16], [sflag:$0x1] =	stream.indirect.gather [hbm4b:s4+s15], $0x80, s3, s15, $0x2000b8;
	[tilespmem:$0x1FE00] =	vst v63  }
0x1a8: {  	_ = 	snop  }
0x1a9: {  	[tilespmem:s18], [sflag:$0x2] =	stream.indirect.gather [hbm4b:s4+s15], $0x80, s9, s15, $0x2000b8;
	[tilespmem:$0x1FE00] =	vst v63  }
0x1aa: {  	_ =	swait.ge [sflag:s19], $0x4000  }
0x1ab: {  	[sflag:s19] =	ssyncset.done $0x0  }
0x1ac: {  	s24 =	simm.s32 $0x80;
	[sflag:s19] =	ssyncadd.s32 $0xFFFFC000  }
0x1ad: {  	[spmem:s2] =	stream.indirect.scatter.add.f32 [tilespmem:s16], [sflag:$0x3], $0x80, s24, s15, $0x2000b8;
	[tilespmem:$0x1FE00] =	vst v63  }
0x1ae: {  	_ =	swait.ge [sflag:s14], $0x4000  }
0x1af: {  	[sflag:s14] =	ssyncset.done $0x0  }
0x1b0: {  	s23 =	simm.s32 $0x200;
	[sflag:s14] =	ssyncadd.s32 $0xFFFFC000  }
0x1b1: {  	[tilespmem:s16], [sflag:$0x1] =	stream.indirect.gather [hbm4b:s4+s15], $0x80, s23, s15, $0x2000b8;
	[tilespmem:$0x1FE00] =	vst v63  }
0x1b2: {  	_ =	swait.ge [sflag:s21], $0x4000  }
0x1b3: {  	p1 =	por $0x0, $0x0;
	[sflag:s21] =	ssyncset.done $0x0  }
.Ltmp4:
0x1b4: {  	s24 =	simm.s32 $0x180;
	[sflag:s21] =	ssyncadd.s32 $0xFFFFC000;
	(pc) =	sbr.rel @p1 .LBB2_6-.Ltmp4, $4  }
0x1b5: {  	[spmem:s2] =	stream.indirect.scatter.add.f32 [tilespmem:s18], [sflag:$0x3], $0x80, s24, s15, $0x2000b8;
	[tilespmem:$0x1FE00] =	vst v63  }
0x1b6: {  	_ =	swait.ge [sflag:s14], $0x4000  }
0x1b7: {  	[sflag:s14] =	ssyncset.done $0x0  }
0x1b8: {  	s23 =	simm.s32 $0xFFFF1800;
	s24 =	simm.s32 $0x300;
	[sflag:s14] =	ssyncadd.s32 $0xFFFFC000  }
.LBB2_5:
0x1b9: {  	[tilespmem:s18], [sflag:$0x2] =	stream.indirect.gather [hbm4b:s4+s15], $0x80, s24, s15, $0x2000b8;
	[tilespmem:$0x1FE00] =	vst v63  }
0x1ba: {  	s8 =	smov.u32 s23  }
0x1bb: {  	p1 =	seq.s32 s23, $0xFFFFF800;
	s23 =	sadd.s32 $0x800, s23;
	_ =	swait.ge [sflag:s19], $0x4000  }
0x1bc: {  	s8 =	sshra.s32 s8, $0x2;
	[sflag:s19] =	ssyncset.done $0x0  }
0x1bd: {  	s24 =	sadd.s32 $0x3C80, s8;
	[sflag:s19] =	ssyncadd.s32 $0xFFFFC000  }
0x1be: {  	[spmem:s2] =	stream.indirect.scatter.add.f32 [tilespmem:s16], [sflag:$0x3], $0x80, s24, s15, $0x2000b8;
	[tilespmem:$0x1FE00] =	vst v63  }
0x1bf: {  	_ =	swait.ge [sflag:s14], $0x4000  }
0x1c0: {  	[sflag:s14] =	ssyncset.done $0x0  }
0x1c1: {  	s24 =	sadd.s32 $0x3E00, s8;
	[sflag:s14] =	ssyncadd.s32 $0xFFFFC000  }
0x1c2: {  	[tilespmem:s16], [sflag:$0x1] =	stream.indirect.gather [hbm4b:s4+s15], $0x80, s24, s15, $0x2000b8;
	[tilespmem:$0x1FE00] =	vst v63  }
0x1c3: {  	_ =	swait.ge [sflag:s21], $0x4000  }
0x1c4: {  	[sflag:s21] =	ssyncset.done $0x0  }
.Ltmp5:
0x1c5: {  	s24 =	sadd.s32 $0x3D80, s8;
	[sflag:s21] =	ssyncadd.s32 $0xFFFFC000;
	(pc) =	sbr.rel @!p1 .LBB2_5-.Ltmp5, $4  }
0x1c6: {  	[spmem:s2] =	stream.indirect.scatter.add.f32 [tilespmem:s18], [sflag:$0x3], $0x80, s24, s15, $0x2000b8;
	[tilespmem:$0x1FE00] =	vst v63  }
0x1c7: {  	_ =	swait.ge [sflag:s14], $0x4000  }
0x1c8: {  	[sflag:s14] =	ssyncset.done $0x0  }
0x1c9: {  	s24 =	sadd.s32 $0x3F00, s8;
	[sflag:s14] =	ssyncadd.s32 $0xFFFFC000  }
.LBB2_6:
.Ltmp6:
0x1ca: {  	(pc) =	sbr.rel .LBB2_8-.Ltmp6, $3  }
0x1cb: {  	_ =	sdelay $0x1  }
0x1cc: {  	[tilespmem:s18], [sflag:$0x2] =	stream.indirect.gather [hbm4b:s4+s15], $0x80, s24, s15, $0x2000b8;
	[tilespmem:$0x1FE00] =	vst v63  }
0x1cd: {  	s24 =	simm.s32 $0x3D80;
	s23 =	simm.s32 $0x3C80  }
.LBB2_9:
0x1ce: {  	_ =	sfence.sel $0x180000  }
0x1cf: {  	[bflag:$0x0] =	sbarrier.arrive $0xFFFF  }
0x1d0: {  	_ =	strace $0x90000047  }
0x1d1: {  	s0 =	stileid.u32;
	[bflag:$0x2] =	sbarrier.arrive $0xFFFF  }
0x1d2: {  	p0 =	sne.s32 s0, $0x0;
	s0 =	rddreg [dreg:$0x2]  }
0x1d3: {  	s0 =	sadd.s32 @!p0 $0x100000, s0  }
0x1d4: {  	[sflag:s0] =	ssyncadd.tile.s32 @!p0 $0x1;
	_ =	shalt  }
.Lfunc_end2:
_tile_overlayer_lowered:
.L_overlay_start_2:
0x1d5: {  	(tag) =	ssettag $0x2  }
0x1d6: {  	s0 =	rddreg [dreg:$0x0];
	s2 =	stileid.u32  }
0x1d7: {  	s1 =	rddreg [dreg:$0x1];
	p0 =	sne.s32 s2, $0x0  }
0x1d8: {  	s3 =	rddreg [dreg:$0x2];
	[bflag:$0x3] =	sbarrier.arrive $0xFFFF;
	s2 =	simm.s32 @!p0 $0x1C03  }
0x1d9: {  	[timem:s3], [sflag:s2] =	dma.local @!p0 [hbm:s0], s1  }
0x1da: {  	s0 =	simm.s32 @!p0 $0x3  }
0x1db: {  	_ =	swait.ge @!p0 [sflag:s0], s1  }
0x1dc: {  	s1 =	ssub.s32 @!p0 $0x0, s1;
	[sflag:s0] =	ssyncset.done @!p0 $0x0  }
0x1dd: {  	[sflag:s0] =	ssyncadd.s32 @!p0 s1  }
0x1de: {  	[bflag:$0x3] =	sbarrier.arrive $0xFFFF  }
0x1df: {  	_ =	shalt  }

</sc_bundles>
